<compile_context>
chip_gen: v7x
topology: tpu7x:2x2x1
jax: 0.10.2.dev20260603
libtpu: 0.0.44.dev20260713+nightly
codegen_flags: <defaults>
</compile_context>

<pallas_src>
import functools

import jax
import jax.numpy as jnp
from jax import lax
from jax.experimental import pallas as pl
from jax.experimental.pallas import tpu as pltpu
from jax.experimental.pallas import tpu_sc as plsc

PC_MIN_X, PC_MIN_Y, PC_MIN_Z = -50.0, -50.0, -5.0
NX, NY, NZ, B = 100, 100, 8, 4
SEG_PER_B = NX * NY * NZ
NUM_SEG = B * SEG_PER_B
HALF = NUM_SEG // 2
PAD_ROWS = 1024
ACC_ROWS = HALF + PAD_ROWS
N_POINTS = 1600000
NUM_CORES, NUM_SUBCORES, LANES = 2, 16, 16
PTS_PER_TILE = N_POINTS // NUM_SUBCORES
TILE_PTS = 128
N_TILES = N_POINTS // TILE_PTS
K1 = 25
CHUNK = K1 * TILE_PTS
N_CHUNKS_TOTAL = N_TILES // K1
P1_ITERS = -(-N_CHUNKS_TOTAL // NUM_SUBCORES)
GROUPS = CHUNK // LANES
CHUNK2 = 2000
N_CHUNKS2 = PTS_PER_TILE // CHUNK2
GROUPS2 = CHUNK2 // LANES

N_PAD = 314 * 1024
BLK_R, BLK_C = 8, 128
N_ROWS = N_PAD // BLK_C
SWEEPS = 6

_MESH = plsc.VectorSubcoreMesh(
    core_axis_name="c", subcore_axis_name="s",
    num_cores=NUM_CORES, num_subcores=NUM_SUBCORES)


def _seg_index(bval, x, y, z):
    i32 = jnp.int32
    cx = (x - jnp.float32(PC_MIN_X)).astype(i32)
    cy = (y - jnp.float32(PC_MIN_Y)).astype(i32)
    cz = (z - jnp.float32(PC_MIN_Z)).astype(i32)
    zero = jnp.zeros((LANES,), i32)
    cx = jnp.minimum(jnp.maximum(cx, zero), jnp.full((LANES,), NX - 1, i32))
    cy = jnp.minimum(jnp.maximum(cy, zero), jnp.full((LANES,), NY - 1, i32))
    cz = jnp.minimum(jnp.maximum(cz, zero), jnp.full((LANES,), NZ - 1, i32))
    bi = bval.astype(i32)
    return (cx * NY + cy) * NZ + cz + bi * SEG_PER_B


def _sc_pass1_body(points_lin, zeros_acc, out4, seg_out, xyz_out,
                   acc4, sidx4_buf, seg_buf, chunk_flat, upd4):
    c = lax.axis_index("c")
    s = lax.axis_index("s")
    lo = c * HALF

    @pl.when(s == 0)
    def _init():
        for k in range(4):
            pltpu.sync_copy(zeros_acc, acc4.at[pl.ds(k * ACC_ROWS, ACC_ROWS)])

    def _ones_init(g, _):
        upd4[pl.ds(g * LANES, LANES)] = jnp.ones((LANES,), jnp.float32)
        return 0

    lax.fori_loop(0, GROUPS, _ones_init, 0)
    plsc.subcore_barrier()

    lanes = lax.iota(jnp.int32, LANES)

    def _chunk(j, _):
        chunk_id = j * NUM_SUBCORES + s

        @pl.when(chunk_id < N_CHUNKS_TOTAL)
        def _do():
            base = chunk_id * CHUNK
            pltpu.sync_copy(points_lin.at[pl.ds(base * 4, CHUNK * 4)],
                            chunk_flat)

            def _group(g, _):
                toff = (g // 8) * 512 + (g % 8) * LANES
                bval = chunk_flat[pl.ds(toff, LANES)]
                x = chunk_flat[pl.ds(toff + 128, LANES)]
                y = chunk_flat[pl.ds(toff + 256, LANES)]
                z = chunk_flat[pl.ds(toff + 384, LANES)]
                seg = _seg_index(bval, x, y, z)
                local = seg - lo
                in_half = (local >= 0) & (local < HALF)
                rows = g * LANES + lanes
                pad = HALF + ((chunk_id * CHUNK + rows) & (PAD_ROWS - 1))
                sidx = jnp.where(in_half, local, pad)
                sl = pl.ds(g * LANES, LANES)
                seg_buf[sl] = seg
                for k in range(4):
                    sidx4_buf[pl.ds(k * CHUNK + g * LANES, LANES)] = (
                        sidx + k * ACC_ROWS)
                upd4[pl.ds(CHUNK + g * LANES, LANES)] = x
                upd4[pl.ds(2 * CHUNK + g * LANES, LANES)] = y
                upd4[pl.ds(3 * CHUNK + g * LANES, LANES)] = z
                return 0

            lax.fori_loop(0, GROUPS, _group, 0)
            pltpu.sync_copy(upd4, acc4.at[sidx4_buf], add=True)

            @pl.when(c == 0)
            def _save():
                pltpu.sync_copy(seg_buf, seg_out.at[pl.ds(base, CHUNK)])
                for k in range(3):
                    pltpu.sync_copy(
                        upd4.at[pl.ds((k + 1) * CHUNK, CHUNK)],
                        xyz_out.at[pl.ds(k * N_POINTS + base, CHUNK)])

        return 0

    lax.fori_loop(0, P1_ITERS, _chunk, 0)
    plsc.subcore_barrier()

    @pl.when(s == 0)
    def _flush():
        for k in range(4):
            pltpu.sync_copy(acc4.at[pl.ds(k * ACC_ROWS, HALF)],
                            out4.at[pl.ds(k * N_PAD + c * HALF, HALF)])


def _sc_pass1(points_lin, zeros_acc):
    return pl.kernel(
        _sc_pass1_body,
        out_type=[
            jax.ShapeDtypeStruct((4 * N_PAD,), jnp.float32),
            jax.ShapeDtypeStruct((N_POINTS,), jnp.int32),
            jax.ShapeDtypeStruct((3 * N_POINTS,), jnp.float32),
        ],
        mesh=_MESH,
        compiler_params=pltpu.CompilerParams(needs_layout_passes=False),
        scratch_types=(
            [pltpu.VMEM_SHARED((4 * ACC_ROWS,), jnp.float32)]
            + [pltpu.VMEM((4 * CHUNK,), jnp.int32)]
            + [pltpu.VMEM((CHUNK,), jnp.int32)]
            + [pltpu.VMEM((CHUNK * 4,), jnp.float32)]
            + [pltpu.VMEM((4 * CHUNK,), jnp.float32)]
        ),
    )(points_lin, zeros_acc)


def _sc_pass2_body(xyz_in, seg_in, mxs, mys, mzs, zeros_acc, out6,
                   acc6, mean3, sidx6_buf, gidx3_buf, xyz_buf, pbuf):
    c = lax.axis_index("c")
    s = lax.axis_index("s")
    lo = c * HALF

    @pl.when(s == 0)
    def _init():
        for k in range(6):
            pltpu.sync_copy(zeros_acc, acc6.at[pl.ds(k * ACC_ROWS, ACC_ROWS)])
        pltpu.sync_copy(mxs.at[pl.ds(lo, HALF)], mean3.at[pl.ds(0, HALF)])
        pltpu.sync_copy(mys.at[pl.ds(lo, HALF)], mean3.at[pl.ds(HALF, HALF)])
        pltpu.sync_copy(mzs.at[pl.ds(lo, HALF)],
                        mean3.at[pl.ds(2 * HALF, HALF)])

    plsc.subcore_barrier()

    tile_base = s * PTS_PER_TILE
    lanes = lax.iota(jnp.int32, LANES)

    def _chunk(i, _):
        base = tile_base + i * CHUNK2
        for k in range(3):
            pltpu.sync_copy(xyz_in.at[pl.ds(k * N_POINTS + base, CHUNK2)],
                            xyz_buf.at[pl.ds(k * CHUNK2, CHUNK2)])
        pltpu.sync_copy(seg_in.at[pl.ds(base, CHUNK2)],
                        gidx3_buf.at[pl.ds(0, CHUNK2)])

        def _group_idx(g, _):
            sl = pl.ds(g * LANES, LANES)
            rows = g * LANES + lanes
            seg = gidx3_buf[sl]
            local = seg - lo
            in_half = (local >= 0) & (local < HALF)
            pad = HALF + ((i * CHUNK2 + rows) & (PAD_ROWS - 1))
            sidx = jnp.where(in_half, local, pad)
            gidx = jnp.where(in_half, local, 0)
            for k in range(6):
                sidx6_buf[pl.ds(k * CHUNK2 + g * LANES, LANES)] = (
                    sidx + k * ACC_ROWS)
            gidx3_buf[sl] = gidx
            gidx3_buf[pl.ds(CHUNK2 + g * LANES, LANES)] = gidx + HALF
            gidx3_buf[pl.ds(2 * CHUNK2 + g * LANES, LANES)] = gidx + 2 * HALF
            return 0

        lax.fori_loop(0, GROUPS2, _group_idx, 0)
        pltpu.sync_copy(mean3.at[gidx3_buf], pbuf.at[pl.ds(0, 3 * CHUNK2)])

        def _group_prod(g, _):
            sl = pl.ds(g * LANES, LANES)
            x = xyz_buf[sl]
            y = xyz_buf[pl.ds(CHUNK2 + g * LANES, LANES)]
            z = xyz_buf[pl.ds(2 * CHUNK2 + g * LANES, LANES)]
            cx = x - pbuf[sl]
            cy = y - pbuf[pl.ds(CHUNK2 + g * LANES, LANES)]
            cz = z - pbuf[pl.ds(2 * CHUNK2 + g * LANES, LANES)]
            pbuf[sl] = cx * cx
            pbuf[pl.ds(CHUNK2 + g * LANES, LANES)] = cx * cy
            pbuf[pl.ds(2 * CHUNK2 + g * LANES, LANES)] = cx * cz
            pbuf[pl.ds(3 * CHUNK2 + g * LANES, LANES)] = cy * cy
            pbuf[pl.ds(4 * CHUNK2 + g * LANES, LANES)] = cy * cz
            pbuf[pl.ds(5 * CHUNK2 + g * LANES, LANES)] = cz * cz
            return 0

        lax.fori_loop(0, GROUPS2, _group_prod, 0)
        pltpu.sync_copy(pbuf, acc6.at[sidx6_buf], add=True)
        return 0

    lax.fori_loop(0, N_CHUNKS2, _chunk, 0)
    plsc.subcore_barrier()

    @pl.when(s == 0)
    def _flush():
        for k in range(6):
            pltpu.sync_copy(acc6.at[pl.ds(k * ACC_ROWS, HALF)],
                            out6.at[pl.ds(k * N_PAD + c * HALF, HALF)])


def _sc_pass2(xyz_soa, seg, mxs, mys, mzs, zeros_acc):
    return pl.kernel(
        _sc_pass2_body,
        out_type=[
            jax.ShapeDtypeStruct((6 * N_PAD,), jnp.float32),
        ],
        mesh=_MESH,
        compiler_params=pltpu.CompilerParams(needs_layout_passes=False),
        scratch_types=(
            [pltpu.VMEM_SHARED((6 * ACC_ROWS,), jnp.float32)]
            + [pltpu.VMEM_SHARED((3 * HALF,), jnp.float32)]
            + [pltpu.VMEM((6 * CHUNK2,), jnp.int32)]
            + [pltpu.VMEM((3 * CHUNK2,), jnp.int32)]
            + [pltpu.VMEM((3 * CHUNK2,), jnp.float32)]
            + [pltpu.VMEM((6 * CHUNK2,), jnp.float32)]
        ),
    )(xyz_soa, seg, mxs, mys, mzs, zeros_acc)



def _jacobi_rotate(A, V):
    one = jnp.float32(1.0)
    cs = []
    for p, q in ((0, 2), (1, 3)):
        app, aqq, apq = A[p][p], A[q][q], A[p][q]
        tau = (app - aqq) / (jnp.float32(2.0) * apq)
        sgn = jnp.where(tau > 0, one, jnp.float32(-1.0))
        t = sgn / (jnp.abs(tau) + jnp.sqrt(one + tau * tau))
        t = jnp.where(apq == 0.0, jnp.float32(0.0), t)
        cc = one / jnp.sqrt(t * t + one)
        ss = -t * cc
        cs.append((cc, ss))
    An = [[None] * 4 for _ in range(4)]
    for i, (p, q) in enumerate(((0, 2), (1, 3))):
        cc, ss = cs[i]
        for j in range(4):
            An[p][j] = cc * A[p][j] - ss * A[q][j]
            An[q][j] = ss * A[p][j] + cc * A[q][j]
    A2 = [[None] * 4 for _ in range(4)]
    for i, (p, q) in enumerate(((0, 2), (1, 3))):
        cc, ss = cs[i]
        for r in range(4):
            A2[r][p] = cc * An[r][p] - ss * An[r][q]
            A2[r][q] = ss * An[r][p] + cc * An[r][q]
    V2 = [row[:] for row in V]
    for i, (p, q) in enumerate(((0, 2), (1, 3))):
        cc, ss = cs[i]
        for r in range(4):
            V2[r][p] = cc * V[r][p] - ss * V[r][q]
            V2[r][q] = ss * V[r][p] + cc * V[r][q]
    perm = (0, 2, 3, 1)
    A3 = [[A2[perm[r]][perm[j]] for j in range(4)] for r in range(4)]
    V3 = [[V2[r][perm[j]] for j in range(4)] for r in range(4)]
    return A3, V3


def _eigh3_replica(cxx, cxy, cxz, cyy, cyz, czz):
    zero = jnp.zeros_like(cxx)
    one_v = jnp.ones_like(cxx)
    A = [[cxx, cxy, cxz, zero],
         [cxy, cyy, cyz, zero],
         [cxz, cyz, czz, zero],
         [zero, zero, zero, zero]]
    V = [[one_v, zero, zero, zero],
         [zero, one_v, zero, zero],
         [zero, zero, one_v, zero],
         [zero, zero, zero, one_v]]
    for _ in range(SWEEPS * 3):
        A, V = _jacobi_rotate(A, V)
    w = [A[0][0], A[1][1], A[2][2]]
    cols = [[V[r][j] for r in range(3)] for j in range(3)]

    def cswap(wa, ca, wb, cb):
        pred = wa > wb
        wa2 = jnp.where(pred, wb, wa)
        wb2 = jnp.where(pred, wa, wb)
        ca2 = [jnp.where(pred, yy, xx) for xx, yy in zip(ca, cb)]
        cb2 = [jnp.where(pred, xx, yy) for xx, yy in zip(ca, cb)]
        return wa2, ca2, wb2, cb2

    w[0], cols[0], w[1], cols[1] = cswap(w[0], cols[0], w[1], cols[1])
    w[1], cols[1], w[2], cols[2] = cswap(w[1], cols[1], w[2], cols[2])
    w[0], cols[0], w[1], cols[1] = cswap(w[0], cols[0], w[1], cols[1])
    return w, cols


def _means_kernel(cnt_r, sx_r, sy_r, sz_r, mb_r, mx_r, my_r, mz_r):
    i = pl.program_id(0)
    cnt = cnt_r[...]
    denom = jnp.maximum(cnt, jnp.float32(1.0))
    row = lax.broadcasted_iota(jnp.int32, (BLK_R, BLK_C), 0)
    col = lax.broadcasted_iota(jnp.int32, (BLK_R, BLK_C), 1)
    pos = (i * BLK_R + row) * BLK_C + col
    b0 = (pos // SEG_PER_B).astype(jnp.float32)
    mb_r[...] = jnp.where(cnt > 0, b0, jnp.float32(0.0))
    mx_r[...] = sx_r[...] / denom
    my_r[...] = sy_r[...] / denom
    mz_r[...] = sz_r[...] / denom


def _planes_kernel(cnt_r, mx_r, my_r, mz_r,
                   sxx_r, sxy_r, sxz_r, syy_r, syz_r, szz_r,
                   n0_r, n1_r, n2_r, off_r, e0_r, e1_r, e2_r):
    denom = jnp.maximum(cnt_r[...], jnp.float32(1.0))
    cxx = sxx_r[...] / denom + jnp.float32(1e-4)
    cxy = sxy_r[...] / denom
    cxz = sxz_r[...] / denom
    cyy = syy_r[...] / denom + jnp.float32(2e-4)
    cyz = syz_r[...] / denom
    czz = szz_r[...] / denom + jnp.float32(3e-4)
    w, cols = _eigh3_replica(cxx, cxy, cxz, cyy, cyz, czz)
    n0, n1, n2 = cols[0]
    mx, my, mz = mx_r[...], my_r[...], mz_r[...]
    n0_r[...] = n0
    n1_r[...] = n1
    n2_r[...] = n2
    off_r[...] = -((n0 * mx + n1 * my) + n2 * mz)
    e0_r[...] = w[0]
    e1_r[...] = w[1]
    e2_r[...] = w[2]


def _tc_call(body, n_in, n_out, args):
    spec = pl.BlockSpec((BLK_R, BLK_C), lambda i: (i, 0))
    shape = jax.ShapeDtypeStruct((N_ROWS, BLK_C), jnp.float32)
    return pl.pallas_call(
        body,
        grid=(N_ROWS // BLK_R,),
        in_specs=[spec] * n_in,
        out_specs=[spec] * n_out,
        out_shape=[shape] * n_out,
    )(*args)


def _interleave(channels):
    ncol = len(channels)
    n = channels[0].shape[0]
    col = lax.broadcasted_iota(jnp.int32, (n, ncol), 1)
    out = jnp.zeros((n, ncol), jnp.float32)
    for k, ch in enumerate(channels):
        out = jnp.where(col == k, ch[:, None], out)
    return out


@jax.jit
def kernel(point_bxyz):
    points_lin = point_bxyz.reshape(N_TILES, TILE_PTS, 4)
    points_lin = points_lin.transpose(0, 2, 1).reshape(-1)
    zeros_acc = jnp.zeros((ACC_ROWS,), jnp.float32)
    out4, seg, xyz_soa = _sc_pass1(points_lin, zeros_acc)
    ch4 = out4.reshape(4, N_ROWS, BLK_C)

    mb, mx, my, mz = _tc_call(
        _means_kernel, 4, 4, [ch4[0], ch4[1], ch4[2], ch4[3]])

    def _unpad(a):
        return a.reshape(N_PAD)[:NUM_SEG]

    mean_bxyz = _interleave([_unpad(mb), _unpad(mx), _unpad(my), _unpad(mz)])

    (out6,) = _sc_pass2(xyz_soa, seg, mx.reshape(-1), my.reshape(-1),
                        mz.reshape(-1), zeros_acc)
    ch6 = out6.reshape(6, N_ROWS, BLK_C)

    planes_ch = _tc_call(
        _planes_kernel, 10, 7,
        [ch4[0], mx, my, mz,
         ch6[0], ch6[1], ch6[2], ch6[3], ch6[4], ch6[5]])

    planes = _interleave([_unpad(o) for o in planes_ch])
    return (mean_bxyz, planes)

# --- scband reference (transcript-rebuilt; emitter-appended) ---
"""Pipeline reference for scband-hybrid-sampler-67997922230582 (READ-ONLY COPY).

The authoritative reference and input builder live on the scoring server;
editing this copy changes nothing except your own understanding.
"""

import jax, jax.numpy as jnp
import numpy as np

# config (from init_kwargs model_cfg)
GRID_SIZE = np.array([1.0, 1.0, 1.0], dtype=np.float32)
PC_RANGE = np.array([-50.0, -50.0, -5.0, 50.0, 50.0, 3.0], dtype=np.float32)
NX = int(round((PC_RANGE[3] - PC_RANGE[0]) / GRID_SIZE[0]))  # 100
NY = int(round((PC_RANGE[4] - PC_RANGE[1]) / GRID_SIZE[1]))  # 100
NZ = int(round((PC_RANGE[5] - PC_RANGE[2]) / GRID_SIZE[2]))  # 8
B = 4
N = 1600000
NUM_SEG = B * NX * NY * NZ  # 320000
EPS_REG = 1e-4


def setup_inputs(seed: int = 0) -> dict:
    key = jax.random.key(seed)
    k1, k2 = jax.random.split(key)
    xyz = jax.random.normal(k1, (N, 3), dtype=jnp.float32) * jnp.array([15.0, 15.0, 1.5], dtype=jnp.float32)
    b = jax.random.randint(k2, (N, 1), 0, B).astype(jnp.float32)
    point_bxyz = jnp.concatenate([b, xyz], axis=1)
    return {"point_bxyz": point_bxyz}


def _grid_partition(point_bxyz):
    # GridPartitioner: assign each point to a voxel cell id, offset by batch index
    b = point_bxyz[:, 0].astype(jnp.int32)
    xyz = point_bxyz[:, 1:4]
    coords = jnp.floor((xyz - PC_RANGE[:3]) / GRID_SIZE).astype(jnp.int32)
    coords = jnp.clip(coords, jnp.zeros(3, jnp.int32), jnp.array([NX - 1, NY - 1, NZ - 1], jnp.int32))
    vox = (coords[:, 0] * NY + coords[:, 1]) * NZ + coords[:, 2]
    return b * (NX * NY * NZ) + vox


def reference(point_bxyz):
    # partitioner(ref) -> partition_id per point
    seg = _grid_partition(point_bxyz)
    n = point_bxyz.shape[0]
    ones = jnp.ones((n,), dtype=jnp.float32)
    cnt = jax.ops.segment_sum(ones, seg, num_segments=NUM_SEG)
    denom = jnp.maximum(cnt, 1.0)
    # per-segment centroid of (b,x,y,z)
    s = jax.ops.segment_sum(point_bxyz, seg, num_segments=NUM_SEG)
    mean_bxyz = s / denom[:, None]
    # pca_fitting: per-segment covariance of xyz, eigendecomposition
    xyz = point_bxyz[:, 1:4]
    mean_xyz = mean_bxyz[:, 1:4]
    centered = xyz - mean_xyz[seg]
    outer = (centered[:, :, None] * centered[:, None, :]).reshape(n, 9)
    cov = jax.ops.segment_sum(outer, seg, num_segments=NUM_SEG).reshape(NUM_SEG, 3, 3)
    cov = cov / denom[:, None, None]
    # small graded diagonal regularization for numerical stability / empty cells
    cov = cov + EPS_REG * jnp.diag(jnp.array([1.0, 2.0, 3.0], dtype=jnp.float32))
    eigvals, eigvecs = jnp.linalg.eigh(cov)
    normal = eigvecs[:, :, 0]  # eigenvector of smallest eigenvalue -> plane normal
    offset = -(normal * mean_xyz).sum(axis=-1, keepdims=True)  # plane: n.x + d = 0
    planes = jnp.concatenate([normal, offset, eigvals], axis=1)  # [NUM_SEG, 7]
    return (mean_bxyz, planes)

if __name__ == "__main__":
    import jax
    _d = setup_inputs()
    print(jax.jit(kernel)(*tuple(_d.values())))

</pallas_src>

<mosaic_0001>
#map = affine_map<(d0, d1) -> (0)>
module attributes {stable_mosaic.version = 14 : i64} {
  func.func @_sc_pass1_body(%arg0: i32, %arg1: i32, %arg2: memref<6400000xf32, #tpu.memory_space<hbm>>, %arg3: memref<161024xf32, #tpu.memory_space<hbm>>, %arg4: memref<1286144xf32, #tpu.memory_space<hbm>>, %arg5: memref<1600000xi32, #tpu.memory_space<hbm>>, %arg6: memref<4800000xf32, #tpu.memory_space<hbm>>, %arg7: memref<644096xf32, #tpu.memory_space<vmem_shared>>, %arg8: memref<12800xi32, #tpu.memory_space<vmem>>, %arg9: memref<3200xi32, #tpu.memory_space<vmem>>, %arg10: memref<12800xf32, #tpu.memory_space<vmem>>, %arg11: memref<12800xf32, #tpu.memory_space<vmem>>) attributes {dimension_semantics = [#tpu.dimension_semantics<core_parallel>, #tpu.dimension_semantics<subcore_parallel>], iteration_bounds = array<i64: 2, 16>, scalar_prefetch = 0 : i64, scratch_operands = 5 : i64, tpu.core_type = #tpu.core_type<sc_vector_subcore>, window_params = [{transform_indices = #map}, {transform_indices = #map}, {transform_indices = #map}, {transform_indices = #map}, {transform_indices = #map}]} {
    %mul3A = arith.constant 160000 : i32
    %mul3A_0 = arith.muli %arg0, %mul3A : i32
    %eq3A = arith.constant 0 : i32
    %eq3A_1 = arith.cmpi eq, %arg1, %eq3A : i32
    %convert_element_type3A = arith.extui %eq3A_1 : i1 to i32
    %cond3A = arith.constant 0 : i32
    %cond3A_2 = arith.cmpi ne, %convert_element_type3A, %cond3A : i32
    scf.if %cond3A_2 {
      "tpu.region"() ({
        %run_scoped3A = tpu.sem_alloc : memref<!tpu.dma_semaphore, #tpu.memory_space<semaphore_mem>>
        %dma_start3A = arith.constant 0 : i32
        %dma_start3A_22 = tpu.memref_slice %arg7[%dma_start3A] : memref<644096xf32, #tpu.memory_space<vmem_shared>> -> memref<161024xf32, #tpu.memory_space<vmem_shared>>
        tpu.enqueue_dma source(%arg3 : memref<161024xf32, #tpu.memory_space<hbm>>) target(%dma_start3A_22 : memref<161024xf32, #tpu.memory_space<vmem_shared>>) target_semaphore(%run_scoped3A : memref<!tpu.dma_semaphore, #tpu.memory_space<semaphore_mem>>)
        %dma_wait3A = arith.constant 0 : i32
        %dma_wait3A_23 = tpu.memref_slice %arg7[%dma_wait3A] : memref<644096xf32, #tpu.memory_space<vmem_shared>> -> memref<161024xf32, #tpu.memory_space<vmem_shared>>
        tpu.wait_dma2 semaphore(%run_scoped3A : memref<!tpu.dma_semaphore, #tpu.memory_space<semaphore_mem>>) src(%arg3 : memref<161024xf32, #tpu.memory_space<hbm>>) dst(%dma_wait3A_23 : memref<161024xf32, #tpu.memory_space<vmem_shared>>)
        tpu.yield
      }) : () -> ()
      "tpu.region"() ({
        %run_scoped3A = tpu.sem_alloc : memref<!tpu.dma_semaphore, #tpu.memory_space<semaphore_mem>>
        %dma_start3A = arith.constant 161024 : i32
        %dma_start3A_22 = tpu.memref_slice %arg7[%dma_start3A] : memref<644096xf32, #tpu.memory_space<vmem_shared>> -> memref<161024xf32, #tpu.memory_space<vmem_shared>>
        tpu.enqueue_dma source(%arg3 : memref<161024xf32, #tpu.memory_space<hbm>>) target(%dma_start3A_22 : memref<161024xf32, #tpu.memory_space<vmem_shared>>) target_semaphore(%run_scoped3A : memref<!tpu.dma_semaphore, #tpu.memory_space<semaphore_mem>>)
        %dma_wait3A = arith.constant 161024 : i32
        %dma_wait3A_23 = tpu.memref_slice %arg7[%dma_wait3A] : memref<644096xf32, #tpu.memory_space<vmem_shared>> -> memref<161024xf32, #tpu.memory_space<vmem_shared>>
        tpu.wait_dma2 semaphore(%run_scoped3A : memref<!tpu.dma_semaphore, #tpu.memory_space<semaphore_mem>>) src(%arg3 : memref<161024xf32, #tpu.memory_space<hbm>>) dst(%dma_wait3A_23 : memref<161024xf32, #tpu.memory_space<vmem_shared>>)
        tpu.yield
      }) : () -> ()
      "tpu.region"() ({
        %run_scoped3A = tpu.sem_alloc : memref<!tpu.dma_semaphore, #tpu.memory_space<semaphore_mem>>
        %dma_start3A = arith.constant 322048 : i32
        %dma_start3A_22 = tpu.memref_slice %arg7[%dma_start3A] : memref<644096xf32, #tpu.memory_space<vmem_shared>> -> memref<161024xf32, #tpu.memory_space<vmem_shared>>
        tpu.enqueue_dma source(%arg3 : memref<161024xf32, #tpu.memory_space<hbm>>) target(%dma_start3A_22 : memref<161024xf32, #tpu.memory_space<vmem_shared>>) target_semaphore(%run_scoped3A : memref<!tpu.dma_semaphore, #tpu.memory_space<semaphore_mem>>)
        %dma_wait3A = arith.constant 322048 : i32
        %dma_wait3A_23 = tpu.memref_slice %arg7[%dma_wait3A] : memref<644096xf32, #tpu.memory_space<vmem_shared>> -> memref<161024xf32, #tpu.memory_space<vmem_shared>>
        tpu.wait_dma2 semaphore(%run_scoped3A : memref<!tpu.dma_semaphore, #tpu.memory_space<semaphore_mem>>) src(%arg3 : memref<161024xf32, #tpu.memory_space<hbm>>) dst(%dma_wait3A_23 : memref<161024xf32, #tpu.memory_space<vmem_shared>>)
        tpu.yield
      }) : () -> ()
      "tpu.region"() ({
        %run_scoped3A = tpu.sem_alloc : memref<!tpu.dma_semaphore, #tpu.memory_space<semaphore_mem>>
        %dma_start3A = arith.constant 483072 : i32
        %dma_start3A_22 = tpu.memref_slice %arg7[%dma_start3A] : memref<644096xf32, #tpu.memory_space<vmem_shared>> -> memref<161024xf32, #tpu.memory_space<vmem_shared>>
        tpu.enqueue_dma source(%arg3 : memref<161024xf32, #tpu.memory_space<hbm>>) target(%dma_start3A_22 : memref<161024xf32, #tpu.memory_space<vmem_shared>>) target_semaphore(%run_scoped3A : memref<!tpu.dma_semaphore, #tpu.memory_space<semaphore_mem>>)
        %dma_wait3A = arith.constant 483072 : i32
        %dma_wait3A_23 = tpu.memref_slice %arg7[%dma_wait3A] : memref<644096xf32, #tpu.memory_space<vmem_shared>> -> memref<161024xf32, #tpu.memory_space<vmem_shared>>
        tpu.wait_dma2 semaphore(%run_scoped3A : memref<!tpu.dma_semaphore, #tpu.memory_space<semaphore_mem>>) src(%arg3 : memref<161024xf32, #tpu.memory_space<hbm>>) dst(%dma_wait3A_23 : memref<161024xf32, #tpu.memory_space<vmem_shared>>)
        tpu.yield
      }) : () -> ()
    } else {
    }
    %scan3A = arith.constant 0 : i32
    %scan3A_3 = arith.constant 0 : i32
    %scan3A_4 = arith.constant 200 : i32
    %scan3A_5 = arith.addi %scan3A_3, %scan3A_4 : i32
    %scan3A_6 = arith.constant 1 : i32
    %scan3A_7 = scf.for %scan3A_22 = %scan3A_3 to %scan3A_5 step %scan3A_6 iter_args(%scan3A_23 = %scan3A) -> (i32)  : i32 {
      %broadcast_in_dim3A = arith.constant 1.000000e+00 : f32
      %broadcast_in_dim3A_24 = vector.broadcast %broadcast_in_dim3A : f32 to vector<16xf32>
      %mul3A_25 = arith.constant 16 : i32
      %mul3A_26 = arith.muli %scan3A_22, %mul3A_25 : i32
      %swap3A = arith.index_cast %mul3A_26 : i32 to index
      %swap3A_27 = tpu.vector_load %arg11[%swap3A] {strides = array<i32>} : memref<12800xf32, #tpu.memory_space<vmem>>, vector<16xf32>,
      tpu.vector_store %arg11[%swap3A], %broadcast_in_dim3A_24 {strides = array<i32>} : memref<12800xf32, #tpu.memory_space<vmem>>, vector<16xf32>,
      %scan3A_28 = arith.constant 0 : i32
      scf.yield %scan3A_28 : i32
    }
    %scan3A_8 = arith.constant 200 : i32
    %barrier3A = arith.constant 0 : index
    tpu.barrier barrier_id(%barrier3A)
    %iota3A = tpu.iota {dimensions = array<i32: 0>} : vector<16xi32>
    %scan3A_9 = arith.constant 0 : i32
    %scan3A_10 = arith.constant 0 : i32
    %scan3A_11 = arith.constant 32 : i32
    %scan3A_12 = arith.addi %scan3A_10, %scan3A_11 : i32
    %scan3A_13 = arith.constant 1 : i32
    %scan3A_14 = scf.for %scan3A_22 = %scan3A_10 to %scan3A_12 step %scan3A_13 iter_args(%scan3A_23 = %scan3A_9) -> (i32)  : i32 {
      %mul3A_24 = arith.constant 16 : i32
      %mul3A_25 = arith.muli %scan3A_22, %mul3A_24 : i32
      %add3A = arith.addi %mul3A_25, %arg1 : i32
      %lt3A = arith.constant 500 : i32
      %lt3A_26 = arith.cmpi slt, %add3A, %lt3A : i32
      %convert_element_type3A_27 = arith.extui %lt3A_26 : i1 to i32
      %cond3A_28 = arith.constant 0 : i32
      %cond3A_29 = arith.cmpi ne, %convert_element_type3A_27, %cond3A_28 : i32
      scf.if %cond3A_29 {
        %mul3A_31 = arith.constant 3200 : i32
        %mul3A_32 = arith.muli %add3A, %mul3A_31 : i32
        %mul3A_33 = arith.constant 4 : i32
        %mul3A_34 = arith.muli %mul3A_32, %mul3A_33 : i32
        "tpu.region"() ({
          %run_scoped3A = tpu.sem_alloc : memref<!tpu.dma_semaphore, #tpu.memory_space<semaphore_mem>>
          %dma_start3A = tpu.memref_slice %arg2[%mul3A_34] : memref<6400000xf32, #tpu.memory_space<hbm>> -> memref<12800xf32, #tpu.memory_space<hbm>>
          %dma_start3A_47 = tpu.memref_slice %arg2[%mul3A_34] : memref<6400000xf32, #tpu.memory_space<hbm>> -> memref<12800xf32, #tpu.memory_space<hbm>>
          tpu.enqueue_dma source(%dma_start3A_47 : memref<12800xf32, #tpu.memory_space<hbm>>) target(%arg10 : memref<12800xf32, #tpu.memory_space<vmem>>) target_semaphore(%run_scoped3A : memref<!tpu.dma_semaphore, #tpu.memory_space<semaphore_mem>>)
          %dma_wait3A = tpu.memref_slice %arg2[%mul3A_34] : memref<6400000xf32, #tpu.memory_space<hbm>> -> memref<12800xf32, #tpu.memory_space<hbm>>
          %dma_wait3A_48 = tpu.memref_slice %arg2[%mul3A_34] : memref<6400000xf32, #tpu.memory_space<hbm>> -> memref<12800xf32, #tpu.memory_space<hbm>>
          tpu.wait_dma2 semaphore(%run_scoped3A : memref<!tpu.dma_semaphore, #tpu.memory_space<semaphore_mem>>) src(%dma_wait3A_48 : memref<12800xf32, #tpu.memory_space<hbm>>) dst(%arg10 : memref<12800xf32, #tpu.memory_space<vmem>>)
          tpu.yield
        }) : () -> ()
        %scan3A_35 = arith.constant 0 : i32
        %scan3A_36 = arith.constant 0 : i32
        %scan3A_37 = arith.constant 200 : i32
        %scan3A_38 = arith.addi %scan3A_36, %scan3A_37 : i32
        %scan3A_39 = arith.constant 1 : i32
        %scan3A_40 = scf.for %scan3A_47 = %scan3A_36 to %scan3A_38 step %scan3A_39 iter_args(%scan3A_48 = %scan3A_35) -> (i32)  : i32 {
          %jit3A = arith.constant 8 : i32
          %div3A = arith.divsi %scan3A_47, %jit3A : i32
          %sign3A = arith.constant 0 : i32
          %sign3A_49 = arith.cmpi sgt, %scan3A_47, %sign3A : i32
          %sign3A_50 = arith.extui %sign3A_49 : i1 to i32
          %sign3A_51 = arith.constant 0 : i32
          %sign3A_52 = arith.cmpi slt, %scan3A_47, %sign3A_51 : i32
          %sign3A_53 = arith.extui %sign3A_52 : i1 to i32
          %sign3A_54 = arith.subi %sign3A_50, %sign3A_53 : i32
          %sign3A_55 = arith.constant 0 : i32
          %sign3A_56 = arith.cmpi sgt, %jit3A, %sign3A_55 : i32
          %sign3A_57 = arith.extui %sign3A_56 : i1 to i32
          %sign3A_58 = arith.constant 0 : i32
          %sign3A_59 = arith.cmpi slt, %jit3A, %sign3A_58 : i32
          %sign3A_60 = arith.extui %sign3A_59 : i1 to i32
          %sign3A_61 = arith.subi %sign3A_57, %sign3A_60 : i32
          %ne3A = arith.cmpi ne, %sign3A_54, %sign3A_61 : i32
          %rem3A = arith.remsi %scan3A_47, %jit3A : i32
          %ne3A_62 = arith.constant 0 : i32
          %ne3A_63 = arith.cmpi ne, %rem3A, %ne3A_62 : i32
          %and3A = arith.andi %ne3A, %ne3A_63 : i1
          %sub3A = arith.constant 1 : i32
          %sub3A_64 = arith.subi %div3A, %sub3A : i32
          %select_n3A = arith.select %and3A, %sub3A_64, %div3A : i32
          %mul3A_65 = arith.constant 512 : i32
          %mul3A_66 = arith.muli %select_n3A, %mul3A_65 : i32
          %jit3A_67 = arith.constant 8 : i32
          %eq3A_68 = arith.constant 0 : i32
          %eq3A_69 = arith.cmpi eq, %jit3A_67, %eq3A_68 : i32
          %jit3A_70 = arith.constant 1 : i32
          %select_n3A_71 = arith.select %eq3A_69, %jit3A_70, %jit3A_67 : i32
          %rem3A_72 = arith.remsi %scan3A_47, %select_n3A_71 : i32
          %ne3A_73 = arith.constant 0 : i32
          %ne3A_74 = arith.cmpi ne, %rem3A_72, %ne3A_73 : i32
          %lt3A_75 = arith.constant 0 : i32
          %lt3A_76 = arith.cmpi slt, %rem3A_72, %lt3A_75 : i32
          %lt3A_77 = arith.constant 0 : i32
          %lt3A_78 = arith.cmpi slt, %select_n3A_71, %lt3A_77 : i32
          %ne3A_79 = arith.xori %lt3A_76, %lt3A_78 : i1
          %and3A_80 = arith.andi %ne3A_79, %ne3A_74 : i1
          %add3A_81 = arith.addi %rem3A_72, %select_n3A_71 : i32
          %select_n3A_82 = arith.select %and3A_80, %add3A_81, %rem3A_72 : i32
          %mul3A_83 = arith.constant 16 : i32
          %mul3A_84 = arith.muli %select_n3A_82, %mul3A_83 : i32
          %add3A_85 = arith.addi %mul3A_66, %mul3A_84 : i32
          %get3A = arith.index_cast %add3A_85 : i32 to index
          %get3A_86 = tpu.vector_load %arg10[%get3A] {strides = array<i32>} : memref<12800xf32, #tpu.memory_space<vmem>>, vector<16xf32>,
          %add3A_87 = arith.constant 128 : i32
          %add3A_88 = arith.addi %add3A_85, %add3A_87 : i32
          %get3A_89 = arith.index_cast %add3A_88 : i32 to index
          %get3A_90 = tpu.vector_load %arg10[%get3A_89] {strides = array<i32>} : memref<12800xf32, #tpu.memory_space<vmem>>, vector<16xf32>,
          %add3A_91 = arith.constant 256 : i32
          %add3A_92 = arith.addi %add3A_85, %add3A_91 : i32
          %get3A_93 = arith.index_cast %add3A_92 : i32 to index
          %get3A_94 = tpu.vector_load %arg10[%get3A_93] {strides = array<i32>} : memref<12800xf32, #tpu.memory_space<vmem>>, vector<16xf32>,
          %add3A_95 = arith.constant 384 : i32
          %add3A_96 = arith.addi %add3A_85, %add3A_95 : i32
          %get3A_97 = arith.index_cast %add3A_96 : i32 to index
          %get3A_98 = tpu.vector_load %arg10[%get3A_97] {strides = array<i32>} : memref<12800xf32, #tpu.memory_space<vmem>>, vector<16xf32>,
          %sub3A_99 = arith.constant -5.000000e+01 : f32
          %sub3A_100 = vector.broadcast %sub3A_99 : f32 to vector<16xf32>
          %sub3A_101 = arith.subf %get3A_90, %sub3A_100 : vector<16xf32>
          %convert_element_type3A_102 = arith.fptosi %sub3A_101 : vector<16xf32> to vector<16xi32>
          %sub3A_103 = arith.constant -5.000000e+01 : f32
          %sub3A_104 = vector.broadcast %sub3A_103 : f32 to vector<16xf32>
          %sub3A_105 = arith.subf %get3A_94, %sub3A_104 : vector<16xf32>
          %convert_element_type3A_106 = arith.fptosi %sub3A_105 : vector<16xf32> to vector<16xi32>
          %sub3A_107 = arith.constant -5.000000e+00 : f32
          %sub3A_108 = vector.broadcast %sub3A_107 : f32 to vector<16xf32>
          %sub3A_109 = arith.subf %get3A_98, %sub3A_108 : vector<16xf32>
          %convert_element_type3A_110 = arith.fptosi %sub3A_109 : vector<16xf32> to vector<16xi32>
          %broadcast_in_dim3A = arith.constant 0 : i32
          %broadcast_in_dim3A_111 = vector.broadcast %broadcast_in_dim3A : i32 to vector<16xi32>
          %max3A = arith.maxsi %convert_element_type3A_102, %broadcast_in_dim3A_111 : vector<16xi32>
          %broadcast_in_dim3A_112 = arith.constant 99 : i32
          %broadcast_in_dim3A_113 = vector.broadcast %broadcast_in_dim3A_112 : i32 to vector<16xi32>
          %min3A = arith.minsi %max3A, %broadcast_in_dim3A_113 : vector<16xi32>
          %max3A_114 = arith.maxsi %convert_element_type3A_106, %broadcast_in_dim3A_111 : vector<16xi32>
          %broadcast_in_dim3A_115 = arith.constant 99 : i32
          %broadcast_in_dim3A_116 = vector.broadcast %broadcast_in_dim3A_115 : i32 to vector<16xi32>
          %min3A_117 = arith.minsi %max3A_114, %broadcast_in_dim3A_116 : vector<16xi32>
          %max3A_118 = arith.maxsi %convert_element_type3A_110, %broadcast_in_dim3A_111 : vector<16xi32>
          %broadcast_in_dim3A_119 = arith.constant 7 : i32
          %broadcast_in_dim3A_120 = vector.broadcast %broadcast_in_dim3A_119 : i32 to vector<16xi32>
          %min3A_121 = arith.minsi %max3A_118, %broadcast_in_dim3A_120 : vector<16xi32>
          %convert_element_type3A_122 = arith.fptosi %get3A_86 : vector<16xf32> to vector<16xi32>
          %mul3A_123 = arith.constant 100 : i32
          %mul3A_124 = vector.broadcast %mul3A_123 : i32 to vector<16xi32>
          %mul3A_125 = arith.muli %min3A, %mul3A_124 : vector<16xi32>
          %add3A_126 = arith.addi %mul3A_125, %min3A_117 : vector<16xi32>
          %mul3A_127 = arith.constant 8 : i32
          %mul3A_128 = vector.broadcast %mul3A_127 : i32 to vector<16xi32>
          %mul3A_129 = arith.muli %add3A_126, %mul3A_128 : vector<16xi32>
          %add3A_130 = arith.addi %mul3A_129, %min3A_121 : vector<16xi32>
          %mul3A_131 = arith.constant 80000 : i32
          %mul3A_132 = vector.broadcast %mul3A_131 : i32 to vector<16xi32>
          %mul3A_133 = arith.muli %convert_element_type3A_122, %mul3A_132 : vector<16xi32>
          %add3A_134 = arith.addi %add3A_130, %mul3A_133 : vector<16xi32>
          %sub3A_135 = vector.broadcast %mul3A_0 : i32 to vector<16xi32>
          %sub3A_136 = arith.subi %add3A_134, %sub3A_135 : vector<16xi32>
          %ge3A = arith.constant 0 : i32
          %ge3A_137 = vector.broadcast %ge3A : i32 to vector<16xi32>
          %ge3A_138 = arith.cmpi sge, %sub3A_136, %ge3A_137 : vector<16xi32>
          %lt3A_139 = arith.constant 160000 : i32
          %lt3A_140 = vector.broadcast %lt3A_139 : i32 to vector<16xi32>
          %lt3A_141 = arith.cmpi slt, %sub3A_136, %lt3A_140 : vector<16xi32>
          %and3A_142 = arith.andi %ge3A_138, %lt3A_141 : vector<16xi1>
          %mul3A_143 = arith.constant 16 : i32
          %mul3A_144 = arith.muli %scan3A_47, %mul3A_143 : i32
          %add3A_145 = vector.broadcast %mul3A_144 : i32 to vector<16xi32>
          %add3A_146 = arith.addi %add3A_145, %iota3A : vector<16xi32>
          %mul3A_147 = arith.constant 3200 : i32
          %mul3A_148 = arith.muli %add3A, %mul3A_147 : i32
          %add3A_149 = vector.broadcast %mul3A_148 : i32 to vector<16xi32>
          %add3A_150 = arith.addi %add3A_149, %add3A_146 : vector<16xi32>
          %and3A_151 = arith.constant 1023 : i32
          %and3A_152 = vector.broadcast %and3A_151 : i32 to vector<16xi32>
          %and3A_153 = arith.andi %add3A_150, %and3A_152 : vector<16xi32>
          %add3A_154 = arith.constant 160000 : i32
          %add3A_155 = vector.broadcast %add3A_154 : i32 to vector<16xi32>
          %add3A_156 = arith.addi %add3A_155, %and3A_153 : vector<16xi32>
          %select_n3A_157 = arith.select %and3A_142, %sub3A_136, %add3A_156 : vector<16xi1>, vector<16xi32>
          %mul3A_158 = arith.constant 16 : i32
          %mul3A_159 = arith.muli %scan3A_47, %mul3A_158 : i32
          %swap3A = arith.index_cast %mul3A_159 : i32 to index
          %swap3A_160 = tpu.vector_load %arg9[%swap3A] {strides = array<i32>} : memref<3200xi32, #tpu.memory_space<vmem>>, vector<16xi32>,
          tpu.vector_store %arg9[%swap3A], %add3A_134 {strides = array<i32>} : memref<3200xi32, #tpu.memory_space<vmem>>, vector<16xi32>,
          %add3A_161 = arith.constant 0 : i32
          %add3A_162 = vector.broadcast %add3A_161 : i32 to vector<16xi32>
          %add3A_163 = arith.addi %select_n3A_157, %add3A_162 : vector<16xi32>
          %mul3A_164 = arith.constant 16 : i32
          %mul3A_165 = arith.muli %scan3A_47, %mul3A_164 : i32
          %add3A_166 = arith.constant 0 : i32
          %add3A_167 = arith.addi %add3A_166, %mul3A_165 : i32
          %swap3A_168 = arith.index_cast %add3A_167 : i32 to index
          %swap3A_169 = tpu.vector_load %arg8[%swap3A_168] {strides = array<i32>} : memref<12800xi32, #tpu.memory_space<vmem>>, vector<16xi32>,
          tpu.vector_store %arg8[%swap3A_168], %add3A_163 {strides = array<i32>} : memref<12800xi32, #tpu.memory_space<vmem>>, vector<16xi32>,
          %add3A_170 = arith.constant 161024 : i32
          %add3A_171 = vector.broadcast %add3A_170 : i32 to vector<16xi32>
          %add3A_172 = arith.addi %select_n3A_157, %add3A_171 : vector<16xi32>
          %mul3A_173 = arith.constant 16 : i32
          %mul3A_174 = arith.muli %scan3A_47, %mul3A_173 : i32
          %add3A_175 = arith.constant 3200 : i32
          %add3A_176 = arith.addi %add3A_175, %mul3A_174 : i32
          %swap3A_177 = arith.index_cast %add3A_176 : i32 to index
          %swap3A_178 = tpu.vector_load %arg8[%swap3A_177] {strides = array<i32>} : memref<12800xi32, #tpu.memory_space<vmem>>, vector<16xi32>,
          tpu.vector_store %arg8[%swap3A_177], %add3A_172 {strides = array<i32>} : memref<12800xi32, #tpu.memory_space<vmem>>, vector<16xi32>,
          %add3A_179 = arith.constant 322048 : i32
          %add3A_180 = vector.broadcast %add3A_179 : i32 to vector<16xi32>
          %add3A_181 = arith.addi %select_n3A_157, %add3A_180 : vector<16xi32>
          %mul3A_182 = arith.constant 16 : i32
          %mul3A_183 = arith.muli %scan3A_47, %mul3A_182 : i32
          %add3A_184 = arith.constant 6400 : i32
          %add3A_185 = arith.addi %add3A_184, %mul3A_183 : i32
          %swap3A_186 = arith.index_cast %add3A_185 : i32 to index
          %swap3A_187 = tpu.vector_load %arg8[%swap3A_186] {strides = array<i32>} : memref<12800xi32, #tpu.memory_space<vmem>>, vector<16xi32>,
          tpu.vector_store %arg8[%swap3A_186], %add3A_181 {strides = array<i32>} : memref<12800xi32, #tpu.memory_space<vmem>>, vector<16xi32>,
          %add3A_188 = arith.constant 483072 : i32
          %add3A_189 = vector.broadcast %add3A_188 : i32 to vector<16xi32>
          %add3A_190 = arith.addi %select_n3A_157, %add3A_189 : vector<16xi32>
          %mul3A_191 = arith.constant 16 : i32
          %mul3A_192 = arith.muli %scan3A_47, %mul3A_191 : i32
          %add3A_193 = arith.constant 9600 : i32
          %add3A_194 = arith.addi %add3A_193, %mul3A_192 : i32
          %swap3A_195 = arith.index_cast %add3A_194 : i32 to index
          %swap3A_196 = tpu.vector_load %arg8[%swap3A_195] {strides = array<i32>} : memref<12800xi32, #tpu.memory_space<vmem>>, vector<16xi32>,
          tpu.vector_store %arg8[%swap3A_195], %add3A_190 {strides = array<i32>} : memref<12800xi32, #tpu.memory_space<vmem>>, vector<16xi32>,
          %mul3A_197 = arith.constant 16 : i32
          %mul3A_198 = arith.muli %scan3A_47, %mul3A_197 : i32
          %add3A_199 = arith.constant 3200 : i32
          %add3A_200 = arith.addi %add3A_199, %mul3A_198 : i32
          %swap3A_201 = arith.index_cast %add3A_200 : i32 to index
          %swap3A_202 = tpu.vector_load %arg11[%swap3A_201] {strides = array<i32>} : memref<12800xf32, #tpu.memory_space<vmem>>, vector<16xf32>,
          tpu.vector_store %arg11[%swap3A_201], %get3A_90 {strides = array<i32>} : memref<12800xf32, #tpu.memory_space<vmem>>, vector<16xf32>,
          %mul3A_203 = arith.constant 16 : i32
          %mul3A_204 = arith.muli %scan3A_47, %mul3A_203 : i32
          %add3A_205 = arith.constant 6400 : i32
          %add3A_206 = arith.addi %add3A_205, %mul3A_204 : i32
          %swap3A_207 = arith.index_cast %add3A_206 : i32 to index
          %swap3A_208 = tpu.vector_load %arg11[%swap3A_207] {strides = array<i32>} : memref<12800xf32, #tpu.memory_space<vmem>>, vector<16xf32>,
          tpu.vector_store %arg11[%swap3A_207], %get3A_94 {strides = array<i32>} : memref<12800xf32, #tpu.memory_space<vmem>>, vector<16xf32>,
          %mul3A_209 = arith.constant 16 : i32
          %mul3A_210 = arith.muli %scan3A_47, %mul3A_209 : i32
          %add3A_211 = arith.constant 9600 : i32
          %add3A_212 = arith.addi %add3A_211, %mul3A_210 : i32
          %swap3A_213 = arith.index_cast %add3A_212 : i32 to index
          %swap3A_214 = tpu.vector_load %arg11[%swap3A_213] {strides = array<i32>} : memref<12800xf32, #tpu.memory_space<vmem>>, vector<16xf32>,
          tpu.vector_store %arg11[%swap3A_213], %get3A_98 {strides = array<i32>} : memref<12800xf32, #tpu.memory_space<vmem>>, vector<16xf32>,
          %scan3A_215 = arith.constant 0 : i32
          scf.yield %scan3A_215 : i32
        }
        %scan3A_41 = arith.constant 200 : i32
        "tpu.region"() ({
          %run_scoped3A = tpu.sem_alloc : memref<!tpu.dma_semaphore, #tpu.memory_space<semaphore_mem>>
          %dma_start3A = arith.constant 0 : i32
          %dma_start3A_47 = tpu.memref_slice %arg7[%dma_start3A] : memref<644096xf32, #tpu.memory_space<vmem_shared>> -> memref<644096xf32, #tpu.memory_space<vmem_shared>>
          tpu.enqueue_indirect_dma source(%arg11 : memref<12800xf32, #tpu.memory_space<vmem>>) target(%dma_start3A_47 : memref<644096xf32, #tpu.memory_space<vmem_shared>>) offsets(%arg8 : memref<12800xi32, #tpu.memory_space<vmem>>) semaphore(%run_scoped3A : memref<!tpu.dma_semaphore, #tpu.memory_space<semaphore_mem>>) {add = true}
          %dma_wait3A = arith.constant 0 : i32
          %dma_wait3A_48 = tpu.memref_slice %arg7[%dma_wait3A] : memref<644096xf32, #tpu.memory_space<vmem_shared>> -> memref<644096xf32, #tpu.memory_space<vmem_shared>>
          tpu.wait_indirect_dma semaphore(%run_scoped3A : memref<!tpu.dma_semaphore, #tpu.memory_space<semaphore_mem>>) src(%arg11 : memref<12800xf32, #tpu.memory_space<vmem>>) dst(%dma_wait3A_48 : memref<644096xf32, #tpu.memory_space<vmem_shared>>)
          tpu.yield
        }) : () -> ()
        %eq3A_42 = arith.constant 0 : i32
        %eq3A_43 = arith.cmpi eq, %arg0, %eq3A_42 : i32
        %convert_element_type3A_44 = arith.extui %eq3A_43 : i1 to i32
        %cond3A_45 = arith.constant 0 : i32
        %cond3A_46 = arith.cmpi ne, %convert_element_type3A_44, %cond3A_45 : i32
        scf.if %cond3A_46 {
          "tpu.region"() ({
            %run_scoped3A = tpu.sem_alloc : memref<!tpu.dma_semaphore, #tpu.memory_space<semaphore_mem>>
            %dma_start3A = tpu.memref_slice %arg5[%mul3A_32] : memref<1600000xi32, #tpu.memory_space<hbm>> -> memref<3200xi32, #tpu.memory_space<hbm>>
            %dma_start3A_53 = tpu.memref_slice %arg5[%mul3A_32] : memref<1600000xi32, #tpu.memory_space<hbm>> -> memref<3200xi32, #tpu.memory_space<hbm>>
            tpu.enqueue_dma source(%arg9 : memref<3200xi32, #tpu.memory_space<vmem>>) target(%dma_start3A_53 : memref<3200xi32, #tpu.memory_space<hbm>>) target_semaphore(%run_scoped3A : memref<!tpu.dma_semaphore, #tpu.memory_space<semaphore_mem>>)
            %dma_wait3A = tpu.memref_slice %arg5[%mul3A_32] : memref<1600000xi32, #tpu.memory_space<hbm>> -> memref<3200xi32, #tpu.memory_space<hbm>>
            %dma_wait3A_54 = tpu.memref_slice %arg5[%mul3A_32] : memref<1600000xi32, #tpu.memory_space<hbm>> -> memref<3200xi32, #tpu.memory_space<hbm>>
            tpu.wait_dma2 semaphore(%run_scoped3A : memref<!tpu.dma_semaphore, #tpu.memory_space<semaphore_mem>>) src(%arg9 : memref<3200xi32, #tpu.memory_space<vmem>>) dst(%dma_wait3A_54 : memref<3200xi32, #tpu.memory_space<hbm>>)
            tpu.yield
          }) : () -> ()
          %add3A_47 = arith.constant 0 : i32
          %add3A_48 = arith.addi %add3A_47, %mul3A_32 : i32
          "tpu.region"() ({
            %run_scoped3A = tpu.sem_alloc : memref<!tpu.dma_semaphore, #tpu.memory_space<semaphore_mem>>
            %dma_start3A = arith.constant 3200 : i32
            %dma_start3A_53 = tpu.memref_slice %arg11[%dma_start3A] : memref<12800xf32, #tpu.memory_space<vmem>> -> memref<3200xf32, #tpu.memory_space<vmem>>
            %dma_start3A_54 = tpu.memref_slice %arg6[%add3A_48] : memref<4800000xf32, #tpu.memory_space<hbm>> -> memref<3200xf32, #tpu.memory_space<hbm>>
            %dma_start3A_55 = tpu.memref_slice %arg6[%add3A_48] : memref<4800000xf32, #tpu.memory_space<hbm>> -> memref<3200xf32, #tpu.memory_space<hbm>>
            %dma_start3A_56 = arith.constant 3200 : i32
            %dma_start3A_57 = tpu.memref_slice %arg11[%dma_start3A_56] : memref<12800xf32, #tpu.memory_space<vmem>> -> memref<3200xf32, #tpu.memory_space<vmem>>
            tpu.enqueue_dma source(%dma_start3A_57 : memref<3200xf32, #tpu.memory_space<vmem>>) target(%dma_start3A_55 : memref<3200xf32, #tpu.memory_space<hbm>>) target_semaphore(%run_scoped3A : memref<!tpu.dma_semaphore, #tpu.memory_space<semaphore_mem>>)
            %dma_wait3A = arith.constant 3200 : i32
            %dma_wait3A_58 = tpu.memref_slice %arg11[%dma_wait3A] : memref<12800xf32, #tpu.memory_space<vmem>> -> memref<3200xf32, #tpu.memory_space<vmem>>
            %dma_wait3A_59 = tpu.memref_slice %arg6[%add3A_48] : memref<4800000xf32, #tpu.memory_space<hbm>> -> memref<3200xf32, #tpu.memory_space<hbm>>
            %dma_wait3A_60 = tpu.memref_slice %arg6[%add3A_48] : memref<4800000xf32, #tpu.memory_space<hbm>> -> memref<3200xf32, #tpu.memory_space<hbm>>
            %dma_wait3A_61 = arith.constant 3200 : i32
            %dma_wait3A_62 = tpu.memref_slice %arg11[%dma_wait3A_61] : memref<12800xf32, #tpu.memory_space<vmem>> -> memref<3200xf32, #tpu.memory_space<vmem>>
            tpu.wait_dma2 semaphore(%run_scoped3A : memref<!tpu.dma_semaphore, #tpu.memory_space<semaphore_mem>>) src(%dma_wait3A_62 : memref<3200xf32, #tpu.memory_space<vmem>>) dst(%dma_wait3A_60 : memref<3200xf32, #tpu.memory_space<hbm>>)
            tpu.yield
          }) : () -> ()
          %add3A_49 = arith.constant 1600000 : i32
          %add3A_50 = arith.addi %add3A_49, %mul3A_32 : i32
          "tpu.region"() ({
            %run_scoped3A = tpu.sem_alloc : memref<!tpu.dma_semaphore, #tpu.memory_space<semaphore_mem>>
            %dma_start3A = arith.constant 6400 : i32
            %dma_start3A_53 = tpu.memref_slice %arg11[%dma_start3A] : memref<12800xf32, #tpu.memory_space<vmem>> -> memref<3200xf32, #tpu.memory_space<vmem>>
            %dma_start3A_54 = tpu.memref_slice %arg6[%add3A_50] : memref<4800000xf32, #tpu.memory_space<hbm>> -> memref<3200xf32, #tpu.memory_space<hbm>>
            %dma_start3A_55 = tpu.memref_slice %arg6[%add3A_50] : memref<4800000xf32, #tpu.memory_space<hbm>> -> memref<3200xf32, #tpu.memory_space<hbm>>
            %dma_start3A_56 = arith.constant 6400 : i32
            %dma_start3A_57 = tpu.memref_slice %arg11[%dma_start3A_56] : memref<12800xf32, #tpu.memory_space<vmem>> -> memref<3200xf32, #tpu.memory_space<vmem>>
            tpu.enqueue_dma source(%dma_start3A_57 : memref<3200xf32, #tpu.memory_space<vmem>>) target(%dma_start3A_55 : memref<3200xf32, #tpu.memory_space<hbm>>) target_semaphore(%run_scoped3A : memref<!tpu.dma_semaphore, #tpu.memory_space<semaphore_mem>>)
            %dma_wait3A = arith.constant 6400 : i32
            %dma_wait3A_58 = tpu.memref_slice %arg11[%dma_wait3A] : memref<12800xf32, #tpu.memory_space<vmem>> -> memref<3200xf32, #tpu.memory_space<vmem>>
            %dma_wait3A_59 = tpu.memref_slice %arg6[%add3A_50] : memref<4800000xf32, #tpu.memory_space<hbm>> -> memref<3200xf32, #tpu.memory_space<hbm>>
            %dma_wait3A_60 = tpu.memref_slice %arg6[%add3A_50] : memref<4800000xf32, #tpu.memory_space<hbm>> -> memref<3200xf32, #tpu.memory_space<hbm>>
            %dma_wait3A_61 = arith.constant 6400 : i32
            %dma_wait3A_62 = tpu.memref_slice %arg11[%dma_wait3A_61] : memref<12800xf32, #tpu.memory_space<vmem>> -> memref<3200xf32, #tpu.memory_space<vmem>>
            tpu.wait_dma2 semaphore(%run_scoped3A : memref<!tpu.dma_semaphore, #tpu.memory_space<semaphore_mem>>) src(%dma_wait3A_62 : memref<3200xf32, #tpu.memory_space<vmem>>) dst(%dma_wait3A_60 : memref<3200xf32, #tpu.memory_space<hbm>>)
            tpu.yield
          }) : () -> ()
          %add3A_51 = arith.constant 3200000 : i32
          %add3A_52 = arith.addi %add3A_51, %mul3A_32 : i32
          "tpu.region"() ({
            %run_scoped3A = tpu.sem_alloc : memref<!tpu.dma_semaphore, #tpu.memory_space<semaphore_mem>>
            %dma_start3A = arith.constant 9600 : i32
            %dma_start3A_53 = tpu.memref_slice %arg11[%dma_start3A] : memref<12800xf32, #tpu.memory_space<vmem>> -> memref<3200xf32, #tpu.memory_space<vmem>>
            %dma_start3A_54 = tpu.memref_slice %arg6[%add3A_52] : memref<4800000xf32, #tpu.memory_space<hbm>> -> memref<3200xf32, #tpu.memory_space<hbm>>
            %dma_start3A_55 = tpu.memref_slice %arg6[%add3A_52] : memref<4800000xf32, #tpu.memory_space<hbm>> -> memref<3200xf32, #tpu.memory_space<hbm>>
            %dma_start3A_56 = arith.constant 9600 : i32
            %dma_start3A_57 = tpu.memref_slice %arg11[%dma_start3A_56] : memref<12800xf32, #tpu.memory_space<vmem>> -> memref<3200xf32, #tpu.memory_space<vmem>>
            tpu.enqueue_dma source(%dma_start3A_57 : memref<3200xf32, #tpu.memory_space<vmem>>) target(%dma_start3A_55 : memref<3200xf32, #tpu.memory_space<hbm>>) target_semaphore(%run_scoped3A : memref<!tpu.dma_semaphore, #tpu.memory_space<semaphore_mem>>)
            %dma_wait3A = arith.constant 9600 : i32
            %dma_wait3A_58 = tpu.memref_slice %arg11[%dma_wait3A] : memref<12800xf32, #tpu.memory_space<vmem>> -> memref<3200xf32, #tpu.memory_space<vmem>>
            %dma_wait3A_59 = tpu.memref_slice %arg6[%add3A_52] : memref<4800000xf32, #tpu.memory_space<hbm>> -> memref<3200xf32, #tpu.memory_space<hbm>>
            %dma_wait3A_60 = tpu.memref_slice %arg6[%add3A_52] : memref<4800000xf32, #tpu.memory_space<hbm>> -> memref<3200xf32, #tpu.memory_space<hbm>>
            %dma_wait3A_61 = arith.constant 9600 : i32
            %dma_wait3A_62 = tpu.memref_slice %arg11[%dma_wait3A_61] : memref<12800xf32, #tpu.memory_space<vmem>> -> memref<3200xf32, #tpu.memory_space<vmem>>
            tpu.wait_dma2 semaphore(%run_scoped3A : memref<!tpu.dma_semaphore, #tpu.memory_space<semaphore_mem>>) src(%dma_wait3A_62 : memref<3200xf32, #tpu.memory_space<vmem>>) dst(%dma_wait3A_60 : memref<3200xf32, #tpu.memory_space<hbm>>)
            tpu.yield
          }) : () -> ()
        } else {
        }
      } else {
      }
      %scan3A_30 = arith.constant 0 : i32
      scf.yield %scan3A_30 : i32
    }
    %scan3A_15 = arith.constant 32 : i32
    %barrier3A_16 = arith.constant 0 : index
    tpu.barrier barrier_id(%barrier3A_16)
    %eq3A_17 = arith.constant 0 : i32
    %eq3A_18 = arith.cmpi eq, %arg1, %eq3A_17 : i32
    %convert_element_type3A_19 = arith.extui %eq3A_18 : i1 to i32
    %cond3A_20 = arith.constant 0 : i32
    %cond3A_21 = arith.cmpi ne, %convert_element_type3A_19, %cond3A_20 : i32
    scf.if %cond3A_21 {
      %mul3A_22 = arith.constant 160000 : i32
      %mul3A_23 = arith.muli %arg0, %mul3A_22 : i32
      %add3A = arith.constant 0 : i32
      %add3A_24 = arith.addi %add3A, %mul3A_23 : i32
      "tpu.region"() ({
        %run_scoped3A = tpu.sem_alloc : memref<!tpu.dma_semaphore, #tpu.memory_space<semaphore_mem>>
        %dma_start3A = tpu.memref_slice %arg4[%add3A_24] : memref<1286144xf32, #tpu.memory_space<hbm>> -> memref<160000xf32, #tpu.memory_space<hbm>>
        %dma_start3A_37 = arith.constant 0 : i32
        %dma_start3A_38 = tpu.memref_slice %arg7[%dma_start3A_37] : memref<644096xf32, #tpu.memory_space<vmem_shared>> -> memref<160000xf32, #tpu.memory_space<vmem_shared>>
        tpu.enqueue_dma source(%dma_start3A_38 : memref<160000xf32, #tpu.memory_space<vmem_shared>>) target(%dma_start3A : memref<160000xf32, #tpu.memory_space<hbm>>) target_semaphore(%run_scoped3A : memref<!tpu.dma_semaphore, #tpu.memory_space<semaphore_mem>>)
        %dma_wait3A = tpu.memref_slice %arg4[%add3A_24] : memref<1286144xf32, #tpu.memory_space<hbm>> -> memref<160000xf32, #tpu.memory_space<hbm>>
        %dma_wait3A_39 = arith.constant 0 : i32
        %dma_wait3A_40 = tpu.memref_slice %arg7[%dma_wait3A_39] : memref<644096xf32, #tpu.memory_space<vmem_shared>> -> memref<160000xf32, #tpu.memory_space<vmem_shared>>
        tpu.wait_dma2 semaphore(%run_scoped3A : memref<!tpu.dma_semaphore, #tpu.memory_space<semaphore_mem>>) src(%dma_wait3A_40 : memref<160000xf32, #tpu.memory_space<vmem_shared>>) dst(%dma_wait3A : memref<160000xf32, #tpu.memory_space<hbm>>)
        tpu.yield
      }) : () -> ()
      %mul3A_25 = arith.constant 160000 : i32
      %mul3A_26 = arith.muli %arg0, %mul3A_25 : i32
      %add3A_27 = arith.constant 321536 : i32
      %add3A_28 = arith.addi %add3A_27, %mul3A_26 : i32
      "tpu.region"() ({
        %run_scoped3A = tpu.sem_alloc : memref<!tpu.dma_semaphore, #tpu.memory_space<semaphore_mem>>
        %dma_start3A = tpu.memref_slice %arg4[%add3A_28] : memref<1286144xf32, #tpu.memory_space<hbm>> -> memref<160000xf32, #tpu.memory_space<hbm>>
        %dma_start3A_37 = arith.constant 161024 : i32
        %dma_start3A_38 = tpu.memref_slice %arg7[%dma_start3A_37] : memref<644096xf32, #tpu.memory_space<vmem_shared>> -> memref<160000xf32, #tpu.memory_space<vmem_shared>>
        tpu.enqueue_dma source(%dma_start3A_38 : memref<160000xf32, #tpu.memory_space<vmem_shared>>) target(%dma_start3A : memref<160000xf32, #tpu.memory_space<hbm>>) target_semaphore(%run_scoped3A : memref<!tpu.dma_semaphore, #tpu.memory_space<semaphore_mem>>)
        %dma_wait3A = tpu.memref_slice %arg4[%add3A_28] : memref<1286144xf32, #tpu.memory_space<hbm>> -> memref<160000xf32, #tpu.memory_space<hbm>>
        %dma_wait3A_39 = arith.constant 161024 : i32
        %dma_wait3A_40 = tpu.memref_slice %arg7[%dma_wait3A_39] : memref<644096xf32, #tpu.memory_space<vmem_shared>> -> memref<160000xf32, #tpu.memory_space<vmem_shared>>
        tpu.wait_dma2 semaphore(%run_scoped3A : memref<!tpu.dma_semaphore, #tpu.memory_space<semaphore_mem>>) src(%dma_wait3A_40 : memref<160000xf32, #tpu.memory_space<vmem_shared>>) dst(%dma_wait3A : memref<160000xf32, #tpu.memory_space<hbm>>)
        tpu.yield
      }) : () -> ()
      %mul3A_29 = arith.constant 160000 : i32
      %mul3A_30 = arith.muli %arg0, %mul3A_29 : i32
      %add3A_31 = arith.constant 643072 : i32
      %add3A_32 = arith.addi %add3A_31, %mul3A_30 : i32
      "tpu.region"() ({
        %run_scoped3A = tpu.sem_alloc : memref<!tpu.dma_semaphore, #tpu.memory_space<semaphore_mem>>
        %dma_start3A = tpu.memref_slice %arg4[%add3A_32] : memref<1286144xf32, #tpu.memory_space<hbm>> -> memref<160000xf32, #tpu.memory_space<hbm>>
        %dma_start3A_37 = arith.constant 322048 : i32
        %dma_start3A_38 = tpu.memref_slice %arg7[%dma_start3A_37] : memref<644096xf32, #tpu.memory_space<vmem_shared>> -> memref<160000xf32, #tpu.memory_space<vmem_shared>>
        tpu.enqueue_dma source(%dma_start3A_38 : memref<160000xf32, #tpu.memory_space<vmem_shared>>) target(%dma_start3A : memref<160000xf32, #tpu.memory_space<hbm>>) target_semaphore(%run_scoped3A : memref<!tpu.dma_semaphore, #tpu.memory_space<semaphore_mem>>)
        %dma_wait3A = tpu.memref_slice %arg4[%add3A_32] : memref<1286144xf32, #tpu.memory_space<hbm>> -> memref<160000xf32, #tpu.memory_space<hbm>>
        %dma_wait3A_39 = arith.constant 322048 : i32
        %dma_wait3A_40 = tpu.memref_slice %arg7[%dma_wait3A_39] : memref<644096xf32, #tpu.memory_space<vmem_shared>> -> memref<160000xf32, #tpu.memory_space<vmem_shared>>
        tpu.wait_dma2 semaphore(%run_scoped3A : memref<!tpu.dma_semaphore, #tpu.memory_space<semaphore_mem>>) src(%dma_wait3A_40 : memref<160000xf32, #tpu.memory_space<vmem_shared>>) dst(%dma_wait3A : memref<160000xf32, #tpu.memory_space<hbm>>)
        tpu.yield
      }) : () -> ()
      %mul3A_33 = arith.constant 160000 : i32
      %mul3A_34 = arith.muli %arg0, %mul3A_33 : i32
      %add3A_35 = arith.constant 964608 : i32
      %add3A_36 = arith.addi %add3A_35, %mul3A_34 : i32
      "tpu.region"() ({
        %run_scoped3A = tpu.sem_alloc : memref<!tpu.dma_semaphore, #tpu.memory_space<semaphore_mem>>
        %dma_start3A = tpu.memref_slice %arg4[%add3A_36] : memref<1286144xf32, #tpu.memory_space<hbm>> -> memref<160000xf32, #tpu.memory_space<hbm>>
        %dma_start3A_37 = arith.constant 483072 : i32
        %dma_start3A_38 = tpu.memref_slice %arg7[%dma_start3A_37] : memref<644096xf32, #tpu.memory_space<vmem_shared>> -> memref<160000xf32, #tpu.memory_space<vmem_shared>>
        tpu.enqueue_dma source(%dma_start3A_38 : memref<160000xf32, #tpu.memory_space<vmem_shared>>) target(%dma_start3A : memref<160000xf32, #tpu.memory_space<hbm>>) target_semaphore(%run_scoped3A : memref<!tpu.dma_semaphore, #tpu.memory_space<semaphore_mem>>)
        %dma_wait3A = tpu.memref_slice %arg4[%add3A_36] : memref<1286144xf32, #tpu.memory_space<hbm>> -> memref<160000xf32, #tpu.memory_space<hbm>>
        %dma_wait3A_39 = arith.constant 483072 : i32
        %dma_wait3A_40 = tpu.memref_slice %arg7[%dma_wait3A_39] : memref<644096xf32, #tpu.memory_space<vmem_shared>> -> memref<160000xf32, #tpu.memory_space<vmem_shared>>
        tpu.wait_dma2 semaphore(%run_scoped3A : memref<!tpu.dma_semaphore, #tpu.memory_space<semaphore_mem>>) src(%dma_wait3A_40 : memref<160000xf32, #tpu.memory_space<vmem_shared>>) dst(%dma_wait3A : memref<160000xf32, #tpu.memory_space<hbm>>)
        tpu.yield
      }) : () -> ()
    } else {
    }
    return
  }
}

#map = affine_map<(d0, d1) -> (0)>
module attributes {stable_mosaic.version = 14 : i64} {
  func.func @_sc_pass2_body(%arg0: i32, %arg1: i32, %arg2: memref<4800000xf32, #tpu.memory_space<hbm>>, %arg3: memref<1600000xi32, #tpu.memory_space<hbm>>, %arg4: memref<321536xf32, #tpu.memory_space<hbm>>, %arg5: memref<321536xf32, #tpu.memory_space<hbm>>, %arg6: memref<321536xf32, #tpu.memory_space<hbm>>, %arg7: memref<161024xf32, #tpu.memory_space<hbm>>, %arg8: memref<1929216xf32, #tpu.memory_space<hbm>>, %arg9: memref<966144xf32, #tpu.memory_space<vmem_shared>>, %arg10: memref<480000xf32, #tpu.memory_space<vmem_shared>>, %arg11: memref<12000xi32, #tpu.memory_space<vmem>>, %arg12: memref<6000xi32, #tpu.memory_space<vmem>>, %arg13: memref<6000xf32, #tpu.memory_space<vmem>>, %arg14: memref<12000xf32, #tpu.memory_space<vmem>>) attributes {dimension_semantics = [#tpu.dimension_semantics<core_parallel>, #tpu.dimension_semantics<subcore_parallel>], iteration_bounds = array<i64: 2, 16>, scalar_prefetch = 0 : i64, scratch_operands = 6 : i64, tpu.core_type = #tpu.core_type<sc_vector_subcore>, window_params = [{transform_indices = #map}, {transform_indices = #map}, {transform_indices = #map}, {transform_indices = #map}, {transform_indices = #map}, {transform_indices = #map}, {transform_indices = #map}]} {
    %mul3A = arith.constant 160000 : i32
    %mul3A_0 = arith.muli %arg0, %mul3A : i32
    %eq3A = arith.constant 0 : i32
    %eq3A_1 = arith.cmpi eq, %arg1, %eq3A : i32
    %convert_element_type3A = arith.extui %eq3A_1 : i1 to i32
    %cond3A = arith.constant 0 : i32
    %cond3A_2 = arith.cmpi ne, %convert_element_type3A, %cond3A : i32
    scf.if %cond3A_2 {
      "tpu.region"() ({
        %run_scoped3A = tpu.sem_alloc : memref<!tpu.dma_semaphore, #tpu.memory_space<semaphore_mem>>
        %dma_start3A = arith.constant 0 : i32
        %dma_start3A_17 = tpu.memref_slice %arg9[%dma_start3A] : memref<966144xf32, #tpu.memory_space<vmem_shared>> -> memref<161024xf32, #tpu.memory_space<vmem_shared>>
        tpu.enqueue_dma source(%arg7 : memref<161024xf32, #tpu.memory_space<hbm>>) target(%dma_start3A_17 : memref<161024xf32, #tpu.memory_space<vmem_shared>>) target_semaphore(%run_scoped3A : memref<!tpu.dma_semaphore, #tpu.memory_space<semaphore_mem>>)
        %dma_wait3A = arith.constant 0 : i32
        %dma_wait3A_18 = tpu.memref_slice %arg9[%dma_wait3A] : memref<966144xf32, #tpu.memory_space<vmem_shared>> -> memref<161024xf32, #tpu.memory_space<vmem_shared>>
        tpu.wait_dma2 semaphore(%run_scoped3A : memref<!tpu.dma_semaphore, #tpu.memory_space<semaphore_mem>>) src(%arg7 : memref<161024xf32, #tpu.memory_space<hbm>>) dst(%dma_wait3A_18 : memref<161024xf32, #tpu.memory_space<vmem_shared>>)
        tpu.yield
      }) : () -> ()
      "tpu.region"() ({
        %run_scoped3A = tpu.sem_alloc : memref<!tpu.dma_semaphore, #tpu.memory_space<semaphore_mem>>
        %dma_start3A = arith.constant 161024 : i32
        %dma_start3A_17 = tpu.memref_slice %arg9[%dma_start3A] : memref<966144xf32, #tpu.memory_space<vmem_shared>> -> memref<161024xf32, #tpu.memory_space<vmem_shared>>
        tpu.enqueue_dma source(%arg7 : memref<161024xf32, #tpu.memory_space<hbm>>) target(%dma_start3A_17 : memref<161024xf32, #tpu.memory_space<vmem_shared>>) target_semaphore(%run_scoped3A : memref<!tpu.dma_semaphore, #tpu.memory_space<semaphore_mem>>)
        %dma_wait3A = arith.constant 161024 : i32
        %dma_wait3A_18 = tpu.memref_slice %arg9[%dma_wait3A] : memref<966144xf32, #tpu.memory_space<vmem_shared>> -> memref<161024xf32, #tpu.memory_space<vmem_shared>>
        tpu.wait_dma2 semaphore(%run_scoped3A : memref<!tpu.dma_semaphore, #tpu.memory_space<semaphore_mem>>) src(%arg7 : memref<161024xf32, #tpu.memory_space<hbm>>) dst(%dma_wait3A_18 : memref<161024xf32, #tpu.memory_space<vmem_shared>>)
        tpu.yield
      }) : () -> ()
      "tpu.region"() ({
        %run_scoped3A = tpu.sem_alloc : memref<!tpu.dma_semaphore, #tpu.memory_space<semaphore_mem>>
        %dma_start3A = arith.constant 322048 : i32
        %dma_start3A_17 = tpu.memref_slice %arg9[%dma_start3A] : memref<966144xf32, #tpu.memory_space<vmem_shared>> -> memref<161024xf32, #tpu.memory_space<vmem_shared>>
        tpu.enqueue_dma source(%arg7 : memref<161024xf32, #tpu.memory_space<hbm>>) target(%dma_start3A_17 : memref<161024xf32, #tpu.memory_space<vmem_shared>>) target_semaphore(%run_scoped3A : memref<!tpu.dma_semaphore, #tpu.memory_space<semaphore_mem>>)
        %dma_wait3A = arith.constant 322048 : i32
        %dma_wait3A_18 = tpu.memref_slice %arg9[%dma_wait3A] : memref<966144xf32, #tpu.memory_space<vmem_shared>> -> memref<161024xf32, #tpu.memory_space<vmem_shared>>
        tpu.wait_dma2 semaphore(%run_scoped3A : memref<!tpu.dma_semaphore, #tpu.memory_space<semaphore_mem>>) src(%arg7 : memref<161024xf32, #tpu.memory_space<hbm>>) dst(%dma_wait3A_18 : memref<161024xf32, #tpu.memory_space<vmem_shared>>)
        tpu.yield
      }) : () -> ()
      "tpu.region"() ({
        %run_scoped3A = tpu.sem_alloc : memref<!tpu.dma_semaphore, #tpu.memory_space<semaphore_mem>>
        %dma_start3A = arith.constant 483072 : i32
        %dma_start3A_17 = tpu.memref_slice %arg9[%dma_start3A] : memref<966144xf32, #tpu.memory_space<vmem_shared>> -> memref<161024xf32, #tpu.memory_space<vmem_shared>>
        tpu.enqueue_dma source(%arg7 : memref<161024xf32, #tpu.memory_space<hbm>>) target(%dma_start3A_17 : memref<161024xf32, #tpu.memory_space<vmem_shared>>) target_semaphore(%run_scoped3A : memref<!tpu.dma_semaphore, #tpu.memory_space<semaphore_mem>>)
        %dma_wait3A = arith.constant 483072 : i32
        %dma_wait3A_18 = tpu.memref_slice %arg9[%dma_wait3A] : memref<966144xf32, #tpu.memory_space<vmem_shared>> -> memref<161024xf32, #tpu.memory_space<vmem_shared>>
        tpu.wait_dma2 semaphore(%run_scoped3A : memref<!tpu.dma_semaphore, #tpu.memory_space<semaphore_mem>>) src(%arg7 : memref<161024xf32, #tpu.memory_space<hbm>>) dst(%dma_wait3A_18 : memref<161024xf32, #tpu.memory_space<vmem_shared>>)
        tpu.yield
      }) : () -> ()
      "tpu.region"() ({
        %run_scoped3A = tpu.sem_alloc : memref<!tpu.dma_semaphore, #tpu.memory_space<semaphore_mem>>
        %dma_start3A = arith.constant 644096 : i32
        %dma_start3A_17 = tpu.memref_slice %arg9[%dma_start3A] : memref<966144xf32, #tpu.memory_space<vmem_shared>> -> memref<161024xf32, #tpu.memory_space<vmem_shared>>
        tpu.enqueue_dma source(%arg7 : memref<161024xf32, #tpu.memory_space<hbm>>) target(%dma_start3A_17 : memref<161024xf32, #tpu.memory_space<vmem_shared>>) target_semaphore(%run_scoped3A : memref<!tpu.dma_semaphore, #tpu.memory_space<semaphore_mem>>)
        %dma_wait3A = arith.constant 644096 : i32
        %dma_wait3A_18 = tpu.memref_slice %arg9[%dma_wait3A] : memref<966144xf32, #tpu.memory_space<vmem_shared>> -> memref<161024xf32, #tpu.memory_space<vmem_shared>>
        tpu.wait_dma2 semaphore(%run_scoped3A : memref<!tpu.dma_semaphore, #tpu.memory_space<semaphore_mem>>) src(%arg7 : memref<161024xf32, #tpu.memory_space<hbm>>) dst(%dma_wait3A_18 : memref<161024xf32, #tpu.memory_space<vmem_shared>>)
        tpu.yield
      }) : () -> ()
      "tpu.region"() ({
        %run_scoped3A = tpu.sem_alloc : memref<!tpu.dma_semaphore, #tpu.memory_space<semaphore_mem>>
        %dma_start3A = arith.constant 805120 : i32
        %dma_start3A_17 = tpu.memref_slice %arg9[%dma_start3A] : memref<966144xf32, #tpu.memory_space<vmem_shared>> -> memref<161024xf32, #tpu.memory_space<vmem_shared>>
        tpu.enqueue_dma source(%arg7 : memref<161024xf32, #tpu.memory_space<hbm>>) target(%dma_start3A_17 : memref<161024xf32, #tpu.memory_space<vmem_shared>>) target_semaphore(%run_scoped3A : memref<!tpu.dma_semaphore, #tpu.memory_space<semaphore_mem>>)
        %dma_wait3A = arith.constant 805120 : i32
        %dma_wait3A_18 = tpu.memref_slice %arg9[%dma_wait3A] : memref<966144xf32, #tpu.memory_space<vmem_shared>> -> memref<161024xf32, #tpu.memory_space<vmem_shared>>
        tpu.wait_dma2 semaphore(%run_scoped3A : memref<!tpu.dma_semaphore, #tpu.memory_space<semaphore_mem>>) src(%arg7 : memref<161024xf32, #tpu.memory_space<hbm>>) dst(%dma_wait3A_18 : memref<161024xf32, #tpu.memory_space<vmem_shared>>)
        tpu.yield
      }) : () -> ()
      "tpu.region"() ({
        %run_scoped3A = tpu.sem_alloc : memref<!tpu.dma_semaphore, #tpu.memory_space<semaphore_mem>>
        %dma_start3A = arith.constant 0 : i32
        %dma_start3A_17 = tpu.memref_slice %arg10[%dma_start3A] : memref<480000xf32, #tpu.memory_space<vmem_shared>> -> memref<160000xf32, #tpu.memory_space<vmem_shared>>
        %dma_start3A_18 = tpu.memref_slice %arg4[%mul3A_0] : memref<321536xf32, #tpu.memory_space<hbm>> -> memref<160000xf32, #tpu.memory_space<hbm>>
        tpu.enqueue_dma source(%dma_start3A_18 : memref<160000xf32, #tpu.memory_space<hbm>>) target(%dma_start3A_17 : memref<160000xf32, #tpu.memory_space<vmem_shared>>) target_semaphore(%run_scoped3A : memref<!tpu.dma_semaphore, #tpu.memory_space<semaphore_mem>>)
        %dma_wait3A = arith.constant 0 : i32
        %dma_wait3A_19 = tpu.memref_slice %arg10[%dma_wait3A] : memref<480000xf32, #tpu.memory_space<vmem_shared>> -> memref<160000xf32, #tpu.memory_space<vmem_shared>>
        %dma_wait3A_20 = tpu.memref_slice %arg4[%mul3A_0] : memref<321536xf32, #tpu.memory_space<hbm>> -> memref<160000xf32, #tpu.memory_space<hbm>>
        tpu.wait_dma2 semaphore(%run_scoped3A : memref<!tpu.dma_semaphore, #tpu.memory_space<semaphore_mem>>) src(%dma_wait3A_20 : memref<160000xf32, #tpu.memory_space<hbm>>) dst(%dma_wait3A_19 : memref<160000xf32, #tpu.memory_space<vmem_shared>>)
        tpu.yield
      }) : () -> ()
      "tpu.region"() ({
        %run_scoped3A = tpu.sem_alloc : memref<!tpu.dma_semaphore, #tpu.memory_space<semaphore_mem>>
        %dma_start3A = arith.constant 160000 : i32
        %dma_start3A_17 = tpu.memref_slice %arg10[%dma_start3A] : memref<480000xf32, #tpu.memory_space<vmem_shared>> -> memref<160000xf32, #tpu.memory_space<vmem_shared>>
        %dma_start3A_18 = tpu.memref_slice %arg5[%mul3A_0] : memref<321536xf32, #tpu.memory_space<hbm>> -> memref<160000xf32, #tpu.memory_space<hbm>>
        tpu.enqueue_dma source(%dma_start3A_18 : memref<160000xf32, #tpu.memory_space<hbm>>) target(%dma_start3A_17 : memref<160000xf32, #tpu.memory_space<vmem_shared>>) target_semaphore(%run_scoped3A : memref<!tpu.dma_semaphore, #tpu.memory_space<semaphore_mem>>)
        %dma_wait3A = arith.constant 160000 : i32
        %dma_wait3A_19 = tpu.memref_slice %arg10[%dma_wait3A] : memref<480000xf32, #tpu.memory_space<vmem_shared>> -> memref<160000xf32, #tpu.memory_space<vmem_shared>>
        %dma_wait3A_20 = tpu.memref_slice %arg5[%mul3A_0] : memref<321536xf32, #tpu.memory_space<hbm>> -> memref<160000xf32, #tpu.memory_space<hbm>>
        tpu.wait_dma2 semaphore(%run_scoped3A : memref<!tpu.dma_semaphore, #tpu.memory_space<semaphore_mem>>) src(%dma_wait3A_20 : memref<160000xf32, #tpu.memory_space<hbm>>) dst(%dma_wait3A_19 : memref<160000xf32, #tpu.memory_space<vmem_shared>>)
        tpu.yield
      }) : () -> ()
      "tpu.region"() ({
        %run_scoped3A = tpu.sem_alloc : memref<!tpu.dma_semaphore, #tpu.memory_space<semaphore_mem>>
        %dma_start3A = arith.constant 320000 : i32
        %dma_start3A_17 = tpu.memref_slice %arg10[%dma_start3A] : memref<480000xf32, #tpu.memory_space<vmem_shared>> -> memref<160000xf32, #tpu.memory_space<vmem_shared>>
        %dma_start3A_18 = tpu.memref_slice %arg6[%mul3A_0] : memref<321536xf32, #tpu.memory_space<hbm>> -> memref<160000xf32, #tpu.memory_space<hbm>>
        tpu.enqueue_dma source(%dma_start3A_18 : memref<160000xf32, #tpu.memory_space<hbm>>) target(%dma_start3A_17 : memref<160000xf32, #tpu.memory_space<vmem_shared>>) target_semaphore(%run_scoped3A : memref<!tpu.dma_semaphore, #tpu.memory_space<semaphore_mem>>)
        %dma_wait3A = arith.constant 320000 : i32
        %dma_wait3A_19 = tpu.memref_slice %arg10[%dma_wait3A] : memref<480000xf32, #tpu.memory_space<vmem_shared>> -> memref<160000xf32, #tpu.memory_space<vmem_shared>>
        %dma_wait3A_20 = tpu.memref_slice %arg6[%mul3A_0] : memref<321536xf32, #tpu.memory_space<hbm>> -> memref<160000xf32, #tpu.memory_space<hbm>>
        tpu.wait_dma2 semaphore(%run_scoped3A : memref<!tpu.dma_semaphore, #tpu.memory_space<semaphore_mem>>) src(%dma_wait3A_20 : memref<160000xf32, #tpu.memory_space<hbm>>) dst(%dma_wait3A_19 : memref<160000xf32, #tpu.memory_space<vmem_shared>>)
        tpu.yield
      }) : () -> ()
    } else {
    }
    %barrier3A = arith.constant 0 : index
    tpu.barrier barrier_id(%barrier3A)
    %mul3A_3 = arith.constant 100000 : i32
    %mul3A_4 = arith.muli %arg1, %mul3A_3 : i32
    %iota3A = tpu.iota {dimensions = array<i32: 0>} : vector<16xi32>
    %scan3A = arith.constant 0 : i32
    %scan3A_5 = arith.constant 0 : i32
    %scan3A_6 = arith.constant 50 : i32
    %scan3A_7 = arith.addi %scan3A_5, %scan3A_6 : i32
    %scan3A_8 = arith.constant 1 : i32
    %scan3A_9 = scf.for %scan3A_17 = %scan3A_5 to %scan3A_7 step %scan3A_8 iter_args(%scan3A_18 = %scan3A) -> (i32)  : i32 {
      %mul3A_19 = arith.constant 2000 : i32
      %mul3A_20 = arith.muli %scan3A_17, %mul3A_19 : i32
      %add3A = arith.addi %mul3A_4, %mul3A_20 : i32
      %add3A_21 = arith.constant 0 : i32
      %add3A_22 = arith.addi %add3A_21, %add3A : i32
      "tpu.region"() ({
        %run_scoped3A = tpu.sem_alloc : memref<!tpu.dma_semaphore, #tpu.memory_space<semaphore_mem>>
        %dma_start3A = arith.constant 0 : i32
        %dma_start3A_42 = tpu.memref_slice %arg13[%dma_start3A] : memref<6000xf32, #tpu.memory_space<vmem>> -> memref<2000xf32, #tpu.memory_space<vmem>>
        %dma_start3A_43 = tpu.memref_slice %arg2[%add3A_22] : memref<4800000xf32, #tpu.memory_space<hbm>> -> memref<2000xf32, #tpu.memory_space<hbm>>
        %dma_start3A_44 = arith.constant 0 : i32
        %dma_start3A_45 = tpu.memref_slice %arg13[%dma_start3A_44] : memref<6000xf32, #tpu.memory_space<vmem>> -> memref<2000xf32, #tpu.memory_space<vmem>>
        %dma_start3A_46 = tpu.memref_slice %arg2[%add3A_22] : memref<4800000xf32, #tpu.memory_space<hbm>> -> memref<2000xf32, #tpu.memory_space<hbm>>
        tpu.enqueue_dma source(%dma_start3A_46 : memref<2000xf32, #tpu.memory_space<hbm>>) target(%dma_start3A_45 : memref<2000xf32, #tpu.memory_space<vmem>>) target_semaphore(%run_scoped3A : memref<!tpu.dma_semaphore, #tpu.memory_space<semaphore_mem>>)
        %dma_wait3A = arith.constant 0 : i32
        %dma_wait3A_47 = tpu.memref_slice %arg13[%dma_wait3A] : memref<6000xf32, #tpu.memory_space<vmem>> -> memref<2000xf32, #tpu.memory_space<vmem>>
        %dma_wait3A_48 = tpu.memref_slice %arg2[%add3A_22] : memref<4800000xf32, #tpu.memory_space<hbm>> -> memref<2000xf32, #tpu.memory_space<hbm>>
        %dma_wait3A_49 = arith.constant 0 : i32
        %dma_wait3A_50 = tpu.memref_slice %arg13[%dma_wait3A_49] : memref<6000xf32, #tpu.memory_space<vmem>> -> memref<2000xf32, #tpu.memory_space<vmem>>
        %dma_wait3A_51 = tpu.memref_slice %arg2[%add3A_22] : memref<4800000xf32, #tpu.memory_space<hbm>> -> memref<2000xf32, #tpu.memory_space<hbm>>
        tpu.wait_dma2 semaphore(%run_scoped3A : memref<!tpu.dma_semaphore, #tpu.memory_space<semaphore_mem>>) src(%dma_wait3A_51 : memref<2000xf32, #tpu.memory_space<hbm>>) dst(%dma_wait3A_50 : memref<2000xf32, #tpu.memory_space<vmem>>)
        tpu.yield
      }) : () -> ()
      %add3A_23 = arith.constant 1600000 : i32
      %add3A_24 = arith.addi %add3A_23, %add3A : i32
      "tpu.region"() ({
        %run_scoped3A = tpu.sem_alloc : memref<!tpu.dma_semaphore, #tpu.memory_space<semaphore_mem>>
        %dma_start3A = arith.constant 2000 : i32
        %dma_start3A_42 = tpu.memref_slice %arg13[%dma_start3A] : memref<6000xf32, #tpu.memory_space<vmem>> -> memref<2000xf32, #tpu.memory_space<vmem>>
        %dma_start3A_43 = tpu.memref_slice %arg2[%add3A_24] : memref<4800000xf32, #tpu.memory_space<hbm>> -> memref<2000xf32, #tpu.memory_space<hbm>>
        %dma_start3A_44 = arith.constant 2000 : i32
        %dma_start3A_45 = tpu.memref_slice %arg13[%dma_start3A_44] : memref<6000xf32, #tpu.memory_space<vmem>> -> memref<2000xf32, #tpu.memory_space<vmem>>
        %dma_start3A_46 = tpu.memref_slice %arg2[%add3A_24] : memref<4800000xf32, #tpu.memory_space<hbm>> -> memref<2000xf32, #tpu.memory_space<hbm>>
        tpu.enqueue_dma source(%dma_start3A_46 : memref<2000xf32, #tpu.memory_space<hbm>>) target(%dma_start3A_45 : memref<2000xf32, #tpu.memory_space<vmem>>) target_semaphore(%run_scoped3A : memref<!tpu.dma_semaphore, #tpu.memory_space<semaphore_mem>>)
        %dma_wait3A = arith.constant 2000 : i32
        %dma_wait3A_47 = tpu.memref_slice %arg13[%dma_wait3A] : memref<6000xf32, #tpu.memory_space<vmem>> -> memref<2000xf32, #tpu.memory_space<vmem>>
        %dma_wait3A_48 = tpu.memref_slice %arg2[%add3A_24] : memref<4800000xf32, #tpu.memory_space<hbm>> -> memref<2000xf32, #tpu.memory_space<hbm>>
        %dma_wait3A_49 = arith.constant 2000 : i32
        %dma_wait3A_50 = tpu.memref_slice %arg13[%dma_wait3A_49] : memref<6000xf32, #tpu.memory_space<vmem>> -> memref<2000xf32, #tpu.memory_space<vmem>>
        %dma_wait3A_51 = tpu.memref_slice %arg2[%add3A_24] : memref<4800000xf32, #tpu.memory_space<hbm>> -> memref<2000xf32, #tpu.memory_space<hbm>>
        tpu.wait_dma2 semaphore(%run_scoped3A : memref<!tpu.dma_semaphore, #tpu.memory_space<semaphore_mem>>) src(%dma_wait3A_51 : memref<2000xf32, #tpu.memory_space<hbm>>) dst(%dma_wait3A_50 : memref<2000xf32, #tpu.memory_space<vmem>>)
        tpu.yield
      }) : () -> ()
      %add3A_25 = arith.constant 3200000 : i32
      %add3A_26 = arith.addi %add3A_25, %add3A : i32
      "tpu.region"() ({
        %run_scoped3A = tpu.sem_alloc : memref<!tpu.dma_semaphore, #tpu.memory_space<semaphore_mem>>
        %dma_start3A = arith.constant 4000 : i32
        %dma_start3A_42 = tpu.memref_slice %arg13[%dma_start3A] : memref<6000xf32, #tpu.memory_space<vmem>> -> memref<2000xf32, #tpu.memory_space<vmem>>
        %dma_start3A_43 = tpu.memref_slice %arg2[%add3A_26] : memref<4800000xf32, #tpu.memory_space<hbm>> -> memref<2000xf32, #tpu.memory_space<hbm>>
        %dma_start3A_44 = arith.constant 4000 : i32
        %dma_start3A_45 = tpu.memref_slice %arg13[%dma_start3A_44] : memref<6000xf32, #tpu.memory_space<vmem>> -> memref<2000xf32, #tpu.memory_space<vmem>>
        %dma_start3A_46 = tpu.memref_slice %arg2[%add3A_26] : memref<4800000xf32, #tpu.memory_space<hbm>> -> memref<2000xf32, #tpu.memory_space<hbm>>
        tpu.enqueue_dma source(%dma_start3A_46 : memref<2000xf32, #tpu.memory_space<hbm>>) target(%dma_start3A_45 : memref<2000xf32, #tpu.memory_space<vmem>>) target_semaphore(%run_scoped3A : memref<!tpu.dma_semaphore, #tpu.memory_space<semaphore_mem>>)
        %dma_wait3A = arith.constant 4000 : i32
        %dma_wait3A_47 = tpu.memref_slice %arg13[%dma_wait3A] : memref<6000xf32, #tpu.memory_space<vmem>> -> memref<2000xf32, #tpu.memory_space<vmem>>
        %dma_wait3A_48 = tpu.memref_slice %arg2[%add3A_26] : memref<4800000xf32, #tpu.memory_space<hbm>> -> memref<2000xf32, #tpu.memory_space<hbm>>
        %dma_wait3A_49 = arith.constant 4000 : i32
        %dma_wait3A_50 = tpu.memref_slice %arg13[%dma_wait3A_49] : memref<6000xf32, #tpu.memory_space<vmem>> -> memref<2000xf32, #tpu.memory_space<vmem>>
        %dma_wait3A_51 = tpu.memref_slice %arg2[%add3A_26] : memref<4800000xf32, #tpu.memory_space<hbm>> -> memref<2000xf32, #tpu.memory_space<hbm>>
        tpu.wait_dma2 semaphore(%run_scoped3A : memref<!tpu.dma_semaphore, #tpu.memory_space<semaphore_mem>>) src(%dma_wait3A_51 : memref<2000xf32, #tpu.memory_space<hbm>>) dst(%dma_wait3A_50 : memref<2000xf32, #tpu.memory_space<vmem>>)
        tpu.yield
      }) : () -> ()
      "tpu.region"() ({
        %run_scoped3A = tpu.sem_alloc : memref<!tpu.dma_semaphore, #tpu.memory_space<semaphore_mem>>
        %dma_start3A = arith.constant 0 : i32
        %dma_start3A_42 = tpu.memref_slice %arg12[%dma_start3A] : memref<6000xi32, #tpu.memory_space<vmem>> -> memref<2000xi32, #tpu.memory_space<vmem>>
        %dma_start3A_43 = tpu.memref_slice %arg3[%add3A] : memref<1600000xi32, #tpu.memory_space<hbm>> -> memref<2000xi32, #tpu.memory_space<hbm>>
        %dma_start3A_44 = arith.constant 0 : i32
        %dma_start3A_45 = tpu.memref_slice %arg12[%dma_start3A_44] : memref<6000xi32, #tpu.memory_space<vmem>> -> memref<2000xi32, #tpu.memory_space<vmem>>
        %dma_start3A_46 = tpu.memref_slice %arg3[%add3A] : memref<1600000xi32, #tpu.memory_space<hbm>> -> memref<2000xi32, #tpu.memory_space<hbm>>
        tpu.enqueue_dma source(%dma_start3A_46 : memref<2000xi32, #tpu.memory_space<hbm>>) target(%dma_start3A_45 : memref<2000xi32, #tpu.memory_space<vmem>>) target_semaphore(%run_scoped3A : memref<!tpu.dma_semaphore, #tpu.memory_space<semaphore_mem>>)
        %dma_wait3A = arith.constant 0 : i32
        %dma_wait3A_47 = tpu.memref_slice %arg12[%dma_wait3A] : memref<6000xi32, #tpu.memory_space<vmem>> -> memref<2000xi32, #tpu.memory_space<vmem>>
        %dma_wait3A_48 = tpu.memref_slice %arg3[%add3A] : memref<1600000xi32, #tpu.memory_space<hbm>> -> memref<2000xi32, #tpu.memory_space<hbm>>
        %dma_wait3A_49 = arith.constant 0 : i32
        %dma_wait3A_50 = tpu.memref_slice %arg12[%dma_wait3A_49] : memref<6000xi32, #tpu.memory_space<vmem>> -> memref<2000xi32, #tpu.memory_space<vmem>>
        %dma_wait3A_51 = tpu.memref_slice %arg3[%add3A] : memref<1600000xi32, #tpu.memory_space<hbm>> -> memref<2000xi32, #tpu.memory_space<hbm>>
        tpu.wait_dma2 semaphore(%run_scoped3A : memref<!tpu.dma_semaphore, #tpu.memory_space<semaphore_mem>>) src(%dma_wait3A_51 : memref<2000xi32, #tpu.memory_space<hbm>>) dst(%dma_wait3A_50 : memref<2000xi32, #tpu.memory_space<vmem>>)
        tpu.yield
      }) : () -> ()
      %scan3A_27 = arith.constant 0 : i32
      %scan3A_28 = arith.constant 0 : i32
      %scan3A_29 = arith.constant 125 : i32
      %scan3A_30 = arith.addi %scan3A_28, %scan3A_29 : i32
      %scan3A_31 = arith.constant 1 : i32
      %scan3A_32 = scf.for %scan3A_42 = %scan3A_28 to %scan3A_30 step %scan3A_31 iter_args(%scan3A_43 = %scan3A_27) -> (i32)  : i32 {
        %mul3A_44 = arith.constant 16 : i32
        %mul3A_45 = arith.muli %scan3A_42, %mul3A_44 : i32
        %mul3A_46 = arith.constant 16 : i32
        %mul3A_47 = arith.muli %scan3A_42, %mul3A_46 : i32
        %add3A_48 = vector.broadcast %mul3A_47 : i32 to vector<16xi32>
        %add3A_49 = arith.addi %add3A_48, %iota3A : vector<16xi32>
        %get3A = arith.index_cast %mul3A_45 : i32 to index
        %get3A_50 = tpu.vector_load %arg12[%get3A] {strides = array<i32>} : memref<6000xi32, #tpu.memory_space<vmem>>, vector<16xi32>,
        %sub3A = vector.broadcast %mul3A_0 : i32 to vector<16xi32>
        %sub3A_51 = arith.subi %get3A_50, %sub3A : vector<16xi32>
        %ge3A = arith.constant 0 : i32
        %ge3A_52 = vector.broadcast %ge3A : i32 to vector<16xi32>
        %ge3A_53 = arith.cmpi sge, %sub3A_51, %ge3A_52 : vector<16xi32>
        %lt3A = arith.constant 160000 : i32
        %lt3A_54 = vector.broadcast %lt3A : i32 to vector<16xi32>
        %lt3A_55 = arith.cmpi slt, %sub3A_51, %lt3A_54 : vector<16xi32>
        %and3A = arith.andi %ge3A_53, %lt3A_55 : vector<16xi1>
        %mul3A_56 = arith.constant 2000 : i32
        %mul3A_57 = arith.muli %scan3A_17, %mul3A_56 : i32
        %add3A_58 = vector.broadcast %mul3A_57 : i32 to vector<16xi32>
        %add3A_59 = arith.addi %add3A_58, %add3A_49 : vector<16xi32>
        %and3A_60 = arith.constant 1023 : i32
        %and3A_61 = vector.broadcast %and3A_60 : i32 to vector<16xi32>
        %and3A_62 = arith.andi %add3A_59, %and3A_61 : vector<16xi32>
        %add3A_63 = arith.constant 160000 : i32
        %add3A_64 = vector.broadcast %add3A_63 : i32 to vector<16xi32>
        %add3A_65 = arith.addi %add3A_64, %and3A_62 : vector<16xi32>
        %select_n3A = arith.select %and3A, %sub3A_51, %add3A_65 : vector<16xi1>, vector<16xi32>
        %jit3A = arith.constant 0 : i32
        %broadcast_in_dim3A = vector.broadcast %jit3A : i32 to vector<16xi32>
        %select_n3A_66 = arith.select %and3A, %sub3A_51, %broadcast_in_dim3A : vector<16xi1>, vector<16xi32>
        %add3A_67 = arith.constant 0 : i32
        %add3A_68 = vector.broadcast %add3A_67 : i32 to vector<16xi32>
        %add3A_69 = arith.addi %select_n3A, %add3A_68 : vector<16xi32>
        %mul3A_70 = arith.constant 16 : i32
        %mul3A_71 = arith.muli %scan3A_42, %mul3A_70 : i32
        %add3A_72 = arith.constant 0 : i32
        %add3A_73 = arith.addi %add3A_72, %mul3A_71 : i32
        %swap3A = arith.index_cast %add3A_73 : i32 to index
        %swap3A_74 = tpu.vector_load %arg11[%swap3A] {strides = array<i32>} : memref<12000xi32, #tpu.memory_space<vmem>>, vector<16xi32>,
        tpu.vector_store %arg11[%swap3A], %add3A_69 {strides = array<i32>} : memref<12000xi32, #tpu.memory_space<vmem>>, vector<16xi32>,
        %add3A_75 = arith.constant 161024 : i32
        %add3A_76 = vector.broadcast %add3A_75 : i32 to vector<16xi32>
        %add3A_77 = arith.addi %select_n3A, %add3A_76 : vector<16xi32>
        %mul3A_78 = arith.constant 16 : i32
        %mul3A_79 = arith.muli %scan3A_42, %mul3A_78 : i32
        %add3A_80 = arith.constant 2000 : i32
        %add3A_81 = arith.addi %add3A_80, %mul3A_79 : i32
        %swap3A_82 = arith.index_cast %add3A_81 : i32 to index
        %swap3A_83 = tpu.vector_load %arg11[%swap3A_82] {strides = array<i32>} : memref<12000xi32, #tpu.memory_space<vmem>>, vector<16xi32>,
        tpu.vector_store %arg11[%swap3A_82], %add3A_77 {strides = array<i32>} : memref<12000xi32, #tpu.memory_space<vmem>>, vector<16xi32>,
        %add3A_84 = arith.constant 322048 : i32
        %add3A_85 = vector.broadcast %add3A_84 : i32 to vector<16xi32>
        %add3A_86 = arith.addi %select_n3A, %add3A_85 : vector<16xi32>
        %mul3A_87 = arith.constant 16 : i32
        %mul3A_88 = arith.muli %scan3A_42, %mul3A_87 : i32
        %add3A_89 = arith.constant 4000 : i32
        %add3A_90 = arith.addi %add3A_89, %mul3A_88 : i32
        %swap3A_91 = arith.index_cast %add3A_90 : i32 to index
        %swap3A_92 = tpu.vector_load %arg11[%swap3A_91] {strides = array<i32>} : memref<12000xi32, #tpu.memory_space<vmem>>, vector<16xi32>,
        tpu.vector_store %arg11[%swap3A_91], %add3A_86 {strides = array<i32>} : memref<12000xi32, #tpu.memory_space<vmem>>, vector<16xi32>,
        %add3A_93 = arith.constant 483072 : i32
        %add3A_94 = vector.broadcast %add3A_93 : i32 to vector<16xi32>
        %add3A_95 = arith.addi %select_n3A, %add3A_94 : vector<16xi32>
        %mul3A_96 = arith.constant 16 : i32
        %mul3A_97 = arith.muli %scan3A_42, %mul3A_96 : i32
        %add3A_98 = arith.constant 6000 : i32
        %add3A_99 = arith.addi %add3A_98, %mul3A_97 : i32
        %swap3A_100 = arith.index_cast %add3A_99 : i32 to index
        %swap3A_101 = tpu.vector_load %arg11[%swap3A_100] {strides = array<i32>} : memref<12000xi32, #tpu.memory_space<vmem>>, vector<16xi32>,
        tpu.vector_store %arg11[%swap3A_100], %add3A_95 {strides = array<i32>} : memref<12000xi32, #tpu.memory_space<vmem>>, vector<16xi32>,
        %add3A_102 = arith.constant 644096 : i32
        %add3A_103 = vector.broadcast %add3A_102 : i32 to vector<16xi32>
        %add3A_104 = arith.addi %select_n3A, %add3A_103 : vector<16xi32>
        %mul3A_105 = arith.constant 16 : i32
        %mul3A_106 = arith.muli %scan3A_42, %mul3A_105 : i32
        %add3A_107 = arith.constant 8000 : i32
        %add3A_108 = arith.addi %add3A_107, %mul3A_106 : i32
        %swap3A_109 = arith.index_cast %add3A_108 : i32 to index
        %swap3A_110 = tpu.vector_load %arg11[%swap3A_109] {strides = array<i32>} : memref<12000xi32, #tpu.memory_space<vmem>>, vector<16xi32>,
        tpu.vector_store %arg11[%swap3A_109], %add3A_104 {strides = array<i32>} : memref<12000xi32, #tpu.memory_space<vmem>>, vector<16xi32>,
        %add3A_111 = arith.constant 805120 : i32
        %add3A_112 = vector.broadcast %add3A_111 : i32 to vector<16xi32>
        %add3A_113 = arith.addi %select_n3A, %add3A_112 : vector<16xi32>
        %mul3A_114 = arith.constant 16 : i32
        %mul3A_115 = arith.muli %scan3A_42, %mul3A_114 : i32
        %add3A_116 = arith.constant 10000 : i32
        %add3A_117 = arith.addi %add3A_116, %mul3A_115 : i32
        %swap3A_118 = arith.index_cast %add3A_117 : i32 to index
        %swap3A_119 = tpu.vector_load %arg11[%swap3A_118] {strides = array<i32>} : memref<12000xi32, #tpu.memory_space<vmem>>, vector<16xi32>,
        tpu.vector_store %arg11[%swap3A_118], %add3A_113 {strides = array<i32>} : memref<12000xi32, #tpu.memory_space<vmem>>, vector<16xi32>,
        %swap3A_120 = arith.index_cast %mul3A_45 : i32 to index
        %swap3A_121 = tpu.vector_load %arg12[%swap3A_120] {strides = array<i32>} : memref<6000xi32, #tpu.memory_space<vmem>>, vector<16xi32>,
        tpu.vector_store %arg12[%swap3A_120], %select_n3A_66 {strides = array<i32>} : memref<6000xi32, #tpu.memory_space<vmem>>, vector<16xi32>,
        %add3A_122 = arith.constant 160000 : i32
        %add3A_123 = vector.broadcast %add3A_122 : i32 to vector<16xi32>
        %add3A_124 = arith.addi %select_n3A_66, %add3A_123 : vector<16xi32>
        %mul3A_125 = arith.constant 16 : i32
        %mul3A_126 = arith.muli %scan3A_42, %mul3A_125 : i32
        %add3A_127 = arith.constant 2000 : i32
        %add3A_128 = arith.addi %add3A_127, %mul3A_126 : i32
        %swap3A_129 = arith.index_cast %add3A_128 : i32 to index
        %swap3A_130 = tpu.vector_load %arg12[%swap3A_129] {strides = array<i32>} : memref<6000xi32, #tpu.memory_space<vmem>>, vector<16xi32>,
        tpu.vector_store %arg12[%swap3A_129], %add3A_124 {strides = array<i32>} : memref<6000xi32, #tpu.memory_space<vmem>>, vector<16xi32>,
        %add3A_131 = arith.constant 320000 : i32
        %add3A_132 = vector.broadcast %add3A_131 : i32 to vector<16xi32>
        %add3A_133 = arith.addi %select_n3A_66, %add3A_132 : vector<16xi32>
        %mul3A_134 = arith.constant 16 : i32
        %mul3A_135 = arith.muli %scan3A_42, %mul3A_134 : i32
        %add3A_136 = arith.constant 4000 : i32
        %add3A_137 = arith.addi %add3A_136, %mul3A_135 : i32
        %swap3A_138 = arith.index_cast %add3A_137 : i32 to index
        %swap3A_139 = tpu.vector_load %arg12[%swap3A_138] {strides = array<i32>} : memref<6000xi32, #tpu.memory_space<vmem>>, vector<16xi32>,
        tpu.vector_store %arg12[%swap3A_138], %add3A_133 {strides = array<i32>} : memref<6000xi32, #tpu.memory_space<vmem>>, vector<16xi32>,
        %scan3A_140 = arith.constant 0 : i32
        scf.yield %scan3A_140 : i32
      }
      %scan3A_33 = arith.constant 125 : i32
      "tpu.region"() ({
        %run_scoped3A = tpu.sem_alloc : memref<!tpu.dma_semaphore, #tpu.memory_space<semaphore_mem>>
        %dma_start3A = arith.constant 0 : i32
        %dma_start3A_42 = tpu.memref_slice %arg14[%dma_start3A] : memref<12000xf32, #tpu.memory_space<vmem>> -> memref<6000xf32, #tpu.memory_space<vmem>>
        %dma_start3A_43 = arith.constant 0 : i32
        %dma_start3A_44 = tpu.memref_slice %arg10[%dma_start3A_43] : memref<480000xf32, #tpu.memory_space<vmem_shared>> -> memref<480000xf32, #tpu.memory_space<vmem_shared>>
        tpu.enqueue_indirect_dma source(%dma_start3A_44 : memref<480000xf32, #tpu.memory_space<vmem_shared>>) target(%dma_start3A_42 : memref<6000xf32, #tpu.memory_space<vmem>>) offsets(%arg12 : memref<6000xi32, #tpu.memory_space<vmem>>) semaphore(%run_scoped3A : memref<!tpu.dma_semaphore, #tpu.memory_space<semaphore_mem>>)
        %dma_wait3A = arith.constant 0 : i32
        %dma_wait3A_45 = tpu.memref_slice %arg14[%dma_wait3A] : memref<12000xf32, #tpu.memory_space<vmem>> -> memref<6000xf32, #tpu.memory_space<vmem>>
        %dma_wait3A_46 = arith.constant 0 : i32
        %dma_wait3A_47 = tpu.memref_slice %arg10[%dma_wait3A_46] : memref<480000xf32, #tpu.memory_space<vmem_shared>> -> memref<480000xf32, #tpu.memory_space<vmem_shared>>
        tpu.wait_indirect_dma semaphore(%run_scoped3A : memref<!tpu.dma_semaphore, #tpu.memory_space<semaphore_mem>>) src(%dma_wait3A_47 : memref<480000xf32, #tpu.memory_space<vmem_shared>>) dst(%dma_wait3A_45 : memref<6000xf32, #tpu.memory_space<vmem>>)
        tpu.yield
      }) : () -> ()
      %scan3A_34 = arith.constant 0 : i32
      %scan3A_35 = arith.constant 0 : i32
      %scan3A_36 = arith.constant 125 : i32
      %scan3A_37 = arith.addi %scan3A_35, %scan3A_36 : i32
      %scan3A_38 = arith.constant 1 : i32
      %scan3A_39 = scf.for %scan3A_42 = %scan3A_35 to %scan3A_37 step %scan3A_38 iter_args(%scan3A_43 = %scan3A_34) -> (i32)  : i32 {
        %mul3A_44 = arith.constant 16 : i32
        %mul3A_45 = arith.muli %scan3A_42, %mul3A_44 : i32
        %get3A = arith.index_cast %mul3A_45 : i32 to index
        %get3A_46 = tpu.vector_load %arg13[%get3A] {strides = array<i32>} : memref<6000xf32, #tpu.memory_space<vmem>>, vector<16xf32>,
        %mul3A_47 = arith.constant 16 : i32
        %mul3A_48 = arith.muli %scan3A_42, %mul3A_47 : i32
        %add3A_49 = arith.constant 2000 : i32
        %add3A_50 = arith.addi %add3A_49, %mul3A_48 : i32
        %get3A_51 = arith.index_cast %add3A_50 : i32 to index
        %get3A_52 = tpu.vector_load %arg13[%get3A_51] {strides = array<i32>} : memref<6000xf32, #tpu.memory_space<vmem>>, vector<16xf32>,
        %mul3A_53 = arith.constant 16 : i32
        %mul3A_54 = arith.muli %scan3A_42, %mul3A_53 : i32
        %add3A_55 = arith.constant 4000 : i32
        %add3A_56 = arith.addi %add3A_55, %mul3A_54 : i32
        %get3A_57 = arith.index_cast %add3A_56 : i32 to index
        %get3A_58 = tpu.vector_load %arg13[%get3A_57] {strides = array<i32>} : memref<6000xf32, #tpu.memory_space<vmem>>, vector<16xf32>,
        %get3A_59 = arith.index_cast %mul3A_45 : i32 to index
        %get3A_60 = tpu.vector_load %arg14[%get3A_59] {strides = array<i32>} : memref<12000xf32, #tpu.memory_space<vmem>>, vector<16xf32>,
        %sub3A = arith.subf %get3A_46, %get3A_60 : vector<16xf32>
        %mul3A_61 = arith.constant 16 : i32
        %mul3A_62 = arith.muli %scan3A_42, %mul3A_61 : i32
        %add3A_63 = arith.constant 2000 : i32
        %add3A_64 = arith.addi %add3A_63, %mul3A_62 : i32
        %get3A_65 = arith.index_cast %add3A_64 : i32 to index
        %get3A_66 = tpu.vector_load %arg14[%get3A_65] {strides = array<i32>} : memref<12000xf32, #tpu.memory_space<vmem>>, vector<16xf32>,
        %sub3A_67 = arith.subf %get3A_52, %get3A_66 : vector<16xf32>
        %mul3A_68 = arith.constant 16 : i32
        %mul3A_69 = arith.muli %scan3A_42, %mul3A_68 : i32
        %add3A_70 = arith.constant 4000 : i32
        %add3A_71 = arith.addi %add3A_70, %mul3A_69 : i32
        %get3A_72 = arith.index_cast %add3A_71 : i32 to index
        %get3A_73 = tpu.vector_load %arg14[%get3A_72] {strides = array<i32>} : memref<12000xf32, #tpu.memory_space<vmem>>, vector<16xf32>,
        %sub3A_74 = arith.subf %get3A_58, %get3A_73 : vector<16xf32>
        %mul3A_75 = arith.mulf %sub3A, %sub3A : vector<16xf32>
        %swap3A = arith.index_cast %mul3A_45 : i32 to index
        %swap3A_76 = tpu.vector_load %arg14[%swap3A] {strides = array<i32>} : memref<12000xf32, #tpu.memory_space<vmem>>, vector<16xf32>,
        tpu.vector_store %arg14[%swap3A], %mul3A_75 {strides = array<i32>} : memref<12000xf32, #tpu.memory_space<vmem>>, vector<16xf32>,
        %mul3A_77 = arith.mulf %sub3A, %sub3A_67 : vector<16xf32>
        %mul3A_78 = arith.constant 16 : i32
        %mul3A_79 = arith.muli %scan3A_42, %mul3A_78 : i32
        %add3A_80 = arith.constant 2000 : i32
        %add3A_81 = arith.addi %add3A_80, %mul3A_79 : i32
        %swap3A_82 = arith.index_cast %add3A_81 : i32 to index
        %swap3A_83 = tpu.vector_load %arg14[%swap3A_82] {strides = array<i32>} : memref<12000xf32, #tpu.memory_space<vmem>>, vector<16xf32>,
        tpu.vector_store %arg14[%swap3A_82], %mul3A_77 {strides = array<i32>} : memref<12000xf32, #tpu.memory_space<vmem>>, vector<16xf32>,
        %mul3A_84 = arith.mulf %sub3A, %sub3A_74 : vector<16xf32>
        %mul3A_85 = arith.constant 16 : i32
        %mul3A_86 = arith.muli %scan3A_42, %mul3A_85 : i32
        %add3A_87 = arith.constant 4000 : i32
        %add3A_88 = arith.addi %add3A_87, %mul3A_86 : i32
        %swap3A_89 = arith.index_cast %add3A_88 : i32 to index
        %swap3A_90 = tpu.vector_load %arg14[%swap3A_89] {strides = array<i32>} : memref<12000xf32, #tpu.memory_space<vmem>>, vector<16xf32>,
        tpu.vector_store %arg14[%swap3A_89], %mul3A_84 {strides = array<i32>} : memref<12000xf32, #tpu.memory_space<vmem>>, vector<16xf32>,
        %mul3A_91 = arith.mulf %sub3A_67, %sub3A_67 : vector<16xf32>
        %mul3A_92 = arith.constant 16 : i32
        %mul3A_93 = arith.muli %scan3A_42, %mul3A_92 : i32
        %add3A_94 = arith.constant 6000 : i32
        %add3A_95 = arith.addi %add3A_94, %mul3A_93 : i32
        %swap3A_96 = arith.index_cast %add3A_95 : i32 to index
        %swap3A_97 = tpu.vector_load %arg14[%swap3A_96] {strides = array<i32>} : memref<12000xf32, #tpu.memory_space<vmem>>, vector<16xf32>,
        tpu.vector_store %arg14[%swap3A_96], %mul3A_91 {strides = array<i32>} : memref<12000xf32, #tpu.memory_space<vmem>>, vector<16xf32>,
        %mul3A_98 = arith.mulf %sub3A_67, %sub3A_74 : vector<16xf32>
        %mul3A_99 = arith.constant 16 : i32
        %mul3A_100 = arith.muli %scan3A_42, %mul3A_99 : i32
        %add3A_101 = arith.constant 8000 : i32
        %add3A_102 = arith.addi %add3A_101, %mul3A_100 : i32
        %swap3A_103 = arith.index_cast %add3A_102 : i32 to index
        %swap3A_104 = tpu.vector_load %arg14[%swap3A_103] {strides = array<i32>} : memref<12000xf32, #tpu.memory_space<vmem>>, vector<16xf32>,
        tpu.vector_store %arg14[%swap3A_103], %mul3A_98 {strides = array<i32>} : memref<12000xf32, #tpu.memory_space<vmem>>, vector<16xf32>,
        %mul3A_105 = arith.mulf %sub3A_74, %sub3A_74 : vector<16xf32>
        %mul3A_106 = arith.constant 16 : i32
        %mul3A_107 = arith.muli %scan3A_42, %mul3A_106 : i32
        %add3A_108 = arith.constant 10000 : i32
        %add3A_109 = arith.addi %add3A_108, %mul3A_107 : i32
        %swap3A_110 = arith.index_cast %add3A_109 : i32 to index
        %swap3A_111 = tpu.vector_load %arg14[%swap3A_110] {strides = array<i32>} : memref<12000xf32, #tpu.memory_space<vmem>>, vector<16xf32>,
        tpu.vector_store %arg14[%swap3A_110], %mul3A_105 {strides = array<i32>} : memref<12000xf32, #tpu.memory_space<vmem>>, vector<16xf32>,
        %scan3A_112 = arith.constant 0 : i32
        scf.yield %scan3A_112 : i32
      }
      %scan3A_40 = arith.constant 125 : i32
      "tpu.region"() ({
        %run_scoped3A = tpu.sem_alloc : memref<!tpu.dma_semaphore, #tpu.memory_space<semaphore_mem>>
        %dma_start3A = arith.constant 0 : i32
        %dma_start3A_42 = tpu.memref_slice %arg9[%dma_start3A] : memref<966144xf32, #tpu.memory_space<vmem_shared>> -> memref<966144xf32, #tpu.memory_space<vmem_shared>>
        tpu.enqueue_indirect_dma source(%arg14 : memref<12000xf32, #tpu.memory_space<vmem>>) target(%dma_start3A_42 : memref<966144xf32, #tpu.memory_space<vmem_shared>>) offsets(%arg11 : memref<12000xi32, #tpu.memory_space<vmem>>) semaphore(%run_scoped3A : memref<!tpu.dma_semaphore, #tpu.memory_space<semaphore_mem>>) {add = true}
        %dma_wait3A = arith.constant 0 : i32
        %dma_wait3A_43 = tpu.memref_slice %arg9[%dma_wait3A] : memref<966144xf32, #tpu.memory_space<vmem_shared>> -> memref<966144xf32, #tpu.memory_space<vmem_shared>>
        tpu.wait_indirect_dma semaphore(%run_scoped3A : memref<!tpu.dma_semaphore, #tpu.memory_space<semaphore_mem>>) src(%arg14 : memref<12000xf32, #tpu.memory_space<vmem>>) dst(%dma_wait3A_43 : memref<966144xf32, #tpu.memory_space<vmem_shared>>)
        tpu.yield
      }) : () -> ()
      %scan3A_41 = arith.constant 0 : i32
      scf.yield %scan3A_41 : i32
    }
    %scan3A_10 = arith.constant 50 : i32
    %barrier3A_11 = arith.constant 0 : index
    tpu.barrier barrier_id(%barrier3A_11)
    %eq3A_12 = arith.constant 0 : i32
    %eq3A_13 = arith.cmpi eq, %arg1, %eq3A_12 : i32
    %convert_element_type3A_14 = arith.extui %eq3A_13 : i1 to i32
    %cond3A_15 = arith.constant 0 : i32
    %cond3A_16 = arith.cmpi ne, %convert_element_type3A_14, %cond3A_15 : i32
    scf.if %cond3A_16 {
      %mul3A_17 = arith.constant 160000 : i32
      %mul3A_18 = arith.muli %arg0, %mul3A_17 : i32
      %add3A = arith.constant 0 : i32
      %add3A_19 = arith.addi %add3A, %mul3A_18 : i32
      "tpu.region"() ({
        %run_scoped3A = tpu.sem_alloc : memref<!tpu.dma_semaphore, #tpu.memory_space<semaphore_mem>>
        %dma_start3A = tpu.memref_slice %arg8[%add3A_19] : memref<1929216xf32, #tpu.memory_space<hbm>> -> memref<160000xf32, #tpu.memory_space<hbm>>
        %dma_start3A_40 = arith.constant 0 : i32
        %dma_start3A_41 = tpu.memref_slice %arg9[%dma_start3A_40] : memref<966144xf32, #tpu.memory_space<vmem_shared>> -> memref<160000xf32, #tpu.memory_space<vmem_shared>>
        tpu.enqueue_dma source(%dma_start3A_41 : memref<160000xf32, #tpu.memory_space<vmem_shared>>) target(%dma_start3A : memref<160000xf32, #tpu.memory_space<hbm>>) target_semaphore(%run_scoped3A : memref<!tpu.dma_semaphore, #tpu.memory_space<semaphore_mem>>)
        %dma_wait3A = tpu.memref_slice %arg8[%add3A_19] : memref<1929216xf32, #tpu.memory_space<hbm>> -> memref<160000xf32, #tpu.memory_space<hbm>>
        %dma_wait3A_42 = arith.constant 0 : i32
        %dma_wait3A_43 = tpu.memref_slice %arg9[%dma_wait3A_42] : memref<966144xf32, #tpu.memory_space<vmem_shared>> -> memref<160000xf32, #tpu.memory_space<vmem_shared>>
        tpu.wait_dma2 semaphore(%run_scoped3A : memref<!tpu.dma_semaphore, #tpu.memory_space<semaphore_mem>>) src(%dma_wait3A_43 : memref<160000xf32, #tpu.memory_space<vmem_shared>>) dst(%dma_wait3A : memref<160000xf32, #tpu.memory_space<hbm>>)
        tpu.yield
      }) : () -> ()
      %mul3A_20 = arith.constant 160000 : i32
      %mul3A_21 = arith.muli %arg0, %mul3A_20 : i32
      %add3A_22 = arith.constant 321536 : i32
      %add3A_23 = arith.addi %add3A_22, %mul3A_21 : i32
      "tpu.region"() ({
        %run_scoped3A = tpu.sem_alloc : memref<!tpu.dma_semaphore, #tpu.memory_space<semaphore_mem>>
        %dma_start3A = tpu.memref_slice %arg8[%add3A_23] : memref<1929216xf32, #tpu.memory_space<hbm>> -> memref<160000xf32, #tpu.memory_space<hbm>>
        %dma_start3A_40 = arith.constant 161024 : i32
        %dma_start3A_41 = tpu.memref_slice %arg9[%dma_start3A_40] : memref<966144xf32, #tpu.memory_space<vmem_shared>> -> memref<160000xf32, #tpu.memory_space<vmem_shared>>
        tpu.enqueue_dma source(%dma_start3A_41 : memref<160000xf32, #tpu.memory_space<vmem_shared>>) target(%dma_start3A : memref<160000xf32, #tpu.memory_space<hbm>>) target_semaphore(%run_scoped3A : memref<!tpu.dma_semaphore, #tpu.memory_space<semaphore_mem>>)
        %dma_wait3A = tpu.memref_slice %arg8[%add3A_23] : memref<1929216xf32, #tpu.memory_space<hbm>> -> memref<160000xf32, #tpu.memory_space<hbm>>
        %dma_wait3A_42 = arith.constant 161024 : i32
        %dma_wait3A_43 = tpu.memref_slice %arg9[%dma_wait3A_42] : memref<966144xf32, #tpu.memory_space<vmem_shared>> -> memref<160000xf32, #tpu.memory_space<vmem_shared>>
        tpu.wait_dma2 semaphore(%run_scoped3A : memref<!tpu.dma_semaphore, #tpu.memory_space<semaphore_mem>>) src(%dma_wait3A_43 : memref<160000xf32, #tpu.memory_space<vmem_shared>>) dst(%dma_wait3A : memref<160000xf32, #tpu.memory_space<hbm>>)
        tpu.yield
      }) : () -> ()
      %mul3A_24 = arith.constant 160000 : i32
      %mul3A_25 = arith.muli %arg0, %mul3A_24 : i32
      %add3A_26 = arith.constant 643072 : i32
      %add3A_27 = arith.addi %add3A_26, %mul3A_25 : i32
      "tpu.region"() ({
        %run_scoped3A = tpu.sem_alloc : memref<!tpu.dma_semaphore, #tpu.memory_space<semaphore_mem>>
        %dma_start3A = tpu.memref_slice %arg8[%add3A_27] : memref<1929216xf32, #tpu.memory_space<hbm>> -> memref<160000xf32, #tpu.memory_space<hbm>>
        %dma_start3A_40 = arith.constant 322048 : i32
        %dma_start3A_41 = tpu.memref_slice %arg9[%dma_start3A_40] : memref<966144xf32, #tpu.memory_space<vmem_shared>> -> memref<160000xf32, #tpu.memory_space<vmem_shared>>
        tpu.enqueue_dma source(%dma_start3A_41 : memref<160000xf32, #tpu.memory_space<vmem_shared>>) target(%dma_start3A : memref<160000xf32, #tpu.memory_space<hbm>>) target_semaphore(%run_scoped3A : memref<!tpu.dma_semaphore, #tpu.memory_space<semaphore_mem>>)
        %dma_wait3A = tpu.memref_slice %arg8[%add3A_27] : memref<1929216xf32, #tpu.memory_space<hbm>> -> memref<160000xf32, #tpu.memory_space<hbm>>
        %dma_wait3A_42 = arith.constant 322048 : i32
        %dma_wait3A_43 = tpu.memref_slice %arg9[%dma_wait3A_42] : memref<966144xf32, #tpu.memory_space<vmem_shared>> -> memref<160000xf32, #tpu.memory_space<vmem_shared>>
        tpu.wait_dma2 semaphore(%run_scoped3A : memref<!tpu.dma_semaphore, #tpu.memory_space<semaphore_mem>>) src(%dma_wait3A_43 : memref<160000xf32, #tpu.memory_space<vmem_shared>>) dst(%dma_wait3A : memref<160000xf32, #tpu.memory_space<hbm>>)
        tpu.yield
      }) : () -> ()
      %mul3A_28 = arith.constant 160000 : i32
      %mul3A_29 = arith.muli %arg0, %mul3A_28 : i32
      %add3A_30 = arith.constant 964608 : i32
      %add3A_31 = arith.addi %add3A_30, %mul3A_29 : i32
      "tpu.region"() ({
        %run_scoped3A = tpu.sem_alloc : memref<!tpu.dma_semaphore, #tpu.memory_space<semaphore_mem>>
        %dma_start3A = tpu.memref_slice %arg8[%add3A_31] : memref<1929216xf32, #tpu.memory_space<hbm>> -> memref<160000xf32, #tpu.memory_space<hbm>>
        %dma_start3A_40 = arith.constant 483072 : i32
        %dma_start3A_41 = tpu.memref_slice %arg9[%dma_start3A_40] : memref<966144xf32, #tpu.memory_space<vmem_shared>> -> memref<160000xf32, #tpu.memory_space<vmem_shared>>
        tpu.enqueue_dma source(%dma_start3A_41 : memref<160000xf32, #tpu.memory_space<vmem_shared>>) target(%dma_start3A : memref<160000xf32, #tpu.memory_space<hbm>>) target_semaphore(%run_scoped3A : memref<!tpu.dma_semaphore, #tpu.memory_space<semaphore_mem>>)
        %dma_wait3A = tpu.memref_slice %arg8[%add3A_31] : memref<1929216xf32, #tpu.memory_space<hbm>> -> memref<160000xf32, #tpu.memory_space<hbm>>
        %dma_wait3A_42 = arith.constant 483072 : i32
        %dma_wait3A_43 = tpu.memref_slice %arg9[%dma_wait3A_42] : memref<966144xf32, #tpu.memory_space<vmem_shared>> -> memref<160000xf32, #tpu.memory_space<vmem_shared>>
        tpu.wait_dma2 semaphore(%run_scoped3A : memref<!tpu.dma_semaphore, #tpu.memory_space<semaphore_mem>>) src(%dma_wait3A_43 : memref<160000xf32, #tpu.memory_space<vmem_shared>>) dst(%dma_wait3A : memref<160000xf32, #tpu.memory_space<hbm>>)
        tpu.yield
      }) : () -> ()
      %mul3A_32 = arith.constant 160000 : i32
      %mul3A_33 = arith.muli %arg0, %mul3A_32 : i32
      %add3A_34 = arith.constant 1286144 : i32
      %add3A_35 = arith.addi %add3A_34, %mul3A_33 : i32
      "tpu.region"() ({
        %run_scoped3A = tpu.sem_alloc : memref<!tpu.dma_semaphore, #tpu.memory_space<semaphore_mem>>
        %dma_start3A = tpu.memref_slice %arg8[%add3A_35] : memref<1929216xf32, #tpu.memory_space<hbm>> -> memref<160000xf32, #tpu.memory_space<hbm>>
        %dma_start3A_40 = arith.constant 644096 : i32
        %dma_start3A_41 = tpu.memref_slice %arg9[%dma_start3A_40] : memref<966144xf32, #tpu.memory_space<vmem_shared>> -> memref<160000xf32, #tpu.memory_space<vmem_shared>>
        tpu.enqueue_dma source(%dma_start3A_41 : memref<160000xf32, #tpu.memory_space<vmem_shared>>) target(%dma_start3A : memref<160000xf32, #tpu.memory_space<hbm>>) target_semaphore(%run_scoped3A : memref<!tpu.dma_semaphore, #tpu.memory_space<semaphore_mem>>)
        %dma_wait3A = tpu.memref_slice %arg8[%add3A_35] : memref<1929216xf32, #tpu.memory_space<hbm>> -> memref<160000xf32, #tpu.memory_space<hbm>>
        %dma_wait3A_42 = arith.constant 644096 : i32
        %dma_wait3A_43 = tpu.memref_slice %arg9[%dma_wait3A_42] : memref<966144xf32, #tpu.memory_space<vmem_shared>> -> memref<160000xf32, #tpu.memory_space<vmem_shared>>
        tpu.wait_dma2 semaphore(%run_scoped3A : memref<!tpu.dma_semaphore, #tpu.memory_space<semaphore_mem>>) src(%dma_wait3A_43 : memref<160000xf32, #tpu.memory_space<vmem_shared>>) dst(%dma_wait3A : memref<160000xf32, #tpu.memory_space<hbm>>)
        tpu.yield
      }) : () -> ()
      %mul3A_36 = arith.constant 160000 : i32
      %mul3A_37 = arith.muli %arg0, %mul3A_36 : i32
      %add3A_38 = arith.constant 1607680 : i32
      %add3A_39 = arith.addi %add3A_38, %mul3A_37 : i32
      "tpu.region"() ({
        %run_scoped3A = tpu.sem_alloc : memref<!tpu.dma_semaphore, #tpu.memory_space<semaphore_mem>>
        %dma_start3A = tpu.memref_slice %arg8[%add3A_39] : memref<1929216xf32, #tpu.memory_space<hbm>> -> memref<160000xf32, #tpu.memory_space<hbm>>
        %dma_start3A_40 = arith.constant 805120 : i32
        %dma_start3A_41 = tpu.memref_slice %arg9[%dma_start3A_40] : memref<966144xf32, #tpu.memory_space<vmem_shared>> -> memref<160000xf32, #tpu.memory_space<vmem_shared>>
        tpu.enqueue_dma source(%dma_start3A_41 : memref<160000xf32, #tpu.memory_space<vmem_shared>>) target(%dma_start3A : memref<160000xf32, #tpu.memory_space<hbm>>) target_semaphore(%run_scoped3A : memref<!tpu.dma_semaphore, #tpu.memory_space<semaphore_mem>>)
        %dma_wait3A = tpu.memref_slice %arg8[%add3A_39] : memref<1929216xf32, #tpu.memory_space<hbm>> -> memref<160000xf32, #tpu.memory_space<hbm>>
        %dma_wait3A_42 = arith.constant 805120 : i32
        %dma_wait3A_43 = tpu.memref_slice %arg9[%dma_wait3A_42] : memref<966144xf32, #tpu.memory_space<vmem_shared>> -> memref<160000xf32, #tpu.memory_space<vmem_shared>>
        tpu.wait_dma2 semaphore(%run_scoped3A : memref<!tpu.dma_semaphore, #tpu.memory_space<semaphore_mem>>) src(%dma_wait3A_43 : memref<160000xf32, #tpu.memory_space<vmem_shared>>) dst(%dma_wait3A : memref<160000xf32, #tpu.memory_space<hbm>>)
        tpu.yield
      }) : () -> ()
    } else {
    }
    return
  }
}

module attributes {stable_mosaic.version = 14 : i64} {
  func.func @_means_kernel(%arg0: i32, %arg1: memref<8x128xf32, #tpu.memory_space<vmem>>, %arg2: memref<8x128xf32, #tpu.memory_space<vmem>>, %arg3: memref<8x128xf32, #tpu.memory_space<vmem>>, %arg4: memref<8x128xf32, #tpu.memory_space<vmem>>, %arg5: memref<8x128xf32, #tpu.memory_space<vmem>>, %arg6: memref<8x128xf32, #tpu.memory_space<vmem>>, %arg7: memref<8x128xf32, #tpu.memory_space<vmem>>, %arg8: memref<8x128xf32, #tpu.memory_space<vmem>>) attributes {dimension_semantics = [#tpu.dimension_semantics<arbitrary>], iteration_bounds = array<i64: 314>, scalar_prefetch = 0 : i64, scratch_operands = 0 : i64, tpu.core_type = #tpu.core_type<tc>, window_params = [{transform_indices = @transform_0, window_bounds = array<i64: 8, 128>}, {transform_indices = @transform_1, window_bounds = array<i64: 8, 128>}, {transform_indices = @transform_2, window_bounds = array<i64: 8, 128>}, {transform_indices = @transform_3, window_bounds = array<i64: 8, 128>}, {transform_indices = @transform_4, window_bounds = array<i64: 8, 128>}, {transform_indices = @transform_5, window_bounds = array<i64: 8, 128>}, {transform_indices = @transform_6, window_bounds = array<i64: 8, 128>}, {transform_indices = @transform_7, window_bounds = array<i64: 8, 128>}]} {
    %get3A = arith.constant 0 : index
    %get3A_0 = arith.constant 0 : index
    %get3A_1 = vector.load %arg1[%get3A, %get3A_0] : memref<8x128xf32, #tpu.memory_space<vmem>>, vector<8x128xf32>
    %max3A = arith.constant 1.000000e+00 : f32
    %max3A_2 = vector.broadcast %max3A : f32 to vector<8x128xf32>
    %max3A_3 = arith.maximumf %get3A_1, %max3A_2 : vector<8x128xf32>
    %iota3A = tpu.iota {dimensions = array<i32: 0>} : vector<8x128xi32>
    %iota3A_4 = tpu.iota {dimensions = array<i32: 1>} : vector<8x128xi32>
    %mul3A = arith.constant 8 : i32
    %mul3A_5 = arith.muli %arg0, %mul3A : i32
    %add3A = vector.broadcast %mul3A_5 : i32 to vector<8x128xi32>
    %add3A_6 = arith.addi %add3A, %iota3A : vector<8x128xi32>
    %mul3A_7 = arith.constant 128 : i32
    %mul3A_8 = vector.broadcast %mul3A_7 : i32 to vector<8x128xi32>
    %mul3A_9 = arith.muli %add3A_6, %mul3A_8 : vector<8x128xi32>
    %add3A_10 = arith.addi %mul3A_9, %iota3A_4 : vector<8x128xi32>
    %jit3A = arith.constant 80000 : i32
    %div3A = vector.broadcast %jit3A : i32 to vector<8x128xi32>
    %div3A_11 = arith.divsi %add3A_10, %div3A : vector<8x128xi32>
    %sign3A = arith.constant 0 : i32
    %sign3A_12 = vector.broadcast %sign3A : i32 to vector<8x128xi32>
    %sign3A_13 = arith.cmpi sgt, %add3A_10, %sign3A_12 : vector<8x128xi32>
    %sign3A_14 = arith.extui %sign3A_13 : vector<8x128xi1> to vector<8x128xi32>
    %sign3A_15 = arith.constant 0 : i32
    %sign3A_16 = vector.broadcast %sign3A_15 : i32 to vector<8x128xi32>
    %sign3A_17 = arith.cmpi slt, %add3A_10, %sign3A_16 : vector<8x128xi32>
    %sign3A_18 = arith.extui %sign3A_17 : vector<8x128xi1> to vector<8x128xi32>
    %sign3A_19 = arith.subi %sign3A_14, %sign3A_18 : vector<8x128xi32>
    %sign3A_20 = arith.constant 0 : i32
    %sign3A_21 = arith.cmpi sgt, %jit3A, %sign3A_20 : i32
    %sign3A_22 = arith.extui %sign3A_21 : i1 to i32
    %sign3A_23 = arith.constant 0 : i32
    %sign3A_24 = arith.cmpi slt, %jit3A, %sign3A_23 : i32
    %sign3A_25 = arith.extui %sign3A_24 : i1 to i32
    %sign3A_26 = arith.subi %sign3A_22, %sign3A_25 : i32
    %ne3A = vector.broadcast %sign3A_26 : i32 to vector<8x128xi32>
    %ne3A_27 = arith.cmpi ne, %sign3A_19, %ne3A : vector<8x128xi32>
    %rem3A = vector.broadcast %jit3A : i32 to vector<8x128xi32>
    %rem3A_28 = arith.remsi %add3A_10, %rem3A : vector<8x128xi32>
    %ne3A_29 = arith.constant 0 : i32
    %ne3A_30 = vector.broadcast %ne3A_29 : i32 to vector<8x128xi32>
    %ne3A_31 = arith.cmpi ne, %rem3A_28, %ne3A_30 : vector<8x128xi32>
    %and3A = arith.andi %ne3A_27, %ne3A_31 : vector<8x128xi1>
    %sub3A = arith.constant 1 : i32
    %sub3A_32 = vector.broadcast %sub3A : i32 to vector<8x128xi32>
    %sub3A_33 = arith.subi %div3A_11, %sub3A_32 : vector<8x128xi32>
    %select_n3A = arith.select %and3A, %sub3A_33, %div3A_11 : vector<8x128xi1>, vector<8x128xi32>
    %convert_element_type3A = arith.sitofp %select_n3A : vector<8x128xi32> to vector<8x128xf32>
    %gt3A = arith.constant 0.000000e+00 : f32
    %gt3A_34 = vector.broadcast %gt3A : f32 to vector<8x128xf32>
    %gt3A_35 = arith.cmpf ogt, %get3A_1, %gt3A_34 : vector<8x128xf32>
    %jit3A_36 = arith.constant 0.000000e+00 : f32
    %broadcast_in_dim3A = vector.broadcast %jit3A_36 : f32 to vector<8x128xf32>
    %select_n3A_37 = arith.select %gt3A_35, %convert_element_type3A, %broadcast_in_dim3A : vector<8x128xi1>, vector<8x128xf32>
    %swap3A = arith.constant 0 : index
    %swap3A_38 = arith.constant 0 : index
    %swap3A_39 = vector.load %arg5[%swap3A, %swap3A_38] : memref<8x128xf32, #tpu.memory_space<vmem>>, vector<8x128xf32>
    tpu.vector_store %arg5[%swap3A, %swap3A_38], %select_n3A_37 {strides = array<i32>} : memref<8x128xf32, #tpu.memory_space<vmem>>, vector<8x128xf32>,
    %get3A_40 = arith.constant 0 : index
    %get3A_41 = arith.constant 0 : index
    %get3A_42 = vector.load %arg2[%get3A_40, %get3A_41] : memref<8x128xf32, #tpu.memory_space<vmem>>, vector<8x128xf32>
    %div3A_43 = arith.divf %get3A_42, %max3A_3 : vector<8x128xf32>
    %swap3A_44 = arith.constant 0 : index
    %swap3A_45 = arith.constant 0 : index
    %swap3A_46 = vector.load %arg6[%swap3A_44, %swap3A_45] : memref<8x128xf32, #tpu.memory_space<vmem>>, vector<8x128xf32>
    tpu.vector_store %arg6[%swap3A_44, %swap3A_45], %div3A_43 {strides = array<i32>} : memref<8x128xf32, #tpu.memory_space<vmem>>, vector<8x128xf32>,
    %get3A_47 = arith.constant 0 : index
    %get3A_48 = arith.constant 0 : index
    %get3A_49 = vector.load %arg3[%get3A_47, %get3A_48] : memref<8x128xf32, #tpu.memory_space<vmem>>, vector<8x128xf32>
    %div3A_50 = arith.divf %get3A_49, %max3A_3 : vector<8x128xf32>
    %swap3A_51 = arith.constant 0 : index
    %swap3A_52 = arith.constant 0 : index
    %swap3A_53 = vector.load %arg7[%swap3A_51, %swap3A_52] : memref<8x128xf32, #tpu.memory_space<vmem>>, vector<8x128xf32>
    tpu.vector_store %arg7[%swap3A_51, %swap3A_52], %div3A_50 {strides = array<i32>} : memref<8x128xf32, #tpu.memory_space<vmem>>, vector<8x128xf32>,
    %get3A_54 = arith.constant 0 : index
    %get3A_55 = arith.constant 0 : index
    %get3A_56 = vector.load %arg4[%get3A_54, %get3A_55] : memref<8x128xf32, #tpu.memory_space<vmem>>, vector<8x128xf32>
    %div3A_57 = arith.divf %get3A_56, %max3A_3 : vector<8x128xf32>
    %swap3A_58 = arith.constant 0 : index
    %swap3A_59 = arith.constant 0 : index
    %swap3A_60 = vector.load %arg8[%swap3A_58, %swap3A_59] : memref<8x128xf32, #tpu.memory_space<vmem>>, vector<8x128xf32>
    tpu.vector_store %arg8[%swap3A_58, %swap3A_59], %div3A_57 {strides = array<i32>} : memref<8x128xf32, #tpu.memory_space<vmem>>, vector<8x128xf32>,
    return
  }
  func.func @transform_0(%arg0: i32) -> (i32, i32) {
    %c0_i32 = arith.constant 0 : i32
    %c0_i32_0 = arith.constant 0 : i32
    return %arg0, %c0_i32 : i32, i32
  }
  func.func @transform_1(%arg0: i32) -> (i32, i32) {
    %c0_i32 = arith.constant 0 : i32
    %c0_i32_0 = arith.constant 0 : i32
    return %arg0, %c0_i32 : i32, i32
  }
  func.func @transform_2(%arg0: i32) -> (i32, i32) {
    %c0_i32 = arith.constant 0 : i32
    %c0_i32_0 = arith.constant 0 : i32
    return %arg0, %c0_i32 : i32, i32
  }
  func.func @transform_3(%arg0: i32) -> (i32, i32) {
    %c0_i32 = arith.constant 0 : i32
    %c0_i32_0 = arith.constant 0 : i32
    return %arg0, %c0_i32 : i32, i32
  }
  func.func @transform_4(%arg0: i32) -> (i32, i32) {
    %c0_i32 = arith.constant 0 : i32
    %c0_i32_0 = arith.constant 0 : i32
    return %arg0, %c0_i32 : i32, i32
  }
  func.func @transform_5(%arg0: i32) -> (i32, i32) {
    %c0_i32 = arith.constant 0 : i32
    %c0_i32_0 = arith.constant 0 : i32
    return %arg0, %c0_i32 : i32, i32
  }
  func.func @transform_6(%arg0: i32) -> (i32, i32) {
    %c0_i32 = arith.constant 0 : i32
    %c0_i32_0 = arith.constant 0 : i32
    return %arg0, %c0_i32 : i32, i32
  }
  func.func @transform_7(%arg0: i32) -> (i32, i32) {
    %c0_i32 = arith.constant 0 : i32
    %c0_i32_0 = arith.constant 0 : i32
    return %arg0, %c0_i32 : i32, i32
  }
}

module attributes {stable_mosaic.version = 14 : i64} {
  func.func @_planes_kernel(%arg0: i32, %arg1: memref<8x128xf32, #tpu.memory_space<vmem>>, %arg2: memref<8x128xf32, #tpu.memory_space<vmem>>, %arg3: memref<8x128xf32, #tpu.memory_space<vmem>>, %arg4: memref<8x128xf32, #tpu.memory_space<vmem>>, %arg5: memref<8x128xf32, #tpu.memory_space<vmem>>, %arg6: memref<8x128xf32, #tpu.memory_space<vmem>>, %arg7: memref<8x128xf32, #tpu.memory_space<vmem>>, %arg8: memref<8x128xf32, #tpu.memory_space<vmem>>, %arg9: memref<8x128xf32, #tpu.memory_space<vmem>>, %arg10: memref<8x128xf32, #tpu.memory_space<vmem>>, %arg11: memref<8x128xf32, #tpu.memory_space<vmem>>, %arg12: memref<8x128xf32, #tpu.memory_space<vmem>>, %arg13: memref<8x128xf32, #tpu.memory_space<vmem>>, %arg14: memref<8x128xf32, #tpu.memory_space<vmem>>, %arg15: memref<8x128xf32, #tpu.memory_space<vmem>>, %arg16: memref<8x128xf32, #tpu.memory_space<vmem>>, %arg17: memref<8x128xf32, #tpu.memory_space<vmem>>) attributes {dimension_semantics = [#tpu.dimension_semantics<arbitrary>], iteration_bounds = array<i64: 314>, scalar_prefetch = 0 : i64, scratch_operands = 0 : i64, tpu.core_type = #tpu.core_type<tc>, window_params = [{transform_indices = @transform_0, window_bounds = array<i64: 8, 128>}, {transform_indices = @transform_1, window_bounds = array<i64: 8, 128>}, {transform_indices = @transform_2, window_bounds = array<i64: 8, 128>}, {transform_indices = @transform_3, window_bounds = array<i64: 8, 128>}, {transform_indices = @transform_4, window_bounds = array<i64: 8, 128>}, {transform_indices = @transform_5, window_bounds = array<i64: 8, 128>}, {transform_indices = @transform_6, window_bounds = array<i64: 8, 128>}, {transform_indices = @transform_7, window_bounds = array<i64: 8, 128>}, {transform_indices = @transform_8, window_bounds = array<i64: 8, 128>}, {transform_indices = @transform_9, window_bounds = array<i64: 8, 128>}, {transform_indices = @transform_10, window_bounds = array<i64: 8, 128>}, {transform_indices = @transform_11, window_bounds = array<i64: 8, 128>}, {transform_indices = @transform_12, window_bounds = array<i64: 8, 128>}, {transform_indices = @transform_13, window_bounds = array<i64: 8, 128>}, {transform_indices = @transform_14, window_bounds = array<i64: 8, 128>}, {transform_indices = @transform_15, window_bounds = array<i64: 8, 128>}, {transform_indices = @transform_16, window_bounds = array<i64: 8, 128>}]} {
    %get3A = arith.constant 0 : index
    %get3A_0 = arith.constant 0 : index
    %get3A_1 = vector.load %arg1[%get3A, %get3A_0] : memref<8x128xf32, #tpu.memory_space<vmem>>, vector<8x128xf32>
    %max3A = arith.constant 1.000000e+00 : f32
    %max3A_2 = vector.broadcast %max3A : f32 to vector<8x128xf32>
    %max3A_3 = arith.maximumf %get3A_1, %max3A_2 : vector<8x128xf32>
    %get3A_4 = arith.constant 0 : index
    %get3A_5 = arith.constant 0 : index
    %get3A_6 = vector.load %arg5[%get3A_4, %get3A_5] : memref<8x128xf32, #tpu.memory_space<vmem>>, vector<8x128xf32>
    %div3A = arith.divf %get3A_6, %max3A_3 : vector<8x128xf32>
    %add3A = arith.constant 9.99999974E-5 : f32
    %add3A_7 = vector.broadcast %add3A : f32 to vector<8x128xf32>
    %add3A_8 = arith.addf %div3A, %add3A_7 : vector<8x128xf32>
    %get3A_9 = arith.constant 0 : index
    %get3A_10 = arith.constant 0 : index
    %get3A_11 = vector.load %arg6[%get3A_9, %get3A_10] : memref<8x128xf32, #tpu.memory_space<vmem>>, vector<8x128xf32>
    %div3A_12 = arith.divf %get3A_11, %max3A_3 : vector<8x128xf32>
    %get3A_13 = arith.constant 0 : index
    %get3A_14 = arith.constant 0 : index
    %get3A_15 = vector.load %arg7[%get3A_13, %get3A_14] : memref<8x128xf32, #tpu.memory_space<vmem>>, vector<8x128xf32>
    %div3A_16 = arith.divf %get3A_15, %max3A_3 : vector<8x128xf32>
    %get3A_17 = arith.constant 0 : index
    %get3A_18 = arith.constant 0 : index
    %get3A_19 = vector.load %arg8[%get3A_17, %get3A_18] : memref<8x128xf32, #tpu.memory_space<vmem>>, vector<8x128xf32>
    %div3A_20 = arith.divf %get3A_19, %max3A_3 : vector<8x128xf32>
    %add3A_21 = arith.constant 2.000000e-04 : f32
    %add3A_22 = vector.broadcast %add3A_21 : f32 to vector<8x128xf32>
    %add3A_23 = arith.addf %div3A_20, %add3A_22 : vector<8x128xf32>
    %get3A_24 = arith.constant 0 : index
    %get3A_25 = arith.constant 0 : index
    %get3A_26 = vector.load %arg9[%get3A_24, %get3A_25] : memref<8x128xf32, #tpu.memory_space<vmem>>, vector<8x128xf32>
    %div3A_27 = arith.divf %get3A_26, %max3A_3 : vector<8x128xf32>
    %get3A_28 = arith.constant 0 : index
    %get3A_29 = arith.constant 0 : index
    %get3A_30 = vector.load %arg10[%get3A_28, %get3A_29] : memref<8x128xf32, #tpu.memory_space<vmem>>, vector<8x128xf32>
    %div3A_31 = arith.divf %get3A_30, %max3A_3 : vector<8x128xf32>
    %add3A_32 = arith.constant 3.000000e-04 : f32
    %add3A_33 = vector.broadcast %add3A_32 : f32 to vector<8x128xf32>
    %add3A_34 = arith.addf %div3A_31, %add3A_33 : vector<8x128xf32>
    %broadcast_in_dim3A = arith.constant 0.000000e+00 : f32
    %broadcast_in_dim3A_35 = vector.broadcast %broadcast_in_dim3A : f32 to vector<8x128xf32>
    %broadcast_in_dim3A_36 = arith.constant 1.000000e+00 : f32
    %broadcast_in_dim3A_37 = vector.broadcast %broadcast_in_dim3A_36 : f32 to vector<8x128xf32>
    %sub3A = arith.subf %add3A_8, %add3A_34 : vector<8x128xf32>
    %mul3A = arith.constant 2.000000e+00 : f32
    %mul3A_38 = vector.broadcast %mul3A : f32 to vector<8x128xf32>
    %mul3A_39 = arith.mulf %mul3A_38, %div3A_16 : vector<8x128xf32>
    %div3A_40 = arith.divf %sub3A, %mul3A_39 : vector<8x128xf32>
    %gt3A = arith.constant 0.000000e+00 : f32
    %gt3A_41 = vector.broadcast %gt3A : f32 to vector<8x128xf32>
    %gt3A_42 = arith.cmpf ogt, %div3A_40, %gt3A_41 : vector<8x128xf32>
    %jit3A = arith.constant 1.000000e+00 : f32
    %jit3A_43 = arith.constant -1.000000e+00 : f32
    %broadcast_in_dim3A_44 = vector.broadcast %jit3A : f32 to vector<8x128xf32>
    %broadcast_in_dim3A_45 = vector.broadcast %jit3A_43 : f32 to vector<8x128xf32>
    %select_n3A = arith.select %gt3A_42, %broadcast_in_dim3A_44, %broadcast_in_dim3A_45 : vector<8x128xi1>, vector<8x128xf32>
    %abs3A = math.absf %div3A_40 : vector<8x128xf32>
    %mul3A_46 = arith.mulf %div3A_40, %div3A_40 : vector<8x128xf32>
    %add3A_47 = arith.constant 1.000000e+00 : f32
    %add3A_48 = vector.broadcast %add3A_47 : f32 to vector<8x128xf32>
    %add3A_49 = arith.addf %add3A_48, %mul3A_46 : vector<8x128xf32>
    %sqrt3A = math.sqrt %add3A_49 : vector<8x128xf32>
    %add3A_50 = arith.addf %abs3A, %sqrt3A : vector<8x128xf32>
    %div3A_51 = arith.divf %select_n3A, %add3A_50 : vector<8x128xf32>
    %eq3A = arith.constant 0.000000e+00 : f32
    %eq3A_52 = vector.broadcast %eq3A : f32 to vector<8x128xf32>
    %eq3A_53 = arith.cmpf oeq, %div3A_16, %eq3A_52 : vector<8x128xf32>
    %jit3A_54 = arith.constant 0.000000e+00 : f32
    %broadcast_in_dim3A_55 = vector.broadcast %jit3A_54 : f32 to vector<8x128xf32>
    %select_n3A_56 = arith.select %eq3A_53, %broadcast_in_dim3A_55, %div3A_51 : vector<8x128xi1>, vector<8x128xf32>
    %mul3A_57 = arith.mulf %select_n3A_56, %select_n3A_56 : vector<8x128xf32>
    %add3A_58 = arith.constant 1.000000e+00 : f32
    %add3A_59 = vector.broadcast %add3A_58 : f32 to vector<8x128xf32>
    %add3A_60 = arith.addf %mul3A_57, %add3A_59 : vector<8x128xf32>
    %sqrt3A_61 = math.sqrt %add3A_60 : vector<8x128xf32>
    %div3A_62 = arith.constant 1.000000e+00 : f32
    %div3A_63 = vector.broadcast %div3A_62 : f32 to vector<8x128xf32>
    %div3A_64 = arith.divf %div3A_63, %sqrt3A_61 : vector<8x128xf32>
    %neg3A = arith.constant 0.000000e+00 : f32
    %neg3A_65 = vector.broadcast %neg3A : f32 to vector<8x128xf32>
    %neg3A_66 = arith.subf %neg3A_65, %select_n3A_56 : vector<8x128xf32>
    %mul3A_67 = arith.mulf %neg3A_66, %div3A_64 : vector<8x128xf32>
    %sub3A_68 = arith.subf %add3A_23, %broadcast_in_dim3A_35 : vector<8x128xf32>
    %mul3A_69 = arith.constant 2.000000e+00 : f32
    %mul3A_70 = vector.broadcast %mul3A_69 : f32 to vector<8x128xf32>
    %mul3A_71 = arith.mulf %mul3A_70, %broadcast_in_dim3A_35 : vector<8x128xf32>
    %div3A_72 = arith.divf %sub3A_68, %mul3A_71 : vector<8x128xf32>
    %gt3A_73 = arith.constant 0.000000e+00 : f32
    %gt3A_74 = vector.broadcast %gt3A_73 : f32 to vector<8x128xf32>
    %gt3A_75 = arith.cmpf ogt, %div3A_72, %gt3A_74 : vector<8x128xf32>
    %jit3A_76 = arith.constant 1.000000e+00 : f32
    %jit3A_77 = arith.constant -1.000000e+00 : f32
    %broadcast_in_dim3A_78 = vector.broadcast %jit3A_76 : f32 to vector<8x128xf32>
    %broadcast_in_dim3A_79 = vector.broadcast %jit3A_77 : f32 to vector<8x128xf32>
    %select_n3A_80 = arith.select %gt3A_75, %broadcast_in_dim3A_78, %broadcast_in_dim3A_79 : vector<8x128xi1>, vector<8x128xf32>
    %abs3A_81 = math.absf %div3A_72 : vector<8x128xf32>
    %mul3A_82 = arith.mulf %div3A_72, %div3A_72 : vector<8x128xf32>
    %add3A_83 = arith.constant 1.000000e+00 : f32
    %add3A_84 = vector.broadcast %add3A_83 : f32 to vector<8x128xf32>
    %add3A_85 = arith.addf %add3A_84, %mul3A_82 : vector<8x128xf32>
    %sqrt3A_86 = math.sqrt %add3A_85 : vector<8x128xf32>
    %add3A_87 = arith.addf %abs3A_81, %sqrt3A_86 : vector<8x128xf32>
    %div3A_88 = arith.divf %select_n3A_80, %add3A_87 : vector<8x128xf32>
    %eq3A_89 = arith.constant 0.000000e+00 : f32
    %eq3A_90 = vector.broadcast %eq3A_89 : f32 to vector<8x128xf32>
    %eq3A_91 = arith.cmpf oeq, %broadcast_in_dim3A_35, %eq3A_90 : vector<8x128xf32>
    %jit3A_92 = arith.constant 0.000000e+00 : f32
    %broadcast_in_dim3A_93 = vector.broadcast %jit3A_92 : f32 to vector<8x128xf32>
    %select_n3A_94 = arith.select %eq3A_91, %broadcast_in_dim3A_93, %div3A_88 : vector<8x128xi1>, vector<8x128xf32>
    %mul3A_95 = arith.mulf %select_n3A_94, %select_n3A_94 : vector<8x128xf32>
    %add3A_96 = arith.constant 1.000000e+00 : f32
    %add3A_97 = vector.broadcast %add3A_96 : f32 to vector<8x128xf32>
    %add3A_98 = arith.addf %mul3A_95, %add3A_97 : vector<8x128xf32>
    %sqrt3A_99 = math.sqrt %add3A_98 : vector<8x128xf32>
    %div3A_100 = arith.constant 1.000000e+00 : f32
    %div3A_101 = vector.broadcast %div3A_100 : f32 to vector<8x128xf32>
    %div3A_102 = arith.divf %div3A_101, %sqrt3A_99 : vector<8x128xf32>
    %neg3A_103 = arith.constant 0.000000e+00 : f32
    %neg3A_104 = vector.broadcast %neg3A_103 : f32 to vector<8x128xf32>
    %neg3A_105 = arith.subf %neg3A_104, %select_n3A_94 : vector<8x128xf32>
    %mul3A_106 = arith.mulf %neg3A_105, %div3A_102 : vector<8x128xf32>
    %mul3A_107 = arith.mulf %div3A_64, %add3A_8 : vector<8x128xf32>
    %mul3A_108 = arith.mulf %mul3A_67, %div3A_16 : vector<8x128xf32>
    %sub3A_109 = arith.subf %mul3A_107, %mul3A_108 : vector<8x128xf32>
    %mul3A_110 = arith.mulf %mul3A_67, %add3A_8 : vector<8x128xf32>
    %mul3A_111 = arith.mulf %div3A_64, %div3A_16 : vector<8x128xf32>
    %add3A_112 = arith.addf %mul3A_110, %mul3A_111 : vector<8x128xf32>
    %mul3A_113 = arith.mulf %div3A_64, %div3A_12 : vector<8x128xf32>
    %mul3A_114 = arith.mulf %mul3A_67, %div3A_27 : vector<8x128xf32>
    %sub3A_115 = arith.subf %mul3A_113, %mul3A_114 : vector<8x128xf32>
    %mul3A_116 = arith.mulf %mul3A_67, %div3A_12 : vector<8x128xf32>
    %mul3A_117 = arith.mulf %div3A_64, %div3A_27 : vector<8x128xf32>
    %add3A_118 = arith.addf %mul3A_116, %mul3A_117 : vector<8x128xf32>
    %mul3A_119 = arith.mulf %div3A_64, %div3A_16 : vector<8x128xf32>
    %mul3A_120 = arith.mulf %mul3A_67, %add3A_34 : vector<8x128xf32>
    %sub3A_121 = arith.subf %mul3A_119, %mul3A_120 : vector<8x128xf32>
    %mul3A_122 = arith.mulf %mul3A_67, %div3A_16 : vector<8x128xf32>
    %mul3A_123 = arith.mulf %div3A_64, %add3A_34 : vector<8x128xf32>
    %add3A_124 = arith.addf %mul3A_122, %mul3A_123 : vector<8x128xf32>
    %mul3A_125 = arith.mulf %div3A_64, %broadcast_in_dim3A_35 : vector<8x128xf32>
    %mul3A_126 = arith.mulf %mul3A_67, %broadcast_in_dim3A_35 : vector<8x128xf32>
    %sub3A_127 = arith.subf %mul3A_125, %mul3A_126 : vector<8x128xf32>
    %mul3A_128 = arith.mulf %mul3A_67, %broadcast_in_dim3A_35 : vector<8x128xf32>
    %mul3A_129 = arith.mulf %div3A_64, %broadcast_in_dim3A_35 : vector<8x128xf32>
    %add3A_130 = arith.addf %mul3A_128, %mul3A_129 : vector<8x128xf32>
    %mul3A_131 = arith.mulf %div3A_102, %div3A_12 : vector<8x128xf32>
    %mul3A_132 = arith.mulf %mul3A_106, %broadcast_in_dim3A_35 : vector<8x128xf32>
    %sub3A_133 = arith.subf %mul3A_131, %mul3A_132 : vector<8x128xf32>
    %mul3A_134 = arith.mulf %mul3A_106, %div3A_12 : vector<8x128xf32>
    %mul3A_135 = arith.mulf %div3A_102, %broadcast_in_dim3A_35 : vector<8x128xf32>
    %add3A_136 = arith.addf %mul3A_134, %mul3A_135 : vector<8x128xf32>
    %mul3A_137 = arith.mulf %div3A_102, %add3A_23 : vector<8x128xf32>
    %mul3A_138 = arith.mulf %mul3A_106, %broadcast_in_dim3A_35 : vector<8x128xf32>
    %sub3A_139 = arith.subf %mul3A_137, %mul3A_138 : vector<8x128xf32>
    %mul3A_140 = arith.mulf %mul3A_106, %add3A_23 : vector<8x128xf32>
    %mul3A_141 = arith.mulf %div3A_102, %broadcast_in_dim3A_35 : vector<8x128xf32>
    %add3A_142 = arith.addf %mul3A_140, %mul3A_141 : vector<8x128xf32>
    %mul3A_143 = arith.mulf %div3A_102, %div3A_27 : vector<8x128xf32>
    %mul3A_144 = arith.mulf %mul3A_106, %broadcast_in_dim3A_35 : vector<8x128xf32>
    %sub3A_145 = arith.subf %mul3A_143, %mul3A_144 : vector<8x128xf32>
    %mul3A_146 = arith.mulf %mul3A_106, %div3A_27 : vector<8x128xf32>
    %mul3A_147 = arith.mulf %div3A_102, %broadcast_in_dim3A_35 : vector<8x128xf32>
    %add3A_148 = arith.addf %mul3A_146, %mul3A_147 : vector<8x128xf32>
    %mul3A_149 = arith.mulf %div3A_102, %broadcast_in_dim3A_35 : vector<8x128xf32>
    %mul3A_150 = arith.mulf %mul3A_106, %broadcast_in_dim3A_35 : vector<8x128xf32>
    %sub3A_151 = arith.subf %mul3A_149, %mul3A_150 : vector<8x128xf32>
    %mul3A_152 = arith.mulf %mul3A_106, %broadcast_in_dim3A_35 : vector<8x128xf32>
    %mul3A_153 = arith.mulf %div3A_102, %broadcast_in_dim3A_35 : vector<8x128xf32>
    %add3A_154 = arith.addf %mul3A_152, %mul3A_153 : vector<8x128xf32>
    %mul3A_155 = arith.mulf %div3A_64, %sub3A_109 : vector<8x128xf32>
    %mul3A_156 = arith.mulf %mul3A_67, %sub3A_121 : vector<8x128xf32>
    %sub3A_157 = arith.subf %mul3A_155, %mul3A_156 : vector<8x128xf32>
    %mul3A_158 = arith.mulf %mul3A_67, %sub3A_109 : vector<8x128xf32>
    %mul3A_159 = arith.mulf %div3A_64, %sub3A_121 : vector<8x128xf32>
    %add3A_160 = arith.addf %mul3A_158, %mul3A_159 : vector<8x128xf32>
    %mul3A_161 = arith.mulf %div3A_64, %sub3A_133 : vector<8x128xf32>
    %mul3A_162 = arith.mulf %mul3A_67, %sub3A_145 : vector<8x128xf32>
    %sub3A_163 = arith.subf %mul3A_161, %mul3A_162 : vector<8x128xf32>
    %mul3A_164 = arith.mulf %mul3A_67, %sub3A_133 : vector<8x128xf32>
    %mul3A_165 = arith.mulf %div3A_64, %sub3A_145 : vector<8x128xf32>
    %add3A_166 = arith.addf %mul3A_164, %mul3A_165 : vector<8x128xf32>
    %mul3A_167 = arith.mulf %div3A_64, %add3A_112 : vector<8x128xf32>
    %mul3A_168 = arith.mulf %mul3A_67, %add3A_124 : vector<8x128xf32>
    %sub3A_169 = arith.subf %mul3A_167, %mul3A_168 : vector<8x128xf32>
    %mul3A_170 = arith.mulf %mul3A_67, %add3A_112 : vector<8x128xf32>
    %mul3A_171 = arith.mulf %div3A_64, %add3A_124 : vector<8x128xf32>
    %add3A_172 = arith.addf %mul3A_170, %mul3A_171 : vector<8x128xf32>
    %mul3A_173 = arith.mulf %div3A_64, %add3A_136 : vector<8x128xf32>
    %mul3A_174 = arith.mulf %mul3A_67, %add3A_148 : vector<8x128xf32>
    %sub3A_175 = arith.subf %mul3A_173, %mul3A_174 : vector<8x128xf32>
    %mul3A_176 = arith.mulf %mul3A_67, %add3A_136 : vector<8x128xf32>
    %mul3A_177 = arith.mulf %div3A_64, %add3A_148 : vector<8x128xf32>
    %add3A_178 = arith.addf %mul3A_176, %mul3A_177 : vector<8x128xf32>
    %mul3A_179 = arith.mulf %div3A_102, %sub3A_115 : vector<8x128xf32>
    %mul3A_180 = arith.mulf %mul3A_106, %sub3A_127 : vector<8x128xf32>
    %sub3A_181 = arith.subf %mul3A_179, %mul3A_180 : vector<8x128xf32>
    %mul3A_182 = arith.mulf %mul3A_106, %sub3A_115 : vector<8x128xf32>
    %mul3A_183 = arith.mulf %div3A_102, %sub3A_127 : vector<8x128xf32>
    %add3A_184 = arith.addf %mul3A_182, %mul3A_183 : vector<8x128xf32>
    %mul3A_185 = arith.mulf %div3A_102, %sub3A_139 : vector<8x128xf32>
    %mul3A_186 = arith.mulf %mul3A_106, %sub3A_151 : vector<8x128xf32>
    %sub3A_187 = arith.subf %mul3A_185, %mul3A_186 : vector<8x128xf32>
    %mul3A_188 = arith.mulf %mul3A_106, %sub3A_139 : vector<8x128xf32>
    %mul3A_189 = arith.mulf %div3A_102, %sub3A_151 : vector<8x128xf32>
    %add3A_190 = arith.addf %mul3A_188, %mul3A_189 : vector<8x128xf32>
    %mul3A_191 = arith.mulf %div3A_102, %add3A_118 : vector<8x128xf32>
    %mul3A_192 = arith.mulf %mul3A_106, %add3A_130 : vector<8x128xf32>
    %sub3A_193 = arith.subf %mul3A_191, %mul3A_192 : vector<8x128xf32>
    %mul3A_194 = arith.mulf %mul3A_106, %add3A_118 : vector<8x128xf32>
    %mul3A_195 = arith.mulf %div3A_102, %add3A_130 : vector<8x128xf32>
    %add3A_196 = arith.addf %mul3A_194, %mul3A_195 : vector<8x128xf32>
    %mul3A_197 = arith.mulf %div3A_102, %add3A_142 : vector<8x128xf32>
    %mul3A_198 = arith.mulf %mul3A_106, %add3A_154 : vector<8x128xf32>
    %sub3A_199 = arith.subf %mul3A_197, %mul3A_198 : vector<8x128xf32>
    %mul3A_200 = arith.mulf %mul3A_106, %add3A_142 : vector<8x128xf32>
    %mul3A_201 = arith.mulf %div3A_102, %add3A_154 : vector<8x128xf32>
    %add3A_202 = arith.addf %mul3A_200, %mul3A_201 : vector<8x128xf32>
    %mul3A_203 = arith.mulf %div3A_64, %broadcast_in_dim3A_37 : vector<8x128xf32>
    %mul3A_204 = arith.mulf %mul3A_67, %broadcast_in_dim3A_35 : vector<8x128xf32>
    %sub3A_205 = arith.subf %mul3A_203, %mul3A_204 : vector<8x128xf32>
    %mul3A_206 = arith.mulf %mul3A_67, %broadcast_in_dim3A_37 : vector<8x128xf32>
    %mul3A_207 = arith.mulf %div3A_64, %broadcast_in_dim3A_35 : vector<8x128xf32>
    %add3A_208 = arith.addf %mul3A_206, %mul3A_207 : vector<8x128xf32>
    %mul3A_209 = arith.mulf %div3A_64, %broadcast_in_dim3A_35 : vector<8x128xf32>
    %mul3A_210 = arith.mulf %mul3A_67, %broadcast_in_dim3A_35 : vector<8x128xf32>
    %sub3A_211 = arith.subf %mul3A_209, %mul3A_210 : vector<8x128xf32>
    %mul3A_212 = arith.mulf %mul3A_67, %broadcast_in_dim3A_35 : vector<8x128xf32>
    %mul3A_213 = arith.mulf %div3A_64, %broadcast_in_dim3A_35 : vector<8x128xf32>
    %add3A_214 = arith.addf %mul3A_212, %mul3A_213 : vector<8x128xf32>
    %mul3A_215 = arith.mulf %div3A_64, %broadcast_in_dim3A_35 : vector<8x128xf32>
    %mul3A_216 = arith.mulf %mul3A_67, %broadcast_in_dim3A_37 : vector<8x128xf32>
    %sub3A_217 = arith.subf %mul3A_215, %mul3A_216 : vector<8x128xf32>
    %mul3A_218 = arith.mulf %mul3A_67, %broadcast_in_dim3A_35 : vector<8x128xf32>
    %mul3A_219 = arith.mulf %div3A_64, %broadcast_in_dim3A_37 : vector<8x128xf32>
    %add3A_220 = arith.addf %mul3A_218, %mul3A_219 : vector<8x128xf32>
    %mul3A_221 = arith.mulf %div3A_102, %broadcast_in_dim3A_35 : vector<8x128xf32>
    %mul3A_222 = arith.mulf %mul3A_106, %broadcast_in_dim3A_35 : vector<8x128xf32>
    %sub3A_223 = arith.subf %mul3A_221, %mul3A_222 : vector<8x128xf32>
    %mul3A_224 = arith.mulf %mul3A_106, %broadcast_in_dim3A_35 : vector<8x128xf32>
    %mul3A_225 = arith.mulf %div3A_102, %broadcast_in_dim3A_35 : vector<8x128xf32>
    %add3A_226 = arith.addf %mul3A_224, %mul3A_225 : vector<8x128xf32>
    %mul3A_227 = arith.mulf %div3A_102, %broadcast_in_dim3A_37 : vector<8x128xf32>
    %mul3A_228 = arith.mulf %mul3A_106, %broadcast_in_dim3A_35 : vector<8x128xf32>
    %sub3A_229 = arith.subf %mul3A_227, %mul3A_228 : vector<8x128xf32>
    %mul3A_230 = arith.mulf %mul3A_106, %broadcast_in_dim3A_37 : vector<8x128xf32>
    %mul3A_231 = arith.mulf %div3A_102, %broadcast_in_dim3A_35 : vector<8x128xf32>
    %add3A_232 = arith.addf %mul3A_230, %mul3A_231 : vector<8x128xf32>
    %mul3A_233 = arith.mulf %div3A_102, %broadcast_in_dim3A_35 : vector<8x128xf32>
    %mul3A_234 = arith.mulf %mul3A_106, %broadcast_in_dim3A_35 : vector<8x128xf32>
    %sub3A_235 = arith.subf %mul3A_233, %mul3A_234 : vector<8x128xf32>
    %mul3A_236 = arith.mulf %mul3A_106, %broadcast_in_dim3A_35 : vector<8x128xf32>
    %mul3A_237 = arith.mulf %div3A_102, %broadcast_in_dim3A_35 : vector<8x128xf32>
    %add3A_238 = arith.addf %mul3A_236, %mul3A_237 : vector<8x128xf32>
    %sub3A_239 = arith.subf %sub3A_157, %add3A_202 : vector<8x128xf32>
    %mul3A_240 = arith.constant 2.000000e+00 : f32
    %mul3A_241 = vector.broadcast %mul3A_240 : f32 to vector<8x128xf32>
    %mul3A_242 = arith.mulf %mul3A_241, %add3A_184 : vector<8x128xf32>
    %div3A_243 = arith.divf %sub3A_239, %mul3A_242 : vector<8x128xf32>
    %gt3A_244 = arith.constant 0.000000e+00 : f32
    %gt3A_245 = vector.broadcast %gt3A_244 : f32 to vector<8x128xf32>
    %gt3A_246 = arith.cmpf ogt, %div3A_243, %gt3A_245 : vector<8x128xf32>
    %jit3A_247 = arith.constant 1.000000e+00 : f32
    %jit3A_248 = arith.constant -1.000000e+00 : f32
    %broadcast_in_dim3A_249 = vector.broadcast %jit3A_247 : f32 to vector<8x128xf32>
    %broadcast_in_dim3A_250 = vector.broadcast %jit3A_248 : f32 to vector<8x128xf32>
    %select_n3A_251 = arith.select %gt3A_246, %broadcast_in_dim3A_249, %broadcast_in_dim3A_250 : vector<8x128xi1>, vector<8x128xf32>
    %abs3A_252 = math.absf %div3A_243 : vector<8x128xf32>
    %mul3A_253 = arith.mulf %div3A_243, %div3A_243 : vector<8x128xf32>
    %add3A_254 = arith.constant 1.000000e+00 : f32
    %add3A_255 = vector.broadcast %add3A_254 : f32 to vector<8x128xf32>
    %add3A_256 = arith.addf %add3A_255, %mul3A_253 : vector<8x128xf32>
    %sqrt3A_257 = math.sqrt %add3A_256 : vector<8x128xf32>
    %add3A_258 = arith.addf %abs3A_252, %sqrt3A_257 : vector<8x128xf32>
    %div3A_259 = arith.divf %select_n3A_251, %add3A_258 : vector<8x128xf32>
    %eq3A_260 = arith.constant 0.000000e+00 : f32
    %eq3A_261 = vector.broadcast %eq3A_260 : f32 to vector<8x128xf32>
    %eq3A_262 = arith.cmpf oeq, %add3A_184, %eq3A_261 : vector<8x128xf32>
    %jit3A_263 = arith.constant 0.000000e+00 : f32
    %broadcast_in_dim3A_264 = vector.broadcast %jit3A_263 : f32 to vector<8x128xf32>
    %select_n3A_265 = arith.select %eq3A_262, %broadcast_in_dim3A_264, %div3A_259 : vector<8x128xi1>, vector<8x128xf32>
    %mul3A_266 = arith.mulf %select_n3A_265, %select_n3A_265 : vector<8x128xf32>
    %add3A_267 = arith.constant 1.000000e+00 : f32
    %add3A_268 = vector.broadcast %add3A_267 : f32 to vector<8x128xf32>
    %add3A_269 = arith.addf %mul3A_266, %add3A_268 : vector<8x128xf32>
    %sqrt3A_270 = math.sqrt %add3A_269 : vector<8x128xf32>
    %div3A_271 = arith.constant 1.000000e+00 : f32
    %div3A_272 = vector.broadcast %div3A_271 : f32 to vector<8x128xf32>
    %div3A_273 = arith.divf %div3A_272, %sqrt3A_270 : vector<8x128xf32>
    %neg3A_274 = arith.constant 0.000000e+00 : f32
    %neg3A_275 = vector.broadcast %neg3A_274 : f32 to vector<8x128xf32>
    %neg3A_276 = arith.subf %neg3A_275, %select_n3A_265 : vector<8x128xf32>
    %mul3A_277 = arith.mulf %neg3A_276, %div3A_273 : vector<8x128xf32>
    %sub3A_278 = arith.subf %add3A_172, %sub3A_187 : vector<8x128xf32>
    %mul3A_279 = arith.constant 2.000000e+00 : f32
    %mul3A_280 = vector.broadcast %mul3A_279 : f32 to vector<8x128xf32>
    %mul3A_281 = arith.mulf %mul3A_280, %sub3A_193 : vector<8x128xf32>
    %div3A_282 = arith.divf %sub3A_278, %mul3A_281 : vector<8x128xf32>
    %gt3A_283 = arith.constant 0.000000e+00 : f32
    %gt3A_284 = vector.broadcast %gt3A_283 : f32 to vector<8x128xf32>
    %gt3A_285 = arith.cmpf ogt, %div3A_282, %gt3A_284 : vector<8x128xf32>
    %jit3A_286 = arith.constant 1.000000e+00 : f32
    %jit3A_287 = arith.constant -1.000000e+00 : f32
    %broadcast_in_dim3A_288 = vector.broadcast %jit3A_286 : f32 to vector<8x128xf32>
    %broadcast_in_dim3A_289 = vector.broadcast %jit3A_287 : f32 to vector<8x128xf32>
    %select_n3A_290 = arith.select %gt3A_285, %broadcast_in_dim3A_288, %broadcast_in_dim3A_289 : vector<8x128xi1>, vector<8x128xf32>
    %abs3A_291 = math.absf %div3A_282 : vector<8x128xf32>
    %mul3A_292 = arith.mulf %div3A_282, %div3A_282 : vector<8x128xf32>
    %add3A_293 = arith.constant 1.000000e+00 : f32
    %add3A_294 = vector.broadcast %add3A_293 : f32 to vector<8x128xf32>
    %add3A_295 = arith.addf %add3A_294, %mul3A_292 : vector<8x128xf32>
    %sqrt3A_296 = math.sqrt %add3A_295 : vector<8x128xf32>
    %add3A_297 = arith.addf %abs3A_291, %sqrt3A_296 : vector<8x128xf32>
    %div3A_298 = arith.divf %select_n3A_290, %add3A_297 : vector<8x128xf32>
    %eq3A_299 = arith.constant 0.000000e+00 : f32
    %eq3A_300 = vector.broadcast %eq3A_299 : f32 to vector<8x128xf32>
    %eq3A_301 = arith.cmpf oeq, %sub3A_193, %eq3A_300 : vector<8x128xf32>
    %jit3A_302 = arith.constant 0.000000e+00 : f32
    %broadcast_in_dim3A_303 = vector.broadcast %jit3A_302 : f32 to vector<8x128xf32>
    %select_n3A_304 = arith.select %eq3A_301, %broadcast_in_dim3A_303, %div3A_298 : vector<8x128xi1>, vector<8x128xf32>
    %mul3A_305 = arith.mulf %select_n3A_304, %select_n3A_304 : vector<8x128xf32>
    %add3A_306 = arith.constant 1.000000e+00 : f32
    %add3A_307 = vector.broadcast %add3A_306 : f32 to vector<8x128xf32>
    %add3A_308 = arith.addf %mul3A_305, %add3A_307 : vector<8x128xf32>
    %sqrt3A_309 = math.sqrt %add3A_308 : vector<8x128xf32>
    %div3A_310 = arith.constant 1.000000e+00 : f32
    %div3A_311 = vector.broadcast %div3A_310 : f32 to vector<8x128xf32>
    %div3A_312 = arith.divf %div3A_311, %sqrt3A_309 : vector<8x128xf32>
    %neg3A_313 = arith.constant 0.000000e+00 : f32
    %neg3A_314 = vector.broadcast %neg3A_313 : f32 to vector<8x128xf32>
    %neg3A_315 = arith.subf %neg3A_314, %select_n3A_304 : vector<8x128xf32>
    %mul3A_316 = arith.mulf %neg3A_315, %div3A_312 : vector<8x128xf32>
    %mul3A_317 = arith.mulf %div3A_273, %sub3A_157 : vector<8x128xf32>
    %mul3A_318 = arith.mulf %mul3A_277, %sub3A_175 : vector<8x128xf32>
    %sub3A_319 = arith.subf %mul3A_317, %mul3A_318 : vector<8x128xf32>
    %mul3A_320 = arith.mulf %mul3A_277, %sub3A_157 : vector<8x128xf32>
    %mul3A_321 = arith.mulf %div3A_273, %sub3A_175 : vector<8x128xf32>
    %add3A_322 = arith.addf %mul3A_320, %mul3A_321 : vector<8x128xf32>
    %mul3A_323 = arith.mulf %div3A_273, %add3A_160 : vector<8x128xf32>
    %mul3A_324 = arith.mulf %mul3A_277, %add3A_178 : vector<8x128xf32>
    %sub3A_325 = arith.subf %mul3A_323, %mul3A_324 : vector<8x128xf32>
    %mul3A_326 = arith.mulf %mul3A_277, %add3A_160 : vector<8x128xf32>
    %mul3A_327 = arith.mulf %div3A_273, %add3A_178 : vector<8x128xf32>
    %add3A_328 = arith.addf %mul3A_326, %mul3A_327 : vector<8x128xf32>
    %mul3A_329 = arith.mulf %div3A_273, %add3A_184 : vector<8x128xf32>
    %mul3A_330 = arith.mulf %mul3A_277, %add3A_202 : vector<8x128xf32>
    %sub3A_331 = arith.subf %mul3A_329, %mul3A_330 : vector<8x128xf32>
    %mul3A_332 = arith.mulf %mul3A_277, %add3A_184 : vector<8x128xf32>
    %mul3A_333 = arith.mulf %div3A_273, %add3A_202 : vector<8x128xf32>
    %add3A_334 = arith.addf %mul3A_332, %mul3A_333 : vector<8x128xf32>
    %mul3A_335 = arith.mulf %div3A_273, %sub3A_181 : vector<8x128xf32>
    %mul3A_336 = arith.mulf %mul3A_277, %sub3A_199 : vector<8x128xf32>
    %sub3A_337 = arith.subf %mul3A_335, %mul3A_336 : vector<8x128xf32>
    %mul3A_338 = arith.mulf %mul3A_277, %sub3A_181 : vector<8x128xf32>
    %mul3A_339 = arith.mulf %div3A_273, %sub3A_199 : vector<8x128xf32>
    %add3A_340 = arith.addf %mul3A_338, %mul3A_339 : vector<8x128xf32>
    %mul3A_341 = arith.mulf %div3A_312, %sub3A_169 : vector<8x128xf32>
    %mul3A_342 = arith.mulf %mul3A_316, %sub3A_163 : vector<8x128xf32>
    %sub3A_343 = arith.subf %mul3A_341, %mul3A_342 : vector<8x128xf32>
    %mul3A_344 = arith.mulf %mul3A_316, %sub3A_169 : vector<8x128xf32>
    %mul3A_345 = arith.mulf %div3A_312, %sub3A_163 : vector<8x128xf32>
    %add3A_346 = arith.addf %mul3A_344, %mul3A_345 : vector<8x128xf32>
    %mul3A_347 = arith.mulf %div3A_312, %add3A_172 : vector<8x128xf32>
    %mul3A_348 = arith.mulf %mul3A_316, %add3A_166 : vector<8x128xf32>
    %sub3A_349 = arith.subf %mul3A_347, %mul3A_348 : vector<8x128xf32>
    %mul3A_350 = arith.mulf %mul3A_316, %add3A_172 : vector<8x128xf32>
    %mul3A_351 = arith.mulf %div3A_312, %add3A_166 : vector<8x128xf32>
    %add3A_352 = arith.addf %mul3A_350, %mul3A_351 : vector<8x128xf32>
    %mul3A_353 = arith.mulf %div3A_312, %add3A_196 : vector<8x128xf32>
    %mul3A_354 = arith.mulf %mul3A_316, %add3A_190 : vector<8x128xf32>
    %sub3A_355 = arith.subf %mul3A_353, %mul3A_354 : vector<8x128xf32>
    %mul3A_356 = arith.mulf %mul3A_316, %add3A_196 : vector<8x128xf32>
    %mul3A_357 = arith.mulf %div3A_312, %add3A_190 : vector<8x128xf32>
    %add3A_358 = arith.addf %mul3A_356, %mul3A_357 : vector<8x128xf32>
    %mul3A_359 = arith.mulf %div3A_312, %sub3A_193 : vector<8x128xf32>
    %mul3A_360 = arith.mulf %mul3A_316, %sub3A_187 : vector<8x128xf32>
    %sub3A_361 = arith.subf %mul3A_359, %mul3A_360 : vector<8x128xf32>
    %mul3A_362 = arith.mulf %mul3A_316, %sub3A_193 : vector<8x128xf32>
    %mul3A_363 = arith.mulf %div3A_312, %sub3A_187 : vector<8x128xf32>
    %add3A_364 = arith.addf %mul3A_362, %mul3A_363 : vector<8x128xf32>
    %mul3A_365 = arith.mulf %div3A_273, %sub3A_319 : vector<8x128xf32>
    %mul3A_366 = arith.mulf %mul3A_277, %sub3A_331 : vector<8x128xf32>
    %sub3A_367 = arith.subf %mul3A_365, %mul3A_366 : vector<8x128xf32>
    %mul3A_368 = arith.mulf %mul3A_277, %sub3A_319 : vector<8x128xf32>
    %mul3A_369 = arith.mulf %div3A_273, %sub3A_331 : vector<8x128xf32>
    %add3A_370 = arith.addf %mul3A_368, %mul3A_369 : vector<8x128xf32>
    %mul3A_371 = arith.mulf %div3A_273, %sub3A_343 : vector<8x128xf32>
    %mul3A_372 = arith.mulf %mul3A_277, %sub3A_355 : vector<8x128xf32>
    %sub3A_373 = arith.subf %mul3A_371, %mul3A_372 : vector<8x128xf32>
    %mul3A_374 = arith.mulf %mul3A_277, %sub3A_343 : vector<8x128xf32>
    %mul3A_375 = arith.mulf %div3A_273, %sub3A_355 : vector<8x128xf32>
    %add3A_376 = arith.addf %mul3A_374, %mul3A_375 : vector<8x128xf32>
    %mul3A_377 = arith.mulf %div3A_273, %add3A_322 : vector<8x128xf32>
    %mul3A_378 = arith.mulf %mul3A_277, %add3A_334 : vector<8x128xf32>
    %sub3A_379 = arith.subf %mul3A_377, %mul3A_378 : vector<8x128xf32>
    %mul3A_380 = arith.mulf %mul3A_277, %add3A_322 : vector<8x128xf32>
    %mul3A_381 = arith.mulf %div3A_273, %add3A_334 : vector<8x128xf32>
    %add3A_382 = arith.addf %mul3A_380, %mul3A_381 : vector<8x128xf32>
    %mul3A_383 = arith.mulf %div3A_273, %add3A_346 : vector<8x128xf32>
    %mul3A_384 = arith.mulf %mul3A_277, %add3A_358 : vector<8x128xf32>
    %sub3A_385 = arith.subf %mul3A_383, %mul3A_384 : vector<8x128xf32>
    %mul3A_386 = arith.mulf %mul3A_277, %add3A_346 : vector<8x128xf32>
    %mul3A_387 = arith.mulf %div3A_273, %add3A_358 : vector<8x128xf32>
    %add3A_388 = arith.addf %mul3A_386, %mul3A_387 : vector<8x128xf32>
    %mul3A_389 = arith.mulf %div3A_312, %sub3A_325 : vector<8x128xf32>
    %mul3A_390 = arith.mulf %mul3A_316, %sub3A_337 : vector<8x128xf32>
    %sub3A_391 = arith.subf %mul3A_389, %mul3A_390 : vector<8x128xf32>
    %mul3A_392 = arith.mulf %mul3A_316, %sub3A_325 : vector<8x128xf32>
    %mul3A_393 = arith.mulf %div3A_312, %sub3A_337 : vector<8x128xf32>
    %add3A_394 = arith.addf %mul3A_392, %mul3A_393 : vector<8x128xf32>
    %mul3A_395 = arith.mulf %div3A_312, %sub3A_349 : vector<8x128xf32>
    %mul3A_396 = arith.mulf %mul3A_316, %sub3A_361 : vector<8x128xf32>
    %sub3A_397 = arith.subf %mul3A_395, %mul3A_396 : vector<8x128xf32>
    %mul3A_398 = arith.mulf %mul3A_316, %sub3A_349 : vector<8x128xf32>
    %mul3A_399 = arith.mulf %div3A_312, %sub3A_361 : vector<8x128xf32>
    %add3A_400 = arith.addf %mul3A_398, %mul3A_399 : vector<8x128xf32>
    %mul3A_401 = arith.mulf %div3A_312, %add3A_328 : vector<8x128xf32>
    %mul3A_402 = arith.mulf %mul3A_316, %add3A_340 : vector<8x128xf32>
    %sub3A_403 = arith.subf %mul3A_401, %mul3A_402 : vector<8x128xf32>
    %mul3A_404 = arith.mulf %mul3A_316, %add3A_328 : vector<8x128xf32>
    %mul3A_405 = arith.mulf %div3A_312, %add3A_340 : vector<8x128xf32>
    %add3A_406 = arith.addf %mul3A_404, %mul3A_405 : vector<8x128xf32>
    %mul3A_407 = arith.mulf %div3A_312, %add3A_352 : vector<8x128xf32>
    %mul3A_408 = arith.mulf %mul3A_316, %add3A_364 : vector<8x128xf32>
    %sub3A_409 = arith.subf %mul3A_407, %mul3A_408 : vector<8x128xf32>
    %mul3A_410 = arith.mulf %mul3A_316, %add3A_352 : vector<8x128xf32>
    %mul3A_411 = arith.mulf %div3A_312, %add3A_364 : vector<8x128xf32>
    %add3A_412 = arith.addf %mul3A_410, %mul3A_411 : vector<8x128xf32>
    %mul3A_413 = arith.mulf %div3A_273, %sub3A_205 : vector<8x128xf32>
    %mul3A_414 = arith.mulf %mul3A_277, %add3A_226 : vector<8x128xf32>
    %sub3A_415 = arith.subf %mul3A_413, %mul3A_414 : vector<8x128xf32>
    %mul3A_416 = arith.mulf %mul3A_277, %sub3A_205 : vector<8x128xf32>
    %mul3A_417 = arith.mulf %div3A_273, %add3A_226 : vector<8x128xf32>
    %add3A_418 = arith.addf %mul3A_416, %mul3A_417 : vector<8x128xf32>
    %mul3A_419 = arith.mulf %div3A_273, %sub3A_211 : vector<8x128xf32>
    %mul3A_420 = arith.mulf %mul3A_277, %add3A_232 : vector<8x128xf32>
    %sub3A_421 = arith.subf %mul3A_419, %mul3A_420 : vector<8x128xf32>
    %mul3A_422 = arith.mulf %mul3A_277, %sub3A_211 : vector<8x128xf32>
    %mul3A_423 = arith.mulf %div3A_273, %add3A_232 : vector<8x128xf32>
    %add3A_424 = arith.addf %mul3A_422, %mul3A_423 : vector<8x128xf32>
    %mul3A_425 = arith.mulf %div3A_273, %sub3A_217 : vector<8x128xf32>
    %mul3A_426 = arith.mulf %mul3A_277, %add3A_238 : vector<8x128xf32>
    %sub3A_427 = arith.subf %mul3A_425, %mul3A_426 : vector<8x128xf32>
    %mul3A_428 = arith.mulf %mul3A_277, %sub3A_217 : vector<8x128xf32>
    %mul3A_429 = arith.mulf %div3A_273, %add3A_238 : vector<8x128xf32>
    %add3A_430 = arith.addf %mul3A_428, %mul3A_429 : vector<8x128xf32>
    %mul3A_431 = arith.mulf %div3A_312, %add3A_208 : vector<8x128xf32>
    %mul3A_432 = arith.mulf %mul3A_316, %sub3A_223 : vector<8x128xf32>
    %sub3A_433 = arith.subf %mul3A_431, %mul3A_432 : vector<8x128xf32>
    %mul3A_434 = arith.mulf %mul3A_316, %add3A_208 : vector<8x128xf32>
    %mul3A_435 = arith.mulf %div3A_312, %sub3A_223 : vector<8x128xf32>
    %add3A_436 = arith.addf %mul3A_434, %mul3A_435 : vector<8x128xf32>
    %mul3A_437 = arith.mulf %div3A_312, %add3A_214 : vector<8x128xf32>
    %mul3A_438 = arith.mulf %mul3A_316, %sub3A_229 : vector<8x128xf32>
    %sub3A_439 = arith.subf %mul3A_437, %mul3A_438 : vector<8x128xf32>
    %mul3A_440 = arith.mulf %mul3A_316, %add3A_214 : vector<8x128xf32>
    %mul3A_441 = arith.mulf %div3A_312, %sub3A_229 : vector<8x128xf32>
    %add3A_442 = arith.addf %mul3A_440, %mul3A_441 : vector<8x128xf32>
    %mul3A_443 = arith.mulf %div3A_312, %add3A_220 : vector<8x128xf32>
    %mul3A_444 = arith.mulf %mul3A_316, %sub3A_235 : vector<8x128xf32>
    %sub3A_445 = arith.subf %mul3A_443, %mul3A_444 : vector<8x128xf32>
    %mul3A_446 = arith.mulf %mul3A_316, %add3A_220 : vector<8x128xf32>
    %mul3A_447 = arith.mulf %div3A_312, %sub3A_235 : vector<8x128xf32>
    %add3A_448 = arith.addf %mul3A_446, %mul3A_447 : vector<8x128xf32>
    %sub3A_449 = arith.subf %sub3A_367, %add3A_412 : vector<8x128xf32>
    %mul3A_450 = arith.constant 2.000000e+00 : f32
    %mul3A_451 = vector.broadcast %mul3A_450 : f32 to vector<8x128xf32>
    %mul3A_452 = arith.mulf %mul3A_451, %add3A_394 : vector<8x128xf32>
    %div3A_453 = arith.divf %sub3A_449, %mul3A_452 : vector<8x128xf32>
    %gt3A_454 = arith.constant 0.000000e+00 : f32
    %gt3A_455 = vector.broadcast %gt3A_454 : f32 to vector<8x128xf32>
    %gt3A_456 = arith.cmpf ogt, %div3A_453, %gt3A_455 : vector<8x128xf32>
    %jit3A_457 = arith.constant 1.000000e+00 : f32
    %jit3A_458 = arith.constant -1.000000e+00 : f32
    %broadcast_in_dim3A_459 = vector.broadcast %jit3A_457 : f32 to vector<8x128xf32>
    %broadcast_in_dim3A_460 = vector.broadcast %jit3A_458 : f32 to vector<8x128xf32>
    %select_n3A_461 = arith.select %gt3A_456, %broadcast_in_dim3A_459, %broadcast_in_dim3A_460 : vector<8x128xi1>, vector<8x128xf32>
    %abs3A_462 = math.absf %div3A_453 : vector<8x128xf32>
    %mul3A_463 = arith.mulf %div3A_453, %div3A_453 : vector<8x128xf32>
    %add3A_464 = arith.constant 1.000000e+00 : f32
    %add3A_465 = vector.broadcast %add3A_464 : f32 to vector<8x128xf32>
    %add3A_466 = arith.addf %add3A_465, %mul3A_463 : vector<8x128xf32>
    %sqrt3A_467 = math.sqrt %add3A_466 : vector<8x128xf32>
    %add3A_468 = arith.addf %abs3A_462, %sqrt3A_467 : vector<8x128xf32>
    %div3A_469 = arith.divf %select_n3A_461, %add3A_468 : vector<8x128xf32>
    %eq3A_470 = arith.constant 0.000000e+00 : f32
    %eq3A_471 = vector.broadcast %eq3A_470 : f32 to vector<8x128xf32>
    %eq3A_472 = arith.cmpf oeq, %add3A_394, %eq3A_471 : vector<8x128xf32>
    %jit3A_473 = arith.constant 0.000000e+00 : f32
    %broadcast_in_dim3A_474 = vector.broadcast %jit3A_473 : f32 to vector<8x128xf32>
    %select_n3A_475 = arith.select %eq3A_472, %broadcast_in_dim3A_474, %div3A_469 : vector<8x128xi1>, vector<8x128xf32>
    %mul3A_476 = arith.mulf %select_n3A_475, %select_n3A_475 : vector<8x128xf32>
    %add3A_477 = arith.constant 1.000000e+00 : f32
    %add3A_478 = vector.broadcast %add3A_477 : f32 to vector<8x128xf32>
    %add3A_479 = arith.addf %mul3A_476, %add3A_478 : vector<8x128xf32>
    %sqrt3A_480 = math.sqrt %add3A_479 : vector<8x128xf32>
    %div3A_481 = arith.constant 1.000000e+00 : f32
    %div3A_482 = vector.broadcast %div3A_481 : f32 to vector<8x128xf32>
    %div3A_483 = arith.divf %div3A_482, %sqrt3A_480 : vector<8x128xf32>
    %neg3A_484 = arith.constant 0.000000e+00 : f32
    %neg3A_485 = vector.broadcast %neg3A_484 : f32 to vector<8x128xf32>
    %neg3A_486 = arith.subf %neg3A_485, %select_n3A_475 : vector<8x128xf32>
    %mul3A_487 = arith.mulf %neg3A_486, %div3A_483 : vector<8x128xf32>
    %sub3A_488 = arith.subf %add3A_382, %sub3A_397 : vector<8x128xf32>
    %mul3A_489 = arith.constant 2.000000e+00 : f32
    %mul3A_490 = vector.broadcast %mul3A_489 : f32 to vector<8x128xf32>
    %mul3A_491 = arith.mulf %mul3A_490, %sub3A_403 : vector<8x128xf32>
    %div3A_492 = arith.divf %sub3A_488, %mul3A_491 : vector<8x128xf32>
    %gt3A_493 = arith.constant 0.000000e+00 : f32
    %gt3A_494 = vector.broadcast %gt3A_493 : f32 to vector<8x128xf32>
    %gt3A_495 = arith.cmpf ogt, %div3A_492, %gt3A_494 : vector<8x128xf32>
    %jit3A_496 = arith.constant 1.000000e+00 : f32
    %jit3A_497 = arith.constant -1.000000e+00 : f32
    %broadcast_in_dim3A_498 = vector.broadcast %jit3A_496 : f32 to vector<8x128xf32>
    %broadcast_in_dim3A_499 = vector.broadcast %jit3A_497 : f32 to vector<8x128xf32>
    %select_n3A_500 = arith.select %gt3A_495, %broadcast_in_dim3A_498, %broadcast_in_dim3A_499 : vector<8x128xi1>, vector<8x128xf32>
    %abs3A_501 = math.absf %div3A_492 : vector<8x128xf32>
    %mul3A_502 = arith.mulf %div3A_492, %div3A_492 : vector<8x128xf32>
    %add3A_503 = arith.constant 1.000000e+00 : f32
    %add3A_504 = vector.broadcast %add3A_503 : f32 to vector<8x128xf32>
    %add3A_505 = arith.addf %add3A_504, %mul3A_502 : vector<8x128xf32>
    %sqrt3A_506 = math.sqrt %add3A_505 : vector<8x128xf32>
    %add3A_507 = arith.addf %abs3A_501, %sqrt3A_506 : vector<8x128xf32>
    %div3A_508 = arith.divf %select_n3A_500, %add3A_507 : vector<8x128xf32>
    %eq3A_509 = arith.constant 0.000000e+00 : f32
    %eq3A_510 = vector.broadcast %eq3A_509 : f32 to vector<8x128xf32>
    %eq3A_511 = arith.cmpf oeq, %sub3A_403, %eq3A_510 : vector<8x128xf32>
    %jit3A_512 = arith.constant 0.000000e+00 : f32
    %broadcast_in_dim3A_513 = vector.broadcast %jit3A_512 : f32 to vector<8x128xf32>
    %select_n3A_514 = arith.select %eq3A_511, %broadcast_in_dim3A_513, %div3A_508 : vector<8x128xi1>, vector<8x128xf32>
    %mul3A_515 = arith.mulf %select_n3A_514, %select_n3A_514 : vector<8x128xf32>
    %add3A_516 = arith.constant 1.000000e+00 : f32
    %add3A_517 = vector.broadcast %add3A_516 : f32 to vector<8x128xf32>
    %add3A_518 = arith.addf %mul3A_515, %add3A_517 : vector<8x128xf32>
    %sqrt3A_519 = math.sqrt %add3A_518 : vector<8x128xf32>
    %div3A_520 = arith.constant 1.000000e+00 : f32
    %div3A_521 = vector.broadcast %div3A_520 : f32 to vector<8x128xf32>
    %div3A_522 = arith.divf %div3A_521, %sqrt3A_519 : vector<8x128xf32>
    %neg3A_523 = arith.constant 0.000000e+00 : f32
    %neg3A_524 = vector.broadcast %neg3A_523 : f32 to vector<8x128xf32>
    %neg3A_525 = arith.subf %neg3A_524, %select_n3A_514 : vector<8x128xf32>
    %mul3A_526 = arith.mulf %neg3A_525, %div3A_522 : vector<8x128xf32>
    %mul3A_527 = arith.mulf %div3A_483, %sub3A_367 : vector<8x128xf32>
    %mul3A_528 = arith.mulf %mul3A_487, %sub3A_385 : vector<8x128xf32>
    %sub3A_529 = arith.subf %mul3A_527, %mul3A_528 : vector<8x128xf32>
    %mul3A_530 = arith.mulf %mul3A_487, %sub3A_367 : vector<8x128xf32>
    %mul3A_531 = arith.mulf %div3A_483, %sub3A_385 : vector<8x128xf32>
    %add3A_532 = arith.addf %mul3A_530, %mul3A_531 : vector<8x128xf32>
    %mul3A_533 = arith.mulf %div3A_483, %add3A_370 : vector<8x128xf32>
    %mul3A_534 = arith.mulf %mul3A_487, %add3A_388 : vector<8x128xf32>
    %sub3A_535 = arith.subf %mul3A_533, %mul3A_534 : vector<8x128xf32>
    %mul3A_536 = arith.mulf %mul3A_487, %add3A_370 : vector<8x128xf32>
    %mul3A_537 = arith.mulf %div3A_483, %add3A_388 : vector<8x128xf32>
    %add3A_538 = arith.addf %mul3A_536, %mul3A_537 : vector<8x128xf32>
    %mul3A_539 = arith.mulf %div3A_483, %add3A_394 : vector<8x128xf32>
    %mul3A_540 = arith.mulf %mul3A_487, %add3A_412 : vector<8x128xf32>
    %sub3A_541 = arith.subf %mul3A_539, %mul3A_540 : vector<8x128xf32>
    %mul3A_542 = arith.mulf %mul3A_487, %add3A_394 : vector<8x128xf32>
    %mul3A_543 = arith.mulf %div3A_483, %add3A_412 : vector<8x128xf32>
    %add3A_544 = arith.addf %mul3A_542, %mul3A_543 : vector<8x128xf32>
    %mul3A_545 = arith.mulf %div3A_483, %sub3A_391 : vector<8x128xf32>
    %mul3A_546 = arith.mulf %mul3A_487, %sub3A_409 : vector<8x128xf32>
    %sub3A_547 = arith.subf %mul3A_545, %mul3A_546 : vector<8x128xf32>
    %mul3A_548 = arith.mulf %mul3A_487, %sub3A_391 : vector<8x128xf32>
    %mul3A_549 = arith.mulf %div3A_483, %sub3A_409 : vector<8x128xf32>
    %add3A_550 = arith.addf %mul3A_548, %mul3A_549 : vector<8x128xf32>
    %mul3A_551 = arith.mulf %div3A_522, %sub3A_379 : vector<8x128xf32>
    %mul3A_552 = arith.mulf %mul3A_526, %sub3A_373 : vector<8x128xf32>
    %sub3A_553 = arith.subf %mul3A_551, %mul3A_552 : vector<8x128xf32>
    %mul3A_554 = arith.mulf %mul3A_526, %sub3A_379 : vector<8x128xf32>
    %mul3A_555 = arith.mulf %div3A_522, %sub3A_373 : vector<8x128xf32>
    %add3A_556 = arith.addf %mul3A_554, %mul3A_555 : vector<8x128xf32>
    %mul3A_557 = arith.mulf %div3A_522, %add3A_382 : vector<8x128xf32>
    %mul3A_558 = arith.mulf %mul3A_526, %add3A_376 : vector<8x128xf32>
    %sub3A_559 = arith.subf %mul3A_557, %mul3A_558 : vector<8x128xf32>
    %mul3A_560 = arith.mulf %mul3A_526, %add3A_382 : vector<8x128xf32>
    %mul3A_561 = arith.mulf %div3A_522, %add3A_376 : vector<8x128xf32>
    %add3A_562 = arith.addf %mul3A_560, %mul3A_561 : vector<8x128xf32>
    %mul3A_563 = arith.mulf %div3A_522, %add3A_406 : vector<8x128xf32>
    %mul3A_564 = arith.mulf %mul3A_526, %add3A_400 : vector<8x128xf32>
    %sub3A_565 = arith.subf %mul3A_563, %mul3A_564 : vector<8x128xf32>
    %mul3A_566 = arith.mulf %mul3A_526, %add3A_406 : vector<8x128xf32>
    %mul3A_567 = arith.mulf %div3A_522, %add3A_400 : vector<8x128xf32>
    %add3A_568 = arith.addf %mul3A_566, %mul3A_567 : vector<8x128xf32>
    %mul3A_569 = arith.mulf %div3A_522, %sub3A_403 : vector<8x128xf32>
    %mul3A_570 = arith.mulf %mul3A_526, %sub3A_397 : vector<8x128xf32>
    %sub3A_571 = arith.subf %mul3A_569, %mul3A_570 : vector<8x128xf32>
    %mul3A_572 = arith.mulf %mul3A_526, %sub3A_403 : vector<8x128xf32>
    %mul3A_573 = arith.mulf %div3A_522, %sub3A_397 : vector<8x128xf32>
    %add3A_574 = arith.addf %mul3A_572, %mul3A_573 : vector<8x128xf32>
    %mul3A_575 = arith.mulf %div3A_483, %sub3A_529 : vector<8x128xf32>
    %mul3A_576 = arith.mulf %mul3A_487, %sub3A_541 : vector<8x128xf32>
    %sub3A_577 = arith.subf %mul3A_575, %mul3A_576 : vector<8x128xf32>
    %mul3A_578 = arith.mulf %mul3A_487, %sub3A_529 : vector<8x128xf32>
    %mul3A_579 = arith.mulf %div3A_483, %sub3A_541 : vector<8x128xf32>
    %add3A_580 = arith.addf %mul3A_578, %mul3A_579 : vector<8x128xf32>
    %mul3A_581 = arith.mulf %div3A_483, %sub3A_553 : vector<8x128xf32>
    %mul3A_582 = arith.mulf %mul3A_487, %sub3A_565 : vector<8x128xf32>
    %sub3A_583 = arith.subf %mul3A_581, %mul3A_582 : vector<8x128xf32>
    %mul3A_584 = arith.mulf %mul3A_487, %sub3A_553 : vector<8x128xf32>
    %mul3A_585 = arith.mulf %div3A_483, %sub3A_565 : vector<8x128xf32>
    %add3A_586 = arith.addf %mul3A_584, %mul3A_585 : vector<8x128xf32>
    %mul3A_587 = arith.mulf %div3A_483, %add3A_532 : vector<8x128xf32>
    %mul3A_588 = arith.mulf %mul3A_487, %add3A_544 : vector<8x128xf32>
    %sub3A_589 = arith.subf %mul3A_587, %mul3A_588 : vector<8x128xf32>
    %mul3A_590 = arith.mulf %mul3A_487, %add3A_532 : vector<8x128xf32>
    %mul3A_591 = arith.mulf %div3A_483, %add3A_544 : vector<8x128xf32>
    %add3A_592 = arith.addf %mul3A_590, %mul3A_591 : vector<8x128xf32>
    %mul3A_593 = arith.mulf %div3A_483, %add3A_556 : vector<8x128xf32>
    %mul3A_594 = arith.mulf %mul3A_487, %add3A_568 : vector<8x128xf32>
    %sub3A_595 = arith.subf %mul3A_593, %mul3A_594 : vector<8x128xf32>
    %mul3A_596 = arith.mulf %mul3A_487, %add3A_556 : vector<8x128xf32>
    %mul3A_597 = arith.mulf %div3A_483, %add3A_568 : vector<8x128xf32>
    %add3A_598 = arith.addf %mul3A_596, %mul3A_597 : vector<8x128xf32>
    %mul3A_599 = arith.mulf %div3A_522, %sub3A_535 : vector<8x128xf32>
    %mul3A_600 = arith.mulf %mul3A_526, %sub3A_547 : vector<8x128xf32>
    %sub3A_601 = arith.subf %mul3A_599, %mul3A_600 : vector<8x128xf32>
    %mul3A_602 = arith.mulf %mul3A_526, %sub3A_535 : vector<8x128xf32>
    %mul3A_603 = arith.mulf %div3A_522, %sub3A_547 : vector<8x128xf32>
    %add3A_604 = arith.addf %mul3A_602, %mul3A_603 : vector<8x128xf32>
    %mul3A_605 = arith.mulf %div3A_522, %sub3A_559 : vector<8x128xf32>
    %mul3A_606 = arith.mulf %mul3A_526, %sub3A_571 : vector<8x128xf32>
    %sub3A_607 = arith.subf %mul3A_605, %mul3A_606 : vector<8x128xf32>
    %mul3A_608 = arith.mulf %mul3A_526, %sub3A_559 : vector<8x128xf32>
    %mul3A_609 = arith.mulf %div3A_522, %sub3A_571 : vector<8x128xf32>
    %add3A_610 = arith.addf %mul3A_608, %mul3A_609 : vector<8x128xf32>
    %mul3A_611 = arith.mulf %div3A_522, %add3A_538 : vector<8x128xf32>
    %mul3A_612 = arith.mulf %mul3A_526, %add3A_550 : vector<8x128xf32>
    %sub3A_613 = arith.subf %mul3A_611, %mul3A_612 : vector<8x128xf32>
    %mul3A_614 = arith.mulf %mul3A_526, %add3A_538 : vector<8x128xf32>
    %mul3A_615 = arith.mulf %div3A_522, %add3A_550 : vector<8x128xf32>
    %add3A_616 = arith.addf %mul3A_614, %mul3A_615 : vector<8x128xf32>
    %mul3A_617 = arith.mulf %div3A_522, %add3A_562 : vector<8x128xf32>
    %mul3A_618 = arith.mulf %mul3A_526, %add3A_574 : vector<8x128xf32>
    %sub3A_619 = arith.subf %mul3A_617, %mul3A_618 : vector<8x128xf32>
    %mul3A_620 = arith.mulf %mul3A_526, %add3A_562 : vector<8x128xf32>
    %mul3A_621 = arith.mulf %div3A_522, %add3A_574 : vector<8x128xf32>
    %add3A_622 = arith.addf %mul3A_620, %mul3A_621 : vector<8x128xf32>
    %mul3A_623 = arith.mulf %div3A_483, %sub3A_415 : vector<8x128xf32>
    %mul3A_624 = arith.mulf %mul3A_487, %add3A_436 : vector<8x128xf32>
    %sub3A_625 = arith.subf %mul3A_623, %mul3A_624 : vector<8x128xf32>
    %mul3A_626 = arith.mulf %mul3A_487, %sub3A_415 : vector<8x128xf32>
    %mul3A_627 = arith.mulf %div3A_483, %add3A_436 : vector<8x128xf32>
    %add3A_628 = arith.addf %mul3A_626, %mul3A_627 : vector<8x128xf32>
    %mul3A_629 = arith.mulf %div3A_483, %sub3A_421 : vector<8x128xf32>
    %mul3A_630 = arith.mulf %mul3A_487, %add3A_442 : vector<8x128xf32>
    %sub3A_631 = arith.subf %mul3A_629, %mul3A_630 : vector<8x128xf32>
    %mul3A_632 = arith.mulf %mul3A_487, %sub3A_421 : vector<8x128xf32>
    %mul3A_633 = arith.mulf %div3A_483, %add3A_442 : vector<8x128xf32>
    %add3A_634 = arith.addf %mul3A_632, %mul3A_633 : vector<8x128xf32>
    %mul3A_635 = arith.mulf %div3A_483, %sub3A_427 : vector<8x128xf32>
    %mul3A_636 = arith.mulf %mul3A_487, %add3A_448 : vector<8x128xf32>
    %sub3A_637 = arith.subf %mul3A_635, %mul3A_636 : vector<8x128xf32>
    %mul3A_638 = arith.mulf %mul3A_487, %sub3A_427 : vector<8x128xf32>
    %mul3A_639 = arith.mulf %div3A_483, %add3A_448 : vector<8x128xf32>
    %add3A_640 = arith.addf %mul3A_638, %mul3A_639 : vector<8x128xf32>
    %mul3A_641 = arith.mulf %div3A_522, %add3A_418 : vector<8x128xf32>
    %mul3A_642 = arith.mulf %mul3A_526, %sub3A_433 : vector<8x128xf32>
    %sub3A_643 = arith.subf %mul3A_641, %mul3A_642 : vector<8x128xf32>
    %mul3A_644 = arith.mulf %mul3A_526, %add3A_418 : vector<8x128xf32>
    %mul3A_645 = arith.mulf %div3A_522, %sub3A_433 : vector<8x128xf32>
    %add3A_646 = arith.addf %mul3A_644, %mul3A_645 : vector<8x128xf32>
    %mul3A_647 = arith.mulf %div3A_522, %add3A_424 : vector<8x128xf32>
    %mul3A_648 = arith.mulf %mul3A_526, %sub3A_439 : vector<8x128xf32>
    %sub3A_649 = arith.subf %mul3A_647, %mul3A_648 : vector<8x128xf32>
    %mul3A_650 = arith.mulf %mul3A_526, %add3A_424 : vector<8x128xf32>
    %mul3A_651 = arith.mulf %div3A_522, %sub3A_439 : vector<8x128xf32>
    %add3A_652 = arith.addf %mul3A_650, %mul3A_651 : vector<8x128xf32>
    %mul3A_653 = arith.mulf %div3A_522, %add3A_430 : vector<8x128xf32>
    %mul3A_654 = arith.mulf %mul3A_526, %sub3A_445 : vector<8x128xf32>
    %sub3A_655 = arith.subf %mul3A_653, %mul3A_654 : vector<8x128xf32>
    %mul3A_656 = arith.mulf %mul3A_526, %add3A_430 : vector<8x128xf32>
    %mul3A_657 = arith.mulf %div3A_522, %sub3A_445 : vector<8x128xf32>
    %add3A_658 = arith.addf %mul3A_656, %mul3A_657 : vector<8x128xf32>
    %sub3A_659 = arith.subf %sub3A_577, %add3A_622 : vector<8x128xf32>
    %mul3A_660 = arith.constant 2.000000e+00 : f32
    %mul3A_661 = vector.broadcast %mul3A_660 : f32 to vector<8x128xf32>
    %mul3A_662 = arith.mulf %mul3A_661, %add3A_604 : vector<8x128xf32>
    %div3A_663 = arith.divf %sub3A_659, %mul3A_662 : vector<8x128xf32>
    %gt3A_664 = arith.constant 0.000000e+00 : f32
    %gt3A_665 = vector.broadcast %gt3A_664 : f32 to vector<8x128xf32>
    %gt3A_666 = arith.cmpf ogt, %div3A_663, %gt3A_665 : vector<8x128xf32>
    %jit3A_667 = arith.constant 1.000000e+00 : f32
    %jit3A_668 = arith.constant -1.000000e+00 : f32
    %broadcast_in_dim3A_669 = vector.broadcast %jit3A_667 : f32 to vector<8x128xf32>
    %broadcast_in_dim3A_670 = vector.broadcast %jit3A_668 : f32 to vector<8x128xf32>
    %select_n3A_671 = arith.select %gt3A_666, %broadcast_in_dim3A_669, %broadcast_in_dim3A_670 : vector<8x128xi1>, vector<8x128xf32>
    %abs3A_672 = math.absf %div3A_663 : vector<8x128xf32>
    %mul3A_673 = arith.mulf %div3A_663, %div3A_663 : vector<8x128xf32>
    %add3A_674 = arith.constant 1.000000e+00 : f32
    %add3A_675 = vector.broadcast %add3A_674 : f32 to vector<8x128xf32>
    %add3A_676 = arith.addf %add3A_675, %mul3A_673 : vector<8x128xf32>
    %sqrt3A_677 = math.sqrt %add3A_676 : vector<8x128xf32>
    %add3A_678 = arith.addf %abs3A_672, %sqrt3A_677 : vector<8x128xf32>
    %div3A_679 = arith.divf %select_n3A_671, %add3A_678 : vector<8x128xf32>
    %eq3A_680 = arith.constant 0.000000e+00 : f32
    %eq3A_681 = vector.broadcast %eq3A_680 : f32 to vector<8x128xf32>
    %eq3A_682 = arith.cmpf oeq, %add3A_604, %eq3A_681 : vector<8x128xf32>
    %jit3A_683 = arith.constant 0.000000e+00 : f32
    %broadcast_in_dim3A_684 = vector.broadcast %jit3A_683 : f32 to vector<8x128xf32>
    %select_n3A_685 = arith.select %eq3A_682, %broadcast_in_dim3A_684, %div3A_679 : vector<8x128xi1>, vector<8x128xf32>
    %mul3A_686 = arith.mulf %select_n3A_685, %select_n3A_685 : vector<8x128xf32>
    %add3A_687 = arith.constant 1.000000e+00 : f32
    %add3A_688 = vector.broadcast %add3A_687 : f32 to vector<8x128xf32>
    %add3A_689 = arith.addf %mul3A_686, %add3A_688 : vector<8x128xf32>
    %sqrt3A_690 = math.sqrt %add3A_689 : vector<8x128xf32>
    %div3A_691 = arith.constant 1.000000e+00 : f32
    %div3A_692 = vector.broadcast %div3A_691 : f32 to vector<8x128xf32>
    %div3A_693 = arith.divf %div3A_692, %sqrt3A_690 : vector<8x128xf32>
    %neg3A_694 = arith.constant 0.000000e+00 : f32
    %neg3A_695 = vector.broadcast %neg3A_694 : f32 to vector<8x128xf32>
    %neg3A_696 = arith.subf %neg3A_695, %select_n3A_685 : vector<8x128xf32>
    %mul3A_697 = arith.mulf %neg3A_696, %div3A_693 : vector<8x128xf32>
    %sub3A_698 = arith.subf %add3A_592, %sub3A_607 : vector<8x128xf32>
    %mul3A_699 = arith.constant 2.000000e+00 : f32
    %mul3A_700 = vector.broadcast %mul3A_699 : f32 to vector<8x128xf32>
    %mul3A_701 = arith.mulf %mul3A_700, %sub3A_613 : vector<8x128xf32>
    %div3A_702 = arith.divf %sub3A_698, %mul3A_701 : vector<8x128xf32>
    %gt3A_703 = arith.constant 0.000000e+00 : f32
    %gt3A_704 = vector.broadcast %gt3A_703 : f32 to vector<8x128xf32>
    %gt3A_705 = arith.cmpf ogt, %div3A_702, %gt3A_704 : vector<8x128xf32>
    %jit3A_706 = arith.constant 1.000000e+00 : f32
    %jit3A_707 = arith.constant -1.000000e+00 : f32
    %broadcast_in_dim3A_708 = vector.broadcast %jit3A_706 : f32 to vector<8x128xf32>
    %broadcast_in_dim3A_709 = vector.broadcast %jit3A_707 : f32 to vector<8x128xf32>
    %select_n3A_710 = arith.select %gt3A_705, %broadcast_in_dim3A_708, %broadcast_in_dim3A_709 : vector<8x128xi1>, vector<8x128xf32>
    %abs3A_711 = math.absf %div3A_702 : vector<8x128xf32>
    %mul3A_712 = arith.mulf %div3A_702, %div3A_702 : vector<8x128xf32>
    %add3A_713 = arith.constant 1.000000e+00 : f32
    %add3A_714 = vector.broadcast %add3A_713 : f32 to vector<8x128xf32>
    %add3A_715 = arith.addf %add3A_714, %mul3A_712 : vector<8x128xf32>
    %sqrt3A_716 = math.sqrt %add3A_715 : vector<8x128xf32>
    %add3A_717 = arith.addf %abs3A_711, %sqrt3A_716 : vector<8x128xf32>
    %div3A_718 = arith.divf %select_n3A_710, %add3A_717 : vector<8x128xf32>
    %eq3A_719 = arith.constant 0.000000e+00 : f32
    %eq3A_720 = vector.broadcast %eq3A_719 : f32 to vector<8x128xf32>
    %eq3A_721 = arith.cmpf oeq, %sub3A_613, %eq3A_720 : vector<8x128xf32>
    %jit3A_722 = arith.constant 0.000000e+00 : f32
    %broadcast_in_dim3A_723 = vector.broadcast %jit3A_722 : f32 to vector<8x128xf32>
    %select_n3A_724 = arith.select %eq3A_721, %broadcast_in_dim3A_723, %div3A_718 : vector<8x128xi1>, vector<8x128xf32>
    %mul3A_725 = arith.mulf %select_n3A_724, %select_n3A_724 : vector<8x128xf32>
    %add3A_726 = arith.constant 1.000000e+00 : f32
    %add3A_727 = vector.broadcast %add3A_726 : f32 to vector<8x128xf32>
    %add3A_728 = arith.addf %mul3A_725, %add3A_727 : vector<8x128xf32>
    %sqrt3A_729 = math.sqrt %add3A_728 : vector<8x128xf32>
    %div3A_730 = arith.constant 1.000000e+00 : f32
    %div3A_731 = vector.broadcast %div3A_730 : f32 to vector<8x128xf32>
    %div3A_732 = arith.divf %div3A_731, %sqrt3A_729 : vector<8x128xf32>
    %neg3A_733 = arith.constant 0.000000e+00 : f32
    %neg3A_734 = vector.broadcast %neg3A_733 : f32 to vector<8x128xf32>
    %neg3A_735 = arith.subf %neg3A_734, %select_n3A_724 : vector<8x128xf32>
    %mul3A_736 = arith.mulf %neg3A_735, %div3A_732 : vector<8x128xf32>
    %mul3A_737 = arith.mulf %div3A_693, %sub3A_577 : vector<8x128xf32>
    %mul3A_738 = arith.mulf %mul3A_697, %sub3A_595 : vector<8x128xf32>
    %sub3A_739 = arith.subf %mul3A_737, %mul3A_738 : vector<8x128xf32>
    %mul3A_740 = arith.mulf %mul3A_697, %sub3A_577 : vector<8x128xf32>
    %mul3A_741 = arith.mulf %div3A_693, %sub3A_595 : vector<8x128xf32>
    %add3A_742 = arith.addf %mul3A_740, %mul3A_741 : vector<8x128xf32>
    %mul3A_743 = arith.mulf %div3A_693, %add3A_580 : vector<8x128xf32>
    %mul3A_744 = arith.mulf %mul3A_697, %add3A_598 : vector<8x128xf32>
    %sub3A_745 = arith.subf %mul3A_743, %mul3A_744 : vector<8x128xf32>
    %mul3A_746 = arith.mulf %mul3A_697, %add3A_580 : vector<8x128xf32>
    %mul3A_747 = arith.mulf %div3A_693, %add3A_598 : vector<8x128xf32>
    %add3A_748 = arith.addf %mul3A_746, %mul3A_747 : vector<8x128xf32>
    %mul3A_749 = arith.mulf %div3A_693, %add3A_604 : vector<8x128xf32>
    %mul3A_750 = arith.mulf %mul3A_697, %add3A_622 : vector<8x128xf32>
    %sub3A_751 = arith.subf %mul3A_749, %mul3A_750 : vector<8x128xf32>
    %mul3A_752 = arith.mulf %mul3A_697, %add3A_604 : vector<8x128xf32>
    %mul3A_753 = arith.mulf %div3A_693, %add3A_622 : vector<8x128xf32>
    %add3A_754 = arith.addf %mul3A_752, %mul3A_753 : vector<8x128xf32>
    %mul3A_755 = arith.mulf %div3A_693, %sub3A_601 : vector<8x128xf32>
    %mul3A_756 = arith.mulf %mul3A_697, %sub3A_619 : vector<8x128xf32>
    %sub3A_757 = arith.subf %mul3A_755, %mul3A_756 : vector<8x128xf32>
    %mul3A_758 = arith.mulf %mul3A_697, %sub3A_601 : vector<8x128xf32>
    %mul3A_759 = arith.mulf %div3A_693, %sub3A_619 : vector<8x128xf32>
    %add3A_760 = arith.addf %mul3A_758, %mul3A_759 : vector<8x128xf32>
    %mul3A_761 = arith.mulf %div3A_732, %sub3A_589 : vector<8x128xf32>
    %mul3A_762 = arith.mulf %mul3A_736, %sub3A_583 : vector<8x128xf32>
    %sub3A_763 = arith.subf %mul3A_761, %mul3A_762 : vector<8x128xf32>
    %mul3A_764 = arith.mulf %mul3A_736, %sub3A_589 : vector<8x128xf32>
    %mul3A_765 = arith.mulf %div3A_732, %sub3A_583 : vector<8x128xf32>
    %add3A_766 = arith.addf %mul3A_764, %mul3A_765 : vector<8x128xf32>
    %mul3A_767 = arith.mulf %div3A_732, %add3A_592 : vector<8x128xf32>
    %mul3A_768 = arith.mulf %mul3A_736, %add3A_586 : vector<8x128xf32>
    %sub3A_769 = arith.subf %mul3A_767, %mul3A_768 : vector<8x128xf32>
    %mul3A_770 = arith.mulf %mul3A_736, %add3A_592 : vector<8x128xf32>
    %mul3A_771 = arith.mulf %div3A_732, %add3A_586 : vector<8x128xf32>
    %add3A_772 = arith.addf %mul3A_770, %mul3A_771 : vector<8x128xf32>
    %mul3A_773 = arith.mulf %div3A_732, %add3A_616 : vector<8x128xf32>
    %mul3A_774 = arith.mulf %mul3A_736, %add3A_610 : vector<8x128xf32>
    %sub3A_775 = arith.subf %mul3A_773, %mul3A_774 : vector<8x128xf32>
    %mul3A_776 = arith.mulf %mul3A_736, %add3A_616 : vector<8x128xf32>
    %mul3A_777 = arith.mulf %div3A_732, %add3A_610 : vector<8x128xf32>
    %add3A_778 = arith.addf %mul3A_776, %mul3A_777 : vector<8x128xf32>
    %mul3A_779 = arith.mulf %div3A_732, %sub3A_613 : vector<8x128xf32>
    %mul3A_780 = arith.mulf %mul3A_736, %sub3A_607 : vector<8x128xf32>
    %sub3A_781 = arith.subf %mul3A_779, %mul3A_780 : vector<8x128xf32>
    %mul3A_782 = arith.mulf %mul3A_736, %sub3A_613 : vector<8x128xf32>
    %mul3A_783 = arith.mulf %div3A_732, %sub3A_607 : vector<8x128xf32>
    %add3A_784 = arith.addf %mul3A_782, %mul3A_783 : vector<8x128xf32>
    %mul3A_785 = arith.mulf %div3A_693, %sub3A_739 : vector<8x128xf32>
    %mul3A_786 = arith.mulf %mul3A_697, %sub3A_751 : vector<8x128xf32>
    %sub3A_787 = arith.subf %mul3A_785, %mul3A_786 : vector<8x128xf32>
    %mul3A_788 = arith.mulf %mul3A_697, %sub3A_739 : vector<8x128xf32>
    %mul3A_789 = arith.mulf %div3A_693, %sub3A_751 : vector<8x128xf32>
    %add3A_790 = arith.addf %mul3A_788, %mul3A_789 : vector<8x128xf32>
    %mul3A_791 = arith.mulf %div3A_693, %sub3A_763 : vector<8x128xf32>
    %mul3A_792 = arith.mulf %mul3A_697, %sub3A_775 : vector<8x128xf32>
    %sub3A_793 = arith.subf %mul3A_791, %mul3A_792 : vector<8x128xf32>
    %mul3A_794 = arith.mulf %mul3A_697, %sub3A_763 : vector<8x128xf32>
    %mul3A_795 = arith.mulf %div3A_693, %sub3A_775 : vector<8x128xf32>
    %add3A_796 = arith.addf %mul3A_794, %mul3A_795 : vector<8x128xf32>
    %mul3A_797 = arith.mulf %div3A_693, %add3A_742 : vector<8x128xf32>
    %mul3A_798 = arith.mulf %mul3A_697, %add3A_754 : vector<8x128xf32>
    %sub3A_799 = arith.subf %mul3A_797, %mul3A_798 : vector<8x128xf32>
    %mul3A_800 = arith.mulf %mul3A_697, %add3A_742 : vector<8x128xf32>
    %mul3A_801 = arith.mulf %div3A_693, %add3A_754 : vector<8x128xf32>
    %add3A_802 = arith.addf %mul3A_800, %mul3A_801 : vector<8x128xf32>
    %mul3A_803 = arith.mulf %div3A_693, %add3A_766 : vector<8x128xf32>
    %mul3A_804 = arith.mulf %mul3A_697, %add3A_778 : vector<8x128xf32>
    %sub3A_805 = arith.subf %mul3A_803, %mul3A_804 : vector<8x128xf32>
    %mul3A_806 = arith.mulf %mul3A_697, %add3A_766 : vector<8x128xf32>
    %mul3A_807 = arith.mulf %div3A_693, %add3A_778 : vector<8x128xf32>
    %add3A_808 = arith.addf %mul3A_806, %mul3A_807 : vector<8x128xf32>
    %mul3A_809 = arith.mulf %div3A_732, %sub3A_745 : vector<8x128xf32>
    %mul3A_810 = arith.mulf %mul3A_736, %sub3A_757 : vector<8x128xf32>
    %sub3A_811 = arith.subf %mul3A_809, %mul3A_810 : vector<8x128xf32>
    %mul3A_812 = arith.mulf %mul3A_736, %sub3A_745 : vector<8x128xf32>
    %mul3A_813 = arith.mulf %div3A_732, %sub3A_757 : vector<8x128xf32>
    %add3A_814 = arith.addf %mul3A_812, %mul3A_813 : vector<8x128xf32>
    %mul3A_815 = arith.mulf %div3A_732, %sub3A_769 : vector<8x128xf32>
    %mul3A_816 = arith.mulf %mul3A_736, %sub3A_781 : vector<8x128xf32>
    %sub3A_817 = arith.subf %mul3A_815, %mul3A_816 : vector<8x128xf32>
    %mul3A_818 = arith.mulf %mul3A_736, %sub3A_769 : vector<8x128xf32>
    %mul3A_819 = arith.mulf %div3A_732, %sub3A_781 : vector<8x128xf32>
    %add3A_820 = arith.addf %mul3A_818, %mul3A_819 : vector<8x128xf32>
    %mul3A_821 = arith.mulf %div3A_732, %add3A_748 : vector<8x128xf32>
    %mul3A_822 = arith.mulf %mul3A_736, %add3A_760 : vector<8x128xf32>
    %sub3A_823 = arith.subf %mul3A_821, %mul3A_822 : vector<8x128xf32>
    %mul3A_824 = arith.mulf %mul3A_736, %add3A_748 : vector<8x128xf32>
    %mul3A_825 = arith.mulf %div3A_732, %add3A_760 : vector<8x128xf32>
    %add3A_826 = arith.addf %mul3A_824, %mul3A_825 : vector<8x128xf32>
    %mul3A_827 = arith.mulf %div3A_732, %add3A_772 : vector<8x128xf32>
    %mul3A_828 = arith.mulf %mul3A_736, %add3A_784 : vector<8x128xf32>
    %sub3A_829 = arith.subf %mul3A_827, %mul3A_828 : vector<8x128xf32>
    %mul3A_830 = arith.mulf %mul3A_736, %add3A_772 : vector<8x128xf32>
    %mul3A_831 = arith.mulf %div3A_732, %add3A_784 : vector<8x128xf32>
    %add3A_832 = arith.addf %mul3A_830, %mul3A_831 : vector<8x128xf32>
    %mul3A_833 = arith.mulf %div3A_693, %sub3A_625 : vector<8x128xf32>
    %mul3A_834 = arith.mulf %mul3A_697, %add3A_646 : vector<8x128xf32>
    %sub3A_835 = arith.subf %mul3A_833, %mul3A_834 : vector<8x128xf32>
    %mul3A_836 = arith.mulf %mul3A_697, %sub3A_625 : vector<8x128xf32>
    %mul3A_837 = arith.mulf %div3A_693, %add3A_646 : vector<8x128xf32>
    %add3A_838 = arith.addf %mul3A_836, %mul3A_837 : vector<8x128xf32>
    %mul3A_839 = arith.mulf %div3A_693, %sub3A_631 : vector<8x128xf32>
    %mul3A_840 = arith.mulf %mul3A_697, %add3A_652 : vector<8x128xf32>
    %sub3A_841 = arith.subf %mul3A_839, %mul3A_840 : vector<8x128xf32>
    %mul3A_842 = arith.mulf %mul3A_697, %sub3A_631 : vector<8x128xf32>
    %mul3A_843 = arith.mulf %div3A_693, %add3A_652 : vector<8x128xf32>
    %add3A_844 = arith.addf %mul3A_842, %mul3A_843 : vector<8x128xf32>
    %mul3A_845 = arith.mulf %div3A_693, %sub3A_637 : vector<8x128xf32>
    %mul3A_846 = arith.mulf %mul3A_697, %add3A_658 : vector<8x128xf32>
    %sub3A_847 = arith.subf %mul3A_845, %mul3A_846 : vector<8x128xf32>
    %mul3A_848 = arith.mulf %mul3A_697, %sub3A_637 : vector<8x128xf32>
    %mul3A_849 = arith.mulf %div3A_693, %add3A_658 : vector<8x128xf32>
    %add3A_850 = arith.addf %mul3A_848, %mul3A_849 : vector<8x128xf32>
    %mul3A_851 = arith.mulf %div3A_732, %add3A_628 : vector<8x128xf32>
    %mul3A_852 = arith.mulf %mul3A_736, %sub3A_643 : vector<8x128xf32>
    %sub3A_853 = arith.subf %mul3A_851, %mul3A_852 : vector<8x128xf32>
    %mul3A_854 = arith.mulf %mul3A_736, %add3A_628 : vector<8x128xf32>
    %mul3A_855 = arith.mulf %div3A_732, %sub3A_643 : vector<8x128xf32>
    %add3A_856 = arith.addf %mul3A_854, %mul3A_855 : vector<8x128xf32>
    %mul3A_857 = arith.mulf %div3A_732, %add3A_634 : vector<8x128xf32>
    %mul3A_858 = arith.mulf %mul3A_736, %sub3A_649 : vector<8x128xf32>
    %sub3A_859 = arith.subf %mul3A_857, %mul3A_858 : vector<8x128xf32>
    %mul3A_860 = arith.mulf %mul3A_736, %add3A_634 : vector<8x128xf32>
    %mul3A_861 = arith.mulf %div3A_732, %sub3A_649 : vector<8x128xf32>
    %add3A_862 = arith.addf %mul3A_860, %mul3A_861 : vector<8x128xf32>
    %mul3A_863 = arith.mulf %div3A_732, %add3A_640 : vector<8x128xf32>
    %mul3A_864 = arith.mulf %mul3A_736, %sub3A_655 : vector<8x128xf32>
    %sub3A_865 = arith.subf %mul3A_863, %mul3A_864 : vector<8x128xf32>
    %mul3A_866 = arith.mulf %mul3A_736, %add3A_640 : vector<8x128xf32>
    %mul3A_867 = arith.mulf %div3A_732, %sub3A_655 : vector<8x128xf32>
    %add3A_868 = arith.addf %mul3A_866, %mul3A_867 : vector<8x128xf32>
    %sub3A_869 = arith.subf %sub3A_787, %add3A_832 : vector<8x128xf32>
    %mul3A_870 = arith.constant 2.000000e+00 : f32
    %mul3A_871 = vector.broadcast %mul3A_870 : f32 to vector<8x128xf32>
    %mul3A_872 = arith.mulf %mul3A_871, %add3A_814 : vector<8x128xf32>
    %div3A_873 = arith.divf %sub3A_869, %mul3A_872 : vector<8x128xf32>
    %gt3A_874 = arith.constant 0.000000e+00 : f32
    %gt3A_875 = vector.broadcast %gt3A_874 : f32 to vector<8x128xf32>
    %gt3A_876 = arith.cmpf ogt, %div3A_873, %gt3A_875 : vector<8x128xf32>
    %jit3A_877 = arith.constant 1.000000e+00 : f32
    %jit3A_878 = arith.constant -1.000000e+00 : f32
    %broadcast_in_dim3A_879 = vector.broadcast %jit3A_877 : f32 to vector<8x128xf32>
    %broadcast_in_dim3A_880 = vector.broadcast %jit3A_878 : f32 to vector<8x128xf32>
    %select_n3A_881 = arith.select %gt3A_876, %broadcast_in_dim3A_879, %broadcast_in_dim3A_880 : vector<8x128xi1>, vector<8x128xf32>
    %abs3A_882 = math.absf %div3A_873 : vector<8x128xf32>
    %mul3A_883 = arith.mulf %div3A_873, %div3A_873 : vector<8x128xf32>
    %add3A_884 = arith.constant 1.000000e+00 : f32
    %add3A_885 = vector.broadcast %add3A_884 : f32 to vector<8x128xf32>
    %add3A_886 = arith.addf %add3A_885, %mul3A_883 : vector<8x128xf32>
    %sqrt3A_887 = math.sqrt %add3A_886 : vector<8x128xf32>
    %add3A_888 = arith.addf %abs3A_882, %sqrt3A_887 : vector<8x128xf32>
    %div3A_889 = arith.divf %select_n3A_881, %add3A_888 : vector<8x128xf32>
    %eq3A_890 = arith.constant 0.000000e+00 : f32
    %eq3A_891 = vector.broadcast %eq3A_890 : f32 to vector<8x128xf32>
    %eq3A_892 = arith.cmpf oeq, %add3A_814, %eq3A_891 : vector<8x128xf32>
    %jit3A_893 = arith.constant 0.000000e+00 : f32
    %broadcast_in_dim3A_894 = vector.broadcast %jit3A_893 : f32 to vector<8x128xf32>
    %select_n3A_895 = arith.select %eq3A_892, %broadcast_in_dim3A_894, %div3A_889 : vector<8x128xi1>, vector<8x128xf32>
    %mul3A_896 = arith.mulf %select_n3A_895, %select_n3A_895 : vector<8x128xf32>
    %add3A_897 = arith.constant 1.000000e+00 : f32
    %add3A_898 = vector.broadcast %add3A_897 : f32 to vector<8x128xf32>
    %add3A_899 = arith.addf %mul3A_896, %add3A_898 : vector<8x128xf32>
    %sqrt3A_900 = math.sqrt %add3A_899 : vector<8x128xf32>
    %div3A_901 = arith.constant 1.000000e+00 : f32
    %div3A_902 = vector.broadcast %div3A_901 : f32 to vector<8x128xf32>
    %div3A_903 = arith.divf %div3A_902, %sqrt3A_900 : vector<8x128xf32>
    %neg3A_904 = arith.constant 0.000000e+00 : f32
    %neg3A_905 = vector.broadcast %neg3A_904 : f32 to vector<8x128xf32>
    %neg3A_906 = arith.subf %neg3A_905, %select_n3A_895 : vector<8x128xf32>
    %mul3A_907 = arith.mulf %neg3A_906, %div3A_903 : vector<8x128xf32>
    %sub3A_908 = arith.subf %add3A_802, %sub3A_817 : vector<8x128xf32>
    %mul3A_909 = arith.constant 2.000000e+00 : f32
    %mul3A_910 = vector.broadcast %mul3A_909 : f32 to vector<8x128xf32>
    %mul3A_911 = arith.mulf %mul3A_910, %sub3A_823 : vector<8x128xf32>
    %div3A_912 = arith.divf %sub3A_908, %mul3A_911 : vector<8x128xf32>
    %gt3A_913 = arith.constant 0.000000e+00 : f32
    %gt3A_914 = vector.broadcast %gt3A_913 : f32 to vector<8x128xf32>
    %gt3A_915 = arith.cmpf ogt, %div3A_912, %gt3A_914 : vector<8x128xf32>
    %jit3A_916 = arith.constant 1.000000e+00 : f32
    %jit3A_917 = arith.constant -1.000000e+00 : f32
    %broadcast_in_dim3A_918 = vector.broadcast %jit3A_916 : f32 to vector<8x128xf32>
    %broadcast_in_dim3A_919 = vector.broadcast %jit3A_917 : f32 to vector<8x128xf32>
    %select_n3A_920 = arith.select %gt3A_915, %broadcast_in_dim3A_918, %broadcast_in_dim3A_919 : vector<8x128xi1>, vector<8x128xf32>
    %abs3A_921 = math.absf %div3A_912 : vector<8x128xf32>
    %mul3A_922 = arith.mulf %div3A_912, %div3A_912 : vector<8x128xf32>
    %add3A_923 = arith.constant 1.000000e+00 : f32
    %add3A_924 = vector.broadcast %add3A_923 : f32 to vector<8x128xf32>
    %add3A_925 = arith.addf %add3A_924, %mul3A_922 : vector<8x128xf32>
    %sqrt3A_926 = math.sqrt %add3A_925 : vector<8x128xf32>
    %add3A_927 = arith.addf %abs3A_921, %sqrt3A_926 : vector<8x128xf32>
    %div3A_928 = arith.divf %select_n3A_920, %add3A_927 : vector<8x128xf32>
    %eq3A_929 = arith.constant 0.000000e+00 : f32
    %eq3A_930 = vector.broadcast %eq3A_929 : f32 to vector<8x128xf32>
    %eq3A_931 = arith.cmpf oeq, %sub3A_823, %eq3A_930 : vector<8x128xf32>
    %jit3A_932 = arith.constant 0.000000e+00 : f32
    %broadcast_in_dim3A_933 = vector.broadcast %jit3A_932 : f32 to vector<8x128xf32>
    %select_n3A_934 = arith.select %eq3A_931, %broadcast_in_dim3A_933, %div3A_928 : vector<8x128xi1>, vector<8x128xf32>
    %mul3A_935 = arith.mulf %select_n3A_934, %select_n3A_934 : vector<8x128xf32>
    %add3A_936 = arith.constant 1.000000e+00 : f32
    %add3A_937 = vector.broadcast %add3A_936 : f32 to vector<8x128xf32>
    %add3A_938 = arith.addf %mul3A_935, %add3A_937 : vector<8x128xf32>
    %sqrt3A_939 = math.sqrt %add3A_938 : vector<8x128xf32>
    %div3A_940 = arith.constant 1.000000e+00 : f32
    %div3A_941 = vector.broadcast %div3A_940 : f32 to vector<8x128xf32>
    %div3A_942 = arith.divf %div3A_941, %sqrt3A_939 : vector<8x128xf32>
    %neg3A_943 = arith.constant 0.000000e+00 : f32
    %neg3A_944 = vector.broadcast %neg3A_943 : f32 to vector<8x128xf32>
    %neg3A_945 = arith.subf %neg3A_944, %select_n3A_934 : vector<8x128xf32>
    %mul3A_946 = arith.mulf %neg3A_945, %div3A_942 : vector<8x128xf32>
    %mul3A_947 = arith.mulf %div3A_903, %sub3A_787 : vector<8x128xf32>
    %mul3A_948 = arith.mulf %mul3A_907, %sub3A_805 : vector<8x128xf32>
    %sub3A_949 = arith.subf %mul3A_947, %mul3A_948 : vector<8x128xf32>
    %mul3A_950 = arith.mulf %mul3A_907, %sub3A_787 : vector<8x128xf32>
    %mul3A_951 = arith.mulf %div3A_903, %sub3A_805 : vector<8x128xf32>
    %add3A_952 = arith.addf %mul3A_950, %mul3A_951 : vector<8x128xf32>
    %mul3A_953 = arith.mulf %div3A_903, %add3A_790 : vector<8x128xf32>
    %mul3A_954 = arith.mulf %mul3A_907, %add3A_808 : vector<8x128xf32>
    %sub3A_955 = arith.subf %mul3A_953, %mul3A_954 : vector<8x128xf32>
    %mul3A_956 = arith.mulf %mul3A_907, %add3A_790 : vector<8x128xf32>
    %mul3A_957 = arith.mulf %div3A_903, %add3A_808 : vector<8x128xf32>
    %add3A_958 = arith.addf %mul3A_956, %mul3A_957 : vector<8x128xf32>
    %mul3A_959 = arith.mulf %div3A_903, %add3A_814 : vector<8x128xf32>
    %mul3A_960 = arith.mulf %mul3A_907, %add3A_832 : vector<8x128xf32>
    %sub3A_961 = arith.subf %mul3A_959, %mul3A_960 : vector<8x128xf32>
    %mul3A_962 = arith.mulf %mul3A_907, %add3A_814 : vector<8x128xf32>
    %mul3A_963 = arith.mulf %div3A_903, %add3A_832 : vector<8x128xf32>
    %add3A_964 = arith.addf %mul3A_962, %mul3A_963 : vector<8x128xf32>
    %mul3A_965 = arith.mulf %div3A_903, %sub3A_811 : vector<8x128xf32>
    %mul3A_966 = arith.mulf %mul3A_907, %sub3A_829 : vector<8x128xf32>
    %sub3A_967 = arith.subf %mul3A_965, %mul3A_966 : vector<8x128xf32>
    %mul3A_968 = arith.mulf %mul3A_907, %sub3A_811 : vector<8x128xf32>
    %mul3A_969 = arith.mulf %div3A_903, %sub3A_829 : vector<8x128xf32>
    %add3A_970 = arith.addf %mul3A_968, %mul3A_969 : vector<8x128xf32>
    %mul3A_971 = arith.mulf %div3A_942, %sub3A_799 : vector<8x128xf32>
    %mul3A_972 = arith.mulf %mul3A_946, %sub3A_793 : vector<8x128xf32>
    %sub3A_973 = arith.subf %mul3A_971, %mul3A_972 : vector<8x128xf32>
    %mul3A_974 = arith.mulf %mul3A_946, %sub3A_799 : vector<8x128xf32>
    %mul3A_975 = arith.mulf %div3A_942, %sub3A_793 : vector<8x128xf32>
    %add3A_976 = arith.addf %mul3A_974, %mul3A_975 : vector<8x128xf32>
    %mul3A_977 = arith.mulf %div3A_942, %add3A_802 : vector<8x128xf32>
    %mul3A_978 = arith.mulf %mul3A_946, %add3A_796 : vector<8x128xf32>
    %sub3A_979 = arith.subf %mul3A_977, %mul3A_978 : vector<8x128xf32>
    %mul3A_980 = arith.mulf %mul3A_946, %add3A_802 : vector<8x128xf32>
    %mul3A_981 = arith.mulf %div3A_942, %add3A_796 : vector<8x128xf32>
    %add3A_982 = arith.addf %mul3A_980, %mul3A_981 : vector<8x128xf32>
    %mul3A_983 = arith.mulf %div3A_942, %add3A_826 : vector<8x128xf32>
    %mul3A_984 = arith.mulf %mul3A_946, %add3A_820 : vector<8x128xf32>
    %sub3A_985 = arith.subf %mul3A_983, %mul3A_984 : vector<8x128xf32>
    %mul3A_986 = arith.mulf %mul3A_946, %add3A_826 : vector<8x128xf32>
    %mul3A_987 = arith.mulf %div3A_942, %add3A_820 : vector<8x128xf32>
    %add3A_988 = arith.addf %mul3A_986, %mul3A_987 : vector<8x128xf32>
    %mul3A_989 = arith.mulf %div3A_942, %sub3A_823 : vector<8x128xf32>
    %mul3A_990 = arith.mulf %mul3A_946, %sub3A_817 : vector<8x128xf32>
    %sub3A_991 = arith.subf %mul3A_989, %mul3A_990 : vector<8x128xf32>
    %mul3A_992 = arith.mulf %mul3A_946, %sub3A_823 : vector<8x128xf32>
    %mul3A_993 = arith.mulf %div3A_942, %sub3A_817 : vector<8x128xf32>
    %add3A_994 = arith.addf %mul3A_992, %mul3A_993 : vector<8x128xf32>
    %mul3A_995 = arith.mulf %div3A_903, %sub3A_949 : vector<8x128xf32>
    %mul3A_996 = arith.mulf %mul3A_907, %sub3A_961 : vector<8x128xf32>
    %sub3A_997 = arith.subf %mul3A_995, %mul3A_996 : vector<8x128xf32>
    %mul3A_998 = arith.mulf %mul3A_907, %sub3A_949 : vector<8x128xf32>
    %mul3A_999 = arith.mulf %div3A_903, %sub3A_961 : vector<8x128xf32>
    %add3A_1000 = arith.addf %mul3A_998, %mul3A_999 : vector<8x128xf32>
    %mul3A_1001 = arith.mulf %div3A_903, %sub3A_973 : vector<8x128xf32>
    %mul3A_1002 = arith.mulf %mul3A_907, %sub3A_985 : vector<8x128xf32>
    %sub3A_1003 = arith.subf %mul3A_1001, %mul3A_1002 : vector<8x128xf32>
    %mul3A_1004 = arith.mulf %mul3A_907, %sub3A_973 : vector<8x128xf32>
    %mul3A_1005 = arith.mulf %div3A_903, %sub3A_985 : vector<8x128xf32>
    %add3A_1006 = arith.addf %mul3A_1004, %mul3A_1005 : vector<8x128xf32>
    %mul3A_1007 = arith.mulf %div3A_903, %add3A_952 : vector<8x128xf32>
    %mul3A_1008 = arith.mulf %mul3A_907, %add3A_964 : vector<8x128xf32>
    %sub3A_1009 = arith.subf %mul3A_1007, %mul3A_1008 : vector<8x128xf32>
    %mul3A_1010 = arith.mulf %mul3A_907, %add3A_952 : vector<8x128xf32>
    %mul3A_1011 = arith.mulf %div3A_903, %add3A_964 : vector<8x128xf32>
    %add3A_1012 = arith.addf %mul3A_1010, %mul3A_1011 : vector<8x128xf32>
    %mul3A_1013 = arith.mulf %div3A_903, %add3A_976 : vector<8x128xf32>
    %mul3A_1014 = arith.mulf %mul3A_907, %add3A_988 : vector<8x128xf32>
    %sub3A_1015 = arith.subf %mul3A_1013, %mul3A_1014 : vector<8x128xf32>
    %mul3A_1016 = arith.mulf %mul3A_907, %add3A_976 : vector<8x128xf32>
    %mul3A_1017 = arith.mulf %div3A_903, %add3A_988 : vector<8x128xf32>
    %add3A_1018 = arith.addf %mul3A_1016, %mul3A_1017 : vector<8x128xf32>
    %mul3A_1019 = arith.mulf %div3A_942, %sub3A_955 : vector<8x128xf32>
    %mul3A_1020 = arith.mulf %mul3A_946, %sub3A_967 : vector<8x128xf32>
    %sub3A_1021 = arith.subf %mul3A_1019, %mul3A_1020 : vector<8x128xf32>
    %mul3A_1022 = arith.mulf %mul3A_946, %sub3A_955 : vector<8x128xf32>
    %mul3A_1023 = arith.mulf %div3A_942, %sub3A_967 : vector<8x128xf32>
    %add3A_1024 = arith.addf %mul3A_1022, %mul3A_1023 : vector<8x128xf32>
    %mul3A_1025 = arith.mulf %div3A_942, %sub3A_979 : vector<8x128xf32>
    %mul3A_1026 = arith.mulf %mul3A_946, %sub3A_991 : vector<8x128xf32>
    %sub3A_1027 = arith.subf %mul3A_1025, %mul3A_1026 : vector<8x128xf32>
    %mul3A_1028 = arith.mulf %mul3A_946, %sub3A_979 : vector<8x128xf32>
    %mul3A_1029 = arith.mulf %div3A_942, %sub3A_991 : vector<8x128xf32>
    %add3A_1030 = arith.addf %mul3A_1028, %mul3A_1029 : vector<8x128xf32>
    %mul3A_1031 = arith.mulf %div3A_942, %add3A_958 : vector<8x128xf32>
    %mul3A_1032 = arith.mulf %mul3A_946, %add3A_970 : vector<8x128xf32>
    %sub3A_1033 = arith.subf %mul3A_1031, %mul3A_1032 : vector<8x128xf32>
    %mul3A_1034 = arith.mulf %mul3A_946, %add3A_958 : vector<8x128xf32>
    %mul3A_1035 = arith.mulf %div3A_942, %add3A_970 : vector<8x128xf32>
    %add3A_1036 = arith.addf %mul3A_1034, %mul3A_1035 : vector<8x128xf32>
    %mul3A_1037 = arith.mulf %div3A_942, %add3A_982 : vector<8x128xf32>
    %mul3A_1038 = arith.mulf %mul3A_946, %add3A_994 : vector<8x128xf32>
    %sub3A_1039 = arith.subf %mul3A_1037, %mul3A_1038 : vector<8x128xf32>
    %mul3A_1040 = arith.mulf %mul3A_946, %add3A_982 : vector<8x128xf32>
    %mul3A_1041 = arith.mulf %div3A_942, %add3A_994 : vector<8x128xf32>
    %add3A_1042 = arith.addf %mul3A_1040, %mul3A_1041 : vector<8x128xf32>
    %mul3A_1043 = arith.mulf %div3A_903, %sub3A_835 : vector<8x128xf32>
    %mul3A_1044 = arith.mulf %mul3A_907, %add3A_856 : vector<8x128xf32>
    %sub3A_1045 = arith.subf %mul3A_1043, %mul3A_1044 : vector<8x128xf32>
    %mul3A_1046 = arith.mulf %mul3A_907, %sub3A_835 : vector<8x128xf32>
    %mul3A_1047 = arith.mulf %div3A_903, %add3A_856 : vector<8x128xf32>
    %add3A_1048 = arith.addf %mul3A_1046, %mul3A_1047 : vector<8x128xf32>
    %mul3A_1049 = arith.mulf %div3A_903, %sub3A_841 : vector<8x128xf32>
    %mul3A_1050 = arith.mulf %mul3A_907, %add3A_862 : vector<8x128xf32>
    %sub3A_1051 = arith.subf %mul3A_1049, %mul3A_1050 : vector<8x128xf32>
    %mul3A_1052 = arith.mulf %mul3A_907, %sub3A_841 : vector<8x128xf32>
    %mul3A_1053 = arith.mulf %div3A_903, %add3A_862 : vector<8x128xf32>
    %add3A_1054 = arith.addf %mul3A_1052, %mul3A_1053 : vector<8x128xf32>
    %mul3A_1055 = arith.mulf %div3A_903, %sub3A_847 : vector<8x128xf32>
    %mul3A_1056 = arith.mulf %mul3A_907, %add3A_868 : vector<8x128xf32>
    %sub3A_1057 = arith.subf %mul3A_1055, %mul3A_1056 : vector<8x128xf32>
    %mul3A_1058 = arith.mulf %mul3A_907, %sub3A_847 : vector<8x128xf32>
    %mul3A_1059 = arith.mulf %div3A_903, %add3A_868 : vector<8x128xf32>
    %add3A_1060 = arith.addf %mul3A_1058, %mul3A_1059 : vector<8x128xf32>
    %mul3A_1061 = arith.mulf %div3A_942, %add3A_838 : vector<8x128xf32>
    %mul3A_1062 = arith.mulf %mul3A_946, %sub3A_853 : vector<8x128xf32>
    %sub3A_1063 = arith.subf %mul3A_1061, %mul3A_1062 : vector<8x128xf32>
    %mul3A_1064 = arith.mulf %mul3A_946, %add3A_838 : vector<8x128xf32>
    %mul3A_1065 = arith.mulf %div3A_942, %sub3A_853 : vector<8x128xf32>
    %add3A_1066 = arith.addf %mul3A_1064, %mul3A_1065 : vector<8x128xf32>
    %mul3A_1067 = arith.mulf %div3A_942, %add3A_844 : vector<8x128xf32>
    %mul3A_1068 = arith.mulf %mul3A_946, %sub3A_859 : vector<8x128xf32>
    %sub3A_1069 = arith.subf %mul3A_1067, %mul3A_1068 : vector<8x128xf32>
    %mul3A_1070 = arith.mulf %mul3A_946, %add3A_844 : vector<8x128xf32>
    %mul3A_1071 = arith.mulf %div3A_942, %sub3A_859 : vector<8x128xf32>
    %add3A_1072 = arith.addf %mul3A_1070, %mul3A_1071 : vector<8x128xf32>
    %mul3A_1073 = arith.mulf %div3A_942, %add3A_850 : vector<8x128xf32>
    %mul3A_1074 = arith.mulf %mul3A_946, %sub3A_865 : vector<8x128xf32>
    %sub3A_1075 = arith.subf %mul3A_1073, %mul3A_1074 : vector<8x128xf32>
    %mul3A_1076 = arith.mulf %mul3A_946, %add3A_850 : vector<8x128xf32>
    %mul3A_1077 = arith.mulf %div3A_942, %sub3A_865 : vector<8x128xf32>
    %add3A_1078 = arith.addf %mul3A_1076, %mul3A_1077 : vector<8x128xf32>
    %sub3A_1079 = arith.subf %sub3A_997, %add3A_1042 : vector<8x128xf32>
    %mul3A_1080 = arith.constant 2.000000e+00 : f32
    %mul3A_1081 = vector.broadcast %mul3A_1080 : f32 to vector<8x128xf32>
    %mul3A_1082 = arith.mulf %mul3A_1081, %add3A_1024 : vector<8x128xf32>
    %div3A_1083 = arith.divf %sub3A_1079, %mul3A_1082 : vector<8x128xf32>
    %gt3A_1084 = arith.constant 0.000000e+00 : f32
    %gt3A_1085 = vector.broadcast %gt3A_1084 : f32 to vector<8x128xf32>
    %gt3A_1086 = arith.cmpf ogt, %div3A_1083, %gt3A_1085 : vector<8x128xf32>
    %jit3A_1087 = arith.constant 1.000000e+00 : f32
    %jit3A_1088 = arith.constant -1.000000e+00 : f32
    %broadcast_in_dim3A_1089 = vector.broadcast %jit3A_1087 : f32 to vector<8x128xf32>
    %broadcast_in_dim3A_1090 = vector.broadcast %jit3A_1088 : f32 to vector<8x128xf32>
    %select_n3A_1091 = arith.select %gt3A_1086, %broadcast_in_dim3A_1089, %broadcast_in_dim3A_1090 : vector<8x128xi1>, vector<8x128xf32>
    %abs3A_1092 = math.absf %div3A_1083 : vector<8x128xf32>
    %mul3A_1093 = arith.mulf %div3A_1083, %div3A_1083 : vector<8x128xf32>
    %add3A_1094 = arith.constant 1.000000e+00 : f32
    %add3A_1095 = vector.broadcast %add3A_1094 : f32 to vector<8x128xf32>
    %add3A_1096 = arith.addf %add3A_1095, %mul3A_1093 : vector<8x128xf32>
    %sqrt3A_1097 = math.sqrt %add3A_1096 : vector<8x128xf32>
    %add3A_1098 = arith.addf %abs3A_1092, %sqrt3A_1097 : vector<8x128xf32>
    %div3A_1099 = arith.divf %select_n3A_1091, %add3A_1098 : vector<8x128xf32>
    %eq3A_1100 = arith.constant 0.000000e+00 : f32
    %eq3A_1101 = vector.broadcast %eq3A_1100 : f32 to vector<8x128xf32>
    %eq3A_1102 = arith.cmpf oeq, %add3A_1024, %eq3A_1101 : vector<8x128xf32>
    %jit3A_1103 = arith.constant 0.000000e+00 : f32
    %broadcast_in_dim3A_1104 = vector.broadcast %jit3A_1103 : f32 to vector<8x128xf32>
    %select_n3A_1105 = arith.select %eq3A_1102, %broadcast_in_dim3A_1104, %div3A_1099 : vector<8x128xi1>, vector<8x128xf32>
    %mul3A_1106 = arith.mulf %select_n3A_1105, %select_n3A_1105 : vector<8x128xf32>
    %add3A_1107 = arith.constant 1.000000e+00 : f32
    %add3A_1108 = vector.broadcast %add3A_1107 : f32 to vector<8x128xf32>
    %add3A_1109 = arith.addf %mul3A_1106, %add3A_1108 : vector<8x128xf32>
    %sqrt3A_1110 = math.sqrt %add3A_1109 : vector<8x128xf32>
    %div3A_1111 = arith.constant 1.000000e+00 : f32
    %div3A_1112 = vector.broadcast %div3A_1111 : f32 to vector<8x128xf32>
    %div3A_1113 = arith.divf %div3A_1112, %sqrt3A_1110 : vector<8x128xf32>
    %neg3A_1114 = arith.constant 0.000000e+00 : f32
    %neg3A_1115 = vector.broadcast %neg3A_1114 : f32 to vector<8x128xf32>
    %neg3A_1116 = arith.subf %neg3A_1115, %select_n3A_1105 : vector<8x128xf32>
    %mul3A_1117 = arith.mulf %neg3A_1116, %div3A_1113 : vector<8x128xf32>
    %sub3A_1118 = arith.subf %add3A_1012, %sub3A_1027 : vector<8x128xf32>
    %mul3A_1119 = arith.constant 2.000000e+00 : f32
    %mul3A_1120 = vector.broadcast %mul3A_1119 : f32 to vector<8x128xf32>
    %mul3A_1121 = arith.mulf %mul3A_1120, %sub3A_1033 : vector<8x128xf32>
    %div3A_1122 = arith.divf %sub3A_1118, %mul3A_1121 : vector<8x128xf32>
    %gt3A_1123 = arith.constant 0.000000e+00 : f32
    %gt3A_1124 = vector.broadcast %gt3A_1123 : f32 to vector<8x128xf32>
    %gt3A_1125 = arith.cmpf ogt, %div3A_1122, %gt3A_1124 : vector<8x128xf32>
    %jit3A_1126 = arith.constant 1.000000e+00 : f32
    %jit3A_1127 = arith.constant -1.000000e+00 : f32
    %broadcast_in_dim3A_1128 = vector.broadcast %jit3A_1126 : f32 to vector<8x128xf32>
    %broadcast_in_dim3A_1129 = vector.broadcast %jit3A_1127 : f32 to vector<8x128xf32>
    %select_n3A_1130 = arith.select %gt3A_1125, %broadcast_in_dim3A_1128, %broadcast_in_dim3A_1129 : vector<8x128xi1>, vector<8x128xf32>
    %abs3A_1131 = math.absf %div3A_1122 : vector<8x128xf32>
    %mul3A_1132 = arith.mulf %div3A_1122, %div3A_1122 : vector<8x128xf32>
    %add3A_1133 = arith.constant 1.000000e+00 : f32
    %add3A_1134 = vector.broadcast %add3A_1133 : f32 to vector<8x128xf32>
    %add3A_1135 = arith.addf %add3A_1134, %mul3A_1132 : vector<8x128xf32>
    %sqrt3A_1136 = math.sqrt %add3A_1135 : vector<8x128xf32>
    %add3A_1137 = arith.addf %abs3A_1131, %sqrt3A_1136 : vector<8x128xf32>
    %div3A_1138 = arith.divf %select_n3A_1130, %add3A_1137 : vector<8x128xf32>
    %eq3A_1139 = arith.constant 0.000000e+00 : f32
    %eq3A_1140 = vector.broadcast %eq3A_1139 : f32 to vector<8x128xf32>
    %eq3A_1141 = arith.cmpf oeq, %sub3A_1033, %eq3A_1140 : vector<8x128xf32>
    %jit3A_1142 = arith.constant 0.000000e+00 : f32
    %broadcast_in_dim3A_1143 = vector.broadcast %jit3A_1142 : f32 to vector<8x128xf32>
    %select_n3A_1144 = arith.select %eq3A_1141, %broadcast_in_dim3A_1143, %div3A_1138 : vector<8x128xi1>, vector<8x128xf32>
    %mul3A_1145 = arith.mulf %select_n3A_1144, %select_n3A_1144 : vector<8x128xf32>
    %add3A_1146 = arith.constant 1.000000e+00 : f32
    %add3A_1147 = vector.broadcast %add3A_1146 : f32 to vector<8x128xf32>
    %add3A_1148 = arith.addf %mul3A_1145, %add3A_1147 : vector<8x128xf32>
    %sqrt3A_1149 = math.sqrt %add3A_1148 : vector<8x128xf32>
    %div3A_1150 = arith.constant 1.000000e+00 : f32
    %div3A_1151 = vector.broadcast %div3A_1150 : f32 to vector<8x128xf32>
    %div3A_1152 = arith.divf %div3A_1151, %sqrt3A_1149 : vector<8x128xf32>
    %neg3A_1153 = arith.constant 0.000000e+00 : f32
    %neg3A_1154 = vector.broadcast %neg3A_1153 : f32 to vector<8x128xf32>
    %neg3A_1155 = arith.subf %neg3A_1154, %select_n3A_1144 : vector<8x128xf32>
    %mul3A_1156 = arith.mulf %neg3A_1155, %div3A_1152 : vector<8x128xf32>
    %mul3A_1157 = arith.mulf %div3A_1113, %sub3A_997 : vector<8x128xf32>
    %mul3A_1158 = arith.mulf %mul3A_1117, %sub3A_1015 : vector<8x128xf32>
    %sub3A_1159 = arith.subf %mul3A_1157, %mul3A_1158 : vector<8x128xf32>
    %mul3A_1160 = arith.mulf %mul3A_1117, %sub3A_997 : vector<8x128xf32>
    %mul3A_1161 = arith.mulf %div3A_1113, %sub3A_1015 : vector<8x128xf32>
    %add3A_1162 = arith.addf %mul3A_1160, %mul3A_1161 : vector<8x128xf32>
    %mul3A_1163 = arith.mulf %div3A_1113, %add3A_1000 : vector<8x128xf32>
    %mul3A_1164 = arith.mulf %mul3A_1117, %add3A_1018 : vector<8x128xf32>
    %sub3A_1165 = arith.subf %mul3A_1163, %mul3A_1164 : vector<8x128xf32>
    %mul3A_1166 = arith.mulf %mul3A_1117, %add3A_1000 : vector<8x128xf32>
    %mul3A_1167 = arith.mulf %div3A_1113, %add3A_1018 : vector<8x128xf32>
    %add3A_1168 = arith.addf %mul3A_1166, %mul3A_1167 : vector<8x128xf32>
    %mul3A_1169 = arith.mulf %div3A_1113, %add3A_1024 : vector<8x128xf32>
    %mul3A_1170 = arith.mulf %mul3A_1117, %add3A_1042 : vector<8x128xf32>
    %sub3A_1171 = arith.subf %mul3A_1169, %mul3A_1170 : vector<8x128xf32>
    %mul3A_1172 = arith.mulf %mul3A_1117, %add3A_1024 : vector<8x128xf32>
    %mul3A_1173 = arith.mulf %div3A_1113, %add3A_1042 : vector<8x128xf32>
    %add3A_1174 = arith.addf %mul3A_1172, %mul3A_1173 : vector<8x128xf32>
    %mul3A_1175 = arith.mulf %div3A_1113, %sub3A_1021 : vector<8x128xf32>
    %mul3A_1176 = arith.mulf %mul3A_1117, %sub3A_1039 : vector<8x128xf32>
    %sub3A_1177 = arith.subf %mul3A_1175, %mul3A_1176 : vector<8x128xf32>
    %mul3A_1178 = arith.mulf %mul3A_1117, %sub3A_1021 : vector<8x128xf32>
    %mul3A_1179 = arith.mulf %div3A_1113, %sub3A_1039 : vector<8x128xf32>
    %add3A_1180 = arith.addf %mul3A_1178, %mul3A_1179 : vector<8x128xf32>
    %mul3A_1181 = arith.mulf %div3A_1152, %sub3A_1009 : vector<8x128xf32>
    %mul3A_1182 = arith.mulf %mul3A_1156, %sub3A_1003 : vector<8x128xf32>
    %sub3A_1183 = arith.subf %mul3A_1181, %mul3A_1182 : vector<8x128xf32>
    %mul3A_1184 = arith.mulf %mul3A_1156, %sub3A_1009 : vector<8x128xf32>
    %mul3A_1185 = arith.mulf %div3A_1152, %sub3A_1003 : vector<8x128xf32>
    %add3A_1186 = arith.addf %mul3A_1184, %mul3A_1185 : vector<8x128xf32>
    %mul3A_1187 = arith.mulf %div3A_1152, %add3A_1012 : vector<8x128xf32>
    %mul3A_1188 = arith.mulf %mul3A_1156, %add3A_1006 : vector<8x128xf32>
    %sub3A_1189 = arith.subf %mul3A_1187, %mul3A_1188 : vector<8x128xf32>
    %mul3A_1190 = arith.mulf %mul3A_1156, %add3A_1012 : vector<8x128xf32>
    %mul3A_1191 = arith.mulf %div3A_1152, %add3A_1006 : vector<8x128xf32>
    %add3A_1192 = arith.addf %mul3A_1190, %mul3A_1191 : vector<8x128xf32>
    %mul3A_1193 = arith.mulf %div3A_1152, %add3A_1036 : vector<8x128xf32>
    %mul3A_1194 = arith.mulf %mul3A_1156, %add3A_1030 : vector<8x128xf32>
    %sub3A_1195 = arith.subf %mul3A_1193, %mul3A_1194 : vector<8x128xf32>
    %mul3A_1196 = arith.mulf %mul3A_1156, %add3A_1036 : vector<8x128xf32>
    %mul3A_1197 = arith.mulf %div3A_1152, %add3A_1030 : vector<8x128xf32>
    %add3A_1198 = arith.addf %mul3A_1196, %mul3A_1197 : vector<8x128xf32>
    %mul3A_1199 = arith.mulf %div3A_1152, %sub3A_1033 : vector<8x128xf32>
    %mul3A_1200 = arith.mulf %mul3A_1156, %sub3A_1027 : vector<8x128xf32>
    %sub3A_1201 = arith.subf %mul3A_1199, %mul3A_1200 : vector<8x128xf32>
    %mul3A_1202 = arith.mulf %mul3A_1156, %sub3A_1033 : vector<8x128xf32>
    %mul3A_1203 = arith.mulf %div3A_1152, %sub3A_1027 : vector<8x128xf32>
    %add3A_1204 = arith.addf %mul3A_1202, %mul3A_1203 : vector<8x128xf32>
    %mul3A_1205 = arith.mulf %div3A_1113, %sub3A_1159 : vector<8x128xf32>
    %mul3A_1206 = arith.mulf %mul3A_1117, %sub3A_1171 : vector<8x128xf32>
    %sub3A_1207 = arith.subf %mul3A_1205, %mul3A_1206 : vector<8x128xf32>
    %mul3A_1208 = arith.mulf %mul3A_1117, %sub3A_1159 : vector<8x128xf32>
    %mul3A_1209 = arith.mulf %div3A_1113, %sub3A_1171 : vector<8x128xf32>
    %add3A_1210 = arith.addf %mul3A_1208, %mul3A_1209 : vector<8x128xf32>
    %mul3A_1211 = arith.mulf %div3A_1113, %sub3A_1183 : vector<8x128xf32>
    %mul3A_1212 = arith.mulf %mul3A_1117, %sub3A_1195 : vector<8x128xf32>
    %sub3A_1213 = arith.subf %mul3A_1211, %mul3A_1212 : vector<8x128xf32>
    %mul3A_1214 = arith.mulf %mul3A_1117, %sub3A_1183 : vector<8x128xf32>
    %mul3A_1215 = arith.mulf %div3A_1113, %sub3A_1195 : vector<8x128xf32>
    %add3A_1216 = arith.addf %mul3A_1214, %mul3A_1215 : vector<8x128xf32>
    %mul3A_1217 = arith.mulf %div3A_1113, %add3A_1162 : vector<8x128xf32>
    %mul3A_1218 = arith.mulf %mul3A_1117, %add3A_1174 : vector<8x128xf32>
    %sub3A_1219 = arith.subf %mul3A_1217, %mul3A_1218 : vector<8x128xf32>
    %mul3A_1220 = arith.mulf %mul3A_1117, %add3A_1162 : vector<8x128xf32>
    %mul3A_1221 = arith.mulf %div3A_1113, %add3A_1174 : vector<8x128xf32>
    %add3A_1222 = arith.addf %mul3A_1220, %mul3A_1221 : vector<8x128xf32>
    %mul3A_1223 = arith.mulf %div3A_1113, %add3A_1186 : vector<8x128xf32>
    %mul3A_1224 = arith.mulf %mul3A_1117, %add3A_1198 : vector<8x128xf32>
    %sub3A_1225 = arith.subf %mul3A_1223, %mul3A_1224 : vector<8x128xf32>
    %mul3A_1226 = arith.mulf %mul3A_1117, %add3A_1186 : vector<8x128xf32>
    %mul3A_1227 = arith.mulf %div3A_1113, %add3A_1198 : vector<8x128xf32>
    %add3A_1228 = arith.addf %mul3A_1226, %mul3A_1227 : vector<8x128xf32>
    %mul3A_1229 = arith.mulf %div3A_1152, %sub3A_1165 : vector<8x128xf32>
    %mul3A_1230 = arith.mulf %mul3A_1156, %sub3A_1177 : vector<8x128xf32>
    %sub3A_1231 = arith.subf %mul3A_1229, %mul3A_1230 : vector<8x128xf32>
    %mul3A_1232 = arith.mulf %mul3A_1156, %sub3A_1165 : vector<8x128xf32>
    %mul3A_1233 = arith.mulf %div3A_1152, %sub3A_1177 : vector<8x128xf32>
    %add3A_1234 = arith.addf %mul3A_1232, %mul3A_1233 : vector<8x128xf32>
    %mul3A_1235 = arith.mulf %div3A_1152, %sub3A_1189 : vector<8x128xf32>
    %mul3A_1236 = arith.mulf %mul3A_1156, %sub3A_1201 : vector<8x128xf32>
    %sub3A_1237 = arith.subf %mul3A_1235, %mul3A_1236 : vector<8x128xf32>
    %mul3A_1238 = arith.mulf %mul3A_1156, %sub3A_1189 : vector<8x128xf32>
    %mul3A_1239 = arith.mulf %div3A_1152, %sub3A_1201 : vector<8x128xf32>
    %add3A_1240 = arith.addf %mul3A_1238, %mul3A_1239 : vector<8x128xf32>
    %mul3A_1241 = arith.mulf %div3A_1152, %add3A_1168 : vector<8x128xf32>
    %mul3A_1242 = arith.mulf %mul3A_1156, %add3A_1180 : vector<8x128xf32>
    %sub3A_1243 = arith.subf %mul3A_1241, %mul3A_1242 : vector<8x128xf32>
    %mul3A_1244 = arith.mulf %mul3A_1156, %add3A_1168 : vector<8x128xf32>
    %mul3A_1245 = arith.mulf %div3A_1152, %add3A_1180 : vector<8x128xf32>
    %add3A_1246 = arith.addf %mul3A_1244, %mul3A_1245 : vector<8x128xf32>
    %mul3A_1247 = arith.mulf %div3A_1152, %add3A_1192 : vector<8x128xf32>
    %mul3A_1248 = arith.mulf %mul3A_1156, %add3A_1204 : vector<8x128xf32>
    %sub3A_1249 = arith.subf %mul3A_1247, %mul3A_1248 : vector<8x128xf32>
    %mul3A_1250 = arith.mulf %mul3A_1156, %add3A_1192 : vector<8x128xf32>
    %mul3A_1251 = arith.mulf %div3A_1152, %add3A_1204 : vector<8x128xf32>
    %add3A_1252 = arith.addf %mul3A_1250, %mul3A_1251 : vector<8x128xf32>
    %mul3A_1253 = arith.mulf %div3A_1113, %sub3A_1045 : vector<8x128xf32>
    %mul3A_1254 = arith.mulf %mul3A_1117, %add3A_1066 : vector<8x128xf32>
    %sub3A_1255 = arith.subf %mul3A_1253, %mul3A_1254 : vector<8x128xf32>
    %mul3A_1256 = arith.mulf %mul3A_1117, %sub3A_1045 : vector<8x128xf32>
    %mul3A_1257 = arith.mulf %div3A_1113, %add3A_1066 : vector<8x128xf32>
    %add3A_1258 = arith.addf %mul3A_1256, %mul3A_1257 : vector<8x128xf32>
    %mul3A_1259 = arith.mulf %div3A_1113, %sub3A_1051 : vector<8x128xf32>
    %mul3A_1260 = arith.mulf %mul3A_1117, %add3A_1072 : vector<8x128xf32>
    %sub3A_1261 = arith.subf %mul3A_1259, %mul3A_1260 : vector<8x128xf32>
    %mul3A_1262 = arith.mulf %mul3A_1117, %sub3A_1051 : vector<8x128xf32>
    %mul3A_1263 = arith.mulf %div3A_1113, %add3A_1072 : vector<8x128xf32>
    %add3A_1264 = arith.addf %mul3A_1262, %mul3A_1263 : vector<8x128xf32>
    %mul3A_1265 = arith.mulf %div3A_1113, %sub3A_1057 : vector<8x128xf32>
    %mul3A_1266 = arith.mulf %mul3A_1117, %add3A_1078 : vector<8x128xf32>
    %sub3A_1267 = arith.subf %mul3A_1265, %mul3A_1266 : vector<8x128xf32>
    %mul3A_1268 = arith.mulf %mul3A_1117, %sub3A_1057 : vector<8x128xf32>
    %mul3A_1269 = arith.mulf %div3A_1113, %add3A_1078 : vector<8x128xf32>
    %add3A_1270 = arith.addf %mul3A_1268, %mul3A_1269 : vector<8x128xf32>
    %mul3A_1271 = arith.mulf %div3A_1152, %add3A_1048 : vector<8x128xf32>
    %mul3A_1272 = arith.mulf %mul3A_1156, %sub3A_1063 : vector<8x128xf32>
    %sub3A_1273 = arith.subf %mul3A_1271, %mul3A_1272 : vector<8x128xf32>
    %mul3A_1274 = arith.mulf %mul3A_1156, %add3A_1048 : vector<8x128xf32>
    %mul3A_1275 = arith.mulf %div3A_1152, %sub3A_1063 : vector<8x128xf32>
    %add3A_1276 = arith.addf %mul3A_1274, %mul3A_1275 : vector<8x128xf32>
    %mul3A_1277 = arith.mulf %div3A_1152, %add3A_1054 : vector<8x128xf32>
    %mul3A_1278 = arith.mulf %mul3A_1156, %sub3A_1069 : vector<8x128xf32>
    %sub3A_1279 = arith.subf %mul3A_1277, %mul3A_1278 : vector<8x128xf32>
    %mul3A_1280 = arith.mulf %mul3A_1156, %add3A_1054 : vector<8x128xf32>
    %mul3A_1281 = arith.mulf %div3A_1152, %sub3A_1069 : vector<8x128xf32>
    %add3A_1282 = arith.addf %mul3A_1280, %mul3A_1281 : vector<8x128xf32>
    %mul3A_1283 = arith.mulf %div3A_1152, %add3A_1060 : vector<8x128xf32>
    %mul3A_1284 = arith.mulf %mul3A_1156, %sub3A_1075 : vector<8x128xf32>
    %sub3A_1285 = arith.subf %mul3A_1283, %mul3A_1284 : vector<8x128xf32>
    %mul3A_1286 = arith.mulf %mul3A_1156, %add3A_1060 : vector<8x128xf32>
    %mul3A_1287 = arith.mulf %div3A_1152, %sub3A_1075 : vector<8x128xf32>
    %add3A_1288 = arith.addf %mul3A_1286, %mul3A_1287 : vector<8x128xf32>
    %sub3A_1289 = arith.subf %sub3A_1207, %add3A_1252 : vector<8x128xf32>
    %mul3A_1290 = arith.constant 2.000000e+00 : f32
    %mul3A_1291 = vector.broadcast %mul3A_1290 : f32 to vector<8x128xf32>
    %mul3A_1292 = arith.mulf %mul3A_1291, %add3A_1234 : vector<8x128xf32>
    %div3A_1293 = arith.divf %sub3A_1289, %mul3A_1292 : vector<8x128xf32>
    %gt3A_1294 = arith.constant 0.000000e+00 : f32
    %gt3A_1295 = vector.broadcast %gt3A_1294 : f32 to vector<8x128xf32>
    %gt3A_1296 = arith.cmpf ogt, %div3A_1293, %gt3A_1295 : vector<8x128xf32>
    %jit3A_1297 = arith.constant 1.000000e+00 : f32
    %jit3A_1298 = arith.constant -1.000000e+00 : f32
    %broadcast_in_dim3A_1299 = vector.broadcast %jit3A_1297 : f32 to vector<8x128xf32>
    %broadcast_in_dim3A_1300 = vector.broadcast %jit3A_1298 : f32 to vector<8x128xf32>
    %select_n3A_1301 = arith.select %gt3A_1296, %broadcast_in_dim3A_1299, %broadcast_in_dim3A_1300 : vector<8x128xi1>, vector<8x128xf32>
    %abs3A_1302 = math.absf %div3A_1293 : vector<8x128xf32>
    %mul3A_1303 = arith.mulf %div3A_1293, %div3A_1293 : vector<8x128xf32>
    %add3A_1304 = arith.constant 1.000000e+00 : f32
    %add3A_1305 = vector.broadcast %add3A_1304 : f32 to vector<8x128xf32>
    %add3A_1306 = arith.addf %add3A_1305, %mul3A_1303 : vector<8x128xf32>
    %sqrt3A_1307 = math.sqrt %add3A_1306 : vector<8x128xf32>
    %add3A_1308 = arith.addf %abs3A_1302, %sqrt3A_1307 : vector<8x128xf32>
    %div3A_1309 = arith.divf %select_n3A_1301, %add3A_1308 : vector<8x128xf32>
    %eq3A_1310 = arith.constant 0.000000e+00 : f32
    %eq3A_1311 = vector.broadcast %eq3A_1310 : f32 to vector<8x128xf32>
    %eq3A_1312 = arith.cmpf oeq, %add3A_1234, %eq3A_1311 : vector<8x128xf32>
    %jit3A_1313 = arith.constant 0.000000e+00 : f32
    %broadcast_in_dim3A_1314 = vector.broadcast %jit3A_1313 : f32 to vector<8x128xf32>
    %select_n3A_1315 = arith.select %eq3A_1312, %broadcast_in_dim3A_1314, %div3A_1309 : vector<8x128xi1>, vector<8x128xf32>
    %mul3A_1316 = arith.mulf %select_n3A_1315, %select_n3A_1315 : vector<8x128xf32>
    %add3A_1317 = arith.constant 1.000000e+00 : f32
    %add3A_1318 = vector.broadcast %add3A_1317 : f32 to vector<8x128xf32>
    %add3A_1319 = arith.addf %mul3A_1316, %add3A_1318 : vector<8x128xf32>
    %sqrt3A_1320 = math.sqrt %add3A_1319 : vector<8x128xf32>
    %div3A_1321 = arith.constant 1.000000e+00 : f32
    %div3A_1322 = vector.broadcast %div3A_1321 : f32 to vector<8x128xf32>
    %div3A_1323 = arith.divf %div3A_1322, %sqrt3A_1320 : vector<8x128xf32>
    %neg3A_1324 = arith.constant 0.000000e+00 : f32
    %neg3A_1325 = vector.broadcast %neg3A_1324 : f32 to vector<8x128xf32>
    %neg3A_1326 = arith.subf %neg3A_1325, %select_n3A_1315 : vector<8x128xf32>
    %mul3A_1327 = arith.mulf %neg3A_1326, %div3A_1323 : vector<8x128xf32>
    %sub3A_1328 = arith.subf %add3A_1222, %sub3A_1237 : vector<8x128xf32>
    %mul3A_1329 = arith.constant 2.000000e+00 : f32
    %mul3A_1330 = vector.broadcast %mul3A_1329 : f32 to vector<8x128xf32>
    %mul3A_1331 = arith.mulf %mul3A_1330, %sub3A_1243 : vector<8x128xf32>
    %div3A_1332 = arith.divf %sub3A_1328, %mul3A_1331 : vector<8x128xf32>
    %gt3A_1333 = arith.constant 0.000000e+00 : f32
    %gt3A_1334 = vector.broadcast %gt3A_1333 : f32 to vector<8x128xf32>
    %gt3A_1335 = arith.cmpf ogt, %div3A_1332, %gt3A_1334 : vector<8x128xf32>
    %jit3A_1336 = arith.constant 1.000000e+00 : f32
    %jit3A_1337 = arith.constant -1.000000e+00 : f32
    %broadcast_in_dim3A_1338 = vector.broadcast %jit3A_1336 : f32 to vector<8x128xf32>
    %broadcast_in_dim3A_1339 = vector.broadcast %jit3A_1337 : f32 to vector<8x128xf32>
    %select_n3A_1340 = arith.select %gt3A_1335, %broadcast_in_dim3A_1338, %broadcast_in_dim3A_1339 : vector<8x128xi1>, vector<8x128xf32>
    %abs3A_1341 = math.absf %div3A_1332 : vector<8x128xf32>
    %mul3A_1342 = arith.mulf %div3A_1332, %div3A_1332 : vector<8x128xf32>
    %add3A_1343 = arith.constant 1.000000e+00 : f32
    %add3A_1344 = vector.broadcast %add3A_1343 : f32 to vector<8x128xf32>
    %add3A_1345 = arith.addf %add3A_1344, %mul3A_1342 : vector<8x128xf32>
    %sqrt3A_1346 = math.sqrt %add3A_1345 : vector<8x128xf32>
    %add3A_1347 = arith.addf %abs3A_1341, %sqrt3A_1346 : vector<8x128xf32>
    %div3A_1348 = arith.divf %select_n3A_1340, %add3A_1347 : vector<8x128xf32>
    %eq3A_1349 = arith.constant 0.000000e+00 : f32
    %eq3A_1350 = vector.broadcast %eq3A_1349 : f32 to vector<8x128xf32>
    %eq3A_1351 = arith.cmpf oeq, %sub3A_1243, %eq3A_1350 : vector<8x128xf32>
    %jit3A_1352 = arith.constant 0.000000e+00 : f32
    %broadcast_in_dim3A_1353 = vector.broadcast %jit3A_1352 : f32 to vector<8x128xf32>
    %select_n3A_1354 = arith.select %eq3A_1351, %broadcast_in_dim3A_1353, %div3A_1348 : vector<8x128xi1>, vector<8x128xf32>
    %mul3A_1355 = arith.mulf %select_n3A_1354, %select_n3A_1354 : vector<8x128xf32>
    %add3A_1356 = arith.constant 1.000000e+00 : f32
    %add3A_1357 = vector.broadcast %add3A_1356 : f32 to vector<8x128xf32>
    %add3A_1358 = arith.addf %mul3A_1355, %add3A_1357 : vector<8x128xf32>
    %sqrt3A_1359 = math.sqrt %add3A_1358 : vector<8x128xf32>
    %div3A_1360 = arith.constant 1.000000e+00 : f32
    %div3A_1361 = vector.broadcast %div3A_1360 : f32 to vector<8x128xf32>
    %div3A_1362 = arith.divf %div3A_1361, %sqrt3A_1359 : vector<8x128xf32>
    %neg3A_1363 = arith.constant 0.000000e+00 : f32
    %neg3A_1364 = vector.broadcast %neg3A_1363 : f32 to vector<8x128xf32>
    %neg3A_1365 = arith.subf %neg3A_1364, %select_n3A_1354 : vector<8x128xf32>
    %mul3A_1366 = arith.mulf %neg3A_1365, %div3A_1362 : vector<8x128xf32>
    %mul3A_1367 = arith.mulf %div3A_1323, %sub3A_1207 : vector<8x128xf32>
    %mul3A_1368 = arith.mulf %mul3A_1327, %sub3A_1225 : vector<8x128xf32>
    %sub3A_1369 = arith.subf %mul3A_1367, %mul3A_1368 : vector<8x128xf32>
    %mul3A_1370 = arith.mulf %mul3A_1327, %sub3A_1207 : vector<8x128xf32>
    %mul3A_1371 = arith.mulf %div3A_1323, %sub3A_1225 : vector<8x128xf32>
    %add3A_1372 = arith.addf %mul3A_1370, %mul3A_1371 : vector<8x128xf32>
    %mul3A_1373 = arith.mulf %div3A_1323, %add3A_1210 : vector<8x128xf32>
    %mul3A_1374 = arith.mulf %mul3A_1327, %add3A_1228 : vector<8x128xf32>
    %sub3A_1375 = arith.subf %mul3A_1373, %mul3A_1374 : vector<8x128xf32>
    %mul3A_1376 = arith.mulf %mul3A_1327, %add3A_1210 : vector<8x128xf32>
    %mul3A_1377 = arith.mulf %div3A_1323, %add3A_1228 : vector<8x128xf32>
    %add3A_1378 = arith.addf %mul3A_1376, %mul3A_1377 : vector<8x128xf32>
    %mul3A_1379 = arith.mulf %div3A_1323, %add3A_1234 : vector<8x128xf32>
    %mul3A_1380 = arith.mulf %mul3A_1327, %add3A_1252 : vector<8x128xf32>
    %sub3A_1381 = arith.subf %mul3A_1379, %mul3A_1380 : vector<8x128xf32>
    %mul3A_1382 = arith.mulf %mul3A_1327, %add3A_1234 : vector<8x128xf32>
    %mul3A_1383 = arith.mulf %div3A_1323, %add3A_1252 : vector<8x128xf32>
    %add3A_1384 = arith.addf %mul3A_1382, %mul3A_1383 : vector<8x128xf32>
    %mul3A_1385 = arith.mulf %div3A_1323, %sub3A_1231 : vector<8x128xf32>
    %mul3A_1386 = arith.mulf %mul3A_1327, %sub3A_1249 : vector<8x128xf32>
    %sub3A_1387 = arith.subf %mul3A_1385, %mul3A_1386 : vector<8x128xf32>
    %mul3A_1388 = arith.mulf %mul3A_1327, %sub3A_1231 : vector<8x128xf32>
    %mul3A_1389 = arith.mulf %div3A_1323, %sub3A_1249 : vector<8x128xf32>
    %add3A_1390 = arith.addf %mul3A_1388, %mul3A_1389 : vector<8x128xf32>
    %mul3A_1391 = arith.mulf %div3A_1362, %sub3A_1219 : vector<8x128xf32>
    %mul3A_1392 = arith.mulf %mul3A_1366, %sub3A_1213 : vector<8x128xf32>
    %sub3A_1393 = arith.subf %mul3A_1391, %mul3A_1392 : vector<8x128xf32>
    %mul3A_1394 = arith.mulf %mul3A_1366, %sub3A_1219 : vector<8x128xf32>
    %mul3A_1395 = arith.mulf %div3A_1362, %sub3A_1213 : vector<8x128xf32>
    %add3A_1396 = arith.addf %mul3A_1394, %mul3A_1395 : vector<8x128xf32>
    %mul3A_1397 = arith.mulf %div3A_1362, %add3A_1222 : vector<8x128xf32>
    %mul3A_1398 = arith.mulf %mul3A_1366, %add3A_1216 : vector<8x128xf32>
    %sub3A_1399 = arith.subf %mul3A_1397, %mul3A_1398 : vector<8x128xf32>
    %mul3A_1400 = arith.mulf %mul3A_1366, %add3A_1222 : vector<8x128xf32>
    %mul3A_1401 = arith.mulf %div3A_1362, %add3A_1216 : vector<8x128xf32>
    %add3A_1402 = arith.addf %mul3A_1400, %mul3A_1401 : vector<8x128xf32>
    %mul3A_1403 = arith.mulf %div3A_1362, %add3A_1246 : vector<8x128xf32>
    %mul3A_1404 = arith.mulf %mul3A_1366, %add3A_1240 : vector<8x128xf32>
    %sub3A_1405 = arith.subf %mul3A_1403, %mul3A_1404 : vector<8x128xf32>
    %mul3A_1406 = arith.mulf %mul3A_1366, %add3A_1246 : vector<8x128xf32>
    %mul3A_1407 = arith.mulf %div3A_1362, %add3A_1240 : vector<8x128xf32>
    %add3A_1408 = arith.addf %mul3A_1406, %mul3A_1407 : vector<8x128xf32>
    %mul3A_1409 = arith.mulf %div3A_1362, %sub3A_1243 : vector<8x128xf32>
    %mul3A_1410 = arith.mulf %mul3A_1366, %sub3A_1237 : vector<8x128xf32>
    %sub3A_1411 = arith.subf %mul3A_1409, %mul3A_1410 : vector<8x128xf32>
    %mul3A_1412 = arith.mulf %mul3A_1366, %sub3A_1243 : vector<8x128xf32>
    %mul3A_1413 = arith.mulf %div3A_1362, %sub3A_1237 : vector<8x128xf32>
    %add3A_1414 = arith.addf %mul3A_1412, %mul3A_1413 : vector<8x128xf32>
    %mul3A_1415 = arith.mulf %div3A_1323, %sub3A_1369 : vector<8x128xf32>
    %mul3A_1416 = arith.mulf %mul3A_1327, %sub3A_1381 : vector<8x128xf32>
    %sub3A_1417 = arith.subf %mul3A_1415, %mul3A_1416 : vector<8x128xf32>
    %mul3A_1418 = arith.mulf %mul3A_1327, %sub3A_1369 : vector<8x128xf32>
    %mul3A_1419 = arith.mulf %div3A_1323, %sub3A_1381 : vector<8x128xf32>
    %add3A_1420 = arith.addf %mul3A_1418, %mul3A_1419 : vector<8x128xf32>
    %mul3A_1421 = arith.mulf %div3A_1323, %sub3A_1393 : vector<8x128xf32>
    %mul3A_1422 = arith.mulf %mul3A_1327, %sub3A_1405 : vector<8x128xf32>
    %sub3A_1423 = arith.subf %mul3A_1421, %mul3A_1422 : vector<8x128xf32>
    %mul3A_1424 = arith.mulf %mul3A_1327, %sub3A_1393 : vector<8x128xf32>
    %mul3A_1425 = arith.mulf %div3A_1323, %sub3A_1405 : vector<8x128xf32>
    %add3A_1426 = arith.addf %mul3A_1424, %mul3A_1425 : vector<8x128xf32>
    %mul3A_1427 = arith.mulf %div3A_1323, %add3A_1372 : vector<8x128xf32>
    %mul3A_1428 = arith.mulf %mul3A_1327, %add3A_1384 : vector<8x128xf32>
    %sub3A_1429 = arith.subf %mul3A_1427, %mul3A_1428 : vector<8x128xf32>
    %mul3A_1430 = arith.mulf %mul3A_1327, %add3A_1372 : vector<8x128xf32>
    %mul3A_1431 = arith.mulf %div3A_1323, %add3A_1384 : vector<8x128xf32>
    %add3A_1432 = arith.addf %mul3A_1430, %mul3A_1431 : vector<8x128xf32>
    %mul3A_1433 = arith.mulf %div3A_1323, %add3A_1396 : vector<8x128xf32>
    %mul3A_1434 = arith.mulf %mul3A_1327, %add3A_1408 : vector<8x128xf32>
    %sub3A_1435 = arith.subf %mul3A_1433, %mul3A_1434 : vector<8x128xf32>
    %mul3A_1436 = arith.mulf %mul3A_1327, %add3A_1396 : vector<8x128xf32>
    %mul3A_1437 = arith.mulf %div3A_1323, %add3A_1408 : vector<8x128xf32>
    %add3A_1438 = arith.addf %mul3A_1436, %mul3A_1437 : vector<8x128xf32>
    %mul3A_1439 = arith.mulf %div3A_1362, %sub3A_1375 : vector<8x128xf32>
    %mul3A_1440 = arith.mulf %mul3A_1366, %sub3A_1387 : vector<8x128xf32>
    %sub3A_1441 = arith.subf %mul3A_1439, %mul3A_1440 : vector<8x128xf32>
    %mul3A_1442 = arith.mulf %mul3A_1366, %sub3A_1375 : vector<8x128xf32>
    %mul3A_1443 = arith.mulf %div3A_1362, %sub3A_1387 : vector<8x128xf32>
    %add3A_1444 = arith.addf %mul3A_1442, %mul3A_1443 : vector<8x128xf32>
    %mul3A_1445 = arith.mulf %div3A_1362, %sub3A_1399 : vector<8x128xf32>
    %mul3A_1446 = arith.mulf %mul3A_1366, %sub3A_1411 : vector<8x128xf32>
    %sub3A_1447 = arith.subf %mul3A_1445, %mul3A_1446 : vector<8x128xf32>
    %mul3A_1448 = arith.mulf %mul3A_1366, %sub3A_1399 : vector<8x128xf32>
    %mul3A_1449 = arith.mulf %div3A_1362, %sub3A_1411 : vector<8x128xf32>
    %add3A_1450 = arith.addf %mul3A_1448, %mul3A_1449 : vector<8x128xf32>
    %mul3A_1451 = arith.mulf %div3A_1362, %add3A_1378 : vector<8x128xf32>
    %mul3A_1452 = arith.mulf %mul3A_1366, %add3A_1390 : vector<8x128xf32>
    %sub3A_1453 = arith.subf %mul3A_1451, %mul3A_1452 : vector<8x128xf32>
    %mul3A_1454 = arith.mulf %mul3A_1366, %add3A_1378 : vector<8x128xf32>
    %mul3A_1455 = arith.mulf %div3A_1362, %add3A_1390 : vector<8x128xf32>
    %add3A_1456 = arith.addf %mul3A_1454, %mul3A_1455 : vector<8x128xf32>
    %mul3A_1457 = arith.mulf %div3A_1362, %add3A_1402 : vector<8x128xf32>
    %mul3A_1458 = arith.mulf %mul3A_1366, %add3A_1414 : vector<8x128xf32>
    %sub3A_1459 = arith.subf %mul3A_1457, %mul3A_1458 : vector<8x128xf32>
    %mul3A_1460 = arith.mulf %mul3A_1366, %add3A_1402 : vector<8x128xf32>
    %mul3A_1461 = arith.mulf %div3A_1362, %add3A_1414 : vector<8x128xf32>
    %add3A_1462 = arith.addf %mul3A_1460, %mul3A_1461 : vector<8x128xf32>
    %mul3A_1463 = arith.mulf %div3A_1323, %sub3A_1255 : vector<8x128xf32>
    %mul3A_1464 = arith.mulf %mul3A_1327, %add3A_1276 : vector<8x128xf32>
    %sub3A_1465 = arith.subf %mul3A_1463, %mul3A_1464 : vector<8x128xf32>
    %mul3A_1466 = arith.mulf %mul3A_1327, %sub3A_1255 : vector<8x128xf32>
    %mul3A_1467 = arith.mulf %div3A_1323, %add3A_1276 : vector<8x128xf32>
    %add3A_1468 = arith.addf %mul3A_1466, %mul3A_1467 : vector<8x128xf32>
    %mul3A_1469 = arith.mulf %div3A_1323, %sub3A_1261 : vector<8x128xf32>
    %mul3A_1470 = arith.mulf %mul3A_1327, %add3A_1282 : vector<8x128xf32>
    %sub3A_1471 = arith.subf %mul3A_1469, %mul3A_1470 : vector<8x128xf32>
    %mul3A_1472 = arith.mulf %mul3A_1327, %sub3A_1261 : vector<8x128xf32>
    %mul3A_1473 = arith.mulf %div3A_1323, %add3A_1282 : vector<8x128xf32>
    %add3A_1474 = arith.addf %mul3A_1472, %mul3A_1473 : vector<8x128xf32>
    %mul3A_1475 = arith.mulf %div3A_1323, %sub3A_1267 : vector<8x128xf32>
    %mul3A_1476 = arith.mulf %mul3A_1327, %add3A_1288 : vector<8x128xf32>
    %sub3A_1477 = arith.subf %mul3A_1475, %mul3A_1476 : vector<8x128xf32>
    %mul3A_1478 = arith.mulf %mul3A_1327, %sub3A_1267 : vector<8x128xf32>
    %mul3A_1479 = arith.mulf %div3A_1323, %add3A_1288 : vector<8x128xf32>
    %add3A_1480 = arith.addf %mul3A_1478, %mul3A_1479 : vector<8x128xf32>
    %mul3A_1481 = arith.mulf %div3A_1362, %add3A_1258 : vector<8x128xf32>
    %mul3A_1482 = arith.mulf %mul3A_1366, %sub3A_1273 : vector<8x128xf32>
    %sub3A_1483 = arith.subf %mul3A_1481, %mul3A_1482 : vector<8x128xf32>
    %mul3A_1484 = arith.mulf %mul3A_1366, %add3A_1258 : vector<8x128xf32>
    %mul3A_1485 = arith.mulf %div3A_1362, %sub3A_1273 : vector<8x128xf32>
    %add3A_1486 = arith.addf %mul3A_1484, %mul3A_1485 : vector<8x128xf32>
    %mul3A_1487 = arith.mulf %div3A_1362, %add3A_1264 : vector<8x128xf32>
    %mul3A_1488 = arith.mulf %mul3A_1366, %sub3A_1279 : vector<8x128xf32>
    %sub3A_1489 = arith.subf %mul3A_1487, %mul3A_1488 : vector<8x128xf32>
    %mul3A_1490 = arith.mulf %mul3A_1366, %add3A_1264 : vector<8x128xf32>
    %mul3A_1491 = arith.mulf %div3A_1362, %sub3A_1279 : vector<8x128xf32>
    %add3A_1492 = arith.addf %mul3A_1490, %mul3A_1491 : vector<8x128xf32>
    %mul3A_1493 = arith.mulf %div3A_1362, %add3A_1270 : vector<8x128xf32>
    %mul3A_1494 = arith.mulf %mul3A_1366, %sub3A_1285 : vector<8x128xf32>
    %sub3A_1495 = arith.subf %mul3A_1493, %mul3A_1494 : vector<8x128xf32>
    %mul3A_1496 = arith.mulf %mul3A_1366, %add3A_1270 : vector<8x128xf32>
    %mul3A_1497 = arith.mulf %div3A_1362, %sub3A_1285 : vector<8x128xf32>
    %add3A_1498 = arith.addf %mul3A_1496, %mul3A_1497 : vector<8x128xf32>
    %sub3A_1499 = arith.subf %sub3A_1417, %add3A_1462 : vector<8x128xf32>
    %mul3A_1500 = arith.constant 2.000000e+00 : f32
    %mul3A_1501 = vector.broadcast %mul3A_1500 : f32 to vector<8x128xf32>
    %mul3A_1502 = arith.mulf %mul3A_1501, %add3A_1444 : vector<8x128xf32>
    %div3A_1503 = arith.divf %sub3A_1499, %mul3A_1502 : vector<8x128xf32>
    %gt3A_1504 = arith.constant 0.000000e+00 : f32
    %gt3A_1505 = vector.broadcast %gt3A_1504 : f32 to vector<8x128xf32>
    %gt3A_1506 = arith.cmpf ogt, %div3A_1503, %gt3A_1505 : vector<8x128xf32>
    %jit3A_1507 = arith.constant 1.000000e+00 : f32
    %jit3A_1508 = arith.constant -1.000000e+00 : f32
    %broadcast_in_dim3A_1509 = vector.broadcast %jit3A_1507 : f32 to vector<8x128xf32>
    %broadcast_in_dim3A_1510 = vector.broadcast %jit3A_1508 : f32 to vector<8x128xf32>
    %select_n3A_1511 = arith.select %gt3A_1506, %broadcast_in_dim3A_1509, %broadcast_in_dim3A_1510 : vector<8x128xi1>, vector<8x128xf32>
    %abs3A_1512 = math.absf %div3A_1503 : vector<8x128xf32>
    %mul3A_1513 = arith.mulf %div3A_1503, %div3A_1503 : vector<8x128xf32>
    %add3A_1514 = arith.constant 1.000000e+00 : f32
    %add3A_1515 = vector.broadcast %add3A_1514 : f32 to vector<8x128xf32>
    %add3A_1516 = arith.addf %add3A_1515, %mul3A_1513 : vector<8x128xf32>
    %sqrt3A_1517 = math.sqrt %add3A_1516 : vector<8x128xf32>
    %add3A_1518 = arith.addf %abs3A_1512, %sqrt3A_1517 : vector<8x128xf32>
    %div3A_1519 = arith.divf %select_n3A_1511, %add3A_1518 : vector<8x128xf32>
    %eq3A_1520 = arith.constant 0.000000e+00 : f32
    %eq3A_1521 = vector.broadcast %eq3A_1520 : f32 to vector<8x128xf32>
    %eq3A_1522 = arith.cmpf oeq, %add3A_1444, %eq3A_1521 : vector<8x128xf32>
    %jit3A_1523 = arith.constant 0.000000e+00 : f32
    %broadcast_in_dim3A_1524 = vector.broadcast %jit3A_1523 : f32 to vector<8x128xf32>
    %select_n3A_1525 = arith.select %eq3A_1522, %broadcast_in_dim3A_1524, %div3A_1519 : vector<8x128xi1>, vector<8x128xf32>
    %mul3A_1526 = arith.mulf %select_n3A_1525, %select_n3A_1525 : vector<8x128xf32>
    %add3A_1527 = arith.constant 1.000000e+00 : f32
    %add3A_1528 = vector.broadcast %add3A_1527 : f32 to vector<8x128xf32>
    %add3A_1529 = arith.addf %mul3A_1526, %add3A_1528 : vector<8x128xf32>
    %sqrt3A_1530 = math.sqrt %add3A_1529 : vector<8x128xf32>
    %div3A_1531 = arith.constant 1.000000e+00 : f32
    %div3A_1532 = vector.broadcast %div3A_1531 : f32 to vector<8x128xf32>
    %div3A_1533 = arith.divf %div3A_1532, %sqrt3A_1530 : vector<8x128xf32>
    %neg3A_1534 = arith.constant 0.000000e+00 : f32
    %neg3A_1535 = vector.broadcast %neg3A_1534 : f32 to vector<8x128xf32>
    %neg3A_1536 = arith.subf %neg3A_1535, %select_n3A_1525 : vector<8x128xf32>
    %mul3A_1537 = arith.mulf %neg3A_1536, %div3A_1533 : vector<8x128xf32>
    %sub3A_1538 = arith.subf %add3A_1432, %sub3A_1447 : vector<8x128xf32>
    %mul3A_1539 = arith.constant 2.000000e+00 : f32
    %mul3A_1540 = vector.broadcast %mul3A_1539 : f32 to vector<8x128xf32>
    %mul3A_1541 = arith.mulf %mul3A_1540, %sub3A_1453 : vector<8x128xf32>
    %div3A_1542 = arith.divf %sub3A_1538, %mul3A_1541 : vector<8x128xf32>
    %gt3A_1543 = arith.constant 0.000000e+00 : f32
    %gt3A_1544 = vector.broadcast %gt3A_1543 : f32 to vector<8x128xf32>
    %gt3A_1545 = arith.cmpf ogt, %div3A_1542, %gt3A_1544 : vector<8x128xf32>
    %jit3A_1546 = arith.constant 1.000000e+00 : f32
    %jit3A_1547 = arith.constant -1.000000e+00 : f32
    %broadcast_in_dim3A_1548 = vector.broadcast %jit3A_1546 : f32 to vector<8x128xf32>
    %broadcast_in_dim3A_1549 = vector.broadcast %jit3A_1547 : f32 to vector<8x128xf32>
    %select_n3A_1550 = arith.select %gt3A_1545, %broadcast_in_dim3A_1548, %broadcast_in_dim3A_1549 : vector<8x128xi1>, vector<8x128xf32>
    %abs3A_1551 = math.absf %div3A_1542 : vector<8x128xf32>
    %mul3A_1552 = arith.mulf %div3A_1542, %div3A_1542 : vector<8x128xf32>
    %add3A_1553 = arith.constant 1.000000e+00 : f32
    %add3A_1554 = vector.broadcast %add3A_1553 : f32 to vector<8x128xf32>
    %add3A_1555 = arith.addf %add3A_1554, %mul3A_1552 : vector<8x128xf32>
    %sqrt3A_1556 = math.sqrt %add3A_1555 : vector<8x128xf32>
    %add3A_1557 = arith.addf %abs3A_1551, %sqrt3A_1556 : vector<8x128xf32>
    %div3A_1558 = arith.divf %select_n3A_1550, %add3A_1557 : vector<8x128xf32>
    %eq3A_1559 = arith.constant 0.000000e+00 : f32
    %eq3A_1560 = vector.broadcast %eq3A_1559 : f32 to vector<8x128xf32>
    %eq3A_1561 = arith.cmpf oeq, %sub3A_1453, %eq3A_1560 : vector<8x128xf32>
    %jit3A_1562 = arith.constant 0.000000e+00 : f32
    %broadcast_in_dim3A_1563 = vector.broadcast %jit3A_1562 : f32 to vector<8x128xf32>
    %select_n3A_1564 = arith.select %eq3A_1561, %broadcast_in_dim3A_1563, %div3A_1558 : vector<8x128xi1>, vector<8x128xf32>
    %mul3A_1565 = arith.mulf %select_n3A_1564, %select_n3A_1564 : vector<8x128xf32>
    %add3A_1566 = arith.constant 1.000000e+00 : f32
    %add3A_1567 = vector.broadcast %add3A_1566 : f32 to vector<8x128xf32>
    %add3A_1568 = arith.addf %mul3A_1565, %add3A_1567 : vector<8x128xf32>
    %sqrt3A_1569 = math.sqrt %add3A_1568 : vector<8x128xf32>
    %div3A_1570 = arith.constant 1.000000e+00 : f32
    %div3A_1571 = vector.broadcast %div3A_1570 : f32 to vector<8x128xf32>
    %div3A_1572 = arith.divf %div3A_1571, %sqrt3A_1569 : vector<8x128xf32>
    %neg3A_1573 = arith.constant 0.000000e+00 : f32
    %neg3A_1574 = vector.broadcast %neg3A_1573 : f32 to vector<8x128xf32>
    %neg3A_1575 = arith.subf %neg3A_1574, %select_n3A_1564 : vector<8x128xf32>
    %mul3A_1576 = arith.mulf %neg3A_1575, %div3A_1572 : vector<8x128xf32>
    %mul3A_1577 = arith.mulf %div3A_1533, %sub3A_1417 : vector<8x128xf32>
    %mul3A_1578 = arith.mulf %mul3A_1537, %sub3A_1435 : vector<8x128xf32>
    %sub3A_1579 = arith.subf %mul3A_1577, %mul3A_1578 : vector<8x128xf32>
    %mul3A_1580 = arith.mulf %mul3A_1537, %sub3A_1417 : vector<8x128xf32>
    %mul3A_1581 = arith.mulf %div3A_1533, %sub3A_1435 : vector<8x128xf32>
    %add3A_1582 = arith.addf %mul3A_1580, %mul3A_1581 : vector<8x128xf32>
    %mul3A_1583 = arith.mulf %div3A_1533, %add3A_1420 : vector<8x128xf32>
    %mul3A_1584 = arith.mulf %mul3A_1537, %add3A_1438 : vector<8x128xf32>
    %sub3A_1585 = arith.subf %mul3A_1583, %mul3A_1584 : vector<8x128xf32>
    %mul3A_1586 = arith.mulf %mul3A_1537, %add3A_1420 : vector<8x128xf32>
    %mul3A_1587 = arith.mulf %div3A_1533, %add3A_1438 : vector<8x128xf32>
    %add3A_1588 = arith.addf %mul3A_1586, %mul3A_1587 : vector<8x128xf32>
    %mul3A_1589 = arith.mulf %div3A_1533, %add3A_1444 : vector<8x128xf32>
    %mul3A_1590 = arith.mulf %mul3A_1537, %add3A_1462 : vector<8x128xf32>
    %sub3A_1591 = arith.subf %mul3A_1589, %mul3A_1590 : vector<8x128xf32>
    %mul3A_1592 = arith.mulf %mul3A_1537, %add3A_1444 : vector<8x128xf32>
    %mul3A_1593 = arith.mulf %div3A_1533, %add3A_1462 : vector<8x128xf32>
    %add3A_1594 = arith.addf %mul3A_1592, %mul3A_1593 : vector<8x128xf32>
    %mul3A_1595 = arith.mulf %div3A_1533, %sub3A_1441 : vector<8x128xf32>
    %mul3A_1596 = arith.mulf %mul3A_1537, %sub3A_1459 : vector<8x128xf32>
    %sub3A_1597 = arith.subf %mul3A_1595, %mul3A_1596 : vector<8x128xf32>
    %mul3A_1598 = arith.mulf %mul3A_1537, %sub3A_1441 : vector<8x128xf32>
    %mul3A_1599 = arith.mulf %div3A_1533, %sub3A_1459 : vector<8x128xf32>
    %add3A_1600 = arith.addf %mul3A_1598, %mul3A_1599 : vector<8x128xf32>
    %mul3A_1601 = arith.mulf %div3A_1572, %sub3A_1429 : vector<8x128xf32>
    %mul3A_1602 = arith.mulf %mul3A_1576, %sub3A_1423 : vector<8x128xf32>
    %sub3A_1603 = arith.subf %mul3A_1601, %mul3A_1602 : vector<8x128xf32>
    %mul3A_1604 = arith.mulf %mul3A_1576, %sub3A_1429 : vector<8x128xf32>
    %mul3A_1605 = arith.mulf %div3A_1572, %sub3A_1423 : vector<8x128xf32>
    %add3A_1606 = arith.addf %mul3A_1604, %mul3A_1605 : vector<8x128xf32>
    %mul3A_1607 = arith.mulf %div3A_1572, %add3A_1432 : vector<8x128xf32>
    %mul3A_1608 = arith.mulf %mul3A_1576, %add3A_1426 : vector<8x128xf32>
    %sub3A_1609 = arith.subf %mul3A_1607, %mul3A_1608 : vector<8x128xf32>
    %mul3A_1610 = arith.mulf %mul3A_1576, %add3A_1432 : vector<8x128xf32>
    %mul3A_1611 = arith.mulf %div3A_1572, %add3A_1426 : vector<8x128xf32>
    %add3A_1612 = arith.addf %mul3A_1610, %mul3A_1611 : vector<8x128xf32>
    %mul3A_1613 = arith.mulf %div3A_1572, %add3A_1456 : vector<8x128xf32>
    %mul3A_1614 = arith.mulf %mul3A_1576, %add3A_1450 : vector<8x128xf32>
    %sub3A_1615 = arith.subf %mul3A_1613, %mul3A_1614 : vector<8x128xf32>
    %mul3A_1616 = arith.mulf %mul3A_1576, %add3A_1456 : vector<8x128xf32>
    %mul3A_1617 = arith.mulf %div3A_1572, %add3A_1450 : vector<8x128xf32>
    %add3A_1618 = arith.addf %mul3A_1616, %mul3A_1617 : vector<8x128xf32>
    %mul3A_1619 = arith.mulf %div3A_1572, %sub3A_1453 : vector<8x128xf32>
    %mul3A_1620 = arith.mulf %mul3A_1576, %sub3A_1447 : vector<8x128xf32>
    %sub3A_1621 = arith.subf %mul3A_1619, %mul3A_1620 : vector<8x128xf32>
    %mul3A_1622 = arith.mulf %mul3A_1576, %sub3A_1453 : vector<8x128xf32>
    %mul3A_1623 = arith.mulf %div3A_1572, %sub3A_1447 : vector<8x128xf32>
    %add3A_1624 = arith.addf %mul3A_1622, %mul3A_1623 : vector<8x128xf32>
    %mul3A_1625 = arith.mulf %div3A_1533, %sub3A_1579 : vector<8x128xf32>
    %mul3A_1626 = arith.mulf %mul3A_1537, %sub3A_1591 : vector<8x128xf32>
    %sub3A_1627 = arith.subf %mul3A_1625, %mul3A_1626 : vector<8x128xf32>
    %mul3A_1628 = arith.mulf %mul3A_1537, %sub3A_1579 : vector<8x128xf32>
    %mul3A_1629 = arith.mulf %div3A_1533, %sub3A_1591 : vector<8x128xf32>
    %add3A_1630 = arith.addf %mul3A_1628, %mul3A_1629 : vector<8x128xf32>
    %mul3A_1631 = arith.mulf %div3A_1533, %sub3A_1603 : vector<8x128xf32>
    %mul3A_1632 = arith.mulf %mul3A_1537, %sub3A_1615 : vector<8x128xf32>
    %sub3A_1633 = arith.subf %mul3A_1631, %mul3A_1632 : vector<8x128xf32>
    %mul3A_1634 = arith.mulf %mul3A_1537, %sub3A_1603 : vector<8x128xf32>
    %mul3A_1635 = arith.mulf %div3A_1533, %sub3A_1615 : vector<8x128xf32>
    %add3A_1636 = arith.addf %mul3A_1634, %mul3A_1635 : vector<8x128xf32>
    %mul3A_1637 = arith.mulf %div3A_1533, %add3A_1582 : vector<8x128xf32>
    %mul3A_1638 = arith.mulf %mul3A_1537, %add3A_1594 : vector<8x128xf32>
    %sub3A_1639 = arith.subf %mul3A_1637, %mul3A_1638 : vector<8x128xf32>
    %mul3A_1640 = arith.mulf %mul3A_1537, %add3A_1582 : vector<8x128xf32>
    %mul3A_1641 = arith.mulf %div3A_1533, %add3A_1594 : vector<8x128xf32>
    %add3A_1642 = arith.addf %mul3A_1640, %mul3A_1641 : vector<8x128xf32>
    %mul3A_1643 = arith.mulf %div3A_1533, %add3A_1606 : vector<8x128xf32>
    %mul3A_1644 = arith.mulf %mul3A_1537, %add3A_1618 : vector<8x128xf32>
    %sub3A_1645 = arith.subf %mul3A_1643, %mul3A_1644 : vector<8x128xf32>
    %mul3A_1646 = arith.mulf %mul3A_1537, %add3A_1606 : vector<8x128xf32>
    %mul3A_1647 = arith.mulf %div3A_1533, %add3A_1618 : vector<8x128xf32>
    %add3A_1648 = arith.addf %mul3A_1646, %mul3A_1647 : vector<8x128xf32>
    %mul3A_1649 = arith.mulf %div3A_1572, %sub3A_1585 : vector<8x128xf32>
    %mul3A_1650 = arith.mulf %mul3A_1576, %sub3A_1597 : vector<8x128xf32>
    %sub3A_1651 = arith.subf %mul3A_1649, %mul3A_1650 : vector<8x128xf32>
    %mul3A_1652 = arith.mulf %mul3A_1576, %sub3A_1585 : vector<8x128xf32>
    %mul3A_1653 = arith.mulf %div3A_1572, %sub3A_1597 : vector<8x128xf32>
    %add3A_1654 = arith.addf %mul3A_1652, %mul3A_1653 : vector<8x128xf32>
    %mul3A_1655 = arith.mulf %div3A_1572, %sub3A_1609 : vector<8x128xf32>
    %mul3A_1656 = arith.mulf %mul3A_1576, %sub3A_1621 : vector<8x128xf32>
    %sub3A_1657 = arith.subf %mul3A_1655, %mul3A_1656 : vector<8x128xf32>
    %mul3A_1658 = arith.mulf %mul3A_1576, %sub3A_1609 : vector<8x128xf32>
    %mul3A_1659 = arith.mulf %div3A_1572, %sub3A_1621 : vector<8x128xf32>
    %add3A_1660 = arith.addf %mul3A_1658, %mul3A_1659 : vector<8x128xf32>
    %mul3A_1661 = arith.mulf %div3A_1572, %add3A_1588 : vector<8x128xf32>
    %mul3A_1662 = arith.mulf %mul3A_1576, %add3A_1600 : vector<8x128xf32>
    %sub3A_1663 = arith.subf %mul3A_1661, %mul3A_1662 : vector<8x128xf32>
    %mul3A_1664 = arith.mulf %mul3A_1576, %add3A_1588 : vector<8x128xf32>
    %mul3A_1665 = arith.mulf %div3A_1572, %add3A_1600 : vector<8x128xf32>
    %add3A_1666 = arith.addf %mul3A_1664, %mul3A_1665 : vector<8x128xf32>
    %mul3A_1667 = arith.mulf %div3A_1572, %add3A_1612 : vector<8x128xf32>
    %mul3A_1668 = arith.mulf %mul3A_1576, %add3A_1624 : vector<8x128xf32>
    %sub3A_1669 = arith.subf %mul3A_1667, %mul3A_1668 : vector<8x128xf32>
    %mul3A_1670 = arith.mulf %mul3A_1576, %add3A_1612 : vector<8x128xf32>
    %mul3A_1671 = arith.mulf %div3A_1572, %add3A_1624 : vector<8x128xf32>
    %add3A_1672 = arith.addf %mul3A_1670, %mul3A_1671 : vector<8x128xf32>
    %mul3A_1673 = arith.mulf %div3A_1533, %sub3A_1465 : vector<8x128xf32>
    %mul3A_1674 = arith.mulf %mul3A_1537, %add3A_1486 : vector<8x128xf32>
    %sub3A_1675 = arith.subf %mul3A_1673, %mul3A_1674 : vector<8x128xf32>
    %mul3A_1676 = arith.mulf %mul3A_1537, %sub3A_1465 : vector<8x128xf32>
    %mul3A_1677 = arith.mulf %div3A_1533, %add3A_1486 : vector<8x128xf32>
    %add3A_1678 = arith.addf %mul3A_1676, %mul3A_1677 : vector<8x128xf32>
    %mul3A_1679 = arith.mulf %div3A_1533, %sub3A_1471 : vector<8x128xf32>
    %mul3A_1680 = arith.mulf %mul3A_1537, %add3A_1492 : vector<8x128xf32>
    %sub3A_1681 = arith.subf %mul3A_1679, %mul3A_1680 : vector<8x128xf32>
    %mul3A_1682 = arith.mulf %mul3A_1537, %sub3A_1471 : vector<8x128xf32>
    %mul3A_1683 = arith.mulf %div3A_1533, %add3A_1492 : vector<8x128xf32>
    %add3A_1684 = arith.addf %mul3A_1682, %mul3A_1683 : vector<8x128xf32>
    %mul3A_1685 = arith.mulf %div3A_1533, %sub3A_1477 : vector<8x128xf32>
    %mul3A_1686 = arith.mulf %mul3A_1537, %add3A_1498 : vector<8x128xf32>
    %sub3A_1687 = arith.subf %mul3A_1685, %mul3A_1686 : vector<8x128xf32>
    %mul3A_1688 = arith.mulf %mul3A_1537, %sub3A_1477 : vector<8x128xf32>
    %mul3A_1689 = arith.mulf %div3A_1533, %add3A_1498 : vector<8x128xf32>
    %add3A_1690 = arith.addf %mul3A_1688, %mul3A_1689 : vector<8x128xf32>
    %mul3A_1691 = arith.mulf %div3A_1572, %add3A_1468 : vector<8x128xf32>
    %mul3A_1692 = arith.mulf %mul3A_1576, %sub3A_1483 : vector<8x128xf32>
    %sub3A_1693 = arith.subf %mul3A_1691, %mul3A_1692 : vector<8x128xf32>
    %mul3A_1694 = arith.mulf %mul3A_1576, %add3A_1468 : vector<8x128xf32>
    %mul3A_1695 = arith.mulf %div3A_1572, %sub3A_1483 : vector<8x128xf32>
    %add3A_1696 = arith.addf %mul3A_1694, %mul3A_1695 : vector<8x128xf32>
    %mul3A_1697 = arith.mulf %div3A_1572, %add3A_1474 : vector<8x128xf32>
    %mul3A_1698 = arith.mulf %mul3A_1576, %sub3A_1489 : vector<8x128xf32>
    %sub3A_1699 = arith.subf %mul3A_1697, %mul3A_1698 : vector<8x128xf32>
    %mul3A_1700 = arith.mulf %mul3A_1576, %add3A_1474 : vector<8x128xf32>
    %mul3A_1701 = arith.mulf %div3A_1572, %sub3A_1489 : vector<8x128xf32>
    %add3A_1702 = arith.addf %mul3A_1700, %mul3A_1701 : vector<8x128xf32>
    %mul3A_1703 = arith.mulf %div3A_1572, %add3A_1480 : vector<8x128xf32>
    %mul3A_1704 = arith.mulf %mul3A_1576, %sub3A_1495 : vector<8x128xf32>
    %sub3A_1705 = arith.subf %mul3A_1703, %mul3A_1704 : vector<8x128xf32>
    %mul3A_1706 = arith.mulf %mul3A_1576, %add3A_1480 : vector<8x128xf32>
    %mul3A_1707 = arith.mulf %div3A_1572, %sub3A_1495 : vector<8x128xf32>
    %add3A_1708 = arith.addf %mul3A_1706, %mul3A_1707 : vector<8x128xf32>
    %sub3A_1709 = arith.subf %sub3A_1627, %add3A_1672 : vector<8x128xf32>
    %mul3A_1710 = arith.constant 2.000000e+00 : f32
    %mul3A_1711 = vector.broadcast %mul3A_1710 : f32 to vector<8x128xf32>
    %mul3A_1712 = arith.mulf %mul3A_1711, %add3A_1654 : vector<8x128xf32>
    %div3A_1713 = arith.divf %sub3A_1709, %mul3A_1712 : vector<8x128xf32>
    %gt3A_1714 = arith.constant 0.000000e+00 : f32
    %gt3A_1715 = vector.broadcast %gt3A_1714 : f32 to vector<8x128xf32>
    %gt3A_1716 = arith.cmpf ogt, %div3A_1713, %gt3A_1715 : vector<8x128xf32>
    %jit3A_1717 = arith.constant 1.000000e+00 : f32
    %jit3A_1718 = arith.constant -1.000000e+00 : f32
    %broadcast_in_dim3A_1719 = vector.broadcast %jit3A_1717 : f32 to vector<8x128xf32>
    %broadcast_in_dim3A_1720 = vector.broadcast %jit3A_1718 : f32 to vector<8x128xf32>
    %select_n3A_1721 = arith.select %gt3A_1716, %broadcast_in_dim3A_1719, %broadcast_in_dim3A_1720 : vector<8x128xi1>, vector<8x128xf32>
    %abs3A_1722 = math.absf %div3A_1713 : vector<8x128xf32>
    %mul3A_1723 = arith.mulf %div3A_1713, %div3A_1713 : vector<8x128xf32>
    %add3A_1724 = arith.constant 1.000000e+00 : f32
    %add3A_1725 = vector.broadcast %add3A_1724 : f32 to vector<8x128xf32>
    %add3A_1726 = arith.addf %add3A_1725, %mul3A_1723 : vector<8x128xf32>
    %sqrt3A_1727 = math.sqrt %add3A_1726 : vector<8x128xf32>
    %add3A_1728 = arith.addf %abs3A_1722, %sqrt3A_1727 : vector<8x128xf32>
    %div3A_1729 = arith.divf %select_n3A_1721, %add3A_1728 : vector<8x128xf32>
    %eq3A_1730 = arith.constant 0.000000e+00 : f32
    %eq3A_1731 = vector.broadcast %eq3A_1730 : f32 to vector<8x128xf32>
    %eq3A_1732 = arith.cmpf oeq, %add3A_1654, %eq3A_1731 : vector<8x128xf32>
    %jit3A_1733 = arith.constant 0.000000e+00 : f32
    %broadcast_in_dim3A_1734 = vector.broadcast %jit3A_1733 : f32 to vector<8x128xf32>
    %select_n3A_1735 = arith.select %eq3A_1732, %broadcast_in_dim3A_1734, %div3A_1729 : vector<8x128xi1>, vector<8x128xf32>
    %mul3A_1736 = arith.mulf %select_n3A_1735, %select_n3A_1735 : vector<8x128xf32>
    %add3A_1737 = arith.constant 1.000000e+00 : f32
    %add3A_1738 = vector.broadcast %add3A_1737 : f32 to vector<8x128xf32>
    %add3A_1739 = arith.addf %mul3A_1736, %add3A_1738 : vector<8x128xf32>
    %sqrt3A_1740 = math.sqrt %add3A_1739 : vector<8x128xf32>
    %div3A_1741 = arith.constant 1.000000e+00 : f32
    %div3A_1742 = vector.broadcast %div3A_1741 : f32 to vector<8x128xf32>
    %div3A_1743 = arith.divf %div3A_1742, %sqrt3A_1740 : vector<8x128xf32>
    %neg3A_1744 = arith.constant 0.000000e+00 : f32
    %neg3A_1745 = vector.broadcast %neg3A_1744 : f32 to vector<8x128xf32>
    %neg3A_1746 = arith.subf %neg3A_1745, %select_n3A_1735 : vector<8x128xf32>
    %mul3A_1747 = arith.mulf %neg3A_1746, %div3A_1743 : vector<8x128xf32>
    %sub3A_1748 = arith.subf %add3A_1642, %sub3A_1657 : vector<8x128xf32>
    %mul3A_1749 = arith.constant 2.000000e+00 : f32
    %mul3A_1750 = vector.broadcast %mul3A_1749 : f32 to vector<8x128xf32>
    %mul3A_1751 = arith.mulf %mul3A_1750, %sub3A_1663 : vector<8x128xf32>
    %div3A_1752 = arith.divf %sub3A_1748, %mul3A_1751 : vector<8x128xf32>
    %gt3A_1753 = arith.constant 0.000000e+00 : f32
    %gt3A_1754 = vector.broadcast %gt3A_1753 : f32 to vector<8x128xf32>
    %gt3A_1755 = arith.cmpf ogt, %div3A_1752, %gt3A_1754 : vector<8x128xf32>
    %jit3A_1756 = arith.constant 1.000000e+00 : f32
    %jit3A_1757 = arith.constant -1.000000e+00 : f32
    %broadcast_in_dim3A_1758 = vector.broadcast %jit3A_1756 : f32 to vector<8x128xf32>
    %broadcast_in_dim3A_1759 = vector.broadcast %jit3A_1757 : f32 to vector<8x128xf32>
    %select_n3A_1760 = arith.select %gt3A_1755, %broadcast_in_dim3A_1758, %broadcast_in_dim3A_1759 : vector<8x128xi1>, vector<8x128xf32>
    %abs3A_1761 = math.absf %div3A_1752 : vector<8x128xf32>
    %mul3A_1762 = arith.mulf %div3A_1752, %div3A_1752 : vector<8x128xf32>
    %add3A_1763 = arith.constant 1.000000e+00 : f32
    %add3A_1764 = vector.broadcast %add3A_1763 : f32 to vector<8x128xf32>
    %add3A_1765 = arith.addf %add3A_1764, %mul3A_1762 : vector<8x128xf32>
    %sqrt3A_1766 = math.sqrt %add3A_1765 : vector<8x128xf32>
    %add3A_1767 = arith.addf %abs3A_1761, %sqrt3A_1766 : vector<8x128xf32>
    %div3A_1768 = arith.divf %select_n3A_1760, %add3A_1767 : vector<8x128xf32>
    %eq3A_1769 = arith.constant 0.000000e+00 : f32
    %eq3A_1770 = vector.broadcast %eq3A_1769 : f32 to vector<8x128xf32>
    %eq3A_1771 = arith.cmpf oeq, %sub3A_1663, %eq3A_1770 : vector<8x128xf32>
    %jit3A_1772 = arith.constant 0.000000e+00 : f32
    %broadcast_in_dim3A_1773 = vector.broadcast %jit3A_1772 : f32 to vector<8x128xf32>
    %select_n3A_1774 = arith.select %eq3A_1771, %broadcast_in_dim3A_1773, %div3A_1768 : vector<8x128xi1>, vector<8x128xf32>
    %mul3A_1775 = arith.mulf %select_n3A_1774, %select_n3A_1774 : vector<8x128xf32>
    %add3A_1776 = arith.constant 1.000000e+00 : f32
    %add3A_1777 = vector.broadcast %add3A_1776 : f32 to vector<8x128xf32>
    %add3A_1778 = arith.addf %mul3A_1775, %add3A_1777 : vector<8x128xf32>
    %sqrt3A_1779 = math.sqrt %add3A_1778 : vector<8x128xf32>
    %div3A_1780 = arith.constant 1.000000e+00 : f32
    %div3A_1781 = vector.broadcast %div3A_1780 : f32 to vector<8x128xf32>
    %div3A_1782 = arith.divf %div3A_1781, %sqrt3A_1779 : vector<8x128xf32>
    %neg3A_1783 = arith.constant 0.000000e+00 : f32
    %neg3A_1784 = vector.broadcast %neg3A_1783 : f32 to vector<8x128xf32>
    %neg3A_1785 = arith.subf %neg3A_1784, %select_n3A_1774 : vector<8x128xf32>
    %mul3A_1786 = arith.mulf %neg3A_1785, %div3A_1782 : vector<8x128xf32>
    %mul3A_1787 = arith.mulf %div3A_1743, %sub3A_1627 : vector<8x128xf32>
    %mul3A_1788 = arith.mulf %mul3A_1747, %sub3A_1645 : vector<8x128xf32>
    %sub3A_1789 = arith.subf %mul3A_1787, %mul3A_1788 : vector<8x128xf32>
    %mul3A_1790 = arith.mulf %mul3A_1747, %sub3A_1627 : vector<8x128xf32>
    %mul3A_1791 = arith.mulf %div3A_1743, %sub3A_1645 : vector<8x128xf32>
    %add3A_1792 = arith.addf %mul3A_1790, %mul3A_1791 : vector<8x128xf32>
    %mul3A_1793 = arith.mulf %div3A_1743, %add3A_1630 : vector<8x128xf32>
    %mul3A_1794 = arith.mulf %mul3A_1747, %add3A_1648 : vector<8x128xf32>
    %sub3A_1795 = arith.subf %mul3A_1793, %mul3A_1794 : vector<8x128xf32>
    %mul3A_1796 = arith.mulf %mul3A_1747, %add3A_1630 : vector<8x128xf32>
    %mul3A_1797 = arith.mulf %div3A_1743, %add3A_1648 : vector<8x128xf32>
    %add3A_1798 = arith.addf %mul3A_1796, %mul3A_1797 : vector<8x128xf32>
    %mul3A_1799 = arith.mulf %div3A_1743, %add3A_1654 : vector<8x128xf32>
    %mul3A_1800 = arith.mulf %mul3A_1747, %add3A_1672 : vector<8x128xf32>
    %sub3A_1801 = arith.subf %mul3A_1799, %mul3A_1800 : vector<8x128xf32>
    %mul3A_1802 = arith.mulf %mul3A_1747, %add3A_1654 : vector<8x128xf32>
    %mul3A_1803 = arith.mulf %div3A_1743, %add3A_1672 : vector<8x128xf32>
    %add3A_1804 = arith.addf %mul3A_1802, %mul3A_1803 : vector<8x128xf32>
    %mul3A_1805 = arith.mulf %div3A_1743, %sub3A_1651 : vector<8x128xf32>
    %mul3A_1806 = arith.mulf %mul3A_1747, %sub3A_1669 : vector<8x128xf32>
    %sub3A_1807 = arith.subf %mul3A_1805, %mul3A_1806 : vector<8x128xf32>
    %mul3A_1808 = arith.mulf %mul3A_1747, %sub3A_1651 : vector<8x128xf32>
    %mul3A_1809 = arith.mulf %div3A_1743, %sub3A_1669 : vector<8x128xf32>
    %add3A_1810 = arith.addf %mul3A_1808, %mul3A_1809 : vector<8x128xf32>
    %mul3A_1811 = arith.mulf %div3A_1782, %sub3A_1639 : vector<8x128xf32>
    %mul3A_1812 = arith.mulf %mul3A_1786, %sub3A_1633 : vector<8x128xf32>
    %sub3A_1813 = arith.subf %mul3A_1811, %mul3A_1812 : vector<8x128xf32>
    %mul3A_1814 = arith.mulf %mul3A_1786, %sub3A_1639 : vector<8x128xf32>
    %mul3A_1815 = arith.mulf %div3A_1782, %sub3A_1633 : vector<8x128xf32>
    %add3A_1816 = arith.addf %mul3A_1814, %mul3A_1815 : vector<8x128xf32>
    %mul3A_1817 = arith.mulf %div3A_1782, %add3A_1642 : vector<8x128xf32>
    %mul3A_1818 = arith.mulf %mul3A_1786, %add3A_1636 : vector<8x128xf32>
    %sub3A_1819 = arith.subf %mul3A_1817, %mul3A_1818 : vector<8x128xf32>
    %mul3A_1820 = arith.mulf %mul3A_1786, %add3A_1642 : vector<8x128xf32>
    %mul3A_1821 = arith.mulf %div3A_1782, %add3A_1636 : vector<8x128xf32>
    %add3A_1822 = arith.addf %mul3A_1820, %mul3A_1821 : vector<8x128xf32>
    %mul3A_1823 = arith.mulf %div3A_1782, %add3A_1666 : vector<8x128xf32>
    %mul3A_1824 = arith.mulf %mul3A_1786, %add3A_1660 : vector<8x128xf32>
    %sub3A_1825 = arith.subf %mul3A_1823, %mul3A_1824 : vector<8x128xf32>
    %mul3A_1826 = arith.mulf %mul3A_1786, %add3A_1666 : vector<8x128xf32>
    %mul3A_1827 = arith.mulf %div3A_1782, %add3A_1660 : vector<8x128xf32>
    %add3A_1828 = arith.addf %mul3A_1826, %mul3A_1827 : vector<8x128xf32>
    %mul3A_1829 = arith.mulf %div3A_1782, %sub3A_1663 : vector<8x128xf32>
    %mul3A_1830 = arith.mulf %mul3A_1786, %sub3A_1657 : vector<8x128xf32>
    %sub3A_1831 = arith.subf %mul3A_1829, %mul3A_1830 : vector<8x128xf32>
    %mul3A_1832 = arith.mulf %mul3A_1786, %sub3A_1663 : vector<8x128xf32>
    %mul3A_1833 = arith.mulf %div3A_1782, %sub3A_1657 : vector<8x128xf32>
    %add3A_1834 = arith.addf %mul3A_1832, %mul3A_1833 : vector<8x128xf32>
    %mul3A_1835 = arith.mulf %div3A_1743, %sub3A_1789 : vector<8x128xf32>
    %mul3A_1836 = arith.mulf %mul3A_1747, %sub3A_1801 : vector<8x128xf32>
    %sub3A_1837 = arith.subf %mul3A_1835, %mul3A_1836 : vector<8x128xf32>
    %mul3A_1838 = arith.mulf %mul3A_1747, %sub3A_1789 : vector<8x128xf32>
    %mul3A_1839 = arith.mulf %div3A_1743, %sub3A_1801 : vector<8x128xf32>
    %add3A_1840 = arith.addf %mul3A_1838, %mul3A_1839 : vector<8x128xf32>
    %mul3A_1841 = arith.mulf %div3A_1743, %sub3A_1813 : vector<8x128xf32>
    %mul3A_1842 = arith.mulf %mul3A_1747, %sub3A_1825 : vector<8x128xf32>
    %sub3A_1843 = arith.subf %mul3A_1841, %mul3A_1842 : vector<8x128xf32>
    %mul3A_1844 = arith.mulf %mul3A_1747, %sub3A_1813 : vector<8x128xf32>
    %mul3A_1845 = arith.mulf %div3A_1743, %sub3A_1825 : vector<8x128xf32>
    %add3A_1846 = arith.addf %mul3A_1844, %mul3A_1845 : vector<8x128xf32>
    %mul3A_1847 = arith.mulf %div3A_1743, %add3A_1792 : vector<8x128xf32>
    %mul3A_1848 = arith.mulf %mul3A_1747, %add3A_1804 : vector<8x128xf32>
    %sub3A_1849 = arith.subf %mul3A_1847, %mul3A_1848 : vector<8x128xf32>
    %mul3A_1850 = arith.mulf %mul3A_1747, %add3A_1792 : vector<8x128xf32>
    %mul3A_1851 = arith.mulf %div3A_1743, %add3A_1804 : vector<8x128xf32>
    %add3A_1852 = arith.addf %mul3A_1850, %mul3A_1851 : vector<8x128xf32>
    %mul3A_1853 = arith.mulf %div3A_1743, %add3A_1816 : vector<8x128xf32>
    %mul3A_1854 = arith.mulf %mul3A_1747, %add3A_1828 : vector<8x128xf32>
    %sub3A_1855 = arith.subf %mul3A_1853, %mul3A_1854 : vector<8x128xf32>
    %mul3A_1856 = arith.mulf %mul3A_1747, %add3A_1816 : vector<8x128xf32>
    %mul3A_1857 = arith.mulf %div3A_1743, %add3A_1828 : vector<8x128xf32>
    %add3A_1858 = arith.addf %mul3A_1856, %mul3A_1857 : vector<8x128xf32>
    %mul3A_1859 = arith.mulf %div3A_1782, %sub3A_1795 : vector<8x128xf32>
    %mul3A_1860 = arith.mulf %mul3A_1786, %sub3A_1807 : vector<8x128xf32>
    %sub3A_1861 = arith.subf %mul3A_1859, %mul3A_1860 : vector<8x128xf32>
    %mul3A_1862 = arith.mulf %mul3A_1786, %sub3A_1795 : vector<8x128xf32>
    %mul3A_1863 = arith.mulf %div3A_1782, %sub3A_1807 : vector<8x128xf32>
    %add3A_1864 = arith.addf %mul3A_1862, %mul3A_1863 : vector<8x128xf32>
    %mul3A_1865 = arith.mulf %div3A_1782, %sub3A_1819 : vector<8x128xf32>
    %mul3A_1866 = arith.mulf %mul3A_1786, %sub3A_1831 : vector<8x128xf32>
    %sub3A_1867 = arith.subf %mul3A_1865, %mul3A_1866 : vector<8x128xf32>
    %mul3A_1868 = arith.mulf %mul3A_1786, %sub3A_1819 : vector<8x128xf32>
    %mul3A_1869 = arith.mulf %div3A_1782, %sub3A_1831 : vector<8x128xf32>
    %add3A_1870 = arith.addf %mul3A_1868, %mul3A_1869 : vector<8x128xf32>
    %mul3A_1871 = arith.mulf %div3A_1782, %add3A_1798 : vector<8x128xf32>
    %mul3A_1872 = arith.mulf %mul3A_1786, %add3A_1810 : vector<8x128xf32>
    %sub3A_1873 = arith.subf %mul3A_1871, %mul3A_1872 : vector<8x128xf32>
    %mul3A_1874 = arith.mulf %mul3A_1786, %add3A_1798 : vector<8x128xf32>
    %mul3A_1875 = arith.mulf %div3A_1782, %add3A_1810 : vector<8x128xf32>
    %add3A_1876 = arith.addf %mul3A_1874, %mul3A_1875 : vector<8x128xf32>
    %mul3A_1877 = arith.mulf %div3A_1782, %add3A_1822 : vector<8x128xf32>
    %mul3A_1878 = arith.mulf %mul3A_1786, %add3A_1834 : vector<8x128xf32>
    %sub3A_1879 = arith.subf %mul3A_1877, %mul3A_1878 : vector<8x128xf32>
    %mul3A_1880 = arith.mulf %mul3A_1786, %add3A_1822 : vector<8x128xf32>
    %mul3A_1881 = arith.mulf %div3A_1782, %add3A_1834 : vector<8x128xf32>
    %add3A_1882 = arith.addf %mul3A_1880, %mul3A_1881 : vector<8x128xf32>
    %mul3A_1883 = arith.mulf %div3A_1743, %sub3A_1675 : vector<8x128xf32>
    %mul3A_1884 = arith.mulf %mul3A_1747, %add3A_1696 : vector<8x128xf32>
    %sub3A_1885 = arith.subf %mul3A_1883, %mul3A_1884 : vector<8x128xf32>
    %mul3A_1886 = arith.mulf %mul3A_1747, %sub3A_1675 : vector<8x128xf32>
    %mul3A_1887 = arith.mulf %div3A_1743, %add3A_1696 : vector<8x128xf32>
    %add3A_1888 = arith.addf %mul3A_1886, %mul3A_1887 : vector<8x128xf32>
    %mul3A_1889 = arith.mulf %div3A_1743, %sub3A_1681 : vector<8x128xf32>
    %mul3A_1890 = arith.mulf %mul3A_1747, %add3A_1702 : vector<8x128xf32>
    %sub3A_1891 = arith.subf %mul3A_1889, %mul3A_1890 : vector<8x128xf32>
    %mul3A_1892 = arith.mulf %mul3A_1747, %sub3A_1681 : vector<8x128xf32>
    %mul3A_1893 = arith.mulf %div3A_1743, %add3A_1702 : vector<8x128xf32>
    %add3A_1894 = arith.addf %mul3A_1892, %mul3A_1893 : vector<8x128xf32>
    %mul3A_1895 = arith.mulf %div3A_1743, %sub3A_1687 : vector<8x128xf32>
    %mul3A_1896 = arith.mulf %mul3A_1747, %add3A_1708 : vector<8x128xf32>
    %sub3A_1897 = arith.subf %mul3A_1895, %mul3A_1896 : vector<8x128xf32>
    %mul3A_1898 = arith.mulf %mul3A_1747, %sub3A_1687 : vector<8x128xf32>
    %mul3A_1899 = arith.mulf %div3A_1743, %add3A_1708 : vector<8x128xf32>
    %add3A_1900 = arith.addf %mul3A_1898, %mul3A_1899 : vector<8x128xf32>
    %mul3A_1901 = arith.mulf %div3A_1782, %add3A_1678 : vector<8x128xf32>
    %mul3A_1902 = arith.mulf %mul3A_1786, %sub3A_1693 : vector<8x128xf32>
    %sub3A_1903 = arith.subf %mul3A_1901, %mul3A_1902 : vector<8x128xf32>
    %mul3A_1904 = arith.mulf %mul3A_1786, %add3A_1678 : vector<8x128xf32>
    %mul3A_1905 = arith.mulf %div3A_1782, %sub3A_1693 : vector<8x128xf32>
    %add3A_1906 = arith.addf %mul3A_1904, %mul3A_1905 : vector<8x128xf32>
    %mul3A_1907 = arith.mulf %div3A_1782, %add3A_1684 : vector<8x128xf32>
    %mul3A_1908 = arith.mulf %mul3A_1786, %sub3A_1699 : vector<8x128xf32>
    %sub3A_1909 = arith.subf %mul3A_1907, %mul3A_1908 : vector<8x128xf32>
    %mul3A_1910 = arith.mulf %mul3A_1786, %add3A_1684 : vector<8x128xf32>
    %mul3A_1911 = arith.mulf %div3A_1782, %sub3A_1699 : vector<8x128xf32>
    %add3A_1912 = arith.addf %mul3A_1910, %mul3A_1911 : vector<8x128xf32>
    %mul3A_1913 = arith.mulf %div3A_1782, %add3A_1690 : vector<8x128xf32>
    %mul3A_1914 = arith.mulf %mul3A_1786, %sub3A_1705 : vector<8x128xf32>
    %sub3A_1915 = arith.subf %mul3A_1913, %mul3A_1914 : vector<8x128xf32>
    %mul3A_1916 = arith.mulf %mul3A_1786, %add3A_1690 : vector<8x128xf32>
    %mul3A_1917 = arith.mulf %div3A_1782, %sub3A_1705 : vector<8x128xf32>
    %add3A_1918 = arith.addf %mul3A_1916, %mul3A_1917 : vector<8x128xf32>
    %sub3A_1919 = arith.subf %sub3A_1837, %add3A_1882 : vector<8x128xf32>
    %mul3A_1920 = arith.constant 2.000000e+00 : f32
    %mul3A_1921 = vector.broadcast %mul3A_1920 : f32 to vector<8x128xf32>
    %mul3A_1922 = arith.mulf %mul3A_1921, %add3A_1864 : vector<8x128xf32>
    %div3A_1923 = arith.divf %sub3A_1919, %mul3A_1922 : vector<8x128xf32>
    %gt3A_1924 = arith.constant 0.000000e+00 : f32
    %gt3A_1925 = vector.broadcast %gt3A_1924 : f32 to vector<8x128xf32>
    %gt3A_1926 = arith.cmpf ogt, %div3A_1923, %gt3A_1925 : vector<8x128xf32>
    %jit3A_1927 = arith.constant 1.000000e+00 : f32
    %jit3A_1928 = arith.constant -1.000000e+00 : f32
    %broadcast_in_dim3A_1929 = vector.broadcast %jit3A_1927 : f32 to vector<8x128xf32>
    %broadcast_in_dim3A_1930 = vector.broadcast %jit3A_1928 : f32 to vector<8x128xf32>
    %select_n3A_1931 = arith.select %gt3A_1926, %broadcast_in_dim3A_1929, %broadcast_in_dim3A_1930 : vector<8x128xi1>, vector<8x128xf32>
    %abs3A_1932 = math.absf %div3A_1923 : vector<8x128xf32>
    %mul3A_1933 = arith.mulf %div3A_1923, %div3A_1923 : vector<8x128xf32>
    %add3A_1934 = arith.constant 1.000000e+00 : f32
    %add3A_1935 = vector.broadcast %add3A_1934 : f32 to vector<8x128xf32>
    %add3A_1936 = arith.addf %add3A_1935, %mul3A_1933 : vector<8x128xf32>
    %sqrt3A_1937 = math.sqrt %add3A_1936 : vector<8x128xf32>
    %add3A_1938 = arith.addf %abs3A_1932, %sqrt3A_1937 : vector<8x128xf32>
    %div3A_1939 = arith.divf %select_n3A_1931, %add3A_1938 : vector<8x128xf32>
    %eq3A_1940 = arith.constant 0.000000e+00 : f32
    %eq3A_1941 = vector.broadcast %eq3A_1940 : f32 to vector<8x128xf32>
    %eq3A_1942 = arith.cmpf oeq, %add3A_1864, %eq3A_1941 : vector<8x128xf32>
    %jit3A_1943 = arith.constant 0.000000e+00 : f32
    %broadcast_in_dim3A_1944 = vector.broadcast %jit3A_1943 : f32 to vector<8x128xf32>
    %select_n3A_1945 = arith.select %eq3A_1942, %broadcast_in_dim3A_1944, %div3A_1939 : vector<8x128xi1>, vector<8x128xf32>
    %mul3A_1946 = arith.mulf %select_n3A_1945, %select_n3A_1945 : vector<8x128xf32>
    %add3A_1947 = arith.constant 1.000000e+00 : f32
    %add3A_1948 = vector.broadcast %add3A_1947 : f32 to vector<8x128xf32>
    %add3A_1949 = arith.addf %mul3A_1946, %add3A_1948 : vector<8x128xf32>
    %sqrt3A_1950 = math.sqrt %add3A_1949 : vector<8x128xf32>
    %div3A_1951 = arith.constant 1.000000e+00 : f32
    %div3A_1952 = vector.broadcast %div3A_1951 : f32 to vector<8x128xf32>
    %div3A_1953 = arith.divf %div3A_1952, %sqrt3A_1950 : vector<8x128xf32>
    %neg3A_1954 = arith.constant 0.000000e+00 : f32
    %neg3A_1955 = vector.broadcast %neg3A_1954 : f32 to vector<8x128xf32>
    %neg3A_1956 = arith.subf %neg3A_1955, %select_n3A_1945 : vector<8x128xf32>
    %mul3A_1957 = arith.mulf %neg3A_1956, %div3A_1953 : vector<8x128xf32>
    %sub3A_1958 = arith.subf %add3A_1852, %sub3A_1867 : vector<8x128xf32>
    %mul3A_1959 = arith.constant 2.000000e+00 : f32
    %mul3A_1960 = vector.broadcast %mul3A_1959 : f32 to vector<8x128xf32>
    %mul3A_1961 = arith.mulf %mul3A_1960, %sub3A_1873 : vector<8x128xf32>
    %div3A_1962 = arith.divf %sub3A_1958, %mul3A_1961 : vector<8x128xf32>
    %gt3A_1963 = arith.constant 0.000000e+00 : f32
    %gt3A_1964 = vector.broadcast %gt3A_1963 : f32 to vector<8x128xf32>
    %gt3A_1965 = arith.cmpf ogt, %div3A_1962, %gt3A_1964 : vector<8x128xf32>
    %jit3A_1966 = arith.constant 1.000000e+00 : f32
    %jit3A_1967 = arith.constant -1.000000e+00 : f32
    %broadcast_in_dim3A_1968 = vector.broadcast %jit3A_1966 : f32 to vector<8x128xf32>
    %broadcast_in_dim3A_1969 = vector.broadcast %jit3A_1967 : f32 to vector<8x128xf32>
    %select_n3A_1970 = arith.select %gt3A_1965, %broadcast_in_dim3A_1968, %broadcast_in_dim3A_1969 : vector<8x128xi1>, vector<8x128xf32>
    %abs3A_1971 = math.absf %div3A_1962 : vector<8x128xf32>
    %mul3A_1972 = arith.mulf %div3A_1962, %div3A_1962 : vector<8x128xf32>
    %add3A_1973 = arith.constant 1.000000e+00 : f32
    %add3A_1974 = vector.broadcast %add3A_1973 : f32 to vector<8x128xf32>
    %add3A_1975 = arith.addf %add3A_1974, %mul3A_1972 : vector<8x128xf32>
    %sqrt3A_1976 = math.sqrt %add3A_1975 : vector<8x128xf32>
    %add3A_1977 = arith.addf %abs3A_1971, %sqrt3A_1976 : vector<8x128xf32>
    %div3A_1978 = arith.divf %select_n3A_1970, %add3A_1977 : vector<8x128xf32>
    %eq3A_1979 = arith.constant 0.000000e+00 : f32
    %eq3A_1980 = vector.broadcast %eq3A_1979 : f32 to vector<8x128xf32>
    %eq3A_1981 = arith.cmpf oeq, %sub3A_1873, %eq3A_1980 : vector<8x128xf32>
    %jit3A_1982 = arith.constant 0.000000e+00 : f32
    %broadcast_in_dim3A_1983 = vector.broadcast %jit3A_1982 : f32 to vector<8x128xf32>
    %select_n3A_1984 = arith.select %eq3A_1981, %broadcast_in_dim3A_1983, %div3A_1978 : vector<8x128xi1>, vector<8x128xf32>
    %mul3A_1985 = arith.mulf %select_n3A_1984, %select_n3A_1984 : vector<8x128xf32>
    %add3A_1986 = arith.constant 1.000000e+00 : f32
    %add3A_1987 = vector.broadcast %add3A_1986 : f32 to vector<8x128xf32>
    %add3A_1988 = arith.addf %mul3A_1985, %add3A_1987 : vector<8x128xf32>
    %sqrt3A_1989 = math.sqrt %add3A_1988 : vector<8x128xf32>
    %div3A_1990 = arith.constant 1.000000e+00 : f32
    %div3A_1991 = vector.broadcast %div3A_1990 : f32 to vector<8x128xf32>
    %div3A_1992 = arith.divf %div3A_1991, %sqrt3A_1989 : vector<8x128xf32>
    %neg3A_1993 = arith.constant 0.000000e+00 : f32
    %neg3A_1994 = vector.broadcast %neg3A_1993 : f32 to vector<8x128xf32>
    %neg3A_1995 = arith.subf %neg3A_1994, %select_n3A_1984 : vector<8x128xf32>
    %mul3A_1996 = arith.mulf %neg3A_1995, %div3A_1992 : vector<8x128xf32>
    %mul3A_1997 = arith.mulf %div3A_1953, %sub3A_1837 : vector<8x128xf32>
    %mul3A_1998 = arith.mulf %mul3A_1957, %sub3A_1855 : vector<8x128xf32>
    %sub3A_1999 = arith.subf %mul3A_1997, %mul3A_1998 : vector<8x128xf32>
    %mul3A_2000 = arith.mulf %mul3A_1957, %sub3A_1837 : vector<8x128xf32>
    %mul3A_2001 = arith.mulf %div3A_1953, %sub3A_1855 : vector<8x128xf32>
    %add3A_2002 = arith.addf %mul3A_2000, %mul3A_2001 : vector<8x128xf32>
    %mul3A_2003 = arith.mulf %div3A_1953, %add3A_1840 : vector<8x128xf32>
    %mul3A_2004 = arith.mulf %mul3A_1957, %add3A_1858 : vector<8x128xf32>
    %sub3A_2005 = arith.subf %mul3A_2003, %mul3A_2004 : vector<8x128xf32>
    %mul3A_2006 = arith.mulf %mul3A_1957, %add3A_1840 : vector<8x128xf32>
    %mul3A_2007 = arith.mulf %div3A_1953, %add3A_1858 : vector<8x128xf32>
    %add3A_2008 = arith.addf %mul3A_2006, %mul3A_2007 : vector<8x128xf32>
    %mul3A_2009 = arith.mulf %div3A_1953, %add3A_1864 : vector<8x128xf32>
    %mul3A_2010 = arith.mulf %mul3A_1957, %add3A_1882 : vector<8x128xf32>
    %sub3A_2011 = arith.subf %mul3A_2009, %mul3A_2010 : vector<8x128xf32>
    %mul3A_2012 = arith.mulf %mul3A_1957, %add3A_1864 : vector<8x128xf32>
    %mul3A_2013 = arith.mulf %div3A_1953, %add3A_1882 : vector<8x128xf32>
    %add3A_2014 = arith.addf %mul3A_2012, %mul3A_2013 : vector<8x128xf32>
    %mul3A_2015 = arith.mulf %div3A_1953, %sub3A_1861 : vector<8x128xf32>
    %mul3A_2016 = arith.mulf %mul3A_1957, %sub3A_1879 : vector<8x128xf32>
    %sub3A_2017 = arith.subf %mul3A_2015, %mul3A_2016 : vector<8x128xf32>
    %mul3A_2018 = arith.mulf %mul3A_1957, %sub3A_1861 : vector<8x128xf32>
    %mul3A_2019 = arith.mulf %div3A_1953, %sub3A_1879 : vector<8x128xf32>
    %add3A_2020 = arith.addf %mul3A_2018, %mul3A_2019 : vector<8x128xf32>
    %mul3A_2021 = arith.mulf %div3A_1992, %sub3A_1849 : vector<8x128xf32>
    %mul3A_2022 = arith.mulf %mul3A_1996, %sub3A_1843 : vector<8x128xf32>
    %sub3A_2023 = arith.subf %mul3A_2021, %mul3A_2022 : vector<8x128xf32>
    %mul3A_2024 = arith.mulf %mul3A_1996, %sub3A_1849 : vector<8x128xf32>
    %mul3A_2025 = arith.mulf %div3A_1992, %sub3A_1843 : vector<8x128xf32>
    %add3A_2026 = arith.addf %mul3A_2024, %mul3A_2025 : vector<8x128xf32>
    %mul3A_2027 = arith.mulf %div3A_1992, %add3A_1852 : vector<8x128xf32>
    %mul3A_2028 = arith.mulf %mul3A_1996, %add3A_1846 : vector<8x128xf32>
    %sub3A_2029 = arith.subf %mul3A_2027, %mul3A_2028 : vector<8x128xf32>
    %mul3A_2030 = arith.mulf %mul3A_1996, %add3A_1852 : vector<8x128xf32>
    %mul3A_2031 = arith.mulf %div3A_1992, %add3A_1846 : vector<8x128xf32>
    %add3A_2032 = arith.addf %mul3A_2030, %mul3A_2031 : vector<8x128xf32>
    %mul3A_2033 = arith.mulf %div3A_1992, %add3A_1876 : vector<8x128xf32>
    %mul3A_2034 = arith.mulf %mul3A_1996, %add3A_1870 : vector<8x128xf32>
    %sub3A_2035 = arith.subf %mul3A_2033, %mul3A_2034 : vector<8x128xf32>
    %mul3A_2036 = arith.mulf %mul3A_1996, %add3A_1876 : vector<8x128xf32>
    %mul3A_2037 = arith.mulf %div3A_1992, %add3A_1870 : vector<8x128xf32>
    %add3A_2038 = arith.addf %mul3A_2036, %mul3A_2037 : vector<8x128xf32>
    %mul3A_2039 = arith.mulf %div3A_1992, %sub3A_1873 : vector<8x128xf32>
    %mul3A_2040 = arith.mulf %mul3A_1996, %sub3A_1867 : vector<8x128xf32>
    %sub3A_2041 = arith.subf %mul3A_2039, %mul3A_2040 : vector<8x128xf32>
    %mul3A_2042 = arith.mulf %mul3A_1996, %sub3A_1873 : vector<8x128xf32>
    %mul3A_2043 = arith.mulf %div3A_1992, %sub3A_1867 : vector<8x128xf32>
    %add3A_2044 = arith.addf %mul3A_2042, %mul3A_2043 : vector<8x128xf32>
    %mul3A_2045 = arith.mulf %div3A_1953, %sub3A_1999 : vector<8x128xf32>
    %mul3A_2046 = arith.mulf %mul3A_1957, %sub3A_2011 : vector<8x128xf32>
    %sub3A_2047 = arith.subf %mul3A_2045, %mul3A_2046 : vector<8x128xf32>
    %mul3A_2048 = arith.mulf %mul3A_1957, %sub3A_1999 : vector<8x128xf32>
    %mul3A_2049 = arith.mulf %div3A_1953, %sub3A_2011 : vector<8x128xf32>
    %add3A_2050 = arith.addf %mul3A_2048, %mul3A_2049 : vector<8x128xf32>
    %mul3A_2051 = arith.mulf %div3A_1953, %sub3A_2023 : vector<8x128xf32>
    %mul3A_2052 = arith.mulf %mul3A_1957, %sub3A_2035 : vector<8x128xf32>
    %sub3A_2053 = arith.subf %mul3A_2051, %mul3A_2052 : vector<8x128xf32>
    %mul3A_2054 = arith.mulf %mul3A_1957, %sub3A_2023 : vector<8x128xf32>
    %mul3A_2055 = arith.mulf %div3A_1953, %sub3A_2035 : vector<8x128xf32>
    %add3A_2056 = arith.addf %mul3A_2054, %mul3A_2055 : vector<8x128xf32>
    %mul3A_2057 = arith.mulf %div3A_1953, %add3A_2002 : vector<8x128xf32>
    %mul3A_2058 = arith.mulf %mul3A_1957, %add3A_2014 : vector<8x128xf32>
    %sub3A_2059 = arith.subf %mul3A_2057, %mul3A_2058 : vector<8x128xf32>
    %mul3A_2060 = arith.mulf %mul3A_1957, %add3A_2002 : vector<8x128xf32>
    %mul3A_2061 = arith.mulf %div3A_1953, %add3A_2014 : vector<8x128xf32>
    %add3A_2062 = arith.addf %mul3A_2060, %mul3A_2061 : vector<8x128xf32>
    %mul3A_2063 = arith.mulf %div3A_1953, %add3A_2026 : vector<8x128xf32>
    %mul3A_2064 = arith.mulf %mul3A_1957, %add3A_2038 : vector<8x128xf32>
    %sub3A_2065 = arith.subf %mul3A_2063, %mul3A_2064 : vector<8x128xf32>
    %mul3A_2066 = arith.mulf %mul3A_1957, %add3A_2026 : vector<8x128xf32>
    %mul3A_2067 = arith.mulf %div3A_1953, %add3A_2038 : vector<8x128xf32>
    %add3A_2068 = arith.addf %mul3A_2066, %mul3A_2067 : vector<8x128xf32>
    %mul3A_2069 = arith.mulf %div3A_1992, %sub3A_2005 : vector<8x128xf32>
    %mul3A_2070 = arith.mulf %mul3A_1996, %sub3A_2017 : vector<8x128xf32>
    %sub3A_2071 = arith.subf %mul3A_2069, %mul3A_2070 : vector<8x128xf32>
    %mul3A_2072 = arith.mulf %mul3A_1996, %sub3A_2005 : vector<8x128xf32>
    %mul3A_2073 = arith.mulf %div3A_1992, %sub3A_2017 : vector<8x128xf32>
    %add3A_2074 = arith.addf %mul3A_2072, %mul3A_2073 : vector<8x128xf32>
    %mul3A_2075 = arith.mulf %div3A_1992, %sub3A_2029 : vector<8x128xf32>
    %mul3A_2076 = arith.mulf %mul3A_1996, %sub3A_2041 : vector<8x128xf32>
    %sub3A_2077 = arith.subf %mul3A_2075, %mul3A_2076 : vector<8x128xf32>
    %mul3A_2078 = arith.mulf %mul3A_1996, %sub3A_2029 : vector<8x128xf32>
    %mul3A_2079 = arith.mulf %div3A_1992, %sub3A_2041 : vector<8x128xf32>
    %add3A_2080 = arith.addf %mul3A_2078, %mul3A_2079 : vector<8x128xf32>
    %mul3A_2081 = arith.mulf %div3A_1992, %add3A_2008 : vector<8x128xf32>
    %mul3A_2082 = arith.mulf %mul3A_1996, %add3A_2020 : vector<8x128xf32>
    %sub3A_2083 = arith.subf %mul3A_2081, %mul3A_2082 : vector<8x128xf32>
    %mul3A_2084 = arith.mulf %mul3A_1996, %add3A_2008 : vector<8x128xf32>
    %mul3A_2085 = arith.mulf %div3A_1992, %add3A_2020 : vector<8x128xf32>
    %add3A_2086 = arith.addf %mul3A_2084, %mul3A_2085 : vector<8x128xf32>
    %mul3A_2087 = arith.mulf %div3A_1992, %add3A_2032 : vector<8x128xf32>
    %mul3A_2088 = arith.mulf %mul3A_1996, %add3A_2044 : vector<8x128xf32>
    %sub3A_2089 = arith.subf %mul3A_2087, %mul3A_2088 : vector<8x128xf32>
    %mul3A_2090 = arith.mulf %mul3A_1996, %add3A_2032 : vector<8x128xf32>
    %mul3A_2091 = arith.mulf %div3A_1992, %add3A_2044 : vector<8x128xf32>
    %add3A_2092 = arith.addf %mul3A_2090, %mul3A_2091 : vector<8x128xf32>
    %mul3A_2093 = arith.mulf %div3A_1953, %sub3A_1885 : vector<8x128xf32>
    %mul3A_2094 = arith.mulf %mul3A_1957, %add3A_1906 : vector<8x128xf32>
    %sub3A_2095 = arith.subf %mul3A_2093, %mul3A_2094 : vector<8x128xf32>
    %mul3A_2096 = arith.mulf %mul3A_1957, %sub3A_1885 : vector<8x128xf32>
    %mul3A_2097 = arith.mulf %div3A_1953, %add3A_1906 : vector<8x128xf32>
    %add3A_2098 = arith.addf %mul3A_2096, %mul3A_2097 : vector<8x128xf32>
    %mul3A_2099 = arith.mulf %div3A_1953, %sub3A_1891 : vector<8x128xf32>
    %mul3A_2100 = arith.mulf %mul3A_1957, %add3A_1912 : vector<8x128xf32>
    %sub3A_2101 = arith.subf %mul3A_2099, %mul3A_2100 : vector<8x128xf32>
    %mul3A_2102 = arith.mulf %mul3A_1957, %sub3A_1891 : vector<8x128xf32>
    %mul3A_2103 = arith.mulf %div3A_1953, %add3A_1912 : vector<8x128xf32>
    %add3A_2104 = arith.addf %mul3A_2102, %mul3A_2103 : vector<8x128xf32>
    %mul3A_2105 = arith.mulf %div3A_1953, %sub3A_1897 : vector<8x128xf32>
    %mul3A_2106 = arith.mulf %mul3A_1957, %add3A_1918 : vector<8x128xf32>
    %sub3A_2107 = arith.subf %mul3A_2105, %mul3A_2106 : vector<8x128xf32>
    %mul3A_2108 = arith.mulf %mul3A_1957, %sub3A_1897 : vector<8x128xf32>
    %mul3A_2109 = arith.mulf %div3A_1953, %add3A_1918 : vector<8x128xf32>
    %add3A_2110 = arith.addf %mul3A_2108, %mul3A_2109 : vector<8x128xf32>
    %mul3A_2111 = arith.mulf %div3A_1992, %add3A_1888 : vector<8x128xf32>
    %mul3A_2112 = arith.mulf %mul3A_1996, %sub3A_1903 : vector<8x128xf32>
    %sub3A_2113 = arith.subf %mul3A_2111, %mul3A_2112 : vector<8x128xf32>
    %mul3A_2114 = arith.mulf %mul3A_1996, %add3A_1888 : vector<8x128xf32>
    %mul3A_2115 = arith.mulf %div3A_1992, %sub3A_1903 : vector<8x128xf32>
    %add3A_2116 = arith.addf %mul3A_2114, %mul3A_2115 : vector<8x128xf32>
    %mul3A_2117 = arith.mulf %div3A_1992, %add3A_1894 : vector<8x128xf32>
    %mul3A_2118 = arith.mulf %mul3A_1996, %sub3A_1909 : vector<8x128xf32>
    %sub3A_2119 = arith.subf %mul3A_2117, %mul3A_2118 : vector<8x128xf32>
    %mul3A_2120 = arith.mulf %mul3A_1996, %add3A_1894 : vector<8x128xf32>
    %mul3A_2121 = arith.mulf %div3A_1992, %sub3A_1909 : vector<8x128xf32>
    %add3A_2122 = arith.addf %mul3A_2120, %mul3A_2121 : vector<8x128xf32>
    %mul3A_2123 = arith.mulf %div3A_1992, %add3A_1900 : vector<8x128xf32>
    %mul3A_2124 = arith.mulf %mul3A_1996, %sub3A_1915 : vector<8x128xf32>
    %sub3A_2125 = arith.subf %mul3A_2123, %mul3A_2124 : vector<8x128xf32>
    %mul3A_2126 = arith.mulf %mul3A_1996, %add3A_1900 : vector<8x128xf32>
    %mul3A_2127 = arith.mulf %div3A_1992, %sub3A_1915 : vector<8x128xf32>
    %add3A_2128 = arith.addf %mul3A_2126, %mul3A_2127 : vector<8x128xf32>
    %sub3A_2129 = arith.subf %sub3A_2047, %add3A_2092 : vector<8x128xf32>
    %mul3A_2130 = arith.constant 2.000000e+00 : f32
    %mul3A_2131 = vector.broadcast %mul3A_2130 : f32 to vector<8x128xf32>
    %mul3A_2132 = arith.mulf %mul3A_2131, %add3A_2074 : vector<8x128xf32>
    %div3A_2133 = arith.divf %sub3A_2129, %mul3A_2132 : vector<8x128xf32>
    %gt3A_2134 = arith.constant 0.000000e+00 : f32
    %gt3A_2135 = vector.broadcast %gt3A_2134 : f32 to vector<8x128xf32>
    %gt3A_2136 = arith.cmpf ogt, %div3A_2133, %gt3A_2135 : vector<8x128xf32>
    %jit3A_2137 = arith.constant 1.000000e+00 : f32
    %jit3A_2138 = arith.constant -1.000000e+00 : f32
    %broadcast_in_dim3A_2139 = vector.broadcast %jit3A_2137 : f32 to vector<8x128xf32>
    %broadcast_in_dim3A_2140 = vector.broadcast %jit3A_2138 : f32 to vector<8x128xf32>
    %select_n3A_2141 = arith.select %gt3A_2136, %broadcast_in_dim3A_2139, %broadcast_in_dim3A_2140 : vector<8x128xi1>, vector<8x128xf32>
    %abs3A_2142 = math.absf %div3A_2133 : vector<8x128xf32>
    %mul3A_2143 = arith.mulf %div3A_2133, %div3A_2133 : vector<8x128xf32>
    %add3A_2144 = arith.constant 1.000000e+00 : f32
    %add3A_2145 = vector.broadcast %add3A_2144 : f32 to vector<8x128xf32>
    %add3A_2146 = arith.addf %add3A_2145, %mul3A_2143 : vector<8x128xf32>
    %sqrt3A_2147 = math.sqrt %add3A_2146 : vector<8x128xf32>
    %add3A_2148 = arith.addf %abs3A_2142, %sqrt3A_2147 : vector<8x128xf32>
    %div3A_2149 = arith.divf %select_n3A_2141, %add3A_2148 : vector<8x128xf32>
    %eq3A_2150 = arith.constant 0.000000e+00 : f32
    %eq3A_2151 = vector.broadcast %eq3A_2150 : f32 to vector<8x128xf32>
    %eq3A_2152 = arith.cmpf oeq, %add3A_2074, %eq3A_2151 : vector<8x128xf32>
    %jit3A_2153 = arith.constant 0.000000e+00 : f32
    %broadcast_in_dim3A_2154 = vector.broadcast %jit3A_2153 : f32 to vector<8x128xf32>
    %select_n3A_2155 = arith.select %eq3A_2152, %broadcast_in_dim3A_2154, %div3A_2149 : vector<8x128xi1>, vector<8x128xf32>
    %mul3A_2156 = arith.mulf %select_n3A_2155, %select_n3A_2155 : vector<8x128xf32>
    %add3A_2157 = arith.constant 1.000000e+00 : f32
    %add3A_2158 = vector.broadcast %add3A_2157 : f32 to vector<8x128xf32>
    %add3A_2159 = arith.addf %mul3A_2156, %add3A_2158 : vector<8x128xf32>
    %sqrt3A_2160 = math.sqrt %add3A_2159 : vector<8x128xf32>
    %div3A_2161 = arith.constant 1.000000e+00 : f32
    %div3A_2162 = vector.broadcast %div3A_2161 : f32 to vector<8x128xf32>
    %div3A_2163 = arith.divf %div3A_2162, %sqrt3A_2160 : vector<8x128xf32>
    %neg3A_2164 = arith.constant 0.000000e+00 : f32
    %neg3A_2165 = vector.broadcast %neg3A_2164 : f32 to vector<8x128xf32>
    %neg3A_2166 = arith.subf %neg3A_2165, %select_n3A_2155 : vector<8x128xf32>
    %mul3A_2167 = arith.mulf %neg3A_2166, %div3A_2163 : vector<8x128xf32>
    %sub3A_2168 = arith.subf %add3A_2062, %sub3A_2077 : vector<8x128xf32>
    %mul3A_2169 = arith.constant 2.000000e+00 : f32
    %mul3A_2170 = vector.broadcast %mul3A_2169 : f32 to vector<8x128xf32>
    %mul3A_2171 = arith.mulf %mul3A_2170, %sub3A_2083 : vector<8x128xf32>
    %div3A_2172 = arith.divf %sub3A_2168, %mul3A_2171 : vector<8x128xf32>
    %gt3A_2173 = arith.constant 0.000000e+00 : f32
    %gt3A_2174 = vector.broadcast %gt3A_2173 : f32 to vector<8x128xf32>
    %gt3A_2175 = arith.cmpf ogt, %div3A_2172, %gt3A_2174 : vector<8x128xf32>
    %jit3A_2176 = arith.constant 1.000000e+00 : f32
    %jit3A_2177 = arith.constant -1.000000e+00 : f32
    %broadcast_in_dim3A_2178 = vector.broadcast %jit3A_2176 : f32 to vector<8x128xf32>
    %broadcast_in_dim3A_2179 = vector.broadcast %jit3A_2177 : f32 to vector<8x128xf32>
    %select_n3A_2180 = arith.select %gt3A_2175, %broadcast_in_dim3A_2178, %broadcast_in_dim3A_2179 : vector<8x128xi1>, vector<8x128xf32>
    %abs3A_2181 = math.absf %div3A_2172 : vector<8x128xf32>
    %mul3A_2182 = arith.mulf %div3A_2172, %div3A_2172 : vector<8x128xf32>
    %add3A_2183 = arith.constant 1.000000e+00 : f32
    %add3A_2184 = vector.broadcast %add3A_2183 : f32 to vector<8x128xf32>
    %add3A_2185 = arith.addf %add3A_2184, %mul3A_2182 : vector<8x128xf32>
    %sqrt3A_2186 = math.sqrt %add3A_2185 : vector<8x128xf32>
    %add3A_2187 = arith.addf %abs3A_2181, %sqrt3A_2186 : vector<8x128xf32>
    %div3A_2188 = arith.divf %select_n3A_2180, %add3A_2187 : vector<8x128xf32>
    %eq3A_2189 = arith.constant 0.000000e+00 : f32
    %eq3A_2190 = vector.broadcast %eq3A_2189 : f32 to vector<8x128xf32>
    %eq3A_2191 = arith.cmpf oeq, %sub3A_2083, %eq3A_2190 : vector<8x128xf32>
    %jit3A_2192 = arith.constant 0.000000e+00 : f32
    %broadcast_in_dim3A_2193 = vector.broadcast %jit3A_2192 : f32 to vector<8x128xf32>
    %select_n3A_2194 = arith.select %eq3A_2191, %broadcast_in_dim3A_2193, %div3A_2188 : vector<8x128xi1>, vector<8x128xf32>
    %mul3A_2195 = arith.mulf %select_n3A_2194, %select_n3A_2194 : vector<8x128xf32>
    %add3A_2196 = arith.constant 1.000000e+00 : f32
    %add3A_2197 = vector.broadcast %add3A_2196 : f32 to vector<8x128xf32>
    %add3A_2198 = arith.addf %mul3A_2195, %add3A_2197 : vector<8x128xf32>
    %sqrt3A_2199 = math.sqrt %add3A_2198 : vector<8x128xf32>
    %div3A_2200 = arith.constant 1.000000e+00 : f32
    %div3A_2201 = vector.broadcast %div3A_2200 : f32 to vector<8x128xf32>
    %div3A_2202 = arith.divf %div3A_2201, %sqrt3A_2199 : vector<8x128xf32>
    %neg3A_2203 = arith.constant 0.000000e+00 : f32
    %neg3A_2204 = vector.broadcast %neg3A_2203 : f32 to vector<8x128xf32>
    %neg3A_2205 = arith.subf %neg3A_2204, %select_n3A_2194 : vector<8x128xf32>
    %mul3A_2206 = arith.mulf %neg3A_2205, %div3A_2202 : vector<8x128xf32>
    %mul3A_2207 = arith.mulf %div3A_2163, %sub3A_2047 : vector<8x128xf32>
    %mul3A_2208 = arith.mulf %mul3A_2167, %sub3A_2065 : vector<8x128xf32>
    %sub3A_2209 = arith.subf %mul3A_2207, %mul3A_2208 : vector<8x128xf32>
    %mul3A_2210 = arith.mulf %mul3A_2167, %sub3A_2047 : vector<8x128xf32>
    %mul3A_2211 = arith.mulf %div3A_2163, %sub3A_2065 : vector<8x128xf32>
    %add3A_2212 = arith.addf %mul3A_2210, %mul3A_2211 : vector<8x128xf32>
    %mul3A_2213 = arith.mulf %div3A_2163, %add3A_2050 : vector<8x128xf32>
    %mul3A_2214 = arith.mulf %mul3A_2167, %add3A_2068 : vector<8x128xf32>
    %sub3A_2215 = arith.subf %mul3A_2213, %mul3A_2214 : vector<8x128xf32>
    %mul3A_2216 = arith.mulf %mul3A_2167, %add3A_2050 : vector<8x128xf32>
    %mul3A_2217 = arith.mulf %div3A_2163, %add3A_2068 : vector<8x128xf32>
    %add3A_2218 = arith.addf %mul3A_2216, %mul3A_2217 : vector<8x128xf32>
    %mul3A_2219 = arith.mulf %div3A_2163, %add3A_2074 : vector<8x128xf32>
    %mul3A_2220 = arith.mulf %mul3A_2167, %add3A_2092 : vector<8x128xf32>
    %sub3A_2221 = arith.subf %mul3A_2219, %mul3A_2220 : vector<8x128xf32>
    %mul3A_2222 = arith.mulf %mul3A_2167, %add3A_2074 : vector<8x128xf32>
    %mul3A_2223 = arith.mulf %div3A_2163, %add3A_2092 : vector<8x128xf32>
    %add3A_2224 = arith.addf %mul3A_2222, %mul3A_2223 : vector<8x128xf32>
    %mul3A_2225 = arith.mulf %div3A_2163, %sub3A_2071 : vector<8x128xf32>
    %mul3A_2226 = arith.mulf %mul3A_2167, %sub3A_2089 : vector<8x128xf32>
    %sub3A_2227 = arith.subf %mul3A_2225, %mul3A_2226 : vector<8x128xf32>
    %mul3A_2228 = arith.mulf %mul3A_2167, %sub3A_2071 : vector<8x128xf32>
    %mul3A_2229 = arith.mulf %div3A_2163, %sub3A_2089 : vector<8x128xf32>
    %add3A_2230 = arith.addf %mul3A_2228, %mul3A_2229 : vector<8x128xf32>
    %mul3A_2231 = arith.mulf %div3A_2202, %sub3A_2059 : vector<8x128xf32>
    %mul3A_2232 = arith.mulf %mul3A_2206, %sub3A_2053 : vector<8x128xf32>
    %sub3A_2233 = arith.subf %mul3A_2231, %mul3A_2232 : vector<8x128xf32>
    %mul3A_2234 = arith.mulf %mul3A_2206, %sub3A_2059 : vector<8x128xf32>
    %mul3A_2235 = arith.mulf %div3A_2202, %sub3A_2053 : vector<8x128xf32>
    %add3A_2236 = arith.addf %mul3A_2234, %mul3A_2235 : vector<8x128xf32>
    %mul3A_2237 = arith.mulf %div3A_2202, %add3A_2062 : vector<8x128xf32>
    %mul3A_2238 = arith.mulf %mul3A_2206, %add3A_2056 : vector<8x128xf32>
    %sub3A_2239 = arith.subf %mul3A_2237, %mul3A_2238 : vector<8x128xf32>
    %mul3A_2240 = arith.mulf %mul3A_2206, %add3A_2062 : vector<8x128xf32>
    %mul3A_2241 = arith.mulf %div3A_2202, %add3A_2056 : vector<8x128xf32>
    %add3A_2242 = arith.addf %mul3A_2240, %mul3A_2241 : vector<8x128xf32>
    %mul3A_2243 = arith.mulf %div3A_2202, %add3A_2086 : vector<8x128xf32>
    %mul3A_2244 = arith.mulf %mul3A_2206, %add3A_2080 : vector<8x128xf32>
    %sub3A_2245 = arith.subf %mul3A_2243, %mul3A_2244 : vector<8x128xf32>
    %mul3A_2246 = arith.mulf %mul3A_2206, %add3A_2086 : vector<8x128xf32>
    %mul3A_2247 = arith.mulf %div3A_2202, %add3A_2080 : vector<8x128xf32>
    %add3A_2248 = arith.addf %mul3A_2246, %mul3A_2247 : vector<8x128xf32>
    %mul3A_2249 = arith.mulf %div3A_2202, %sub3A_2083 : vector<8x128xf32>
    %mul3A_2250 = arith.mulf %mul3A_2206, %sub3A_2077 : vector<8x128xf32>
    %sub3A_2251 = arith.subf %mul3A_2249, %mul3A_2250 : vector<8x128xf32>
    %mul3A_2252 = arith.mulf %mul3A_2206, %sub3A_2083 : vector<8x128xf32>
    %mul3A_2253 = arith.mulf %div3A_2202, %sub3A_2077 : vector<8x128xf32>
    %add3A_2254 = arith.addf %mul3A_2252, %mul3A_2253 : vector<8x128xf32>
    %mul3A_2255 = arith.mulf %div3A_2163, %sub3A_2209 : vector<8x128xf32>
    %mul3A_2256 = arith.mulf %mul3A_2167, %sub3A_2221 : vector<8x128xf32>
    %sub3A_2257 = arith.subf %mul3A_2255, %mul3A_2256 : vector<8x128xf32>
    %mul3A_2258 = arith.mulf %mul3A_2167, %sub3A_2209 : vector<8x128xf32>
    %mul3A_2259 = arith.mulf %div3A_2163, %sub3A_2221 : vector<8x128xf32>
    %add3A_2260 = arith.addf %mul3A_2258, %mul3A_2259 : vector<8x128xf32>
    %mul3A_2261 = arith.mulf %div3A_2163, %sub3A_2233 : vector<8x128xf32>
    %mul3A_2262 = arith.mulf %mul3A_2167, %sub3A_2245 : vector<8x128xf32>
    %sub3A_2263 = arith.subf %mul3A_2261, %mul3A_2262 : vector<8x128xf32>
    %mul3A_2264 = arith.mulf %mul3A_2167, %sub3A_2233 : vector<8x128xf32>
    %mul3A_2265 = arith.mulf %div3A_2163, %sub3A_2245 : vector<8x128xf32>
    %add3A_2266 = arith.addf %mul3A_2264, %mul3A_2265 : vector<8x128xf32>
    %mul3A_2267 = arith.mulf %div3A_2163, %add3A_2212 : vector<8x128xf32>
    %mul3A_2268 = arith.mulf %mul3A_2167, %add3A_2224 : vector<8x128xf32>
    %sub3A_2269 = arith.subf %mul3A_2267, %mul3A_2268 : vector<8x128xf32>
    %mul3A_2270 = arith.mulf %mul3A_2167, %add3A_2212 : vector<8x128xf32>
    %mul3A_2271 = arith.mulf %div3A_2163, %add3A_2224 : vector<8x128xf32>
    %add3A_2272 = arith.addf %mul3A_2270, %mul3A_2271 : vector<8x128xf32>
    %mul3A_2273 = arith.mulf %div3A_2163, %add3A_2236 : vector<8x128xf32>
    %mul3A_2274 = arith.mulf %mul3A_2167, %add3A_2248 : vector<8x128xf32>
    %sub3A_2275 = arith.subf %mul3A_2273, %mul3A_2274 : vector<8x128xf32>
    %mul3A_2276 = arith.mulf %mul3A_2167, %add3A_2236 : vector<8x128xf32>
    %mul3A_2277 = arith.mulf %div3A_2163, %add3A_2248 : vector<8x128xf32>
    %add3A_2278 = arith.addf %mul3A_2276, %mul3A_2277 : vector<8x128xf32>
    %mul3A_2279 = arith.mulf %div3A_2202, %sub3A_2215 : vector<8x128xf32>
    %mul3A_2280 = arith.mulf %mul3A_2206, %sub3A_2227 : vector<8x128xf32>
    %sub3A_2281 = arith.subf %mul3A_2279, %mul3A_2280 : vector<8x128xf32>
    %mul3A_2282 = arith.mulf %mul3A_2206, %sub3A_2215 : vector<8x128xf32>
    %mul3A_2283 = arith.mulf %div3A_2202, %sub3A_2227 : vector<8x128xf32>
    %add3A_2284 = arith.addf %mul3A_2282, %mul3A_2283 : vector<8x128xf32>
    %mul3A_2285 = arith.mulf %div3A_2202, %sub3A_2239 : vector<8x128xf32>
    %mul3A_2286 = arith.mulf %mul3A_2206, %sub3A_2251 : vector<8x128xf32>
    %sub3A_2287 = arith.subf %mul3A_2285, %mul3A_2286 : vector<8x128xf32>
    %mul3A_2288 = arith.mulf %mul3A_2206, %sub3A_2239 : vector<8x128xf32>
    %mul3A_2289 = arith.mulf %div3A_2202, %sub3A_2251 : vector<8x128xf32>
    %add3A_2290 = arith.addf %mul3A_2288, %mul3A_2289 : vector<8x128xf32>
    %mul3A_2291 = arith.mulf %div3A_2202, %add3A_2218 : vector<8x128xf32>
    %mul3A_2292 = arith.mulf %mul3A_2206, %add3A_2230 : vector<8x128xf32>
    %sub3A_2293 = arith.subf %mul3A_2291, %mul3A_2292 : vector<8x128xf32>
    %mul3A_2294 = arith.mulf %mul3A_2206, %add3A_2218 : vector<8x128xf32>
    %mul3A_2295 = arith.mulf %div3A_2202, %add3A_2230 : vector<8x128xf32>
    %add3A_2296 = arith.addf %mul3A_2294, %mul3A_2295 : vector<8x128xf32>
    %mul3A_2297 = arith.mulf %div3A_2202, %add3A_2242 : vector<8x128xf32>
    %mul3A_2298 = arith.mulf %mul3A_2206, %add3A_2254 : vector<8x128xf32>
    %sub3A_2299 = arith.subf %mul3A_2297, %mul3A_2298 : vector<8x128xf32>
    %mul3A_2300 = arith.mulf %mul3A_2206, %add3A_2242 : vector<8x128xf32>
    %mul3A_2301 = arith.mulf %div3A_2202, %add3A_2254 : vector<8x128xf32>
    %add3A_2302 = arith.addf %mul3A_2300, %mul3A_2301 : vector<8x128xf32>
    %mul3A_2303 = arith.mulf %div3A_2163, %sub3A_2095 : vector<8x128xf32>
    %mul3A_2304 = arith.mulf %mul3A_2167, %add3A_2116 : vector<8x128xf32>
    %sub3A_2305 = arith.subf %mul3A_2303, %mul3A_2304 : vector<8x128xf32>
    %mul3A_2306 = arith.mulf %mul3A_2167, %sub3A_2095 : vector<8x128xf32>
    %mul3A_2307 = arith.mulf %div3A_2163, %add3A_2116 : vector<8x128xf32>
    %add3A_2308 = arith.addf %mul3A_2306, %mul3A_2307 : vector<8x128xf32>
    %mul3A_2309 = arith.mulf %div3A_2163, %sub3A_2101 : vector<8x128xf32>
    %mul3A_2310 = arith.mulf %mul3A_2167, %add3A_2122 : vector<8x128xf32>
    %sub3A_2311 = arith.subf %mul3A_2309, %mul3A_2310 : vector<8x128xf32>
    %mul3A_2312 = arith.mulf %mul3A_2167, %sub3A_2101 : vector<8x128xf32>
    %mul3A_2313 = arith.mulf %div3A_2163, %add3A_2122 : vector<8x128xf32>
    %add3A_2314 = arith.addf %mul3A_2312, %mul3A_2313 : vector<8x128xf32>
    %mul3A_2315 = arith.mulf %div3A_2163, %sub3A_2107 : vector<8x128xf32>
    %mul3A_2316 = arith.mulf %mul3A_2167, %add3A_2128 : vector<8x128xf32>
    %sub3A_2317 = arith.subf %mul3A_2315, %mul3A_2316 : vector<8x128xf32>
    %mul3A_2318 = arith.mulf %mul3A_2167, %sub3A_2107 : vector<8x128xf32>
    %mul3A_2319 = arith.mulf %div3A_2163, %add3A_2128 : vector<8x128xf32>
    %add3A_2320 = arith.addf %mul3A_2318, %mul3A_2319 : vector<8x128xf32>
    %mul3A_2321 = arith.mulf %div3A_2202, %add3A_2098 : vector<8x128xf32>
    %mul3A_2322 = arith.mulf %mul3A_2206, %sub3A_2113 : vector<8x128xf32>
    %sub3A_2323 = arith.subf %mul3A_2321, %mul3A_2322 : vector<8x128xf32>
    %mul3A_2324 = arith.mulf %mul3A_2206, %add3A_2098 : vector<8x128xf32>
    %mul3A_2325 = arith.mulf %div3A_2202, %sub3A_2113 : vector<8x128xf32>
    %add3A_2326 = arith.addf %mul3A_2324, %mul3A_2325 : vector<8x128xf32>
    %mul3A_2327 = arith.mulf %div3A_2202, %add3A_2104 : vector<8x128xf32>
    %mul3A_2328 = arith.mulf %mul3A_2206, %sub3A_2119 : vector<8x128xf32>
    %sub3A_2329 = arith.subf %mul3A_2327, %mul3A_2328 : vector<8x128xf32>
    %mul3A_2330 = arith.mulf %mul3A_2206, %add3A_2104 : vector<8x128xf32>
    %mul3A_2331 = arith.mulf %div3A_2202, %sub3A_2119 : vector<8x128xf32>
    %add3A_2332 = arith.addf %mul3A_2330, %mul3A_2331 : vector<8x128xf32>
    %mul3A_2333 = arith.mulf %div3A_2202, %add3A_2110 : vector<8x128xf32>
    %mul3A_2334 = arith.mulf %mul3A_2206, %sub3A_2125 : vector<8x128xf32>
    %sub3A_2335 = arith.subf %mul3A_2333, %mul3A_2334 : vector<8x128xf32>
    %mul3A_2336 = arith.mulf %mul3A_2206, %add3A_2110 : vector<8x128xf32>
    %mul3A_2337 = arith.mulf %div3A_2202, %sub3A_2125 : vector<8x128xf32>
    %add3A_2338 = arith.addf %mul3A_2336, %mul3A_2337 : vector<8x128xf32>
    %sub3A_2339 = arith.subf %sub3A_2257, %add3A_2302 : vector<8x128xf32>
    %mul3A_2340 = arith.constant 2.000000e+00 : f32
    %mul3A_2341 = vector.broadcast %mul3A_2340 : f32 to vector<8x128xf32>
    %mul3A_2342 = arith.mulf %mul3A_2341, %add3A_2284 : vector<8x128xf32>
    %div3A_2343 = arith.divf %sub3A_2339, %mul3A_2342 : vector<8x128xf32>
    %gt3A_2344 = arith.constant 0.000000e+00 : f32
    %gt3A_2345 = vector.broadcast %gt3A_2344 : f32 to vector<8x128xf32>
    %gt3A_2346 = arith.cmpf ogt, %div3A_2343, %gt3A_2345 : vector<8x128xf32>
    %jit3A_2347 = arith.constant 1.000000e+00 : f32
    %jit3A_2348 = arith.constant -1.000000e+00 : f32
    %broadcast_in_dim3A_2349 = vector.broadcast %jit3A_2347 : f32 to vector<8x128xf32>
    %broadcast_in_dim3A_2350 = vector.broadcast %jit3A_2348 : f32 to vector<8x128xf32>
    %select_n3A_2351 = arith.select %gt3A_2346, %broadcast_in_dim3A_2349, %broadcast_in_dim3A_2350 : vector<8x128xi1>, vector<8x128xf32>
    %abs3A_2352 = math.absf %div3A_2343 : vector<8x128xf32>
    %mul3A_2353 = arith.mulf %div3A_2343, %div3A_2343 : vector<8x128xf32>
    %add3A_2354 = arith.constant 1.000000e+00 : f32
    %add3A_2355 = vector.broadcast %add3A_2354 : f32 to vector<8x128xf32>
    %add3A_2356 = arith.addf %add3A_2355, %mul3A_2353 : vector<8x128xf32>
    %sqrt3A_2357 = math.sqrt %add3A_2356 : vector<8x128xf32>
    %add3A_2358 = arith.addf %abs3A_2352, %sqrt3A_2357 : vector<8x128xf32>
    %div3A_2359 = arith.divf %select_n3A_2351, %add3A_2358 : vector<8x128xf32>
    %eq3A_2360 = arith.constant 0.000000e+00 : f32
    %eq3A_2361 = vector.broadcast %eq3A_2360 : f32 to vector<8x128xf32>
    %eq3A_2362 = arith.cmpf oeq, %add3A_2284, %eq3A_2361 : vector<8x128xf32>
    %jit3A_2363 = arith.constant 0.000000e+00 : f32
    %broadcast_in_dim3A_2364 = vector.broadcast %jit3A_2363 : f32 to vector<8x128xf32>
    %select_n3A_2365 = arith.select %eq3A_2362, %broadcast_in_dim3A_2364, %div3A_2359 : vector<8x128xi1>, vector<8x128xf32>
    %mul3A_2366 = arith.mulf %select_n3A_2365, %select_n3A_2365 : vector<8x128xf32>
    %add3A_2367 = arith.constant 1.000000e+00 : f32
    %add3A_2368 = vector.broadcast %add3A_2367 : f32 to vector<8x128xf32>
    %add3A_2369 = arith.addf %mul3A_2366, %add3A_2368 : vector<8x128xf32>
    %sqrt3A_2370 = math.sqrt %add3A_2369 : vector<8x128xf32>
    %div3A_2371 = arith.constant 1.000000e+00 : f32
    %div3A_2372 = vector.broadcast %div3A_2371 : f32 to vector<8x128xf32>
    %div3A_2373 = arith.divf %div3A_2372, %sqrt3A_2370 : vector<8x128xf32>
    %neg3A_2374 = arith.constant 0.000000e+00 : f32
    %neg3A_2375 = vector.broadcast %neg3A_2374 : f32 to vector<8x128xf32>
    %neg3A_2376 = arith.subf %neg3A_2375, %select_n3A_2365 : vector<8x128xf32>
    %mul3A_2377 = arith.mulf %neg3A_2376, %div3A_2373 : vector<8x128xf32>
    %sub3A_2378 = arith.subf %add3A_2272, %sub3A_2287 : vector<8x128xf32>
    %mul3A_2379 = arith.constant 2.000000e+00 : f32
    %mul3A_2380 = vector.broadcast %mul3A_2379 : f32 to vector<8x128xf32>
    %mul3A_2381 = arith.mulf %mul3A_2380, %sub3A_2293 : vector<8x128xf32>
    %div3A_2382 = arith.divf %sub3A_2378, %mul3A_2381 : vector<8x128xf32>
    %gt3A_2383 = arith.constant 0.000000e+00 : f32
    %gt3A_2384 = vector.broadcast %gt3A_2383 : f32 to vector<8x128xf32>
    %gt3A_2385 = arith.cmpf ogt, %div3A_2382, %gt3A_2384 : vector<8x128xf32>
    %jit3A_2386 = arith.constant 1.000000e+00 : f32
    %jit3A_2387 = arith.constant -1.000000e+00 : f32
    %broadcast_in_dim3A_2388 = vector.broadcast %jit3A_2386 : f32 to vector<8x128xf32>
    %broadcast_in_dim3A_2389 = vector.broadcast %jit3A_2387 : f32 to vector<8x128xf32>
    %select_n3A_2390 = arith.select %gt3A_2385, %broadcast_in_dim3A_2388, %broadcast_in_dim3A_2389 : vector<8x128xi1>, vector<8x128xf32>
    %abs3A_2391 = math.absf %div3A_2382 : vector<8x128xf32>
    %mul3A_2392 = arith.mulf %div3A_2382, %div3A_2382 : vector<8x128xf32>
    %add3A_2393 = arith.constant 1.000000e+00 : f32
    %add3A_2394 = vector.broadcast %add3A_2393 : f32 to vector<8x128xf32>
    %add3A_2395 = arith.addf %add3A_2394, %mul3A_2392 : vector<8x128xf32>
    %sqrt3A_2396 = math.sqrt %add3A_2395 : vector<8x128xf32>
    %add3A_2397 = arith.addf %abs3A_2391, %sqrt3A_2396 : vector<8x128xf32>
    %div3A_2398 = arith.divf %select_n3A_2390, %add3A_2397 : vector<8x128xf32>
    %eq3A_2399 = arith.constant 0.000000e+00 : f32
    %eq3A_2400 = vector.broadcast %eq3A_2399 : f32 to vector<8x128xf32>
    %eq3A_2401 = arith.cmpf oeq, %sub3A_2293, %eq3A_2400 : vector<8x128xf32>
    %jit3A_2402 = arith.constant 0.000000e+00 : f32
    %broadcast_in_dim3A_2403 = vector.broadcast %jit3A_2402 : f32 to vector<8x128xf32>
    %select_n3A_2404 = arith.select %eq3A_2401, %broadcast_in_dim3A_2403, %div3A_2398 : vector<8x128xi1>, vector<8x128xf32>
    %mul3A_2405 = arith.mulf %select_n3A_2404, %select_n3A_2404 : vector<8x128xf32>
    %add3A_2406 = arith.constant 1.000000e+00 : f32
    %add3A_2407 = vector.broadcast %add3A_2406 : f32 to vector<8x128xf32>
    %add3A_2408 = arith.addf %mul3A_2405, %add3A_2407 : vector<8x128xf32>
    %sqrt3A_2409 = math.sqrt %add3A_2408 : vector<8x128xf32>
    %div3A_2410 = arith.constant 1.000000e+00 : f32
    %div3A_2411 = vector.broadcast %div3A_2410 : f32 to vector<8x128xf32>
    %div3A_2412 = arith.divf %div3A_2411, %sqrt3A_2409 : vector<8x128xf32>
    %neg3A_2413 = arith.constant 0.000000e+00 : f32
    %neg3A_2414 = vector.broadcast %neg3A_2413 : f32 to vector<8x128xf32>
    %neg3A_2415 = arith.subf %neg3A_2414, %select_n3A_2404 : vector<8x128xf32>
    %mul3A_2416 = arith.mulf %neg3A_2415, %div3A_2412 : vector<8x128xf32>
    %mul3A_2417 = arith.mulf %div3A_2373, %sub3A_2257 : vector<8x128xf32>
    %mul3A_2418 = arith.mulf %mul3A_2377, %sub3A_2275 : vector<8x128xf32>
    %sub3A_2419 = arith.subf %mul3A_2417, %mul3A_2418 : vector<8x128xf32>
    %mul3A_2420 = arith.mulf %mul3A_2377, %sub3A_2257 : vector<8x128xf32>
    %mul3A_2421 = arith.mulf %div3A_2373, %sub3A_2275 : vector<8x128xf32>
    %add3A_2422 = arith.addf %mul3A_2420, %mul3A_2421 : vector<8x128xf32>
    %mul3A_2423 = arith.mulf %div3A_2373, %add3A_2260 : vector<8x128xf32>
    %mul3A_2424 = arith.mulf %mul3A_2377, %add3A_2278 : vector<8x128xf32>
    %sub3A_2425 = arith.subf %mul3A_2423, %mul3A_2424 : vector<8x128xf32>
    %mul3A_2426 = arith.mulf %mul3A_2377, %add3A_2260 : vector<8x128xf32>
    %mul3A_2427 = arith.mulf %div3A_2373, %add3A_2278 : vector<8x128xf32>
    %add3A_2428 = arith.addf %mul3A_2426, %mul3A_2427 : vector<8x128xf32>
    %mul3A_2429 = arith.mulf %div3A_2373, %add3A_2284 : vector<8x128xf32>
    %mul3A_2430 = arith.mulf %mul3A_2377, %add3A_2302 : vector<8x128xf32>
    %sub3A_2431 = arith.subf %mul3A_2429, %mul3A_2430 : vector<8x128xf32>
    %mul3A_2432 = arith.mulf %mul3A_2377, %add3A_2284 : vector<8x128xf32>
    %mul3A_2433 = arith.mulf %div3A_2373, %add3A_2302 : vector<8x128xf32>
    %add3A_2434 = arith.addf %mul3A_2432, %mul3A_2433 : vector<8x128xf32>
    %mul3A_2435 = arith.mulf %div3A_2373, %sub3A_2281 : vector<8x128xf32>
    %mul3A_2436 = arith.mulf %mul3A_2377, %sub3A_2299 : vector<8x128xf32>
    %sub3A_2437 = arith.subf %mul3A_2435, %mul3A_2436 : vector<8x128xf32>
    %mul3A_2438 = arith.mulf %mul3A_2377, %sub3A_2281 : vector<8x128xf32>
    %mul3A_2439 = arith.mulf %div3A_2373, %sub3A_2299 : vector<8x128xf32>
    %add3A_2440 = arith.addf %mul3A_2438, %mul3A_2439 : vector<8x128xf32>
    %mul3A_2441 = arith.mulf %div3A_2412, %sub3A_2269 : vector<8x128xf32>
    %mul3A_2442 = arith.mulf %mul3A_2416, %sub3A_2263 : vector<8x128xf32>
    %sub3A_2443 = arith.subf %mul3A_2441, %mul3A_2442 : vector<8x128xf32>
    %mul3A_2444 = arith.mulf %mul3A_2416, %sub3A_2269 : vector<8x128xf32>
    %mul3A_2445 = arith.mulf %div3A_2412, %sub3A_2263 : vector<8x128xf32>
    %add3A_2446 = arith.addf %mul3A_2444, %mul3A_2445 : vector<8x128xf32>
    %mul3A_2447 = arith.mulf %div3A_2412, %add3A_2272 : vector<8x128xf32>
    %mul3A_2448 = arith.mulf %mul3A_2416, %add3A_2266 : vector<8x128xf32>
    %sub3A_2449 = arith.subf %mul3A_2447, %mul3A_2448 : vector<8x128xf32>
    %mul3A_2450 = arith.mulf %mul3A_2416, %add3A_2272 : vector<8x128xf32>
    %mul3A_2451 = arith.mulf %div3A_2412, %add3A_2266 : vector<8x128xf32>
    %add3A_2452 = arith.addf %mul3A_2450, %mul3A_2451 : vector<8x128xf32>
    %mul3A_2453 = arith.mulf %div3A_2412, %add3A_2296 : vector<8x128xf32>
    %mul3A_2454 = arith.mulf %mul3A_2416, %add3A_2290 : vector<8x128xf32>
    %sub3A_2455 = arith.subf %mul3A_2453, %mul3A_2454 : vector<8x128xf32>
    %mul3A_2456 = arith.mulf %mul3A_2416, %add3A_2296 : vector<8x128xf32>
    %mul3A_2457 = arith.mulf %div3A_2412, %add3A_2290 : vector<8x128xf32>
    %add3A_2458 = arith.addf %mul3A_2456, %mul3A_2457 : vector<8x128xf32>
    %mul3A_2459 = arith.mulf %div3A_2412, %sub3A_2293 : vector<8x128xf32>
    %mul3A_2460 = arith.mulf %mul3A_2416, %sub3A_2287 : vector<8x128xf32>
    %sub3A_2461 = arith.subf %mul3A_2459, %mul3A_2460 : vector<8x128xf32>
    %mul3A_2462 = arith.mulf %mul3A_2416, %sub3A_2293 : vector<8x128xf32>
    %mul3A_2463 = arith.mulf %div3A_2412, %sub3A_2287 : vector<8x128xf32>
    %add3A_2464 = arith.addf %mul3A_2462, %mul3A_2463 : vector<8x128xf32>
    %mul3A_2465 = arith.mulf %div3A_2373, %sub3A_2419 : vector<8x128xf32>
    %mul3A_2466 = arith.mulf %mul3A_2377, %sub3A_2431 : vector<8x128xf32>
    %sub3A_2467 = arith.subf %mul3A_2465, %mul3A_2466 : vector<8x128xf32>
    %mul3A_2468 = arith.mulf %mul3A_2377, %sub3A_2419 : vector<8x128xf32>
    %mul3A_2469 = arith.mulf %div3A_2373, %sub3A_2431 : vector<8x128xf32>
    %add3A_2470 = arith.addf %mul3A_2468, %mul3A_2469 : vector<8x128xf32>
    %mul3A_2471 = arith.mulf %div3A_2373, %sub3A_2443 : vector<8x128xf32>
    %mul3A_2472 = arith.mulf %mul3A_2377, %sub3A_2455 : vector<8x128xf32>
    %sub3A_2473 = arith.subf %mul3A_2471, %mul3A_2472 : vector<8x128xf32>
    %mul3A_2474 = arith.mulf %mul3A_2377, %sub3A_2443 : vector<8x128xf32>
    %mul3A_2475 = arith.mulf %div3A_2373, %sub3A_2455 : vector<8x128xf32>
    %add3A_2476 = arith.addf %mul3A_2474, %mul3A_2475 : vector<8x128xf32>
    %mul3A_2477 = arith.mulf %div3A_2373, %add3A_2422 : vector<8x128xf32>
    %mul3A_2478 = arith.mulf %mul3A_2377, %add3A_2434 : vector<8x128xf32>
    %sub3A_2479 = arith.subf %mul3A_2477, %mul3A_2478 : vector<8x128xf32>
    %mul3A_2480 = arith.mulf %mul3A_2377, %add3A_2422 : vector<8x128xf32>
    %mul3A_2481 = arith.mulf %div3A_2373, %add3A_2434 : vector<8x128xf32>
    %add3A_2482 = arith.addf %mul3A_2480, %mul3A_2481 : vector<8x128xf32>
    %mul3A_2483 = arith.mulf %div3A_2373, %add3A_2446 : vector<8x128xf32>
    %mul3A_2484 = arith.mulf %mul3A_2377, %add3A_2458 : vector<8x128xf32>
    %sub3A_2485 = arith.subf %mul3A_2483, %mul3A_2484 : vector<8x128xf32>
    %mul3A_2486 = arith.mulf %mul3A_2377, %add3A_2446 : vector<8x128xf32>
    %mul3A_2487 = arith.mulf %div3A_2373, %add3A_2458 : vector<8x128xf32>
    %add3A_2488 = arith.addf %mul3A_2486, %mul3A_2487 : vector<8x128xf32>
    %mul3A_2489 = arith.mulf %div3A_2412, %sub3A_2425 : vector<8x128xf32>
    %mul3A_2490 = arith.mulf %mul3A_2416, %sub3A_2437 : vector<8x128xf32>
    %sub3A_2491 = arith.subf %mul3A_2489, %mul3A_2490 : vector<8x128xf32>
    %mul3A_2492 = arith.mulf %mul3A_2416, %sub3A_2425 : vector<8x128xf32>
    %mul3A_2493 = arith.mulf %div3A_2412, %sub3A_2437 : vector<8x128xf32>
    %add3A_2494 = arith.addf %mul3A_2492, %mul3A_2493 : vector<8x128xf32>
    %mul3A_2495 = arith.mulf %div3A_2412, %sub3A_2449 : vector<8x128xf32>
    %mul3A_2496 = arith.mulf %mul3A_2416, %sub3A_2461 : vector<8x128xf32>
    %sub3A_2497 = arith.subf %mul3A_2495, %mul3A_2496 : vector<8x128xf32>
    %mul3A_2498 = arith.mulf %mul3A_2416, %sub3A_2449 : vector<8x128xf32>
    %mul3A_2499 = arith.mulf %div3A_2412, %sub3A_2461 : vector<8x128xf32>
    %add3A_2500 = arith.addf %mul3A_2498, %mul3A_2499 : vector<8x128xf32>
    %mul3A_2501 = arith.mulf %div3A_2412, %add3A_2428 : vector<8x128xf32>
    %mul3A_2502 = arith.mulf %mul3A_2416, %add3A_2440 : vector<8x128xf32>
    %sub3A_2503 = arith.subf %mul3A_2501, %mul3A_2502 : vector<8x128xf32>
    %mul3A_2504 = arith.mulf %mul3A_2416, %add3A_2428 : vector<8x128xf32>
    %mul3A_2505 = arith.mulf %div3A_2412, %add3A_2440 : vector<8x128xf32>
    %add3A_2506 = arith.addf %mul3A_2504, %mul3A_2505 : vector<8x128xf32>
    %mul3A_2507 = arith.mulf %div3A_2412, %add3A_2452 : vector<8x128xf32>
    %mul3A_2508 = arith.mulf %mul3A_2416, %add3A_2464 : vector<8x128xf32>
    %sub3A_2509 = arith.subf %mul3A_2507, %mul3A_2508 : vector<8x128xf32>
    %mul3A_2510 = arith.mulf %mul3A_2416, %add3A_2452 : vector<8x128xf32>
    %mul3A_2511 = arith.mulf %div3A_2412, %add3A_2464 : vector<8x128xf32>
    %add3A_2512 = arith.addf %mul3A_2510, %mul3A_2511 : vector<8x128xf32>
    %mul3A_2513 = arith.mulf %div3A_2373, %sub3A_2305 : vector<8x128xf32>
    %mul3A_2514 = arith.mulf %mul3A_2377, %add3A_2326 : vector<8x128xf32>
    %sub3A_2515 = arith.subf %mul3A_2513, %mul3A_2514 : vector<8x128xf32>
    %mul3A_2516 = arith.mulf %mul3A_2377, %sub3A_2305 : vector<8x128xf32>
    %mul3A_2517 = arith.mulf %div3A_2373, %add3A_2326 : vector<8x128xf32>
    %add3A_2518 = arith.addf %mul3A_2516, %mul3A_2517 : vector<8x128xf32>
    %mul3A_2519 = arith.mulf %div3A_2373, %sub3A_2311 : vector<8x128xf32>
    %mul3A_2520 = arith.mulf %mul3A_2377, %add3A_2332 : vector<8x128xf32>
    %sub3A_2521 = arith.subf %mul3A_2519, %mul3A_2520 : vector<8x128xf32>
    %mul3A_2522 = arith.mulf %mul3A_2377, %sub3A_2311 : vector<8x128xf32>
    %mul3A_2523 = arith.mulf %div3A_2373, %add3A_2332 : vector<8x128xf32>
    %add3A_2524 = arith.addf %mul3A_2522, %mul3A_2523 : vector<8x128xf32>
    %mul3A_2525 = arith.mulf %div3A_2373, %sub3A_2317 : vector<8x128xf32>
    %mul3A_2526 = arith.mulf %mul3A_2377, %add3A_2338 : vector<8x128xf32>
    %sub3A_2527 = arith.subf %mul3A_2525, %mul3A_2526 : vector<8x128xf32>
    %mul3A_2528 = arith.mulf %mul3A_2377, %sub3A_2317 : vector<8x128xf32>
    %mul3A_2529 = arith.mulf %div3A_2373, %add3A_2338 : vector<8x128xf32>
    %add3A_2530 = arith.addf %mul3A_2528, %mul3A_2529 : vector<8x128xf32>
    %mul3A_2531 = arith.mulf %div3A_2412, %add3A_2308 : vector<8x128xf32>
    %mul3A_2532 = arith.mulf %mul3A_2416, %sub3A_2323 : vector<8x128xf32>
    %sub3A_2533 = arith.subf %mul3A_2531, %mul3A_2532 : vector<8x128xf32>
    %mul3A_2534 = arith.mulf %mul3A_2416, %add3A_2308 : vector<8x128xf32>
    %mul3A_2535 = arith.mulf %div3A_2412, %sub3A_2323 : vector<8x128xf32>
    %add3A_2536 = arith.addf %mul3A_2534, %mul3A_2535 : vector<8x128xf32>
    %mul3A_2537 = arith.mulf %div3A_2412, %add3A_2314 : vector<8x128xf32>
    %mul3A_2538 = arith.mulf %mul3A_2416, %sub3A_2329 : vector<8x128xf32>
    %sub3A_2539 = arith.subf %mul3A_2537, %mul3A_2538 : vector<8x128xf32>
    %mul3A_2540 = arith.mulf %mul3A_2416, %add3A_2314 : vector<8x128xf32>
    %mul3A_2541 = arith.mulf %div3A_2412, %sub3A_2329 : vector<8x128xf32>
    %add3A_2542 = arith.addf %mul3A_2540, %mul3A_2541 : vector<8x128xf32>
    %mul3A_2543 = arith.mulf %div3A_2412, %add3A_2320 : vector<8x128xf32>
    %mul3A_2544 = arith.mulf %mul3A_2416, %sub3A_2335 : vector<8x128xf32>
    %sub3A_2545 = arith.subf %mul3A_2543, %mul3A_2544 : vector<8x128xf32>
    %mul3A_2546 = arith.mulf %mul3A_2416, %add3A_2320 : vector<8x128xf32>
    %mul3A_2547 = arith.mulf %div3A_2412, %sub3A_2335 : vector<8x128xf32>
    %add3A_2548 = arith.addf %mul3A_2546, %mul3A_2547 : vector<8x128xf32>
    %sub3A_2549 = arith.subf %sub3A_2467, %add3A_2512 : vector<8x128xf32>
    %mul3A_2550 = arith.constant 2.000000e+00 : f32
    %mul3A_2551 = vector.broadcast %mul3A_2550 : f32 to vector<8x128xf32>
    %mul3A_2552 = arith.mulf %mul3A_2551, %add3A_2494 : vector<8x128xf32>
    %div3A_2553 = arith.divf %sub3A_2549, %mul3A_2552 : vector<8x128xf32>
    %gt3A_2554 = arith.constant 0.000000e+00 : f32
    %gt3A_2555 = vector.broadcast %gt3A_2554 : f32 to vector<8x128xf32>
    %gt3A_2556 = arith.cmpf ogt, %div3A_2553, %gt3A_2555 : vector<8x128xf32>
    %jit3A_2557 = arith.constant 1.000000e+00 : f32
    %jit3A_2558 = arith.constant -1.000000e+00 : f32
    %broadcast_in_dim3A_2559 = vector.broadcast %jit3A_2557 : f32 to vector<8x128xf32>
    %broadcast_in_dim3A_2560 = vector.broadcast %jit3A_2558 : f32 to vector<8x128xf32>
    %select_n3A_2561 = arith.select %gt3A_2556, %broadcast_in_dim3A_2559, %broadcast_in_dim3A_2560 : vector<8x128xi1>, vector<8x128xf32>
    %abs3A_2562 = math.absf %div3A_2553 : vector<8x128xf32>
    %mul3A_2563 = arith.mulf %div3A_2553, %div3A_2553 : vector<8x128xf32>
    %add3A_2564 = arith.constant 1.000000e+00 : f32
    %add3A_2565 = vector.broadcast %add3A_2564 : f32 to vector<8x128xf32>
    %add3A_2566 = arith.addf %add3A_2565, %mul3A_2563 : vector<8x128xf32>
    %sqrt3A_2567 = math.sqrt %add3A_2566 : vector<8x128xf32>
    %add3A_2568 = arith.addf %abs3A_2562, %sqrt3A_2567 : vector<8x128xf32>
    %div3A_2569 = arith.divf %select_n3A_2561, %add3A_2568 : vector<8x128xf32>
    %eq3A_2570 = arith.constant 0.000000e+00 : f32
    %eq3A_2571 = vector.broadcast %eq3A_2570 : f32 to vector<8x128xf32>
    %eq3A_2572 = arith.cmpf oeq, %add3A_2494, %eq3A_2571 : vector<8x128xf32>
    %jit3A_2573 = arith.constant 0.000000e+00 : f32
    %broadcast_in_dim3A_2574 = vector.broadcast %jit3A_2573 : f32 to vector<8x128xf32>
    %select_n3A_2575 = arith.select %eq3A_2572, %broadcast_in_dim3A_2574, %div3A_2569 : vector<8x128xi1>, vector<8x128xf32>
    %mul3A_2576 = arith.mulf %select_n3A_2575, %select_n3A_2575 : vector<8x128xf32>
    %add3A_2577 = arith.constant 1.000000e+00 : f32
    %add3A_2578 = vector.broadcast %add3A_2577 : f32 to vector<8x128xf32>
    %add3A_2579 = arith.addf %mul3A_2576, %add3A_2578 : vector<8x128xf32>
    %sqrt3A_2580 = math.sqrt %add3A_2579 : vector<8x128xf32>
    %div3A_2581 = arith.constant 1.000000e+00 : f32
    %div3A_2582 = vector.broadcast %div3A_2581 : f32 to vector<8x128xf32>
    %div3A_2583 = arith.divf %div3A_2582, %sqrt3A_2580 : vector<8x128xf32>
    %neg3A_2584 = arith.constant 0.000000e+00 : f32
    %neg3A_2585 = vector.broadcast %neg3A_2584 : f32 to vector<8x128xf32>
    %neg3A_2586 = arith.subf %neg3A_2585, %select_n3A_2575 : vector<8x128xf32>
    %mul3A_2587 = arith.mulf %neg3A_2586, %div3A_2583 : vector<8x128xf32>
    %sub3A_2588 = arith.subf %add3A_2482, %sub3A_2497 : vector<8x128xf32>
    %mul3A_2589 = arith.constant 2.000000e+00 : f32
    %mul3A_2590 = vector.broadcast %mul3A_2589 : f32 to vector<8x128xf32>
    %mul3A_2591 = arith.mulf %mul3A_2590, %sub3A_2503 : vector<8x128xf32>
    %div3A_2592 = arith.divf %sub3A_2588, %mul3A_2591 : vector<8x128xf32>
    %gt3A_2593 = arith.constant 0.000000e+00 : f32
    %gt3A_2594 = vector.broadcast %gt3A_2593 : f32 to vector<8x128xf32>
    %gt3A_2595 = arith.cmpf ogt, %div3A_2592, %gt3A_2594 : vector<8x128xf32>
    %jit3A_2596 = arith.constant 1.000000e+00 : f32
    %jit3A_2597 = arith.constant -1.000000e+00 : f32
    %broadcast_in_dim3A_2598 = vector.broadcast %jit3A_2596 : f32 to vector<8x128xf32>
    %broadcast_in_dim3A_2599 = vector.broadcast %jit3A_2597 : f32 to vector<8x128xf32>
    %select_n3A_2600 = arith.select %gt3A_2595, %broadcast_in_dim3A_2598, %broadcast_in_dim3A_2599 : vector<8x128xi1>, vector<8x128xf32>
    %abs3A_2601 = math.absf %div3A_2592 : vector<8x128xf32>
    %mul3A_2602 = arith.mulf %div3A_2592, %div3A_2592 : vector<8x128xf32>
    %add3A_2603 = arith.constant 1.000000e+00 : f32
    %add3A_2604 = vector.broadcast %add3A_2603 : f32 to vector<8x128xf32>
    %add3A_2605 = arith.addf %add3A_2604, %mul3A_2602 : vector<8x128xf32>
    %sqrt3A_2606 = math.sqrt %add3A_2605 : vector<8x128xf32>
    %add3A_2607 = arith.addf %abs3A_2601, %sqrt3A_2606 : vector<8x128xf32>
    %div3A_2608 = arith.divf %select_n3A_2600, %add3A_2607 : vector<8x128xf32>
    %eq3A_2609 = arith.constant 0.000000e+00 : f32
    %eq3A_2610 = vector.broadcast %eq3A_2609 : f32 to vector<8x128xf32>
    %eq3A_2611 = arith.cmpf oeq, %sub3A_2503, %eq3A_2610 : vector<8x128xf32>
    %jit3A_2612 = arith.constant 0.000000e+00 : f32
    %broadcast_in_dim3A_2613 = vector.broadcast %jit3A_2612 : f32 to vector<8x128xf32>
    %select_n3A_2614 = arith.select %eq3A_2611, %broadcast_in_dim3A_2613, %div3A_2608 : vector<8x128xi1>, vector<8x128xf32>
    %mul3A_2615 = arith.mulf %select_n3A_2614, %select_n3A_2614 : vector<8x128xf32>
    %add3A_2616 = arith.constant 1.000000e+00 : f32
    %add3A_2617 = vector.broadcast %add3A_2616 : f32 to vector<8x128xf32>
    %add3A_2618 = arith.addf %mul3A_2615, %add3A_2617 : vector<8x128xf32>
    %sqrt3A_2619 = math.sqrt %add3A_2618 : vector<8x128xf32>
    %div3A_2620 = arith.constant 1.000000e+00 : f32
    %div3A_2621 = vector.broadcast %div3A_2620 : f32 to vector<8x128xf32>
    %div3A_2622 = arith.divf %div3A_2621, %sqrt3A_2619 : vector<8x128xf32>
    %neg3A_2623 = arith.constant 0.000000e+00 : f32
    %neg3A_2624 = vector.broadcast %neg3A_2623 : f32 to vector<8x128xf32>
    %neg3A_2625 = arith.subf %neg3A_2624, %select_n3A_2614 : vector<8x128xf32>
    %mul3A_2626 = arith.mulf %neg3A_2625, %div3A_2622 : vector<8x128xf32>
    %mul3A_2627 = arith.mulf %div3A_2583, %sub3A_2467 : vector<8x128xf32>
    %mul3A_2628 = arith.mulf %mul3A_2587, %sub3A_2485 : vector<8x128xf32>
    %sub3A_2629 = arith.subf %mul3A_2627, %mul3A_2628 : vector<8x128xf32>
    %mul3A_2630 = arith.mulf %mul3A_2587, %sub3A_2467 : vector<8x128xf32>
    %mul3A_2631 = arith.mulf %div3A_2583, %sub3A_2485 : vector<8x128xf32>
    %add3A_2632 = arith.addf %mul3A_2630, %mul3A_2631 : vector<8x128xf32>
    %mul3A_2633 = arith.mulf %div3A_2583, %add3A_2470 : vector<8x128xf32>
    %mul3A_2634 = arith.mulf %mul3A_2587, %add3A_2488 : vector<8x128xf32>
    %sub3A_2635 = arith.subf %mul3A_2633, %mul3A_2634 : vector<8x128xf32>
    %mul3A_2636 = arith.mulf %mul3A_2587, %add3A_2470 : vector<8x128xf32>
    %mul3A_2637 = arith.mulf %div3A_2583, %add3A_2488 : vector<8x128xf32>
    %add3A_2638 = arith.addf %mul3A_2636, %mul3A_2637 : vector<8x128xf32>
    %mul3A_2639 = arith.mulf %div3A_2583, %add3A_2494 : vector<8x128xf32>
    %mul3A_2640 = arith.mulf %mul3A_2587, %add3A_2512 : vector<8x128xf32>
    %sub3A_2641 = arith.subf %mul3A_2639, %mul3A_2640 : vector<8x128xf32>
    %mul3A_2642 = arith.mulf %mul3A_2587, %add3A_2494 : vector<8x128xf32>
    %mul3A_2643 = arith.mulf %div3A_2583, %add3A_2512 : vector<8x128xf32>
    %add3A_2644 = arith.addf %mul3A_2642, %mul3A_2643 : vector<8x128xf32>
    %mul3A_2645 = arith.mulf %div3A_2583, %sub3A_2491 : vector<8x128xf32>
    %mul3A_2646 = arith.mulf %mul3A_2587, %sub3A_2509 : vector<8x128xf32>
    %sub3A_2647 = arith.subf %mul3A_2645, %mul3A_2646 : vector<8x128xf32>
    %mul3A_2648 = arith.mulf %mul3A_2587, %sub3A_2491 : vector<8x128xf32>
    %mul3A_2649 = arith.mulf %div3A_2583, %sub3A_2509 : vector<8x128xf32>
    %add3A_2650 = arith.addf %mul3A_2648, %mul3A_2649 : vector<8x128xf32>
    %mul3A_2651 = arith.mulf %div3A_2622, %sub3A_2479 : vector<8x128xf32>
    %mul3A_2652 = arith.mulf %mul3A_2626, %sub3A_2473 : vector<8x128xf32>
    %sub3A_2653 = arith.subf %mul3A_2651, %mul3A_2652 : vector<8x128xf32>
    %mul3A_2654 = arith.mulf %mul3A_2626, %sub3A_2479 : vector<8x128xf32>
    %mul3A_2655 = arith.mulf %div3A_2622, %sub3A_2473 : vector<8x128xf32>
    %add3A_2656 = arith.addf %mul3A_2654, %mul3A_2655 : vector<8x128xf32>
    %mul3A_2657 = arith.mulf %div3A_2622, %add3A_2482 : vector<8x128xf32>
    %mul3A_2658 = arith.mulf %mul3A_2626, %add3A_2476 : vector<8x128xf32>
    %sub3A_2659 = arith.subf %mul3A_2657, %mul3A_2658 : vector<8x128xf32>
    %mul3A_2660 = arith.mulf %mul3A_2626, %add3A_2482 : vector<8x128xf32>
    %mul3A_2661 = arith.mulf %div3A_2622, %add3A_2476 : vector<8x128xf32>
    %add3A_2662 = arith.addf %mul3A_2660, %mul3A_2661 : vector<8x128xf32>
    %mul3A_2663 = arith.mulf %div3A_2622, %add3A_2506 : vector<8x128xf32>
    %mul3A_2664 = arith.mulf %mul3A_2626, %add3A_2500 : vector<8x128xf32>
    %sub3A_2665 = arith.subf %mul3A_2663, %mul3A_2664 : vector<8x128xf32>
    %mul3A_2666 = arith.mulf %mul3A_2626, %add3A_2506 : vector<8x128xf32>
    %mul3A_2667 = arith.mulf %div3A_2622, %add3A_2500 : vector<8x128xf32>
    %add3A_2668 = arith.addf %mul3A_2666, %mul3A_2667 : vector<8x128xf32>
    %mul3A_2669 = arith.mulf %div3A_2622, %sub3A_2503 : vector<8x128xf32>
    %mul3A_2670 = arith.mulf %mul3A_2626, %sub3A_2497 : vector<8x128xf32>
    %sub3A_2671 = arith.subf %mul3A_2669, %mul3A_2670 : vector<8x128xf32>
    %mul3A_2672 = arith.mulf %mul3A_2626, %sub3A_2503 : vector<8x128xf32>
    %mul3A_2673 = arith.mulf %div3A_2622, %sub3A_2497 : vector<8x128xf32>
    %add3A_2674 = arith.addf %mul3A_2672, %mul3A_2673 : vector<8x128xf32>
    %mul3A_2675 = arith.mulf %div3A_2583, %sub3A_2629 : vector<8x128xf32>
    %mul3A_2676 = arith.mulf %mul3A_2587, %sub3A_2641 : vector<8x128xf32>
    %sub3A_2677 = arith.subf %mul3A_2675, %mul3A_2676 : vector<8x128xf32>
    %mul3A_2678 = arith.mulf %mul3A_2587, %sub3A_2629 : vector<8x128xf32>
    %mul3A_2679 = arith.mulf %div3A_2583, %sub3A_2641 : vector<8x128xf32>
    %add3A_2680 = arith.addf %mul3A_2678, %mul3A_2679 : vector<8x128xf32>
    %mul3A_2681 = arith.mulf %div3A_2583, %sub3A_2653 : vector<8x128xf32>
    %mul3A_2682 = arith.mulf %mul3A_2587, %sub3A_2665 : vector<8x128xf32>
    %sub3A_2683 = arith.subf %mul3A_2681, %mul3A_2682 : vector<8x128xf32>
    %mul3A_2684 = arith.mulf %mul3A_2587, %sub3A_2653 : vector<8x128xf32>
    %mul3A_2685 = arith.mulf %div3A_2583, %sub3A_2665 : vector<8x128xf32>
    %add3A_2686 = arith.addf %mul3A_2684, %mul3A_2685 : vector<8x128xf32>
    %mul3A_2687 = arith.mulf %div3A_2583, %add3A_2632 : vector<8x128xf32>
    %mul3A_2688 = arith.mulf %mul3A_2587, %add3A_2644 : vector<8x128xf32>
    %sub3A_2689 = arith.subf %mul3A_2687, %mul3A_2688 : vector<8x128xf32>
    %mul3A_2690 = arith.mulf %mul3A_2587, %add3A_2632 : vector<8x128xf32>
    %mul3A_2691 = arith.mulf %div3A_2583, %add3A_2644 : vector<8x128xf32>
    %add3A_2692 = arith.addf %mul3A_2690, %mul3A_2691 : vector<8x128xf32>
    %mul3A_2693 = arith.mulf %div3A_2583, %add3A_2656 : vector<8x128xf32>
    %mul3A_2694 = arith.mulf %mul3A_2587, %add3A_2668 : vector<8x128xf32>
    %sub3A_2695 = arith.subf %mul3A_2693, %mul3A_2694 : vector<8x128xf32>
    %mul3A_2696 = arith.mulf %mul3A_2587, %add3A_2656 : vector<8x128xf32>
    %mul3A_2697 = arith.mulf %div3A_2583, %add3A_2668 : vector<8x128xf32>
    %add3A_2698 = arith.addf %mul3A_2696, %mul3A_2697 : vector<8x128xf32>
    %mul3A_2699 = arith.mulf %div3A_2622, %sub3A_2635 : vector<8x128xf32>
    %mul3A_2700 = arith.mulf %mul3A_2626, %sub3A_2647 : vector<8x128xf32>
    %sub3A_2701 = arith.subf %mul3A_2699, %mul3A_2700 : vector<8x128xf32>
    %mul3A_2702 = arith.mulf %mul3A_2626, %sub3A_2635 : vector<8x128xf32>
    %mul3A_2703 = arith.mulf %div3A_2622, %sub3A_2647 : vector<8x128xf32>
    %add3A_2704 = arith.addf %mul3A_2702, %mul3A_2703 : vector<8x128xf32>
    %mul3A_2705 = arith.mulf %div3A_2622, %sub3A_2659 : vector<8x128xf32>
    %mul3A_2706 = arith.mulf %mul3A_2626, %sub3A_2671 : vector<8x128xf32>
    %sub3A_2707 = arith.subf %mul3A_2705, %mul3A_2706 : vector<8x128xf32>
    %mul3A_2708 = arith.mulf %mul3A_2626, %sub3A_2659 : vector<8x128xf32>
    %mul3A_2709 = arith.mulf %div3A_2622, %sub3A_2671 : vector<8x128xf32>
    %add3A_2710 = arith.addf %mul3A_2708, %mul3A_2709 : vector<8x128xf32>
    %mul3A_2711 = arith.mulf %div3A_2622, %add3A_2638 : vector<8x128xf32>
    %mul3A_2712 = arith.mulf %mul3A_2626, %add3A_2650 : vector<8x128xf32>
    %sub3A_2713 = arith.subf %mul3A_2711, %mul3A_2712 : vector<8x128xf32>
    %mul3A_2714 = arith.mulf %mul3A_2626, %add3A_2638 : vector<8x128xf32>
    %mul3A_2715 = arith.mulf %div3A_2622, %add3A_2650 : vector<8x128xf32>
    %add3A_2716 = arith.addf %mul3A_2714, %mul3A_2715 : vector<8x128xf32>
    %mul3A_2717 = arith.mulf %div3A_2622, %add3A_2662 : vector<8x128xf32>
    %mul3A_2718 = arith.mulf %mul3A_2626, %add3A_2674 : vector<8x128xf32>
    %sub3A_2719 = arith.subf %mul3A_2717, %mul3A_2718 : vector<8x128xf32>
    %mul3A_2720 = arith.mulf %mul3A_2626, %add3A_2662 : vector<8x128xf32>
    %mul3A_2721 = arith.mulf %div3A_2622, %add3A_2674 : vector<8x128xf32>
    %add3A_2722 = arith.addf %mul3A_2720, %mul3A_2721 : vector<8x128xf32>
    %mul3A_2723 = arith.mulf %div3A_2583, %sub3A_2515 : vector<8x128xf32>
    %mul3A_2724 = arith.mulf %mul3A_2587, %add3A_2536 : vector<8x128xf32>
    %sub3A_2725 = arith.subf %mul3A_2723, %mul3A_2724 : vector<8x128xf32>
    %mul3A_2726 = arith.mulf %mul3A_2587, %sub3A_2515 : vector<8x128xf32>
    %mul3A_2727 = arith.mulf %div3A_2583, %add3A_2536 : vector<8x128xf32>
    %add3A_2728 = arith.addf %mul3A_2726, %mul3A_2727 : vector<8x128xf32>
    %mul3A_2729 = arith.mulf %div3A_2583, %sub3A_2521 : vector<8x128xf32>
    %mul3A_2730 = arith.mulf %mul3A_2587, %add3A_2542 : vector<8x128xf32>
    %sub3A_2731 = arith.subf %mul3A_2729, %mul3A_2730 : vector<8x128xf32>
    %mul3A_2732 = arith.mulf %mul3A_2587, %sub3A_2521 : vector<8x128xf32>
    %mul3A_2733 = arith.mulf %div3A_2583, %add3A_2542 : vector<8x128xf32>
    %add3A_2734 = arith.addf %mul3A_2732, %mul3A_2733 : vector<8x128xf32>
    %mul3A_2735 = arith.mulf %div3A_2583, %sub3A_2527 : vector<8x128xf32>
    %mul3A_2736 = arith.mulf %mul3A_2587, %add3A_2548 : vector<8x128xf32>
    %sub3A_2737 = arith.subf %mul3A_2735, %mul3A_2736 : vector<8x128xf32>
    %mul3A_2738 = arith.mulf %mul3A_2587, %sub3A_2527 : vector<8x128xf32>
    %mul3A_2739 = arith.mulf %div3A_2583, %add3A_2548 : vector<8x128xf32>
    %add3A_2740 = arith.addf %mul3A_2738, %mul3A_2739 : vector<8x128xf32>
    %mul3A_2741 = arith.mulf %div3A_2622, %add3A_2518 : vector<8x128xf32>
    %mul3A_2742 = arith.mulf %mul3A_2626, %sub3A_2533 : vector<8x128xf32>
    %sub3A_2743 = arith.subf %mul3A_2741, %mul3A_2742 : vector<8x128xf32>
    %mul3A_2744 = arith.mulf %mul3A_2626, %add3A_2518 : vector<8x128xf32>
    %mul3A_2745 = arith.mulf %div3A_2622, %sub3A_2533 : vector<8x128xf32>
    %add3A_2746 = arith.addf %mul3A_2744, %mul3A_2745 : vector<8x128xf32>
    %mul3A_2747 = arith.mulf %div3A_2622, %add3A_2524 : vector<8x128xf32>
    %mul3A_2748 = arith.mulf %mul3A_2626, %sub3A_2539 : vector<8x128xf32>
    %sub3A_2749 = arith.subf %mul3A_2747, %mul3A_2748 : vector<8x128xf32>
    %mul3A_2750 = arith.mulf %mul3A_2626, %add3A_2524 : vector<8x128xf32>
    %mul3A_2751 = arith.mulf %div3A_2622, %sub3A_2539 : vector<8x128xf32>
    %add3A_2752 = arith.addf %mul3A_2750, %mul3A_2751 : vector<8x128xf32>
    %mul3A_2753 = arith.mulf %div3A_2622, %add3A_2530 : vector<8x128xf32>
    %mul3A_2754 = arith.mulf %mul3A_2626, %sub3A_2545 : vector<8x128xf32>
    %sub3A_2755 = arith.subf %mul3A_2753, %mul3A_2754 : vector<8x128xf32>
    %mul3A_2756 = arith.mulf %mul3A_2626, %add3A_2530 : vector<8x128xf32>
    %mul3A_2757 = arith.mulf %div3A_2622, %sub3A_2545 : vector<8x128xf32>
    %add3A_2758 = arith.addf %mul3A_2756, %mul3A_2757 : vector<8x128xf32>
    %sub3A_2759 = arith.subf %sub3A_2677, %add3A_2722 : vector<8x128xf32>
    %mul3A_2760 = arith.constant 2.000000e+00 : f32
    %mul3A_2761 = vector.broadcast %mul3A_2760 : f32 to vector<8x128xf32>
    %mul3A_2762 = arith.mulf %mul3A_2761, %add3A_2704 : vector<8x128xf32>
    %div3A_2763 = arith.divf %sub3A_2759, %mul3A_2762 : vector<8x128xf32>
    %gt3A_2764 = arith.constant 0.000000e+00 : f32
    %gt3A_2765 = vector.broadcast %gt3A_2764 : f32 to vector<8x128xf32>
    %gt3A_2766 = arith.cmpf ogt, %div3A_2763, %gt3A_2765 : vector<8x128xf32>
    %jit3A_2767 = arith.constant 1.000000e+00 : f32
    %jit3A_2768 = arith.constant -1.000000e+00 : f32
    %broadcast_in_dim3A_2769 = vector.broadcast %jit3A_2767 : f32 to vector<8x128xf32>
    %broadcast_in_dim3A_2770 = vector.broadcast %jit3A_2768 : f32 to vector<8x128xf32>
    %select_n3A_2771 = arith.select %gt3A_2766, %broadcast_in_dim3A_2769, %broadcast_in_dim3A_2770 : vector<8x128xi1>, vector<8x128xf32>
    %abs3A_2772 = math.absf %div3A_2763 : vector<8x128xf32>
    %mul3A_2773 = arith.mulf %div3A_2763, %div3A_2763 : vector<8x128xf32>
    %add3A_2774 = arith.constant 1.000000e+00 : f32
    %add3A_2775 = vector.broadcast %add3A_2774 : f32 to vector<8x128xf32>
    %add3A_2776 = arith.addf %add3A_2775, %mul3A_2773 : vector<8x128xf32>
    %sqrt3A_2777 = math.sqrt %add3A_2776 : vector<8x128xf32>
    %add3A_2778 = arith.addf %abs3A_2772, %sqrt3A_2777 : vector<8x128xf32>
    %div3A_2779 = arith.divf %select_n3A_2771, %add3A_2778 : vector<8x128xf32>
    %eq3A_2780 = arith.constant 0.000000e+00 : f32
    %eq3A_2781 = vector.broadcast %eq3A_2780 : f32 to vector<8x128xf32>
    %eq3A_2782 = arith.cmpf oeq, %add3A_2704, %eq3A_2781 : vector<8x128xf32>
    %jit3A_2783 = arith.constant 0.000000e+00 : f32
    %broadcast_in_dim3A_2784 = vector.broadcast %jit3A_2783 : f32 to vector<8x128xf32>
    %select_n3A_2785 = arith.select %eq3A_2782, %broadcast_in_dim3A_2784, %div3A_2779 : vector<8x128xi1>, vector<8x128xf32>
    %mul3A_2786 = arith.mulf %select_n3A_2785, %select_n3A_2785 : vector<8x128xf32>
    %add3A_2787 = arith.constant 1.000000e+00 : f32
    %add3A_2788 = vector.broadcast %add3A_2787 : f32 to vector<8x128xf32>
    %add3A_2789 = arith.addf %mul3A_2786, %add3A_2788 : vector<8x128xf32>
    %sqrt3A_2790 = math.sqrt %add3A_2789 : vector<8x128xf32>
    %div3A_2791 = arith.constant 1.000000e+00 : f32
    %div3A_2792 = vector.broadcast %div3A_2791 : f32 to vector<8x128xf32>
    %div3A_2793 = arith.divf %div3A_2792, %sqrt3A_2790 : vector<8x128xf32>
    %neg3A_2794 = arith.constant 0.000000e+00 : f32
    %neg3A_2795 = vector.broadcast %neg3A_2794 : f32 to vector<8x128xf32>
    %neg3A_2796 = arith.subf %neg3A_2795, %select_n3A_2785 : vector<8x128xf32>
    %mul3A_2797 = arith.mulf %neg3A_2796, %div3A_2793 : vector<8x128xf32>
    %sub3A_2798 = arith.subf %add3A_2692, %sub3A_2707 : vector<8x128xf32>
    %mul3A_2799 = arith.constant 2.000000e+00 : f32
    %mul3A_2800 = vector.broadcast %mul3A_2799 : f32 to vector<8x128xf32>
    %mul3A_2801 = arith.mulf %mul3A_2800, %sub3A_2713 : vector<8x128xf32>
    %div3A_2802 = arith.divf %sub3A_2798, %mul3A_2801 : vector<8x128xf32>
    %gt3A_2803 = arith.constant 0.000000e+00 : f32
    %gt3A_2804 = vector.broadcast %gt3A_2803 : f32 to vector<8x128xf32>
    %gt3A_2805 = arith.cmpf ogt, %div3A_2802, %gt3A_2804 : vector<8x128xf32>
    %jit3A_2806 = arith.constant 1.000000e+00 : f32
    %jit3A_2807 = arith.constant -1.000000e+00 : f32
    %broadcast_in_dim3A_2808 = vector.broadcast %jit3A_2806 : f32 to vector<8x128xf32>
    %broadcast_in_dim3A_2809 = vector.broadcast %jit3A_2807 : f32 to vector<8x128xf32>
    %select_n3A_2810 = arith.select %gt3A_2805, %broadcast_in_dim3A_2808, %broadcast_in_dim3A_2809 : vector<8x128xi1>, vector<8x128xf32>
    %abs3A_2811 = math.absf %div3A_2802 : vector<8x128xf32>
    %mul3A_2812 = arith.mulf %div3A_2802, %div3A_2802 : vector<8x128xf32>
    %add3A_2813 = arith.constant 1.000000e+00 : f32
    %add3A_2814 = vector.broadcast %add3A_2813 : f32 to vector<8x128xf32>
    %add3A_2815 = arith.addf %add3A_2814, %mul3A_2812 : vector<8x128xf32>
    %sqrt3A_2816 = math.sqrt %add3A_2815 : vector<8x128xf32>
    %add3A_2817 = arith.addf %abs3A_2811, %sqrt3A_2816 : vector<8x128xf32>
    %div3A_2818 = arith.divf %select_n3A_2810, %add3A_2817 : vector<8x128xf32>
    %eq3A_2819 = arith.constant 0.000000e+00 : f32
    %eq3A_2820 = vector.broadcast %eq3A_2819 : f32 to vector<8x128xf32>
    %eq3A_2821 = arith.cmpf oeq, %sub3A_2713, %eq3A_2820 : vector<8x128xf32>
    %jit3A_2822 = arith.constant 0.000000e+00 : f32
    %broadcast_in_dim3A_2823 = vector.broadcast %jit3A_2822 : f32 to vector<8x128xf32>
    %select_n3A_2824 = arith.select %eq3A_2821, %broadcast_in_dim3A_2823, %div3A_2818 : vector<8x128xi1>, vector<8x128xf32>
    %mul3A_2825 = arith.mulf %select_n3A_2824, %select_n3A_2824 : vector<8x128xf32>
    %add3A_2826 = arith.constant 1.000000e+00 : f32
    %add3A_2827 = vector.broadcast %add3A_2826 : f32 to vector<8x128xf32>
    %add3A_2828 = arith.addf %mul3A_2825, %add3A_2827 : vector<8x128xf32>
    %sqrt3A_2829 = math.sqrt %add3A_2828 : vector<8x128xf32>
    %div3A_2830 = arith.constant 1.000000e+00 : f32
    %div3A_2831 = vector.broadcast %div3A_2830 : f32 to vector<8x128xf32>
    %div3A_2832 = arith.divf %div3A_2831, %sqrt3A_2829 : vector<8x128xf32>
    %neg3A_2833 = arith.constant 0.000000e+00 : f32
    %neg3A_2834 = vector.broadcast %neg3A_2833 : f32 to vector<8x128xf32>
    %neg3A_2835 = arith.subf %neg3A_2834, %select_n3A_2824 : vector<8x128xf32>
    %mul3A_2836 = arith.mulf %neg3A_2835, %div3A_2832 : vector<8x128xf32>
    %mul3A_2837 = arith.mulf %div3A_2793, %sub3A_2677 : vector<8x128xf32>
    %mul3A_2838 = arith.mulf %mul3A_2797, %sub3A_2695 : vector<8x128xf32>
    %sub3A_2839 = arith.subf %mul3A_2837, %mul3A_2838 : vector<8x128xf32>
    %mul3A_2840 = arith.mulf %mul3A_2797, %sub3A_2677 : vector<8x128xf32>
    %mul3A_2841 = arith.mulf %div3A_2793, %sub3A_2695 : vector<8x128xf32>
    %add3A_2842 = arith.addf %mul3A_2840, %mul3A_2841 : vector<8x128xf32>
    %mul3A_2843 = arith.mulf %div3A_2793, %add3A_2680 : vector<8x128xf32>
    %mul3A_2844 = arith.mulf %mul3A_2797, %add3A_2698 : vector<8x128xf32>
    %sub3A_2845 = arith.subf %mul3A_2843, %mul3A_2844 : vector<8x128xf32>
    %mul3A_2846 = arith.mulf %mul3A_2797, %add3A_2680 : vector<8x128xf32>
    %mul3A_2847 = arith.mulf %div3A_2793, %add3A_2698 : vector<8x128xf32>
    %add3A_2848 = arith.addf %mul3A_2846, %mul3A_2847 : vector<8x128xf32>
    %mul3A_2849 = arith.mulf %div3A_2793, %add3A_2704 : vector<8x128xf32>
    %mul3A_2850 = arith.mulf %mul3A_2797, %add3A_2722 : vector<8x128xf32>
    %sub3A_2851 = arith.subf %mul3A_2849, %mul3A_2850 : vector<8x128xf32>
    %mul3A_2852 = arith.mulf %mul3A_2797, %add3A_2704 : vector<8x128xf32>
    %mul3A_2853 = arith.mulf %div3A_2793, %add3A_2722 : vector<8x128xf32>
    %add3A_2854 = arith.addf %mul3A_2852, %mul3A_2853 : vector<8x128xf32>
    %mul3A_2855 = arith.mulf %div3A_2793, %sub3A_2701 : vector<8x128xf32>
    %mul3A_2856 = arith.mulf %mul3A_2797, %sub3A_2719 : vector<8x128xf32>
    %sub3A_2857 = arith.subf %mul3A_2855, %mul3A_2856 : vector<8x128xf32>
    %mul3A_2858 = arith.mulf %mul3A_2797, %sub3A_2701 : vector<8x128xf32>
    %mul3A_2859 = arith.mulf %div3A_2793, %sub3A_2719 : vector<8x128xf32>
    %add3A_2860 = arith.addf %mul3A_2858, %mul3A_2859 : vector<8x128xf32>
    %mul3A_2861 = arith.mulf %div3A_2832, %sub3A_2689 : vector<8x128xf32>
    %mul3A_2862 = arith.mulf %mul3A_2836, %sub3A_2683 : vector<8x128xf32>
    %sub3A_2863 = arith.subf %mul3A_2861, %mul3A_2862 : vector<8x128xf32>
    %mul3A_2864 = arith.mulf %mul3A_2836, %sub3A_2689 : vector<8x128xf32>
    %mul3A_2865 = arith.mulf %div3A_2832, %sub3A_2683 : vector<8x128xf32>
    %add3A_2866 = arith.addf %mul3A_2864, %mul3A_2865 : vector<8x128xf32>
    %mul3A_2867 = arith.mulf %div3A_2832, %add3A_2692 : vector<8x128xf32>
    %mul3A_2868 = arith.mulf %mul3A_2836, %add3A_2686 : vector<8x128xf32>
    %sub3A_2869 = arith.subf %mul3A_2867, %mul3A_2868 : vector<8x128xf32>
    %mul3A_2870 = arith.mulf %mul3A_2836, %add3A_2692 : vector<8x128xf32>
    %mul3A_2871 = arith.mulf %div3A_2832, %add3A_2686 : vector<8x128xf32>
    %add3A_2872 = arith.addf %mul3A_2870, %mul3A_2871 : vector<8x128xf32>
    %mul3A_2873 = arith.mulf %div3A_2832, %add3A_2716 : vector<8x128xf32>
    %mul3A_2874 = arith.mulf %mul3A_2836, %add3A_2710 : vector<8x128xf32>
    %sub3A_2875 = arith.subf %mul3A_2873, %mul3A_2874 : vector<8x128xf32>
    %mul3A_2876 = arith.mulf %mul3A_2836, %add3A_2716 : vector<8x128xf32>
    %mul3A_2877 = arith.mulf %div3A_2832, %add3A_2710 : vector<8x128xf32>
    %add3A_2878 = arith.addf %mul3A_2876, %mul3A_2877 : vector<8x128xf32>
    %mul3A_2879 = arith.mulf %div3A_2832, %sub3A_2713 : vector<8x128xf32>
    %mul3A_2880 = arith.mulf %mul3A_2836, %sub3A_2707 : vector<8x128xf32>
    %sub3A_2881 = arith.subf %mul3A_2879, %mul3A_2880 : vector<8x128xf32>
    %mul3A_2882 = arith.mulf %mul3A_2836, %sub3A_2713 : vector<8x128xf32>
    %mul3A_2883 = arith.mulf %div3A_2832, %sub3A_2707 : vector<8x128xf32>
    %add3A_2884 = arith.addf %mul3A_2882, %mul3A_2883 : vector<8x128xf32>
    %mul3A_2885 = arith.mulf %div3A_2793, %sub3A_2839 : vector<8x128xf32>
    %mul3A_2886 = arith.mulf %mul3A_2797, %sub3A_2851 : vector<8x128xf32>
    %sub3A_2887 = arith.subf %mul3A_2885, %mul3A_2886 : vector<8x128xf32>
    %mul3A_2888 = arith.mulf %mul3A_2797, %sub3A_2839 : vector<8x128xf32>
    %mul3A_2889 = arith.mulf %div3A_2793, %sub3A_2851 : vector<8x128xf32>
    %add3A_2890 = arith.addf %mul3A_2888, %mul3A_2889 : vector<8x128xf32>
    %mul3A_2891 = arith.mulf %div3A_2793, %sub3A_2863 : vector<8x128xf32>
    %mul3A_2892 = arith.mulf %mul3A_2797, %sub3A_2875 : vector<8x128xf32>
    %sub3A_2893 = arith.subf %mul3A_2891, %mul3A_2892 : vector<8x128xf32>
    %mul3A_2894 = arith.mulf %mul3A_2797, %sub3A_2863 : vector<8x128xf32>
    %mul3A_2895 = arith.mulf %div3A_2793, %sub3A_2875 : vector<8x128xf32>
    %add3A_2896 = arith.addf %mul3A_2894, %mul3A_2895 : vector<8x128xf32>
    %mul3A_2897 = arith.mulf %div3A_2793, %add3A_2842 : vector<8x128xf32>
    %mul3A_2898 = arith.mulf %mul3A_2797, %add3A_2854 : vector<8x128xf32>
    %sub3A_2899 = arith.subf %mul3A_2897, %mul3A_2898 : vector<8x128xf32>
    %mul3A_2900 = arith.mulf %mul3A_2797, %add3A_2842 : vector<8x128xf32>
    %mul3A_2901 = arith.mulf %div3A_2793, %add3A_2854 : vector<8x128xf32>
    %add3A_2902 = arith.addf %mul3A_2900, %mul3A_2901 : vector<8x128xf32>
    %mul3A_2903 = arith.mulf %div3A_2793, %add3A_2866 : vector<8x128xf32>
    %mul3A_2904 = arith.mulf %mul3A_2797, %add3A_2878 : vector<8x128xf32>
    %sub3A_2905 = arith.subf %mul3A_2903, %mul3A_2904 : vector<8x128xf32>
    %mul3A_2906 = arith.mulf %mul3A_2797, %add3A_2866 : vector<8x128xf32>
    %mul3A_2907 = arith.mulf %div3A_2793, %add3A_2878 : vector<8x128xf32>
    %add3A_2908 = arith.addf %mul3A_2906, %mul3A_2907 : vector<8x128xf32>
    %mul3A_2909 = arith.mulf %div3A_2832, %sub3A_2845 : vector<8x128xf32>
    %mul3A_2910 = arith.mulf %mul3A_2836, %sub3A_2857 : vector<8x128xf32>
    %sub3A_2911 = arith.subf %mul3A_2909, %mul3A_2910 : vector<8x128xf32>
    %mul3A_2912 = arith.mulf %mul3A_2836, %sub3A_2845 : vector<8x128xf32>
    %mul3A_2913 = arith.mulf %div3A_2832, %sub3A_2857 : vector<8x128xf32>
    %add3A_2914 = arith.addf %mul3A_2912, %mul3A_2913 : vector<8x128xf32>
    %mul3A_2915 = arith.mulf %div3A_2832, %sub3A_2869 : vector<8x128xf32>
    %mul3A_2916 = arith.mulf %mul3A_2836, %sub3A_2881 : vector<8x128xf32>
    %sub3A_2917 = arith.subf %mul3A_2915, %mul3A_2916 : vector<8x128xf32>
    %mul3A_2918 = arith.mulf %mul3A_2836, %sub3A_2869 : vector<8x128xf32>
    %mul3A_2919 = arith.mulf %div3A_2832, %sub3A_2881 : vector<8x128xf32>
    %add3A_2920 = arith.addf %mul3A_2918, %mul3A_2919 : vector<8x128xf32>
    %mul3A_2921 = arith.mulf %div3A_2832, %add3A_2848 : vector<8x128xf32>
    %mul3A_2922 = arith.mulf %mul3A_2836, %add3A_2860 : vector<8x128xf32>
    %sub3A_2923 = arith.subf %mul3A_2921, %mul3A_2922 : vector<8x128xf32>
    %mul3A_2924 = arith.mulf %mul3A_2836, %add3A_2848 : vector<8x128xf32>
    %mul3A_2925 = arith.mulf %div3A_2832, %add3A_2860 : vector<8x128xf32>
    %add3A_2926 = arith.addf %mul3A_2924, %mul3A_2925 : vector<8x128xf32>
    %mul3A_2927 = arith.mulf %div3A_2832, %add3A_2872 : vector<8x128xf32>
    %mul3A_2928 = arith.mulf %mul3A_2836, %add3A_2884 : vector<8x128xf32>
    %sub3A_2929 = arith.subf %mul3A_2927, %mul3A_2928 : vector<8x128xf32>
    %mul3A_2930 = arith.mulf %mul3A_2836, %add3A_2872 : vector<8x128xf32>
    %mul3A_2931 = arith.mulf %div3A_2832, %add3A_2884 : vector<8x128xf32>
    %add3A_2932 = arith.addf %mul3A_2930, %mul3A_2931 : vector<8x128xf32>
    %mul3A_2933 = arith.mulf %div3A_2793, %sub3A_2725 : vector<8x128xf32>
    %mul3A_2934 = arith.mulf %mul3A_2797, %add3A_2746 : vector<8x128xf32>
    %sub3A_2935 = arith.subf %mul3A_2933, %mul3A_2934 : vector<8x128xf32>
    %mul3A_2936 = arith.mulf %mul3A_2797, %sub3A_2725 : vector<8x128xf32>
    %mul3A_2937 = arith.mulf %div3A_2793, %add3A_2746 : vector<8x128xf32>
    %add3A_2938 = arith.addf %mul3A_2936, %mul3A_2937 : vector<8x128xf32>
    %mul3A_2939 = arith.mulf %div3A_2793, %sub3A_2731 : vector<8x128xf32>
    %mul3A_2940 = arith.mulf %mul3A_2797, %add3A_2752 : vector<8x128xf32>
    %sub3A_2941 = arith.subf %mul3A_2939, %mul3A_2940 : vector<8x128xf32>
    %mul3A_2942 = arith.mulf %mul3A_2797, %sub3A_2731 : vector<8x128xf32>
    %mul3A_2943 = arith.mulf %div3A_2793, %add3A_2752 : vector<8x128xf32>
    %add3A_2944 = arith.addf %mul3A_2942, %mul3A_2943 : vector<8x128xf32>
    %mul3A_2945 = arith.mulf %div3A_2793, %sub3A_2737 : vector<8x128xf32>
    %mul3A_2946 = arith.mulf %mul3A_2797, %add3A_2758 : vector<8x128xf32>
    %sub3A_2947 = arith.subf %mul3A_2945, %mul3A_2946 : vector<8x128xf32>
    %mul3A_2948 = arith.mulf %mul3A_2797, %sub3A_2737 : vector<8x128xf32>
    %mul3A_2949 = arith.mulf %div3A_2793, %add3A_2758 : vector<8x128xf32>
    %add3A_2950 = arith.addf %mul3A_2948, %mul3A_2949 : vector<8x128xf32>
    %mul3A_2951 = arith.mulf %div3A_2832, %add3A_2728 : vector<8x128xf32>
    %mul3A_2952 = arith.mulf %mul3A_2836, %sub3A_2743 : vector<8x128xf32>
    %sub3A_2953 = arith.subf %mul3A_2951, %mul3A_2952 : vector<8x128xf32>
    %mul3A_2954 = arith.mulf %mul3A_2836, %add3A_2728 : vector<8x128xf32>
    %mul3A_2955 = arith.mulf %div3A_2832, %sub3A_2743 : vector<8x128xf32>
    %add3A_2956 = arith.addf %mul3A_2954, %mul3A_2955 : vector<8x128xf32>
    %mul3A_2957 = arith.mulf %div3A_2832, %add3A_2734 : vector<8x128xf32>
    %mul3A_2958 = arith.mulf %mul3A_2836, %sub3A_2749 : vector<8x128xf32>
    %sub3A_2959 = arith.subf %mul3A_2957, %mul3A_2958 : vector<8x128xf32>
    %mul3A_2960 = arith.mulf %mul3A_2836, %add3A_2734 : vector<8x128xf32>
    %mul3A_2961 = arith.mulf %div3A_2832, %sub3A_2749 : vector<8x128xf32>
    %add3A_2962 = arith.addf %mul3A_2960, %mul3A_2961 : vector<8x128xf32>
    %mul3A_2963 = arith.mulf %div3A_2832, %add3A_2740 : vector<8x128xf32>
    %mul3A_2964 = arith.mulf %mul3A_2836, %sub3A_2755 : vector<8x128xf32>
    %sub3A_2965 = arith.subf %mul3A_2963, %mul3A_2964 : vector<8x128xf32>
    %mul3A_2966 = arith.mulf %mul3A_2836, %add3A_2740 : vector<8x128xf32>
    %mul3A_2967 = arith.mulf %div3A_2832, %sub3A_2755 : vector<8x128xf32>
    %add3A_2968 = arith.addf %mul3A_2966, %mul3A_2967 : vector<8x128xf32>
    %sub3A_2969 = arith.subf %sub3A_2887, %add3A_2932 : vector<8x128xf32>
    %mul3A_2970 = arith.constant 2.000000e+00 : f32
    %mul3A_2971 = vector.broadcast %mul3A_2970 : f32 to vector<8x128xf32>
    %mul3A_2972 = arith.mulf %mul3A_2971, %add3A_2914 : vector<8x128xf32>
    %div3A_2973 = arith.divf %sub3A_2969, %mul3A_2972 : vector<8x128xf32>
    %gt3A_2974 = arith.constant 0.000000e+00 : f32
    %gt3A_2975 = vector.broadcast %gt3A_2974 : f32 to vector<8x128xf32>
    %gt3A_2976 = arith.cmpf ogt, %div3A_2973, %gt3A_2975 : vector<8x128xf32>
    %jit3A_2977 = arith.constant 1.000000e+00 : f32
    %jit3A_2978 = arith.constant -1.000000e+00 : f32
    %broadcast_in_dim3A_2979 = vector.broadcast %jit3A_2977 : f32 to vector<8x128xf32>
    %broadcast_in_dim3A_2980 = vector.broadcast %jit3A_2978 : f32 to vector<8x128xf32>
    %select_n3A_2981 = arith.select %gt3A_2976, %broadcast_in_dim3A_2979, %broadcast_in_dim3A_2980 : vector<8x128xi1>, vector<8x128xf32>
    %abs3A_2982 = math.absf %div3A_2973 : vector<8x128xf32>
    %mul3A_2983 = arith.mulf %div3A_2973, %div3A_2973 : vector<8x128xf32>
    %add3A_2984 = arith.constant 1.000000e+00 : f32
    %add3A_2985 = vector.broadcast %add3A_2984 : f32 to vector<8x128xf32>
    %add3A_2986 = arith.addf %add3A_2985, %mul3A_2983 : vector<8x128xf32>
    %sqrt3A_2987 = math.sqrt %add3A_2986 : vector<8x128xf32>
    %add3A_2988 = arith.addf %abs3A_2982, %sqrt3A_2987 : vector<8x128xf32>
    %div3A_2989 = arith.divf %select_n3A_2981, %add3A_2988 : vector<8x128xf32>
    %eq3A_2990 = arith.constant 0.000000e+00 : f32
    %eq3A_2991 = vector.broadcast %eq3A_2990 : f32 to vector<8x128xf32>
    %eq3A_2992 = arith.cmpf oeq, %add3A_2914, %eq3A_2991 : vector<8x128xf32>
    %jit3A_2993 = arith.constant 0.000000e+00 : f32
    %broadcast_in_dim3A_2994 = vector.broadcast %jit3A_2993 : f32 to vector<8x128xf32>
    %select_n3A_2995 = arith.select %eq3A_2992, %broadcast_in_dim3A_2994, %div3A_2989 : vector<8x128xi1>, vector<8x128xf32>
    %mul3A_2996 = arith.mulf %select_n3A_2995, %select_n3A_2995 : vector<8x128xf32>
    %add3A_2997 = arith.constant 1.000000e+00 : f32
    %add3A_2998 = vector.broadcast %add3A_2997 : f32 to vector<8x128xf32>
    %add3A_2999 = arith.addf %mul3A_2996, %add3A_2998 : vector<8x128xf32>
    %sqrt3A_3000 = math.sqrt %add3A_2999 : vector<8x128xf32>
    %div3A_3001 = arith.constant 1.000000e+00 : f32
    %div3A_3002 = vector.broadcast %div3A_3001 : f32 to vector<8x128xf32>
    %div3A_3003 = arith.divf %div3A_3002, %sqrt3A_3000 : vector<8x128xf32>
    %neg3A_3004 = arith.constant 0.000000e+00 : f32
    %neg3A_3005 = vector.broadcast %neg3A_3004 : f32 to vector<8x128xf32>
    %neg3A_3006 = arith.subf %neg3A_3005, %select_n3A_2995 : vector<8x128xf32>
    %mul3A_3007 = arith.mulf %neg3A_3006, %div3A_3003 : vector<8x128xf32>
    %sub3A_3008 = arith.subf %add3A_2902, %sub3A_2917 : vector<8x128xf32>
    %mul3A_3009 = arith.constant 2.000000e+00 : f32
    %mul3A_3010 = vector.broadcast %mul3A_3009 : f32 to vector<8x128xf32>
    %mul3A_3011 = arith.mulf %mul3A_3010, %sub3A_2923 : vector<8x128xf32>
    %div3A_3012 = arith.divf %sub3A_3008, %mul3A_3011 : vector<8x128xf32>
    %gt3A_3013 = arith.constant 0.000000e+00 : f32
    %gt3A_3014 = vector.broadcast %gt3A_3013 : f32 to vector<8x128xf32>
    %gt3A_3015 = arith.cmpf ogt, %div3A_3012, %gt3A_3014 : vector<8x128xf32>
    %jit3A_3016 = arith.constant 1.000000e+00 : f32
    %jit3A_3017 = arith.constant -1.000000e+00 : f32
    %broadcast_in_dim3A_3018 = vector.broadcast %jit3A_3016 : f32 to vector<8x128xf32>
    %broadcast_in_dim3A_3019 = vector.broadcast %jit3A_3017 : f32 to vector<8x128xf32>
    %select_n3A_3020 = arith.select %gt3A_3015, %broadcast_in_dim3A_3018, %broadcast_in_dim3A_3019 : vector<8x128xi1>, vector<8x128xf32>
    %abs3A_3021 = math.absf %div3A_3012 : vector<8x128xf32>
    %mul3A_3022 = arith.mulf %div3A_3012, %div3A_3012 : vector<8x128xf32>
    %add3A_3023 = arith.constant 1.000000e+00 : f32
    %add3A_3024 = vector.broadcast %add3A_3023 : f32 to vector<8x128xf32>
    %add3A_3025 = arith.addf %add3A_3024, %mul3A_3022 : vector<8x128xf32>
    %sqrt3A_3026 = math.sqrt %add3A_3025 : vector<8x128xf32>
    %add3A_3027 = arith.addf %abs3A_3021, %sqrt3A_3026 : vector<8x128xf32>
    %div3A_3028 = arith.divf %select_n3A_3020, %add3A_3027 : vector<8x128xf32>
    %eq3A_3029 = arith.constant 0.000000e+00 : f32
    %eq3A_3030 = vector.broadcast %eq3A_3029 : f32 to vector<8x128xf32>
    %eq3A_3031 = arith.cmpf oeq, %sub3A_2923, %eq3A_3030 : vector<8x128xf32>
    %jit3A_3032 = arith.constant 0.000000e+00 : f32
    %broadcast_in_dim3A_3033 = vector.broadcast %jit3A_3032 : f32 to vector<8x128xf32>
    %select_n3A_3034 = arith.select %eq3A_3031, %broadcast_in_dim3A_3033, %div3A_3028 : vector<8x128xi1>, vector<8x128xf32>
    %mul3A_3035 = arith.mulf %select_n3A_3034, %select_n3A_3034 : vector<8x128xf32>
    %add3A_3036 = arith.constant 1.000000e+00 : f32
    %add3A_3037 = vector.broadcast %add3A_3036 : f32 to vector<8x128xf32>
    %add3A_3038 = arith.addf %mul3A_3035, %add3A_3037 : vector<8x128xf32>
    %sqrt3A_3039 = math.sqrt %add3A_3038 : vector<8x128xf32>
    %div3A_3040 = arith.constant 1.000000e+00 : f32
    %div3A_3041 = vector.broadcast %div3A_3040 : f32 to vector<8x128xf32>
    %div3A_3042 = arith.divf %div3A_3041, %sqrt3A_3039 : vector<8x128xf32>
    %neg3A_3043 = arith.constant 0.000000e+00 : f32
    %neg3A_3044 = vector.broadcast %neg3A_3043 : f32 to vector<8x128xf32>
    %neg3A_3045 = arith.subf %neg3A_3044, %select_n3A_3034 : vector<8x128xf32>
    %mul3A_3046 = arith.mulf %neg3A_3045, %div3A_3042 : vector<8x128xf32>
    %mul3A_3047 = arith.mulf %div3A_3003, %sub3A_2887 : vector<8x128xf32>
    %mul3A_3048 = arith.mulf %mul3A_3007, %sub3A_2905 : vector<8x128xf32>
    %sub3A_3049 = arith.subf %mul3A_3047, %mul3A_3048 : vector<8x128xf32>
    %mul3A_3050 = arith.mulf %mul3A_3007, %sub3A_2887 : vector<8x128xf32>
    %mul3A_3051 = arith.mulf %div3A_3003, %sub3A_2905 : vector<8x128xf32>
    %add3A_3052 = arith.addf %mul3A_3050, %mul3A_3051 : vector<8x128xf32>
    %mul3A_3053 = arith.mulf %div3A_3003, %add3A_2890 : vector<8x128xf32>
    %mul3A_3054 = arith.mulf %mul3A_3007, %add3A_2908 : vector<8x128xf32>
    %sub3A_3055 = arith.subf %mul3A_3053, %mul3A_3054 : vector<8x128xf32>
    %mul3A_3056 = arith.mulf %mul3A_3007, %add3A_2890 : vector<8x128xf32>
    %mul3A_3057 = arith.mulf %div3A_3003, %add3A_2908 : vector<8x128xf32>
    %add3A_3058 = arith.addf %mul3A_3056, %mul3A_3057 : vector<8x128xf32>
    %mul3A_3059 = arith.mulf %div3A_3003, %add3A_2914 : vector<8x128xf32>
    %mul3A_3060 = arith.mulf %mul3A_3007, %add3A_2932 : vector<8x128xf32>
    %sub3A_3061 = arith.subf %mul3A_3059, %mul3A_3060 : vector<8x128xf32>
    %mul3A_3062 = arith.mulf %mul3A_3007, %add3A_2914 : vector<8x128xf32>
    %mul3A_3063 = arith.mulf %div3A_3003, %add3A_2932 : vector<8x128xf32>
    %add3A_3064 = arith.addf %mul3A_3062, %mul3A_3063 : vector<8x128xf32>
    %mul3A_3065 = arith.mulf %div3A_3003, %sub3A_2911 : vector<8x128xf32>
    %mul3A_3066 = arith.mulf %mul3A_3007, %sub3A_2929 : vector<8x128xf32>
    %sub3A_3067 = arith.subf %mul3A_3065, %mul3A_3066 : vector<8x128xf32>
    %mul3A_3068 = arith.mulf %mul3A_3007, %sub3A_2911 : vector<8x128xf32>
    %mul3A_3069 = arith.mulf %div3A_3003, %sub3A_2929 : vector<8x128xf32>
    %add3A_3070 = arith.addf %mul3A_3068, %mul3A_3069 : vector<8x128xf32>
    %mul3A_3071 = arith.mulf %div3A_3042, %sub3A_2899 : vector<8x128xf32>
    %mul3A_3072 = arith.mulf %mul3A_3046, %sub3A_2893 : vector<8x128xf32>
    %sub3A_3073 = arith.subf %mul3A_3071, %mul3A_3072 : vector<8x128xf32>
    %mul3A_3074 = arith.mulf %mul3A_3046, %sub3A_2899 : vector<8x128xf32>
    %mul3A_3075 = arith.mulf %div3A_3042, %sub3A_2893 : vector<8x128xf32>
    %add3A_3076 = arith.addf %mul3A_3074, %mul3A_3075 : vector<8x128xf32>
    %mul3A_3077 = arith.mulf %div3A_3042, %add3A_2902 : vector<8x128xf32>
    %mul3A_3078 = arith.mulf %mul3A_3046, %add3A_2896 : vector<8x128xf32>
    %sub3A_3079 = arith.subf %mul3A_3077, %mul3A_3078 : vector<8x128xf32>
    %mul3A_3080 = arith.mulf %mul3A_3046, %add3A_2902 : vector<8x128xf32>
    %mul3A_3081 = arith.mulf %div3A_3042, %add3A_2896 : vector<8x128xf32>
    %add3A_3082 = arith.addf %mul3A_3080, %mul3A_3081 : vector<8x128xf32>
    %mul3A_3083 = arith.mulf %div3A_3042, %add3A_2926 : vector<8x128xf32>
    %mul3A_3084 = arith.mulf %mul3A_3046, %add3A_2920 : vector<8x128xf32>
    %sub3A_3085 = arith.subf %mul3A_3083, %mul3A_3084 : vector<8x128xf32>
    %mul3A_3086 = arith.mulf %mul3A_3046, %add3A_2926 : vector<8x128xf32>
    %mul3A_3087 = arith.mulf %div3A_3042, %add3A_2920 : vector<8x128xf32>
    %add3A_3088 = arith.addf %mul3A_3086, %mul3A_3087 : vector<8x128xf32>
    %mul3A_3089 = arith.mulf %div3A_3042, %sub3A_2923 : vector<8x128xf32>
    %mul3A_3090 = arith.mulf %mul3A_3046, %sub3A_2917 : vector<8x128xf32>
    %sub3A_3091 = arith.subf %mul3A_3089, %mul3A_3090 : vector<8x128xf32>
    %mul3A_3092 = arith.mulf %mul3A_3046, %sub3A_2923 : vector<8x128xf32>
    %mul3A_3093 = arith.mulf %div3A_3042, %sub3A_2917 : vector<8x128xf32>
    %add3A_3094 = arith.addf %mul3A_3092, %mul3A_3093 : vector<8x128xf32>
    %mul3A_3095 = arith.mulf %div3A_3003, %sub3A_3049 : vector<8x128xf32>
    %mul3A_3096 = arith.mulf %mul3A_3007, %sub3A_3061 : vector<8x128xf32>
    %sub3A_3097 = arith.subf %mul3A_3095, %mul3A_3096 : vector<8x128xf32>
    %mul3A_3098 = arith.mulf %mul3A_3007, %sub3A_3049 : vector<8x128xf32>
    %mul3A_3099 = arith.mulf %div3A_3003, %sub3A_3061 : vector<8x128xf32>
    %add3A_3100 = arith.addf %mul3A_3098, %mul3A_3099 : vector<8x128xf32>
    %mul3A_3101 = arith.mulf %div3A_3003, %sub3A_3073 : vector<8x128xf32>
    %mul3A_3102 = arith.mulf %mul3A_3007, %sub3A_3085 : vector<8x128xf32>
    %sub3A_3103 = arith.subf %mul3A_3101, %mul3A_3102 : vector<8x128xf32>
    %mul3A_3104 = arith.mulf %mul3A_3007, %sub3A_3073 : vector<8x128xf32>
    %mul3A_3105 = arith.mulf %div3A_3003, %sub3A_3085 : vector<8x128xf32>
    %add3A_3106 = arith.addf %mul3A_3104, %mul3A_3105 : vector<8x128xf32>
    %mul3A_3107 = arith.mulf %div3A_3003, %add3A_3052 : vector<8x128xf32>
    %mul3A_3108 = arith.mulf %mul3A_3007, %add3A_3064 : vector<8x128xf32>
    %sub3A_3109 = arith.subf %mul3A_3107, %mul3A_3108 : vector<8x128xf32>
    %mul3A_3110 = arith.mulf %mul3A_3007, %add3A_3052 : vector<8x128xf32>
    %mul3A_3111 = arith.mulf %div3A_3003, %add3A_3064 : vector<8x128xf32>
    %add3A_3112 = arith.addf %mul3A_3110, %mul3A_3111 : vector<8x128xf32>
    %mul3A_3113 = arith.mulf %div3A_3003, %add3A_3076 : vector<8x128xf32>
    %mul3A_3114 = arith.mulf %mul3A_3007, %add3A_3088 : vector<8x128xf32>
    %sub3A_3115 = arith.subf %mul3A_3113, %mul3A_3114 : vector<8x128xf32>
    %mul3A_3116 = arith.mulf %mul3A_3007, %add3A_3076 : vector<8x128xf32>
    %mul3A_3117 = arith.mulf %div3A_3003, %add3A_3088 : vector<8x128xf32>
    %add3A_3118 = arith.addf %mul3A_3116, %mul3A_3117 : vector<8x128xf32>
    %mul3A_3119 = arith.mulf %div3A_3042, %sub3A_3055 : vector<8x128xf32>
    %mul3A_3120 = arith.mulf %mul3A_3046, %sub3A_3067 : vector<8x128xf32>
    %sub3A_3121 = arith.subf %mul3A_3119, %mul3A_3120 : vector<8x128xf32>
    %mul3A_3122 = arith.mulf %mul3A_3046, %sub3A_3055 : vector<8x128xf32>
    %mul3A_3123 = arith.mulf %div3A_3042, %sub3A_3067 : vector<8x128xf32>
    %add3A_3124 = arith.addf %mul3A_3122, %mul3A_3123 : vector<8x128xf32>
    %mul3A_3125 = arith.mulf %div3A_3042, %sub3A_3079 : vector<8x128xf32>
    %mul3A_3126 = arith.mulf %mul3A_3046, %sub3A_3091 : vector<8x128xf32>
    %sub3A_3127 = arith.subf %mul3A_3125, %mul3A_3126 : vector<8x128xf32>
    %mul3A_3128 = arith.mulf %mul3A_3046, %sub3A_3079 : vector<8x128xf32>
    %mul3A_3129 = arith.mulf %div3A_3042, %sub3A_3091 : vector<8x128xf32>
    %add3A_3130 = arith.addf %mul3A_3128, %mul3A_3129 : vector<8x128xf32>
    %mul3A_3131 = arith.mulf %div3A_3042, %add3A_3058 : vector<8x128xf32>
    %mul3A_3132 = arith.mulf %mul3A_3046, %add3A_3070 : vector<8x128xf32>
    %sub3A_3133 = arith.subf %mul3A_3131, %mul3A_3132 : vector<8x128xf32>
    %mul3A_3134 = arith.mulf %mul3A_3046, %add3A_3058 : vector<8x128xf32>
    %mul3A_3135 = arith.mulf %div3A_3042, %add3A_3070 : vector<8x128xf32>
    %add3A_3136 = arith.addf %mul3A_3134, %mul3A_3135 : vector<8x128xf32>
    %mul3A_3137 = arith.mulf %div3A_3042, %add3A_3082 : vector<8x128xf32>
    %mul3A_3138 = arith.mulf %mul3A_3046, %add3A_3094 : vector<8x128xf32>
    %sub3A_3139 = arith.subf %mul3A_3137, %mul3A_3138 : vector<8x128xf32>
    %mul3A_3140 = arith.mulf %mul3A_3046, %add3A_3082 : vector<8x128xf32>
    %mul3A_3141 = arith.mulf %div3A_3042, %add3A_3094 : vector<8x128xf32>
    %add3A_3142 = arith.addf %mul3A_3140, %mul3A_3141 : vector<8x128xf32>
    %mul3A_3143 = arith.mulf %div3A_3003, %sub3A_2935 : vector<8x128xf32>
    %mul3A_3144 = arith.mulf %mul3A_3007, %add3A_2956 : vector<8x128xf32>
    %sub3A_3145 = arith.subf %mul3A_3143, %mul3A_3144 : vector<8x128xf32>
    %mul3A_3146 = arith.mulf %mul3A_3007, %sub3A_2935 : vector<8x128xf32>
    %mul3A_3147 = arith.mulf %div3A_3003, %add3A_2956 : vector<8x128xf32>
    %add3A_3148 = arith.addf %mul3A_3146, %mul3A_3147 : vector<8x128xf32>
    %mul3A_3149 = arith.mulf %div3A_3003, %sub3A_2941 : vector<8x128xf32>
    %mul3A_3150 = arith.mulf %mul3A_3007, %add3A_2962 : vector<8x128xf32>
    %sub3A_3151 = arith.subf %mul3A_3149, %mul3A_3150 : vector<8x128xf32>
    %mul3A_3152 = arith.mulf %mul3A_3007, %sub3A_2941 : vector<8x128xf32>
    %mul3A_3153 = arith.mulf %div3A_3003, %add3A_2962 : vector<8x128xf32>
    %add3A_3154 = arith.addf %mul3A_3152, %mul3A_3153 : vector<8x128xf32>
    %mul3A_3155 = arith.mulf %div3A_3003, %sub3A_2947 : vector<8x128xf32>
    %mul3A_3156 = arith.mulf %mul3A_3007, %add3A_2968 : vector<8x128xf32>
    %sub3A_3157 = arith.subf %mul3A_3155, %mul3A_3156 : vector<8x128xf32>
    %mul3A_3158 = arith.mulf %mul3A_3007, %sub3A_2947 : vector<8x128xf32>
    %mul3A_3159 = arith.mulf %div3A_3003, %add3A_2968 : vector<8x128xf32>
    %add3A_3160 = arith.addf %mul3A_3158, %mul3A_3159 : vector<8x128xf32>
    %mul3A_3161 = arith.mulf %div3A_3042, %add3A_2938 : vector<8x128xf32>
    %mul3A_3162 = arith.mulf %mul3A_3046, %sub3A_2953 : vector<8x128xf32>
    %sub3A_3163 = arith.subf %mul3A_3161, %mul3A_3162 : vector<8x128xf32>
    %mul3A_3164 = arith.mulf %mul3A_3046, %add3A_2938 : vector<8x128xf32>
    %mul3A_3165 = arith.mulf %div3A_3042, %sub3A_2953 : vector<8x128xf32>
    %add3A_3166 = arith.addf %mul3A_3164, %mul3A_3165 : vector<8x128xf32>
    %mul3A_3167 = arith.mulf %div3A_3042, %add3A_2944 : vector<8x128xf32>
    %mul3A_3168 = arith.mulf %mul3A_3046, %sub3A_2959 : vector<8x128xf32>
    %sub3A_3169 = arith.subf %mul3A_3167, %mul3A_3168 : vector<8x128xf32>
    %mul3A_3170 = arith.mulf %mul3A_3046, %add3A_2944 : vector<8x128xf32>
    %mul3A_3171 = arith.mulf %div3A_3042, %sub3A_2959 : vector<8x128xf32>
    %add3A_3172 = arith.addf %mul3A_3170, %mul3A_3171 : vector<8x128xf32>
    %mul3A_3173 = arith.mulf %div3A_3042, %add3A_2950 : vector<8x128xf32>
    %mul3A_3174 = arith.mulf %mul3A_3046, %sub3A_2965 : vector<8x128xf32>
    %sub3A_3175 = arith.subf %mul3A_3173, %mul3A_3174 : vector<8x128xf32>
    %mul3A_3176 = arith.mulf %mul3A_3046, %add3A_2950 : vector<8x128xf32>
    %mul3A_3177 = arith.mulf %div3A_3042, %sub3A_2965 : vector<8x128xf32>
    %add3A_3178 = arith.addf %mul3A_3176, %mul3A_3177 : vector<8x128xf32>
    %sub3A_3179 = arith.subf %sub3A_3097, %add3A_3142 : vector<8x128xf32>
    %mul3A_3180 = arith.constant 2.000000e+00 : f32
    %mul3A_3181 = vector.broadcast %mul3A_3180 : f32 to vector<8x128xf32>
    %mul3A_3182 = arith.mulf %mul3A_3181, %add3A_3124 : vector<8x128xf32>
    %div3A_3183 = arith.divf %sub3A_3179, %mul3A_3182 : vector<8x128xf32>
    %gt3A_3184 = arith.constant 0.000000e+00 : f32
    %gt3A_3185 = vector.broadcast %gt3A_3184 : f32 to vector<8x128xf32>
    %gt3A_3186 = arith.cmpf ogt, %div3A_3183, %gt3A_3185 : vector<8x128xf32>
    %jit3A_3187 = arith.constant 1.000000e+00 : f32
    %jit3A_3188 = arith.constant -1.000000e+00 : f32
    %broadcast_in_dim3A_3189 = vector.broadcast %jit3A_3187 : f32 to vector<8x128xf32>
    %broadcast_in_dim3A_3190 = vector.broadcast %jit3A_3188 : f32 to vector<8x128xf32>
    %select_n3A_3191 = arith.select %gt3A_3186, %broadcast_in_dim3A_3189, %broadcast_in_dim3A_3190 : vector<8x128xi1>, vector<8x128xf32>
    %abs3A_3192 = math.absf %div3A_3183 : vector<8x128xf32>
    %mul3A_3193 = arith.mulf %div3A_3183, %div3A_3183 : vector<8x128xf32>
    %add3A_3194 = arith.constant 1.000000e+00 : f32
    %add3A_3195 = vector.broadcast %add3A_3194 : f32 to vector<8x128xf32>
    %add3A_3196 = arith.addf %add3A_3195, %mul3A_3193 : vector<8x128xf32>
    %sqrt3A_3197 = math.sqrt %add3A_3196 : vector<8x128xf32>
    %add3A_3198 = arith.addf %abs3A_3192, %sqrt3A_3197 : vector<8x128xf32>
    %div3A_3199 = arith.divf %select_n3A_3191, %add3A_3198 : vector<8x128xf32>
    %eq3A_3200 = arith.constant 0.000000e+00 : f32
    %eq3A_3201 = vector.broadcast %eq3A_3200 : f32 to vector<8x128xf32>
    %eq3A_3202 = arith.cmpf oeq, %add3A_3124, %eq3A_3201 : vector<8x128xf32>
    %jit3A_3203 = arith.constant 0.000000e+00 : f32
    %broadcast_in_dim3A_3204 = vector.broadcast %jit3A_3203 : f32 to vector<8x128xf32>
    %select_n3A_3205 = arith.select %eq3A_3202, %broadcast_in_dim3A_3204, %div3A_3199 : vector<8x128xi1>, vector<8x128xf32>
    %mul3A_3206 = arith.mulf %select_n3A_3205, %select_n3A_3205 : vector<8x128xf32>
    %add3A_3207 = arith.constant 1.000000e+00 : f32
    %add3A_3208 = vector.broadcast %add3A_3207 : f32 to vector<8x128xf32>
    %add3A_3209 = arith.addf %mul3A_3206, %add3A_3208 : vector<8x128xf32>
    %sqrt3A_3210 = math.sqrt %add3A_3209 : vector<8x128xf32>
    %div3A_3211 = arith.constant 1.000000e+00 : f32
    %div3A_3212 = vector.broadcast %div3A_3211 : f32 to vector<8x128xf32>
    %div3A_3213 = arith.divf %div3A_3212, %sqrt3A_3210 : vector<8x128xf32>
    %neg3A_3214 = arith.constant 0.000000e+00 : f32
    %neg3A_3215 = vector.broadcast %neg3A_3214 : f32 to vector<8x128xf32>
    %neg3A_3216 = arith.subf %neg3A_3215, %select_n3A_3205 : vector<8x128xf32>
    %mul3A_3217 = arith.mulf %neg3A_3216, %div3A_3213 : vector<8x128xf32>
    %sub3A_3218 = arith.subf %add3A_3112, %sub3A_3127 : vector<8x128xf32>
    %mul3A_3219 = arith.constant 2.000000e+00 : f32
    %mul3A_3220 = vector.broadcast %mul3A_3219 : f32 to vector<8x128xf32>
    %mul3A_3221 = arith.mulf %mul3A_3220, %sub3A_3133 : vector<8x128xf32>
    %div3A_3222 = arith.divf %sub3A_3218, %mul3A_3221 : vector<8x128xf32>
    %gt3A_3223 = arith.constant 0.000000e+00 : f32
    %gt3A_3224 = vector.broadcast %gt3A_3223 : f32 to vector<8x128xf32>
    %gt3A_3225 = arith.cmpf ogt, %div3A_3222, %gt3A_3224 : vector<8x128xf32>
    %jit3A_3226 = arith.constant 1.000000e+00 : f32
    %jit3A_3227 = arith.constant -1.000000e+00 : f32
    %broadcast_in_dim3A_3228 = vector.broadcast %jit3A_3226 : f32 to vector<8x128xf32>
    %broadcast_in_dim3A_3229 = vector.broadcast %jit3A_3227 : f32 to vector<8x128xf32>
    %select_n3A_3230 = arith.select %gt3A_3225, %broadcast_in_dim3A_3228, %broadcast_in_dim3A_3229 : vector<8x128xi1>, vector<8x128xf32>
    %abs3A_3231 = math.absf %div3A_3222 : vector<8x128xf32>
    %mul3A_3232 = arith.mulf %div3A_3222, %div3A_3222 : vector<8x128xf32>
    %add3A_3233 = arith.constant 1.000000e+00 : f32
    %add3A_3234 = vector.broadcast %add3A_3233 : f32 to vector<8x128xf32>
    %add3A_3235 = arith.addf %add3A_3234, %mul3A_3232 : vector<8x128xf32>
    %sqrt3A_3236 = math.sqrt %add3A_3235 : vector<8x128xf32>
    %add3A_3237 = arith.addf %abs3A_3231, %sqrt3A_3236 : vector<8x128xf32>
    %div3A_3238 = arith.divf %select_n3A_3230, %add3A_3237 : vector<8x128xf32>
    %eq3A_3239 = arith.constant 0.000000e+00 : f32
    %eq3A_3240 = vector.broadcast %eq3A_3239 : f32 to vector<8x128xf32>
    %eq3A_3241 = arith.cmpf oeq, %sub3A_3133, %eq3A_3240 : vector<8x128xf32>
    %jit3A_3242 = arith.constant 0.000000e+00 : f32
    %broadcast_in_dim3A_3243 = vector.broadcast %jit3A_3242 : f32 to vector<8x128xf32>
    %select_n3A_3244 = arith.select %eq3A_3241, %broadcast_in_dim3A_3243, %div3A_3238 : vector<8x128xi1>, vector<8x128xf32>
    %mul3A_3245 = arith.mulf %select_n3A_3244, %select_n3A_3244 : vector<8x128xf32>
    %add3A_3246 = arith.constant 1.000000e+00 : f32
    %add3A_3247 = vector.broadcast %add3A_3246 : f32 to vector<8x128xf32>
    %add3A_3248 = arith.addf %mul3A_3245, %add3A_3247 : vector<8x128xf32>
    %sqrt3A_3249 = math.sqrt %add3A_3248 : vector<8x128xf32>
    %div3A_3250 = arith.constant 1.000000e+00 : f32
    %div3A_3251 = vector.broadcast %div3A_3250 : f32 to vector<8x128xf32>
    %div3A_3252 = arith.divf %div3A_3251, %sqrt3A_3249 : vector<8x128xf32>
    %neg3A_3253 = arith.constant 0.000000e+00 : f32
    %neg3A_3254 = vector.broadcast %neg3A_3253 : f32 to vector<8x128xf32>
    %neg3A_3255 = arith.subf %neg3A_3254, %select_n3A_3244 : vector<8x128xf32>
    %mul3A_3256 = arith.mulf %neg3A_3255, %div3A_3252 : vector<8x128xf32>
    %mul3A_3257 = arith.mulf %div3A_3213, %sub3A_3097 : vector<8x128xf32>
    %mul3A_3258 = arith.mulf %mul3A_3217, %sub3A_3115 : vector<8x128xf32>
    %sub3A_3259 = arith.subf %mul3A_3257, %mul3A_3258 : vector<8x128xf32>
    %mul3A_3260 = arith.mulf %mul3A_3217, %sub3A_3097 : vector<8x128xf32>
    %mul3A_3261 = arith.mulf %div3A_3213, %sub3A_3115 : vector<8x128xf32>
    %add3A_3262 = arith.addf %mul3A_3260, %mul3A_3261 : vector<8x128xf32>
    %mul3A_3263 = arith.mulf %div3A_3213, %add3A_3100 : vector<8x128xf32>
    %mul3A_3264 = arith.mulf %mul3A_3217, %add3A_3118 : vector<8x128xf32>
    %sub3A_3265 = arith.subf %mul3A_3263, %mul3A_3264 : vector<8x128xf32>
    %mul3A_3266 = arith.mulf %mul3A_3217, %add3A_3100 : vector<8x128xf32>
    %mul3A_3267 = arith.mulf %div3A_3213, %add3A_3118 : vector<8x128xf32>
    %add3A_3268 = arith.addf %mul3A_3266, %mul3A_3267 : vector<8x128xf32>
    %mul3A_3269 = arith.mulf %div3A_3213, %add3A_3124 : vector<8x128xf32>
    %mul3A_3270 = arith.mulf %mul3A_3217, %add3A_3142 : vector<8x128xf32>
    %sub3A_3271 = arith.subf %mul3A_3269, %mul3A_3270 : vector<8x128xf32>
    %mul3A_3272 = arith.mulf %mul3A_3217, %add3A_3124 : vector<8x128xf32>
    %mul3A_3273 = arith.mulf %div3A_3213, %add3A_3142 : vector<8x128xf32>
    %add3A_3274 = arith.addf %mul3A_3272, %mul3A_3273 : vector<8x128xf32>
    %mul3A_3275 = arith.mulf %div3A_3213, %sub3A_3121 : vector<8x128xf32>
    %mul3A_3276 = arith.mulf %mul3A_3217, %sub3A_3139 : vector<8x128xf32>
    %sub3A_3277 = arith.subf %mul3A_3275, %mul3A_3276 : vector<8x128xf32>
    %mul3A_3278 = arith.mulf %mul3A_3217, %sub3A_3121 : vector<8x128xf32>
    %mul3A_3279 = arith.mulf %div3A_3213, %sub3A_3139 : vector<8x128xf32>
    %add3A_3280 = arith.addf %mul3A_3278, %mul3A_3279 : vector<8x128xf32>
    %mul3A_3281 = arith.mulf %div3A_3252, %sub3A_3109 : vector<8x128xf32>
    %mul3A_3282 = arith.mulf %mul3A_3256, %sub3A_3103 : vector<8x128xf32>
    %sub3A_3283 = arith.subf %mul3A_3281, %mul3A_3282 : vector<8x128xf32>
    %mul3A_3284 = arith.mulf %mul3A_3256, %sub3A_3109 : vector<8x128xf32>
    %mul3A_3285 = arith.mulf %div3A_3252, %sub3A_3103 : vector<8x128xf32>
    %add3A_3286 = arith.addf %mul3A_3284, %mul3A_3285 : vector<8x128xf32>
    %mul3A_3287 = arith.mulf %div3A_3252, %add3A_3112 : vector<8x128xf32>
    %mul3A_3288 = arith.mulf %mul3A_3256, %add3A_3106 : vector<8x128xf32>
    %sub3A_3289 = arith.subf %mul3A_3287, %mul3A_3288 : vector<8x128xf32>
    %mul3A_3290 = arith.mulf %mul3A_3256, %add3A_3112 : vector<8x128xf32>
    %mul3A_3291 = arith.mulf %div3A_3252, %add3A_3106 : vector<8x128xf32>
    %add3A_3292 = arith.addf %mul3A_3290, %mul3A_3291 : vector<8x128xf32>
    %mul3A_3293 = arith.mulf %div3A_3252, %add3A_3136 : vector<8x128xf32>
    %mul3A_3294 = arith.mulf %mul3A_3256, %add3A_3130 : vector<8x128xf32>
    %sub3A_3295 = arith.subf %mul3A_3293, %mul3A_3294 : vector<8x128xf32>
    %mul3A_3296 = arith.mulf %mul3A_3256, %add3A_3136 : vector<8x128xf32>
    %mul3A_3297 = arith.mulf %div3A_3252, %add3A_3130 : vector<8x128xf32>
    %add3A_3298 = arith.addf %mul3A_3296, %mul3A_3297 : vector<8x128xf32>
    %mul3A_3299 = arith.mulf %div3A_3252, %sub3A_3133 : vector<8x128xf32>
    %mul3A_3300 = arith.mulf %mul3A_3256, %sub3A_3127 : vector<8x128xf32>
    %sub3A_3301 = arith.subf %mul3A_3299, %mul3A_3300 : vector<8x128xf32>
    %mul3A_3302 = arith.mulf %mul3A_3256, %sub3A_3133 : vector<8x128xf32>
    %mul3A_3303 = arith.mulf %div3A_3252, %sub3A_3127 : vector<8x128xf32>
    %add3A_3304 = arith.addf %mul3A_3302, %mul3A_3303 : vector<8x128xf32>
    %mul3A_3305 = arith.mulf %div3A_3213, %sub3A_3259 : vector<8x128xf32>
    %mul3A_3306 = arith.mulf %mul3A_3217, %sub3A_3271 : vector<8x128xf32>
    %sub3A_3307 = arith.subf %mul3A_3305, %mul3A_3306 : vector<8x128xf32>
    %mul3A_3308 = arith.mulf %mul3A_3217, %sub3A_3259 : vector<8x128xf32>
    %mul3A_3309 = arith.mulf %div3A_3213, %sub3A_3271 : vector<8x128xf32>
    %add3A_3310 = arith.addf %mul3A_3308, %mul3A_3309 : vector<8x128xf32>
    %mul3A_3311 = arith.mulf %div3A_3213, %sub3A_3283 : vector<8x128xf32>
    %mul3A_3312 = arith.mulf %mul3A_3217, %sub3A_3295 : vector<8x128xf32>
    %sub3A_3313 = arith.subf %mul3A_3311, %mul3A_3312 : vector<8x128xf32>
    %mul3A_3314 = arith.mulf %mul3A_3217, %sub3A_3283 : vector<8x128xf32>
    %mul3A_3315 = arith.mulf %div3A_3213, %sub3A_3295 : vector<8x128xf32>
    %add3A_3316 = arith.addf %mul3A_3314, %mul3A_3315 : vector<8x128xf32>
    %mul3A_3317 = arith.mulf %div3A_3213, %add3A_3262 : vector<8x128xf32>
    %mul3A_3318 = arith.mulf %mul3A_3217, %add3A_3274 : vector<8x128xf32>
    %sub3A_3319 = arith.subf %mul3A_3317, %mul3A_3318 : vector<8x128xf32>
    %mul3A_3320 = arith.mulf %mul3A_3217, %add3A_3262 : vector<8x128xf32>
    %mul3A_3321 = arith.mulf %div3A_3213, %add3A_3274 : vector<8x128xf32>
    %add3A_3322 = arith.addf %mul3A_3320, %mul3A_3321 : vector<8x128xf32>
    %mul3A_3323 = arith.mulf %div3A_3213, %add3A_3286 : vector<8x128xf32>
    %mul3A_3324 = arith.mulf %mul3A_3217, %add3A_3298 : vector<8x128xf32>
    %sub3A_3325 = arith.subf %mul3A_3323, %mul3A_3324 : vector<8x128xf32>
    %mul3A_3326 = arith.mulf %mul3A_3217, %add3A_3286 : vector<8x128xf32>
    %mul3A_3327 = arith.mulf %div3A_3213, %add3A_3298 : vector<8x128xf32>
    %add3A_3328 = arith.addf %mul3A_3326, %mul3A_3327 : vector<8x128xf32>
    %mul3A_3329 = arith.mulf %div3A_3252, %sub3A_3265 : vector<8x128xf32>
    %mul3A_3330 = arith.mulf %mul3A_3256, %sub3A_3277 : vector<8x128xf32>
    %sub3A_3331 = arith.subf %mul3A_3329, %mul3A_3330 : vector<8x128xf32>
    %mul3A_3332 = arith.mulf %mul3A_3256, %sub3A_3265 : vector<8x128xf32>
    %mul3A_3333 = arith.mulf %div3A_3252, %sub3A_3277 : vector<8x128xf32>
    %add3A_3334 = arith.addf %mul3A_3332, %mul3A_3333 : vector<8x128xf32>
    %mul3A_3335 = arith.mulf %div3A_3252, %sub3A_3289 : vector<8x128xf32>
    %mul3A_3336 = arith.mulf %mul3A_3256, %sub3A_3301 : vector<8x128xf32>
    %sub3A_3337 = arith.subf %mul3A_3335, %mul3A_3336 : vector<8x128xf32>
    %mul3A_3338 = arith.mulf %mul3A_3256, %sub3A_3289 : vector<8x128xf32>
    %mul3A_3339 = arith.mulf %div3A_3252, %sub3A_3301 : vector<8x128xf32>
    %add3A_3340 = arith.addf %mul3A_3338, %mul3A_3339 : vector<8x128xf32>
    %mul3A_3341 = arith.mulf %div3A_3252, %add3A_3268 : vector<8x128xf32>
    %mul3A_3342 = arith.mulf %mul3A_3256, %add3A_3280 : vector<8x128xf32>
    %sub3A_3343 = arith.subf %mul3A_3341, %mul3A_3342 : vector<8x128xf32>
    %mul3A_3344 = arith.mulf %mul3A_3256, %add3A_3268 : vector<8x128xf32>
    %mul3A_3345 = arith.mulf %div3A_3252, %add3A_3280 : vector<8x128xf32>
    %add3A_3346 = arith.addf %mul3A_3344, %mul3A_3345 : vector<8x128xf32>
    %mul3A_3347 = arith.mulf %div3A_3252, %add3A_3292 : vector<8x128xf32>
    %mul3A_3348 = arith.mulf %mul3A_3256, %add3A_3304 : vector<8x128xf32>
    %sub3A_3349 = arith.subf %mul3A_3347, %mul3A_3348 : vector<8x128xf32>
    %mul3A_3350 = arith.mulf %mul3A_3256, %add3A_3292 : vector<8x128xf32>
    %mul3A_3351 = arith.mulf %div3A_3252, %add3A_3304 : vector<8x128xf32>
    %add3A_3352 = arith.addf %mul3A_3350, %mul3A_3351 : vector<8x128xf32>
    %mul3A_3353 = arith.mulf %div3A_3213, %sub3A_3145 : vector<8x128xf32>
    %mul3A_3354 = arith.mulf %mul3A_3217, %add3A_3166 : vector<8x128xf32>
    %sub3A_3355 = arith.subf %mul3A_3353, %mul3A_3354 : vector<8x128xf32>
    %mul3A_3356 = arith.mulf %mul3A_3217, %sub3A_3145 : vector<8x128xf32>
    %mul3A_3357 = arith.mulf %div3A_3213, %add3A_3166 : vector<8x128xf32>
    %add3A_3358 = arith.addf %mul3A_3356, %mul3A_3357 : vector<8x128xf32>
    %mul3A_3359 = arith.mulf %div3A_3213, %sub3A_3151 : vector<8x128xf32>
    %mul3A_3360 = arith.mulf %mul3A_3217, %add3A_3172 : vector<8x128xf32>
    %sub3A_3361 = arith.subf %mul3A_3359, %mul3A_3360 : vector<8x128xf32>
    %mul3A_3362 = arith.mulf %mul3A_3217, %sub3A_3151 : vector<8x128xf32>
    %mul3A_3363 = arith.mulf %div3A_3213, %add3A_3172 : vector<8x128xf32>
    %add3A_3364 = arith.addf %mul3A_3362, %mul3A_3363 : vector<8x128xf32>
    %mul3A_3365 = arith.mulf %div3A_3213, %sub3A_3157 : vector<8x128xf32>
    %mul3A_3366 = arith.mulf %mul3A_3217, %add3A_3178 : vector<8x128xf32>
    %sub3A_3367 = arith.subf %mul3A_3365, %mul3A_3366 : vector<8x128xf32>
    %mul3A_3368 = arith.mulf %mul3A_3217, %sub3A_3157 : vector<8x128xf32>
    %mul3A_3369 = arith.mulf %div3A_3213, %add3A_3178 : vector<8x128xf32>
    %add3A_3370 = arith.addf %mul3A_3368, %mul3A_3369 : vector<8x128xf32>
    %mul3A_3371 = arith.mulf %div3A_3252, %add3A_3148 : vector<8x128xf32>
    %mul3A_3372 = arith.mulf %mul3A_3256, %sub3A_3163 : vector<8x128xf32>
    %sub3A_3373 = arith.subf %mul3A_3371, %mul3A_3372 : vector<8x128xf32>
    %mul3A_3374 = arith.mulf %mul3A_3256, %add3A_3148 : vector<8x128xf32>
    %mul3A_3375 = arith.mulf %div3A_3252, %sub3A_3163 : vector<8x128xf32>
    %add3A_3376 = arith.addf %mul3A_3374, %mul3A_3375 : vector<8x128xf32>
    %mul3A_3377 = arith.mulf %div3A_3252, %add3A_3154 : vector<8x128xf32>
    %mul3A_3378 = arith.mulf %mul3A_3256, %sub3A_3169 : vector<8x128xf32>
    %sub3A_3379 = arith.subf %mul3A_3377, %mul3A_3378 : vector<8x128xf32>
    %mul3A_3380 = arith.mulf %mul3A_3256, %add3A_3154 : vector<8x128xf32>
    %mul3A_3381 = arith.mulf %div3A_3252, %sub3A_3169 : vector<8x128xf32>
    %add3A_3382 = arith.addf %mul3A_3380, %mul3A_3381 : vector<8x128xf32>
    %mul3A_3383 = arith.mulf %div3A_3252, %add3A_3160 : vector<8x128xf32>
    %mul3A_3384 = arith.mulf %mul3A_3256, %sub3A_3175 : vector<8x128xf32>
    %sub3A_3385 = arith.subf %mul3A_3383, %mul3A_3384 : vector<8x128xf32>
    %mul3A_3386 = arith.mulf %mul3A_3256, %add3A_3160 : vector<8x128xf32>
    %mul3A_3387 = arith.mulf %div3A_3252, %sub3A_3175 : vector<8x128xf32>
    %add3A_3388 = arith.addf %mul3A_3386, %mul3A_3387 : vector<8x128xf32>
    %sub3A_3389 = arith.subf %sub3A_3307, %add3A_3352 : vector<8x128xf32>
    %mul3A_3390 = arith.constant 2.000000e+00 : f32
    %mul3A_3391 = vector.broadcast %mul3A_3390 : f32 to vector<8x128xf32>
    %mul3A_3392 = arith.mulf %mul3A_3391, %add3A_3334 : vector<8x128xf32>
    %div3A_3393 = arith.divf %sub3A_3389, %mul3A_3392 : vector<8x128xf32>
    %gt3A_3394 = arith.constant 0.000000e+00 : f32
    %gt3A_3395 = vector.broadcast %gt3A_3394 : f32 to vector<8x128xf32>
    %gt3A_3396 = arith.cmpf ogt, %div3A_3393, %gt3A_3395 : vector<8x128xf32>
    %jit3A_3397 = arith.constant 1.000000e+00 : f32
    %jit3A_3398 = arith.constant -1.000000e+00 : f32
    %broadcast_in_dim3A_3399 = vector.broadcast %jit3A_3397 : f32 to vector<8x128xf32>
    %broadcast_in_dim3A_3400 = vector.broadcast %jit3A_3398 : f32 to vector<8x128xf32>
    %select_n3A_3401 = arith.select %gt3A_3396, %broadcast_in_dim3A_3399, %broadcast_in_dim3A_3400 : vector<8x128xi1>, vector<8x128xf32>
    %abs3A_3402 = math.absf %div3A_3393 : vector<8x128xf32>
    %mul3A_3403 = arith.mulf %div3A_3393, %div3A_3393 : vector<8x128xf32>
    %add3A_3404 = arith.constant 1.000000e+00 : f32
    %add3A_3405 = vector.broadcast %add3A_3404 : f32 to vector<8x128xf32>
    %add3A_3406 = arith.addf %add3A_3405, %mul3A_3403 : vector<8x128xf32>
    %sqrt3A_3407 = math.sqrt %add3A_3406 : vector<8x128xf32>
    %add3A_3408 = arith.addf %abs3A_3402, %sqrt3A_3407 : vector<8x128xf32>
    %div3A_3409 = arith.divf %select_n3A_3401, %add3A_3408 : vector<8x128xf32>
    %eq3A_3410 = arith.constant 0.000000e+00 : f32
    %eq3A_3411 = vector.broadcast %eq3A_3410 : f32 to vector<8x128xf32>
    %eq3A_3412 = arith.cmpf oeq, %add3A_3334, %eq3A_3411 : vector<8x128xf32>
    %jit3A_3413 = arith.constant 0.000000e+00 : f32
    %broadcast_in_dim3A_3414 = vector.broadcast %jit3A_3413 : f32 to vector<8x128xf32>
    %select_n3A_3415 = arith.select %eq3A_3412, %broadcast_in_dim3A_3414, %div3A_3409 : vector<8x128xi1>, vector<8x128xf32>
    %mul3A_3416 = arith.mulf %select_n3A_3415, %select_n3A_3415 : vector<8x128xf32>
    %add3A_3417 = arith.constant 1.000000e+00 : f32
    %add3A_3418 = vector.broadcast %add3A_3417 : f32 to vector<8x128xf32>
    %add3A_3419 = arith.addf %mul3A_3416, %add3A_3418 : vector<8x128xf32>
    %sqrt3A_3420 = math.sqrt %add3A_3419 : vector<8x128xf32>
    %div3A_3421 = arith.constant 1.000000e+00 : f32
    %div3A_3422 = vector.broadcast %div3A_3421 : f32 to vector<8x128xf32>
    %div3A_3423 = arith.divf %div3A_3422, %sqrt3A_3420 : vector<8x128xf32>
    %neg3A_3424 = arith.constant 0.000000e+00 : f32
    %neg3A_3425 = vector.broadcast %neg3A_3424 : f32 to vector<8x128xf32>
    %neg3A_3426 = arith.subf %neg3A_3425, %select_n3A_3415 : vector<8x128xf32>
    %mul3A_3427 = arith.mulf %neg3A_3426, %div3A_3423 : vector<8x128xf32>
    %sub3A_3428 = arith.subf %add3A_3322, %sub3A_3337 : vector<8x128xf32>
    %mul3A_3429 = arith.constant 2.000000e+00 : f32
    %mul3A_3430 = vector.broadcast %mul3A_3429 : f32 to vector<8x128xf32>
    %mul3A_3431 = arith.mulf %mul3A_3430, %sub3A_3343 : vector<8x128xf32>
    %div3A_3432 = arith.divf %sub3A_3428, %mul3A_3431 : vector<8x128xf32>
    %gt3A_3433 = arith.constant 0.000000e+00 : f32
    %gt3A_3434 = vector.broadcast %gt3A_3433 : f32 to vector<8x128xf32>
    %gt3A_3435 = arith.cmpf ogt, %div3A_3432, %gt3A_3434 : vector<8x128xf32>
    %jit3A_3436 = arith.constant 1.000000e+00 : f32
    %jit3A_3437 = arith.constant -1.000000e+00 : f32
    %broadcast_in_dim3A_3438 = vector.broadcast %jit3A_3436 : f32 to vector<8x128xf32>
    %broadcast_in_dim3A_3439 = vector.broadcast %jit3A_3437 : f32 to vector<8x128xf32>
    %select_n3A_3440 = arith.select %gt3A_3435, %broadcast_in_dim3A_3438, %broadcast_in_dim3A_3439 : vector<8x128xi1>, vector<8x128xf32>
    %abs3A_3441 = math.absf %div3A_3432 : vector<8x128xf32>
    %mul3A_3442 = arith.mulf %div3A_3432, %div3A_3432 : vector<8x128xf32>
    %add3A_3443 = arith.constant 1.000000e+00 : f32
    %add3A_3444 = vector.broadcast %add3A_3443 : f32 to vector<8x128xf32>
    %add3A_3445 = arith.addf %add3A_3444, %mul3A_3442 : vector<8x128xf32>
    %sqrt3A_3446 = math.sqrt %add3A_3445 : vector<8x128xf32>
    %add3A_3447 = arith.addf %abs3A_3441, %sqrt3A_3446 : vector<8x128xf32>
    %div3A_3448 = arith.divf %select_n3A_3440, %add3A_3447 : vector<8x128xf32>
    %eq3A_3449 = arith.constant 0.000000e+00 : f32
    %eq3A_3450 = vector.broadcast %eq3A_3449 : f32 to vector<8x128xf32>
    %eq3A_3451 = arith.cmpf oeq, %sub3A_3343, %eq3A_3450 : vector<8x128xf32>
    %jit3A_3452 = arith.constant 0.000000e+00 : f32
    %broadcast_in_dim3A_3453 = vector.broadcast %jit3A_3452 : f32 to vector<8x128xf32>
    %select_n3A_3454 = arith.select %eq3A_3451, %broadcast_in_dim3A_3453, %div3A_3448 : vector<8x128xi1>, vector<8x128xf32>
    %mul3A_3455 = arith.mulf %select_n3A_3454, %select_n3A_3454 : vector<8x128xf32>
    %add3A_3456 = arith.constant 1.000000e+00 : f32
    %add3A_3457 = vector.broadcast %add3A_3456 : f32 to vector<8x128xf32>
    %add3A_3458 = arith.addf %mul3A_3455, %add3A_3457 : vector<8x128xf32>
    %sqrt3A_3459 = math.sqrt %add3A_3458 : vector<8x128xf32>
    %div3A_3460 = arith.constant 1.000000e+00 : f32
    %div3A_3461 = vector.broadcast %div3A_3460 : f32 to vector<8x128xf32>
    %div3A_3462 = arith.divf %div3A_3461, %sqrt3A_3459 : vector<8x128xf32>
    %neg3A_3463 = arith.constant 0.000000e+00 : f32
    %neg3A_3464 = vector.broadcast %neg3A_3463 : f32 to vector<8x128xf32>
    %neg3A_3465 = arith.subf %neg3A_3464, %select_n3A_3454 : vector<8x128xf32>
    %mul3A_3466 = arith.mulf %neg3A_3465, %div3A_3462 : vector<8x128xf32>
    %mul3A_3467 = arith.mulf %div3A_3423, %sub3A_3307 : vector<8x128xf32>
    %mul3A_3468 = arith.mulf %mul3A_3427, %sub3A_3325 : vector<8x128xf32>
    %sub3A_3469 = arith.subf %mul3A_3467, %mul3A_3468 : vector<8x128xf32>
    %mul3A_3470 = arith.mulf %mul3A_3427, %sub3A_3307 : vector<8x128xf32>
    %mul3A_3471 = arith.mulf %div3A_3423, %sub3A_3325 : vector<8x128xf32>
    %add3A_3472 = arith.addf %mul3A_3470, %mul3A_3471 : vector<8x128xf32>
    %mul3A_3473 = arith.mulf %div3A_3423, %add3A_3310 : vector<8x128xf32>
    %mul3A_3474 = arith.mulf %mul3A_3427, %add3A_3328 : vector<8x128xf32>
    %sub3A_3475 = arith.subf %mul3A_3473, %mul3A_3474 : vector<8x128xf32>
    %mul3A_3476 = arith.mulf %mul3A_3427, %add3A_3310 : vector<8x128xf32>
    %mul3A_3477 = arith.mulf %div3A_3423, %add3A_3328 : vector<8x128xf32>
    %add3A_3478 = arith.addf %mul3A_3476, %mul3A_3477 : vector<8x128xf32>
    %mul3A_3479 = arith.mulf %div3A_3423, %add3A_3334 : vector<8x128xf32>
    %mul3A_3480 = arith.mulf %mul3A_3427, %add3A_3352 : vector<8x128xf32>
    %sub3A_3481 = arith.subf %mul3A_3479, %mul3A_3480 : vector<8x128xf32>
    %mul3A_3482 = arith.mulf %mul3A_3427, %add3A_3334 : vector<8x128xf32>
    %mul3A_3483 = arith.mulf %div3A_3423, %add3A_3352 : vector<8x128xf32>
    %add3A_3484 = arith.addf %mul3A_3482, %mul3A_3483 : vector<8x128xf32>
    %mul3A_3485 = arith.mulf %div3A_3423, %sub3A_3331 : vector<8x128xf32>
    %mul3A_3486 = arith.mulf %mul3A_3427, %sub3A_3349 : vector<8x128xf32>
    %sub3A_3487 = arith.subf %mul3A_3485, %mul3A_3486 : vector<8x128xf32>
    %mul3A_3488 = arith.mulf %mul3A_3427, %sub3A_3331 : vector<8x128xf32>
    %mul3A_3489 = arith.mulf %div3A_3423, %sub3A_3349 : vector<8x128xf32>
    %add3A_3490 = arith.addf %mul3A_3488, %mul3A_3489 : vector<8x128xf32>
    %mul3A_3491 = arith.mulf %div3A_3462, %sub3A_3319 : vector<8x128xf32>
    %mul3A_3492 = arith.mulf %mul3A_3466, %sub3A_3313 : vector<8x128xf32>
    %sub3A_3493 = arith.subf %mul3A_3491, %mul3A_3492 : vector<8x128xf32>
    %mul3A_3494 = arith.mulf %mul3A_3466, %sub3A_3319 : vector<8x128xf32>
    %mul3A_3495 = arith.mulf %div3A_3462, %sub3A_3313 : vector<8x128xf32>
    %add3A_3496 = arith.addf %mul3A_3494, %mul3A_3495 : vector<8x128xf32>
    %mul3A_3497 = arith.mulf %div3A_3462, %add3A_3322 : vector<8x128xf32>
    %mul3A_3498 = arith.mulf %mul3A_3466, %add3A_3316 : vector<8x128xf32>
    %sub3A_3499 = arith.subf %mul3A_3497, %mul3A_3498 : vector<8x128xf32>
    %mul3A_3500 = arith.mulf %mul3A_3466, %add3A_3322 : vector<8x128xf32>
    %mul3A_3501 = arith.mulf %div3A_3462, %add3A_3316 : vector<8x128xf32>
    %add3A_3502 = arith.addf %mul3A_3500, %mul3A_3501 : vector<8x128xf32>
    %mul3A_3503 = arith.mulf %div3A_3462, %add3A_3346 : vector<8x128xf32>
    %mul3A_3504 = arith.mulf %mul3A_3466, %add3A_3340 : vector<8x128xf32>
    %sub3A_3505 = arith.subf %mul3A_3503, %mul3A_3504 : vector<8x128xf32>
    %mul3A_3506 = arith.mulf %mul3A_3466, %add3A_3346 : vector<8x128xf32>
    %mul3A_3507 = arith.mulf %div3A_3462, %add3A_3340 : vector<8x128xf32>
    %add3A_3508 = arith.addf %mul3A_3506, %mul3A_3507 : vector<8x128xf32>
    %mul3A_3509 = arith.mulf %div3A_3462, %sub3A_3343 : vector<8x128xf32>
    %mul3A_3510 = arith.mulf %mul3A_3466, %sub3A_3337 : vector<8x128xf32>
    %sub3A_3511 = arith.subf %mul3A_3509, %mul3A_3510 : vector<8x128xf32>
    %mul3A_3512 = arith.mulf %mul3A_3466, %sub3A_3343 : vector<8x128xf32>
    %mul3A_3513 = arith.mulf %div3A_3462, %sub3A_3337 : vector<8x128xf32>
    %add3A_3514 = arith.addf %mul3A_3512, %mul3A_3513 : vector<8x128xf32>
    %mul3A_3515 = arith.mulf %div3A_3423, %sub3A_3469 : vector<8x128xf32>
    %mul3A_3516 = arith.mulf %mul3A_3427, %sub3A_3481 : vector<8x128xf32>
    %sub3A_3517 = arith.subf %mul3A_3515, %mul3A_3516 : vector<8x128xf32>
    %mul3A_3518 = arith.mulf %mul3A_3427, %sub3A_3493 : vector<8x128xf32>
    %mul3A_3519 = arith.mulf %div3A_3423, %sub3A_3505 : vector<8x128xf32>
    %add3A_3520 = arith.addf %mul3A_3518, %mul3A_3519 : vector<8x128xf32>
    %mul3A_3521 = arith.mulf %mul3A_3427, %add3A_3472 : vector<8x128xf32>
    %mul3A_3522 = arith.mulf %div3A_3423, %add3A_3484 : vector<8x128xf32>
    %add3A_3523 = arith.addf %mul3A_3521, %mul3A_3522 : vector<8x128xf32>
    %mul3A_3524 = arith.mulf %div3A_3423, %add3A_3496 : vector<8x128xf32>
    %mul3A_3525 = arith.mulf %mul3A_3427, %add3A_3508 : vector<8x128xf32>
    %sub3A_3526 = arith.subf %mul3A_3524, %mul3A_3525 : vector<8x128xf32>
    %mul3A_3527 = arith.mulf %mul3A_3466, %sub3A_3475 : vector<8x128xf32>
    %mul3A_3528 = arith.mulf %div3A_3462, %sub3A_3487 : vector<8x128xf32>
    %add3A_3529 = arith.addf %mul3A_3527, %mul3A_3528 : vector<8x128xf32>
    %mul3A_3530 = arith.mulf %div3A_3462, %sub3A_3499 : vector<8x128xf32>
    %mul3A_3531 = arith.mulf %mul3A_3466, %sub3A_3511 : vector<8x128xf32>
    %sub3A_3532 = arith.subf %mul3A_3530, %mul3A_3531 : vector<8x128xf32>
    %mul3A_3533 = arith.mulf %div3A_3462, %add3A_3478 : vector<8x128xf32>
    %mul3A_3534 = arith.mulf %mul3A_3466, %add3A_3490 : vector<8x128xf32>
    %sub3A_3535 = arith.subf %mul3A_3533, %mul3A_3534 : vector<8x128xf32>
    %mul3A_3536 = arith.mulf %mul3A_3466, %add3A_3502 : vector<8x128xf32>
    %mul3A_3537 = arith.mulf %div3A_3462, %add3A_3514 : vector<8x128xf32>
    %add3A_3538 = arith.addf %mul3A_3536, %mul3A_3537 : vector<8x128xf32>
    %mul3A_3539 = arith.mulf %div3A_3423, %sub3A_3355 : vector<8x128xf32>
    %mul3A_3540 = arith.mulf %mul3A_3427, %add3A_3376 : vector<8x128xf32>
    %sub3A_3541 = arith.subf %mul3A_3539, %mul3A_3540 : vector<8x128xf32>
    %mul3A_3542 = arith.mulf %mul3A_3427, %sub3A_3355 : vector<8x128xf32>
    %mul3A_3543 = arith.mulf %div3A_3423, %add3A_3376 : vector<8x128xf32>
    %add3A_3544 = arith.addf %mul3A_3542, %mul3A_3543 : vector<8x128xf32>
    %mul3A_3545 = arith.mulf %div3A_3423, %sub3A_3361 : vector<8x128xf32>
    %mul3A_3546 = arith.mulf %mul3A_3427, %add3A_3382 : vector<8x128xf32>
    %sub3A_3547 = arith.subf %mul3A_3545, %mul3A_3546 : vector<8x128xf32>
    %mul3A_3548 = arith.mulf %mul3A_3427, %sub3A_3361 : vector<8x128xf32>
    %mul3A_3549 = arith.mulf %div3A_3423, %add3A_3382 : vector<8x128xf32>
    %add3A_3550 = arith.addf %mul3A_3548, %mul3A_3549 : vector<8x128xf32>
    %mul3A_3551 = arith.mulf %div3A_3423, %sub3A_3367 : vector<8x128xf32>
    %mul3A_3552 = arith.mulf %mul3A_3427, %add3A_3388 : vector<8x128xf32>
    %sub3A_3553 = arith.subf %mul3A_3551, %mul3A_3552 : vector<8x128xf32>
    %mul3A_3554 = arith.mulf %mul3A_3427, %sub3A_3367 : vector<8x128xf32>
    %mul3A_3555 = arith.mulf %div3A_3423, %add3A_3388 : vector<8x128xf32>
    %add3A_3556 = arith.addf %mul3A_3554, %mul3A_3555 : vector<8x128xf32>
    %mul3A_3557 = arith.mulf %div3A_3462, %add3A_3358 : vector<8x128xf32>
    %mul3A_3558 = arith.mulf %mul3A_3466, %sub3A_3373 : vector<8x128xf32>
    %sub3A_3559 = arith.subf %mul3A_3557, %mul3A_3558 : vector<8x128xf32>
    %mul3A_3560 = arith.mulf %mul3A_3466, %add3A_3358 : vector<8x128xf32>
    %mul3A_3561 = arith.mulf %div3A_3462, %sub3A_3373 : vector<8x128xf32>
    %add3A_3562 = arith.addf %mul3A_3560, %mul3A_3561 : vector<8x128xf32>
    %mul3A_3563 = arith.mulf %div3A_3462, %add3A_3364 : vector<8x128xf32>
    %mul3A_3564 = arith.mulf %mul3A_3466, %sub3A_3379 : vector<8x128xf32>
    %sub3A_3565 = arith.subf %mul3A_3563, %mul3A_3564 : vector<8x128xf32>
    %mul3A_3566 = arith.mulf %mul3A_3466, %add3A_3364 : vector<8x128xf32>
    %mul3A_3567 = arith.mulf %div3A_3462, %sub3A_3379 : vector<8x128xf32>
    %add3A_3568 = arith.addf %mul3A_3566, %mul3A_3567 : vector<8x128xf32>
    %mul3A_3569 = arith.mulf %div3A_3462, %add3A_3370 : vector<8x128xf32>
    %mul3A_3570 = arith.mulf %mul3A_3466, %sub3A_3385 : vector<8x128xf32>
    %sub3A_3571 = arith.subf %mul3A_3569, %mul3A_3570 : vector<8x128xf32>
    %mul3A_3572 = arith.mulf %mul3A_3466, %add3A_3370 : vector<8x128xf32>
    %mul3A_3573 = arith.mulf %div3A_3462, %sub3A_3385 : vector<8x128xf32>
    %add3A_3574 = arith.addf %mul3A_3572, %mul3A_3573 : vector<8x128xf32>
    %sub3A_3575 = arith.subf %sub3A_3517, %add3A_3538 : vector<8x128xf32>
    %mul3A_3576 = arith.constant 2.000000e+00 : f32
    %mul3A_3577 = vector.broadcast %mul3A_3576 : f32 to vector<8x128xf32>
    %mul3A_3578 = arith.mulf %mul3A_3577, %add3A_3529 : vector<8x128xf32>
    %div3A_3579 = arith.divf %sub3A_3575, %mul3A_3578 : vector<8x128xf32>
    %gt3A_3580 = arith.constant 0.000000e+00 : f32
    %gt3A_3581 = vector.broadcast %gt3A_3580 : f32 to vector<8x128xf32>
    %gt3A_3582 = arith.cmpf ogt, %div3A_3579, %gt3A_3581 : vector<8x128xf32>
    %jit3A_3583 = arith.constant 1.000000e+00 : f32
    %jit3A_3584 = arith.constant -1.000000e+00 : f32
    %broadcast_in_dim3A_3585 = vector.broadcast %jit3A_3583 : f32 to vector<8x128xf32>
    %broadcast_in_dim3A_3586 = vector.broadcast %jit3A_3584 : f32 to vector<8x128xf32>
    %select_n3A_3587 = arith.select %gt3A_3582, %broadcast_in_dim3A_3585, %broadcast_in_dim3A_3586 : vector<8x128xi1>, vector<8x128xf32>
    %abs3A_3588 = math.absf %div3A_3579 : vector<8x128xf32>
    %mul3A_3589 = arith.mulf %div3A_3579, %div3A_3579 : vector<8x128xf32>
    %add3A_3590 = arith.constant 1.000000e+00 : f32
    %add3A_3591 = vector.broadcast %add3A_3590 : f32 to vector<8x128xf32>
    %add3A_3592 = arith.addf %add3A_3591, %mul3A_3589 : vector<8x128xf32>
    %sqrt3A_3593 = math.sqrt %add3A_3592 : vector<8x128xf32>
    %add3A_3594 = arith.addf %abs3A_3588, %sqrt3A_3593 : vector<8x128xf32>
    %div3A_3595 = arith.divf %select_n3A_3587, %add3A_3594 : vector<8x128xf32>
    %eq3A_3596 = arith.constant 0.000000e+00 : f32
    %eq3A_3597 = vector.broadcast %eq3A_3596 : f32 to vector<8x128xf32>
    %eq3A_3598 = arith.cmpf oeq, %add3A_3529, %eq3A_3597 : vector<8x128xf32>
    %jit3A_3599 = arith.constant 0.000000e+00 : f32
    %broadcast_in_dim3A_3600 = vector.broadcast %jit3A_3599 : f32 to vector<8x128xf32>
    %select_n3A_3601 = arith.select %eq3A_3598, %broadcast_in_dim3A_3600, %div3A_3595 : vector<8x128xi1>, vector<8x128xf32>
    %mul3A_3602 = arith.mulf %select_n3A_3601, %select_n3A_3601 : vector<8x128xf32>
    %add3A_3603 = arith.constant 1.000000e+00 : f32
    %add3A_3604 = vector.broadcast %add3A_3603 : f32 to vector<8x128xf32>
    %add3A_3605 = arith.addf %mul3A_3602, %add3A_3604 : vector<8x128xf32>
    %sqrt3A_3606 = math.sqrt %add3A_3605 : vector<8x128xf32>
    %div3A_3607 = arith.constant 1.000000e+00 : f32
    %div3A_3608 = vector.broadcast %div3A_3607 : f32 to vector<8x128xf32>
    %div3A_3609 = arith.divf %div3A_3608, %sqrt3A_3606 : vector<8x128xf32>
    %neg3A_3610 = arith.constant 0.000000e+00 : f32
    %neg3A_3611 = vector.broadcast %neg3A_3610 : f32 to vector<8x128xf32>
    %neg3A_3612 = arith.subf %neg3A_3611, %select_n3A_3601 : vector<8x128xf32>
    %mul3A_3613 = arith.mulf %neg3A_3612, %div3A_3609 : vector<8x128xf32>
    %sub3A_3614 = arith.subf %add3A_3523, %sub3A_3532 : vector<8x128xf32>
    %mul3A_3615 = arith.constant 2.000000e+00 : f32
    %mul3A_3616 = vector.broadcast %mul3A_3615 : f32 to vector<8x128xf32>
    %mul3A_3617 = arith.mulf %mul3A_3616, %sub3A_3535 : vector<8x128xf32>
    %div3A_3618 = arith.divf %sub3A_3614, %mul3A_3617 : vector<8x128xf32>
    %gt3A_3619 = arith.constant 0.000000e+00 : f32
    %gt3A_3620 = vector.broadcast %gt3A_3619 : f32 to vector<8x128xf32>
    %gt3A_3621 = arith.cmpf ogt, %div3A_3618, %gt3A_3620 : vector<8x128xf32>
    %jit3A_3622 = arith.constant 1.000000e+00 : f32
    %jit3A_3623 = arith.constant -1.000000e+00 : f32
    %broadcast_in_dim3A_3624 = vector.broadcast %jit3A_3622 : f32 to vector<8x128xf32>
    %broadcast_in_dim3A_3625 = vector.broadcast %jit3A_3623 : f32 to vector<8x128xf32>
    %select_n3A_3626 = arith.select %gt3A_3621, %broadcast_in_dim3A_3624, %broadcast_in_dim3A_3625 : vector<8x128xi1>, vector<8x128xf32>
    %abs3A_3627 = math.absf %div3A_3618 : vector<8x128xf32>
    %mul3A_3628 = arith.mulf %div3A_3618, %div3A_3618 : vector<8x128xf32>
    %add3A_3629 = arith.constant 1.000000e+00 : f32
    %add3A_3630 = vector.broadcast %add3A_3629 : f32 to vector<8x128xf32>
    %add3A_3631 = arith.addf %add3A_3630, %mul3A_3628 : vector<8x128xf32>
    %sqrt3A_3632 = math.sqrt %add3A_3631 : vector<8x128xf32>
    %add3A_3633 = arith.addf %abs3A_3627, %sqrt3A_3632 : vector<8x128xf32>
    %div3A_3634 = arith.divf %select_n3A_3626, %add3A_3633 : vector<8x128xf32>
    %eq3A_3635 = arith.constant 0.000000e+00 : f32
    %eq3A_3636 = vector.broadcast %eq3A_3635 : f32 to vector<8x128xf32>
    %eq3A_3637 = arith.cmpf oeq, %sub3A_3535, %eq3A_3636 : vector<8x128xf32>
    %jit3A_3638 = arith.constant 0.000000e+00 : f32
    %broadcast_in_dim3A_3639 = vector.broadcast %jit3A_3638 : f32 to vector<8x128xf32>
    %select_n3A_3640 = arith.select %eq3A_3637, %broadcast_in_dim3A_3639, %div3A_3634 : vector<8x128xi1>, vector<8x128xf32>
    %mul3A_3641 = arith.mulf %select_n3A_3640, %select_n3A_3640 : vector<8x128xf32>
    %add3A_3642 = arith.constant 1.000000e+00 : f32
    %add3A_3643 = vector.broadcast %add3A_3642 : f32 to vector<8x128xf32>
    %add3A_3644 = arith.addf %mul3A_3641, %add3A_3643 : vector<8x128xf32>
    %sqrt3A_3645 = math.sqrt %add3A_3644 : vector<8x128xf32>
    %div3A_3646 = arith.constant 1.000000e+00 : f32
    %div3A_3647 = vector.broadcast %div3A_3646 : f32 to vector<8x128xf32>
    %div3A_3648 = arith.divf %div3A_3647, %sqrt3A_3645 : vector<8x128xf32>
    %neg3A_3649 = arith.constant 0.000000e+00 : f32
    %neg3A_3650 = vector.broadcast %neg3A_3649 : f32 to vector<8x128xf32>
    %neg3A_3651 = arith.subf %neg3A_3650, %select_n3A_3640 : vector<8x128xf32>
    %mul3A_3652 = arith.mulf %neg3A_3651, %div3A_3648 : vector<8x128xf32>
    %mul3A_3653 = arith.mulf %div3A_3609, %sub3A_3517 : vector<8x128xf32>
    %mul3A_3654 = arith.mulf %mul3A_3613, %sub3A_3526 : vector<8x128xf32>
    %sub3A_3655 = arith.subf %mul3A_3653, %mul3A_3654 : vector<8x128xf32>
    %mul3A_3656 = arith.mulf %mul3A_3613, %sub3A_3517 : vector<8x128xf32>
    %mul3A_3657 = arith.mulf %div3A_3609, %sub3A_3526 : vector<8x128xf32>
    %add3A_3658 = arith.addf %mul3A_3656, %mul3A_3657 : vector<8x128xf32>
    %mul3A_3659 = arith.mulf %div3A_3609, %add3A_3529 : vector<8x128xf32>
    %mul3A_3660 = arith.mulf %mul3A_3613, %add3A_3538 : vector<8x128xf32>
    %sub3A_3661 = arith.subf %mul3A_3659, %mul3A_3660 : vector<8x128xf32>
    %mul3A_3662 = arith.mulf %mul3A_3613, %add3A_3529 : vector<8x128xf32>
    %mul3A_3663 = arith.mulf %div3A_3609, %add3A_3538 : vector<8x128xf32>
    %add3A_3664 = arith.addf %mul3A_3662, %mul3A_3663 : vector<8x128xf32>
    %mul3A_3665 = arith.mulf %mul3A_3652, %add3A_3523 : vector<8x128xf32>
    %mul3A_3666 = arith.mulf %div3A_3648, %add3A_3520 : vector<8x128xf32>
    %add3A_3667 = arith.addf %mul3A_3665, %mul3A_3666 : vector<8x128xf32>
    %mul3A_3668 = arith.mulf %mul3A_3652, %sub3A_3535 : vector<8x128xf32>
    %mul3A_3669 = arith.mulf %div3A_3648, %sub3A_3532 : vector<8x128xf32>
    %add3A_3670 = arith.addf %mul3A_3668, %mul3A_3669 : vector<8x128xf32>
    %mul3A_3671 = arith.mulf %div3A_3609, %sub3A_3655 : vector<8x128xf32>
    %mul3A_3672 = arith.mulf %mul3A_3613, %sub3A_3661 : vector<8x128xf32>
    %sub3A_3673 = arith.subf %mul3A_3671, %mul3A_3672 : vector<8x128xf32>
    %mul3A_3674 = arith.mulf %mul3A_3613, %add3A_3658 : vector<8x128xf32>
    %mul3A_3675 = arith.mulf %div3A_3609, %add3A_3664 : vector<8x128xf32>
    %add3A_3676 = arith.addf %mul3A_3674, %mul3A_3675 : vector<8x128xf32>
    %mul3A_3677 = arith.mulf %mul3A_3652, %add3A_3667 : vector<8x128xf32>
    %mul3A_3678 = arith.mulf %div3A_3648, %add3A_3670 : vector<8x128xf32>
    %add3A_3679 = arith.addf %mul3A_3677, %mul3A_3678 : vector<8x128xf32>
    %mul3A_3680 = arith.mulf %div3A_3609, %sub3A_3541 : vector<8x128xf32>
    %mul3A_3681 = arith.mulf %mul3A_3613, %add3A_3562 : vector<8x128xf32>
    %sub3A_3682 = arith.subf %mul3A_3680, %mul3A_3681 : vector<8x128xf32>
    %mul3A_3683 = arith.mulf %mul3A_3613, %sub3A_3541 : vector<8x128xf32>
    %mul3A_3684 = arith.mulf %div3A_3609, %add3A_3562 : vector<8x128xf32>
    %add3A_3685 = arith.addf %mul3A_3683, %mul3A_3684 : vector<8x128xf32>
    %mul3A_3686 = arith.mulf %div3A_3609, %sub3A_3547 : vector<8x128xf32>
    %mul3A_3687 = arith.mulf %mul3A_3613, %add3A_3568 : vector<8x128xf32>
    %sub3A_3688 = arith.subf %mul3A_3686, %mul3A_3687 : vector<8x128xf32>
    %mul3A_3689 = arith.mulf %mul3A_3613, %sub3A_3547 : vector<8x128xf32>
    %mul3A_3690 = arith.mulf %div3A_3609, %add3A_3568 : vector<8x128xf32>
    %add3A_3691 = arith.addf %mul3A_3689, %mul3A_3690 : vector<8x128xf32>
    %mul3A_3692 = arith.mulf %div3A_3609, %sub3A_3553 : vector<8x128xf32>
    %mul3A_3693 = arith.mulf %mul3A_3613, %add3A_3574 : vector<8x128xf32>
    %sub3A_3694 = arith.subf %mul3A_3692, %mul3A_3693 : vector<8x128xf32>
    %mul3A_3695 = arith.mulf %mul3A_3613, %sub3A_3553 : vector<8x128xf32>
    %mul3A_3696 = arith.mulf %div3A_3609, %add3A_3574 : vector<8x128xf32>
    %add3A_3697 = arith.addf %mul3A_3695, %mul3A_3696 : vector<8x128xf32>
    %mul3A_3698 = arith.mulf %mul3A_3652, %add3A_3544 : vector<8x128xf32>
    %mul3A_3699 = arith.mulf %div3A_3648, %sub3A_3559 : vector<8x128xf32>
    %add3A_3700 = arith.addf %mul3A_3698, %mul3A_3699 : vector<8x128xf32>
    %mul3A_3701 = arith.mulf %mul3A_3652, %add3A_3550 : vector<8x128xf32>
    %mul3A_3702 = arith.mulf %div3A_3648, %sub3A_3565 : vector<8x128xf32>
    %add3A_3703 = arith.addf %mul3A_3701, %mul3A_3702 : vector<8x128xf32>
    %mul3A_3704 = arith.mulf %mul3A_3652, %add3A_3556 : vector<8x128xf32>
    %mul3A_3705 = arith.mulf %div3A_3648, %sub3A_3571 : vector<8x128xf32>
    %add3A_3706 = arith.addf %mul3A_3704, %mul3A_3705 : vector<8x128xf32>
    %gt3A_3707 = arith.cmpf ogt, %sub3A_3673, %add3A_3676 : vector<8x128xf32>
    %select_n3A_3708 = arith.select %gt3A_3707, %add3A_3676, %sub3A_3673 : vector<8x128xi1>, vector<8x128xf32>
    %select_n3A_3709 = arith.select %gt3A_3707, %sub3A_3673, %add3A_3676 : vector<8x128xi1>, vector<8x128xf32>
    %select_n3A_3710 = arith.select %gt3A_3707, %add3A_3685, %sub3A_3682 : vector<8x128xi1>, vector<8x128xf32>
    %select_n3A_3711 = arith.select %gt3A_3707, %add3A_3691, %sub3A_3688 : vector<8x128xi1>, vector<8x128xf32>
    %select_n3A_3712 = arith.select %gt3A_3707, %add3A_3697, %sub3A_3694 : vector<8x128xi1>, vector<8x128xf32>
    %select_n3A_3713 = arith.select %gt3A_3707, %sub3A_3682, %add3A_3685 : vector<8x128xi1>, vector<8x128xf32>
    %select_n3A_3714 = arith.select %gt3A_3707, %sub3A_3688, %add3A_3691 : vector<8x128xi1>, vector<8x128xf32>
    %select_n3A_3715 = arith.select %gt3A_3707, %sub3A_3694, %add3A_3697 : vector<8x128xi1>, vector<8x128xf32>
    %gt3A_3716 = arith.cmpf ogt, %select_n3A_3709, %add3A_3679 : vector<8x128xf32>
    %select_n3A_3717 = arith.select %gt3A_3716, %add3A_3679, %select_n3A_3709 : vector<8x128xi1>, vector<8x128xf32>
    %select_n3A_3718 = arith.select %gt3A_3716, %select_n3A_3709, %add3A_3679 : vector<8x128xi1>, vector<8x128xf32>
    %select_n3A_3719 = arith.select %gt3A_3716, %add3A_3700, %select_n3A_3713 : vector<8x128xi1>, vector<8x128xf32>
    %select_n3A_3720 = arith.select %gt3A_3716, %add3A_3703, %select_n3A_3714 : vector<8x128xi1>, vector<8x128xf32>
    %select_n3A_3721 = arith.select %gt3A_3716, %add3A_3706, %select_n3A_3715 : vector<8x128xi1>, vector<8x128xf32>
    %gt3A_3722 = arith.cmpf ogt, %select_n3A_3708, %select_n3A_3717 : vector<8x128xf32>
    %select_n3A_3723 = arith.select %gt3A_3722, %select_n3A_3717, %select_n3A_3708 : vector<8x128xi1>, vector<8x128xf32>
    %select_n3A_3724 = arith.select %gt3A_3722, %select_n3A_3708, %select_n3A_3717 : vector<8x128xi1>, vector<8x128xf32>
    %select_n3A_3725 = arith.select %gt3A_3722, %select_n3A_3719, %select_n3A_3710 : vector<8x128xi1>, vector<8x128xf32>
    %select_n3A_3726 = arith.select %gt3A_3722, %select_n3A_3720, %select_n3A_3711 : vector<8x128xi1>, vector<8x128xf32>
    %select_n3A_3727 = arith.select %gt3A_3722, %select_n3A_3721, %select_n3A_3712 : vector<8x128xi1>, vector<8x128xf32>
    %get3A_3728 = arith.constant 0 : index
    %get3A_3729 = arith.constant 0 : index
    %get3A_3730 = vector.load %arg2[%get3A_3728, %get3A_3729] : memref<8x128xf32, #tpu.memory_space<vmem>>, vector<8x128xf32>
    %get3A_3731 = arith.constant 0 : index
    %get3A_3732 = arith.constant 0 : index
    %get3A_3733 = vector.load %arg3[%get3A_3731, %get3A_3732] : memref<8x128xf32, #tpu.memory_space<vmem>>, vector<8x128xf32>
    %get3A_3734 = arith.constant 0 : index
    %get3A_3735 = arith.constant 0 : index
    %get3A_3736 = vector.load %arg4[%get3A_3734, %get3A_3735] : memref<8x128xf32, #tpu.memory_space<vmem>>, vector<8x128xf32>
    %swap3A = arith.constant 0 : index
    %swap3A_3737 = arith.constant 0 : index
    %swap3A_3738 = vector.load %arg11[%swap3A, %swap3A_3737] : memref<8x128xf32, #tpu.memory_space<vmem>>, vector<8x128xf32>
    tpu.vector_store %arg11[%swap3A, %swap3A_3737], %select_n3A_3725 {strides = array<i32>} : memref<8x128xf32, #tpu.memory_space<vmem>>, vector<8x128xf32>,
    %swap3A_3739 = arith.constant 0 : index
    %swap3A_3740 = arith.constant 0 : index
    %swap3A_3741 = vector.load %arg12[%swap3A_3739, %swap3A_3740] : memref<8x128xf32, #tpu.memory_space<vmem>>, vector<8x128xf32>
    tpu.vector_store %arg12[%swap3A_3739, %swap3A_3740], %select_n3A_3726 {strides = array<i32>} : memref<8x128xf32, #tpu.memory_space<vmem>>, vector<8x128xf32>,
    %swap3A_3742 = arith.constant 0 : index
    %swap3A_3743 = arith.constant 0 : index
    %swap3A_3744 = vector.load %arg13[%swap3A_3742, %swap3A_3743] : memref<8x128xf32, #tpu.memory_space<vmem>>, vector<8x128xf32>
    tpu.vector_store %arg13[%swap3A_3742, %swap3A_3743], %select_n3A_3727 {strides = array<i32>} : memref<8x128xf32, #tpu.memory_space<vmem>>, vector<8x128xf32>,
    %mul3A_3745 = arith.mulf %select_n3A_3725, %get3A_3730 : vector<8x128xf32>
    %mul3A_3746 = arith.mulf %select_n3A_3726, %get3A_3733 : vector<8x128xf32>
    %add3A_3747 = arith.addf %mul3A_3745, %mul3A_3746 : vector<8x128xf32>
    %mul3A_3748 = arith.mulf %select_n3A_3727, %get3A_3736 : vector<8x128xf32>
    %add3A_3749 = arith.addf %add3A_3747, %mul3A_3748 : vector<8x128xf32>
    %neg3A_3750 = arith.constant 0.000000e+00 : f32
    %neg3A_3751 = vector.broadcast %neg3A_3750 : f32 to vector<8x128xf32>
    %neg3A_3752 = arith.subf %neg3A_3751, %add3A_3749 : vector<8x128xf32>
    %swap3A_3753 = arith.constant 0 : index
    %swap3A_3754 = arith.constant 0 : index
    %swap3A_3755 = vector.load %arg14[%swap3A_3753, %swap3A_3754] : memref<8x128xf32, #tpu.memory_space<vmem>>, vector<8x128xf32>
    tpu.vector_store %arg14[%swap3A_3753, %swap3A_3754], %neg3A_3752 {strides = array<i32>} : memref<8x128xf32, #tpu.memory_space<vmem>>, vector<8x128xf32>,
    %swap3A_3756 = arith.constant 0 : index
    %swap3A_3757 = arith.constant 0 : index
    %swap3A_3758 = vector.load %arg15[%swap3A_3756, %swap3A_3757] : memref<8x128xf32, #tpu.memory_space<vmem>>, vector<8x128xf32>
    tpu.vector_store %arg15[%swap3A_3756, %swap3A_3757], %select_n3A_3723 {strides = array<i32>} : memref<8x128xf32, #tpu.memory_space<vmem>>, vector<8x128xf32>,
    %swap3A_3759 = arith.constant 0 : index
    %swap3A_3760 = arith.constant 0 : index
    %swap3A_3761 = vector.load %arg16[%swap3A_3759, %swap3A_3760] : memref<8x128xf32, #tpu.memory_space<vmem>>, vector<8x128xf32>
    tpu.vector_store %arg16[%swap3A_3759, %swap3A_3760], %select_n3A_3724 {strides = array<i32>} : memref<8x128xf32, #tpu.memory_space<vmem>>, vector<8x128xf32>,
    %swap3A_3762 = arith.constant 0 : index
    %swap3A_3763 = arith.constant 0 : index
    %swap3A_3764 = vector.load %arg17[%swap3A_3762, %swap3A_3763] : memref<8x128xf32, #tpu.memory_space<vmem>>, vector<8x128xf32>
    tpu.vector_store %arg17[%swap3A_3762, %swap3A_3763], %select_n3A_3718 {strides = array<i32>} : memref<8x128xf32, #tpu.memory_space<vmem>>, vector<8x128xf32>,
    return
  }
  func.func @transform_0(%arg0: i32) -> (i32, i32) {
    %c0_i32 = arith.constant 0 : i32
    %c0_i32_0 = arith.constant 0 : i32
    return %arg0, %c0_i32 : i32, i32
  }
  func.func @transform_1(%arg0: i32) -> (i32, i32) {
    %c0_i32 = arith.constant 0 : i32
    %c0_i32_0 = arith.constant 0 : i32
    return %arg0, %c0_i32 : i32, i32
  }
  func.func @transform_2(%arg0: i32) -> (i32, i32) {
    %c0_i32 = arith.constant 0 : i32
    %c0_i32_0 = arith.constant 0 : i32
    return %arg0, %c0_i32 : i32, i32
  }
  func.func @transform_3(%arg0: i32) -> (i32, i32) {
    %c0_i32 = arith.constant 0 : i32
    %c0_i32_0 = arith.constant 0 : i32
    return %arg0, %c0_i32 : i32, i32
  }
  func.func @transform_4(%arg0: i32) -> (i32, i32) {
    %c0_i32 = arith.constant 0 : i32
    %c0_i32_0 = arith.constant 0 : i32
    return %arg0, %c0_i32 : i32, i32
  }
  func.func @transform_5(%arg0: i32) -> (i32, i32) {
    %c0_i32 = arith.constant 0 : i32
    %c0_i32_0 = arith.constant 0 : i32
    return %arg0, %c0_i32 : i32, i32
  }
  func.func @transform_6(%arg0: i32) -> (i32, i32) {
    %c0_i32 = arith.constant 0 : i32
    %c0_i32_0 = arith.constant 0 : i32
    return %arg0, %c0_i32 : i32, i32
  }
  func.func @transform_7(%arg0: i32) -> (i32, i32) {
    %c0_i32 = arith.constant 0 : i32
    %c0_i32_0 = arith.constant 0 : i32
    return %arg0, %c0_i32 : i32, i32
  }
  func.func @transform_8(%arg0: i32) -> (i32, i32) {
    %c0_i32 = arith.constant 0 : i32
    %c0_i32_0 = arith.constant 0 : i32
    return %arg0, %c0_i32 : i32, i32
  }
  func.func @transform_9(%arg0: i32) -> (i32, i32) {
    %c0_i32 = arith.constant 0 : i32
    %c0_i32_0 = arith.constant 0 : i32
    return %arg0, %c0_i32 : i32, i32
  }
  func.func @transform_10(%arg0: i32) -> (i32, i32) {
    %c0_i32 = arith.constant 0 : i32
    %c0_i32_0 = arith.constant 0 : i32
    return %arg0, %c0_i32 : i32, i32
  }
  func.func @transform_11(%arg0: i32) -> (i32, i32) {
    %c0_i32 = arith.constant 0 : i32
    %c0_i32_0 = arith.constant 0 : i32
    return %arg0, %c0_i32 : i32, i32
  }
  func.func @transform_12(%arg0: i32) -> (i32, i32) {
    %c0_i32 = arith.constant 0 : i32
    %c0_i32_0 = arith.constant 0 : i32
    return %arg0, %c0_i32 : i32, i32
  }
  func.func @transform_13(%arg0: i32) -> (i32, i32) {
    %c0_i32 = arith.constant 0 : i32
    %c0_i32_0 = arith.constant 0 : i32
    return %arg0, %c0_i32 : i32, i32
  }
  func.func @transform_14(%arg0: i32) -> (i32, i32) {
    %c0_i32 = arith.constant 0 : i32
    %c0_i32_0 = arith.constant 0 : i32
    return %arg0, %c0_i32 : i32, i32
  }
  func.func @transform_15(%arg0: i32) -> (i32, i32) {
    %c0_i32 = arith.constant 0 : i32
    %c0_i32_0 = arith.constant 0 : i32
    return %arg0, %c0_i32 : i32, i32
  }
  func.func @transform_16(%arg0: i32) -> (i32, i32) {
    %c0_i32 = arith.constant 0 : i32
    %c0_i32_0 = arith.constant 0 : i32
    return %arg0, %c0_i32 : i32, i32
  }
}

</mosaic_0001>

<sc_bundles>
// kernel: kernel.6.cloned.1.call-start
scs
__scs_entry_jumppad:
0x0: {  	(pc) =	sbr.rel $0x88, $3  }
0x1: {  	(tag) =	ssettag $0x0;
	lr =	simm.s32 $0x1  }
0x2: {  	[smem:$0x3FA0] =	sst lr;
	_ =	strace $0xD0000000  }
0x3: {  	_ = 	snop  }
0x4: {  	_ = 	snop  }
0x5: {  	_ = 	snop  }
0x6: {  	_ = 	snop  }
0x7: {  	_ = 	snop  }
__scs_overlays_trampoline_lowered:
0x8: {  	[smem:$0x3FAF] =	sst s0  }
0x9: {  	[smem:$0x3FB0] =	sst s1  }
0xa: {  	[smem:$0x3FB1] =	sst s2  }
0xb: {  	[smem:$0x3FB2] =	sst s3  }
0xc: {  	[smem:$0x3FB3] =	sst s4  }
0xd: {  	[smem:$0x3FB4] =	sst s5  }
0xe: {  	[smem:$0x3FB5] =	sst s6  }
0xf: {  	[smem:$0x3FB6] =	sst s7  }
0x10: {  	[smem:$0x3FB7] =	sst s8  }
0x11: {  	[smem:$0x3FB8] =	sst s9;
	s0 =	simm.s32 @!p0 $0x0  }
0x12: {  	s1 =	sld [smem:$0x3F9E];
	s0 =	simm.s32 @p0 $0x1  }
0x13: {  	[smem:$0x3FB9] =	sst s0;
	s0 =	simm.s32 @!p1 $0x0  }
0x14: {  	s2 =	sld [smem:$0x3F9D];
	s0 =	simm.s32 @p1 $0x1  }
0x15: {  	[smem:$0x3FBA] =	sst s0;
	s0 =	simm.s32 @!p2 $0x0  }
0x16: {  	s3 =	sld [smem:$0x3FDB];
	s0 =	simm.s32 @p2 $0x1  }
0x17: {  	s4 =	simm.s32 $0x1BF5;
	[smem:$0x3FBC] =	sst s0  }
0x18: {  	s0 =	sld [smem:$0x3F9F];
	_ =	swait.ge [sflag:s4], $0x0  }
0x19: {  	s7 =	sld [smem:$0x3FA0]  }
0x1a: {  	s8 =	sadd.s32 $0xFFFFE003, lr  }
0x1b: {  	s9 =	sadd.s32 $0xFFFFFEF7, lr;
	s5 =	simm.s32 $0xFFFFFFFF;
	p2 =	slt.u32 s8, $0xFFFFF086  }
0x1c: {  	p1 =	slt.u32 s9, $0xF7A;
	s5 =	simm.s32 @!p2 $0x0  }
0x1d: {  	s5 =	simm.s32 @p1 $0x1;
	p0 =	seq.s32 s7, s2  }
0x1e: {  	s7 =	smul.u32 @!p0 $0xF7A, s2;
	p2 =	seq.s32 @!p0 s5, $0x0  }
0x1f: {  	s9 =	smul.u32 $0xF7A, s1;
	s8 =	simm.s32 @!p0 $0x1BF5;
	p2 =	por !p2, p0  }
0x20: {  	[sflag:s8] =	ssyncset.s32 @!p0 $0xFFFFF086;
	s6 =	sadd.s32 @!p0 s3, s7;
	s7 =	simm.s32 @!p0 $0x108  }
0x21: {  	s3 =	sadd.s32 s3, s9;
	s6 =	sadd.s32 @!p0 $0x88, s6;
	s7 =	simm.s32 @p2 $0x1082  }
0x22: {  	[simem:s7], [sflag:s8] =	dma.local @!p0 [hbm:s6], $0xF7A  }
0x23: {  	s9 =	sor.u32 $0xD0000000, s2;
	s6 =	simm.s32 $0x108;
	_ =	swait.ge @!p0 [sflag:s8], $0x0  }
0x24: {  	s3 =	sadd.s32 $0x88, s3;
	s6 =	simm.s32 @!p1 $0x1082;
	[sflag:s4] =	ssyncset.s32 $0xFFFFF086  }
0x25: {  	[simem:s6], [sflag:s4] =	dma.local [hbm:s3], $0xF7A  }
0x26: {  	[smem:$0x3FA0] =	sst s1;
	(tag) =	ssettag s2;
	_ =	strace s9  }
0x27: {  	s1 =	sld [smem:$0x3FB0]  }
0x28: {  	s2 =	sld [smem:$0x3FB1]  }
0x29: {  	s4 =	sld [smem:$0x3FB3]  }
0x2a: {  	p0 =	seq.s32 s5, $0x0;
	s5 =	sld [smem:$0x3FB4]  }
0x2b: {  	s6 =	sld [smem:$0x3FB5]  }
0x2c: {  	s7 =	sld [smem:$0x3FB6]  }
0x2d: {  	s3 =	simm.s32 $0x108;
	s8 =	sld [smem:$0x3FB7]  }
0x2e: {  	s3 =	simm.s32 @!p0 $0x1082;
	s9 =	sld [smem:$0x3FB8]  }
0x2f: {  	lr =	sadd.s32 s0, s3;
	s0 =	sld [smem:$0x3FAF]  }
0x30: {  	s3 =	sld [smem:$0x3FB2]  }
0x31: {  	[smem:$0x3FBB] =	sst s10  }
0x32: {  	s10 =	sld [smem:$0x3FB9];
	_ =	sdelay $0x3  }
0x33: {  	p0 =	seq.s32 s10, $0x1;
	s10 =	sld [smem:$0x3FBB];
	_ =	sdelay $0x3  }
0x34: {  	[smem:$0x3FBB] =	sst s10  }
0x35: {  	s10 =	sld [smem:$0x3FBA];
	_ =	sdelay $0x3  }
0x36: {  	p1 =	seq.s32 s10, $0x1;
	s10 =	sld [smem:$0x3FBB];
	_ =	sdelay $0x3  }
0x37: {  	[smem:$0x3FBB] =	sst s10  }
0x38: {  	s10 =	sld [smem:$0x3FBC]  }
0x39: {  	_ = 	snop;
	(pc) =	sbr.ind lr, $3  }
0x3a: {  	_ = 	snop  }
0x3b: {  	_ = 	snop  }
0x3c: {  	p2 =	seq.s32 s10, $0x1;
	s10 =	sld [smem:$0x3FBB]  }
0x3d: {  	_ =	shalt  }
0x3e: {  	_ =	shalt  }
0x3f: {  	_ =	shalt  }
0x40: {  	_ =	shalt  }
0x41: {  	_ =	shalt  }
0x42: {  	_ =	shalt  }
0x43: {  	_ =	shalt  }
0x44: {  	_ =	shalt  }
0x45: {  	_ =	shalt  }
0x46: {  	_ =	shalt  }
0x47: {  	_ =	shalt  }
0x48: {  	_ =	shalt  }
0x49: {  	_ =	shalt  }
0x4a: {  	_ =	shalt  }
0x4b: {  	_ =	shalt  }
0x4c: {  	_ =	shalt  }
0x4d: {  	_ =	shalt  }
0x4e: {  	_ =	shalt  }
0x4f: {  	_ =	shalt  }
0x50: {  	_ =	shalt  }
0x51: {  	_ =	shalt  }
0x52: {  	_ =	shalt  }
0x53: {  	_ =	shalt  }
0x54: {  	_ =	shalt  }
0x55: {  	_ =	shalt  }
0x56: {  	_ =	shalt  }
0x57: {  	_ =	shalt  }
0x58: {  	_ =	shalt  }
0x59: {  	_ =	shalt  }
0x5a: {  	_ =	shalt  }
0x5b: {  	_ =	shalt  }
0x5c: {  	_ =	shalt  }
0x5d: {  	_ =	shalt  }
0x5e: {  	_ =	shalt  }
0x5f: {  	_ =	shalt  }
0x60: {  	_ =	shalt  }
0x61: {  	_ =	shalt  }
0x62: {  	_ =	shalt  }
0x63: {  	_ =	shalt  }
0x64: {  	_ =	shalt  }
0x65: {  	_ =	shalt  }
0x66: {  	_ =	shalt  }
0x67: {  	_ =	shalt  }
0x68: {  	_ =	shalt  }
0x69: {  	_ =	shalt  }
0x6a: {  	_ =	shalt  }
0x6b: {  	_ =	shalt  }
0x6c: {  	_ =	shalt  }
0x6d: {  	_ =	shalt  }
0x6e: {  	_ =	shalt  }
0x6f: {  	_ =	shalt  }
0x70: {  	_ =	shalt  }
0x71: {  	_ =	shalt  }
0x72: {  	_ =	shalt  }
0x73: {  	_ =	shalt  }
0x74: {  	_ =	shalt  }
0x75: {  	_ =	shalt  }
0x76: {  	_ =	shalt  }
0x77: {  	_ =	shalt  }
0x78: {  	_ =	shalt  }
0x79: {  	_ =	shalt  }
0x7a: {  	_ =	shalt  }
0x7b: {  	_ =	shalt  }
0x7c: {  	_ =	shalt  }
0x7d: {  	_ =	shalt  }
0x7e: {  	_ =	shalt  }
0x7f: {  	_ =	shalt  }
0x80: {  	_ =	shalt  }
0x81: {  	_ =	shalt  }
0x82: {  	_ =	shalt  }
0x83: {  	_ =	shalt  }
0x84: {  	_ =	shalt  }
0x85: {  	_ =	shalt  }
0x86: {  	_ =	shalt  }
0x87: {  	_ =	shalt  }
.Lfunc_end0:
.L_simem_size_0:
called_computation_lowered:
.L_overlay_start_0:
0x88: {  	s2 =	sld [smem:$0x3FD9]  }
0x89: {  	s3 =	sld [smem:$0x3FFE];
	_ =	sdelay $0x1  }
0x8a: {  	s1 =	srdreg.scid  }
0x8b: {  	s0 =	sand.u32 $0x1, s1  }
0x8c: {  	s14 =	sshll.u32 s0, $0xA;
	s2 =	sadd.s32 s3, s2  }
0x8d: {  	s2 =	sadd.s32 s2, s14  }
0x8e: {  	[smem:$0x3FC7] =	sst s2  }
0x8f: {  	_ = 	snop  }
0x90: {  	s2 =	sld [smem:$0x3FD0];
	_ =	sdelay $0x2  }
0x91: {  	s15 =	simm.s32 $0xA;
	s4 =	simm.s32 $0x10  }
0x92: {  	[smem:s4], [sflag:s15] =	dma.local [hbm:s2], $0x1  }
0x93: {  	_ =	swait.eq [sflag:s15], $0x1  }
0x94: {  	[sflag:s15] =	ssyncset.done $0x0  }
0x95: {  	[sflag:s15] =	ssyncadd.s32 $0xFFFFFFFF  }
0x96: {  	s16 =	sld [smem:$0x11];
	(tm) =	ssettm $0x1  }
0x97: {  	s17 =	sld [smem:$0x3FFB];
	_ =	sdelay $0x3  }
0x98: {  	_ =	strace s17  }
0x99: {  	s3 =	sld [smem:$0x3FFC];
	_ =	sdelay $0x3  }
0x9a: {  	_ =	strace s3  }
0x9b: {  	s3 =	sld [smem:$0x3FFD];
	_ =	sdelay $0x3  }
0x9c: {  	_ =	strace s3  }
0x9d: {  	_ =	strace $0x8FFFFFFF  }
0x9e: {  	s18 =	sld [smem:$0x3FDB];
	_ =	sdelay $0x1  }
0x9f: {  	s19 =	simm.s32 $_scs_section_size  }
0xa0: {  	s5 =	simm.s32 $_size__tile_overlayer_lowered;
	s6 =	simm.s32 $_tile_overlayer_lowered  }
0xa1: {  	s22 =	simm.s32 $0x1BFF;
	s21 =	sshll.u32 s6, $0x1;
	s3 =	sadd.s32 s19, s18  }
0xa2: {  	s7 =	simm.s32 $0x0;
	s20 =	sshll.u32 s5, $0x1;
	s5 =	sadd.s32 s21, s3  }
0xa3: {  	[timem:s7], [sflag:s22] =	dma.local [hbm:s5], s20  }
0xa4: {  	_ =	swait.ge [sflag:s22], s20  }
0xa5: {  	s4 =	ssub.s32 $0x0, s20;
	[sflag:s22] =	ssyncset.done $0x0  }
0xa6: {  	[sflag:s22] =	ssyncadd.s32 s4;
	_ =	sdelay $0x1  }
0xa7: {  	s23 =	simm.s32 $0x1B8B  }
0xa8: {  	_ =	swait.ge [sflag:s23], $0x1  }
0xa9: {  	[sflag:s23] =	ssyncset.done $0x0  }
0xaa: {  	s25 =	simm.s32 $0x1B8E;
	s24 =	sld [smem:$0x3FFE];
	[sflag:s23] =	ssyncadd.s32 $0xFFFFFFFF  }
0xab: {  	s26 =	simm.s32 $execute0_lowered;
	[smem:$0x3FD2] =	sst s25  }
0xac: {  	s5 =	sshll.u32 s26, $0x1;
	_ =	strace $0x80000046;
	[dreg:$0x1] =	wrdreg $0xFFFFFFFF  }
0xad: {  	s28 =	simm.s32 $_size_execute0_lowered;
	s3 =	sadd.s32 s3, s5;
	[dreg:$0x0] =	wrdreg $0x0  }
0xae: {  	s5 =	sshll.u32 s28, $0x1;
	[dreg:$0x2] =	wrdreg s3  }
0xaf: {  	[dreg:$0x3] =	wrdreg s5  }
0xb0: {  	[dreg:$0x4] =	wrdreg $0xC0  }
0xb1: {  	_ =	task [dreg:s7], $0x5FFFF  }
0xb2: {  	[dreg:$0x1] =	wrdreg $0xFFFFFFFF  }
0xb3: {  	[dreg:$0x0] =	wrdreg $0x60  }
0xb4: {  	[dreg:$0x2] =	wrdreg s24  }
0xb5: {  	[dreg:$0x3] =	wrdreg s16  }
0xb6: {  	[dreg:$0x4] =	wrdreg $0x0  }
0xb7: {  	[dreg:$0x5] =	wrdreg $0x9  }
0xb8: {  	_ =	task.clear_ibuf [dreg:s7], $0x6FFFF;
	_ =	strace $0x90000046  }
0xb9: {  	s29 =	simm.s32 $0x9;
	_ =	strace $0x80000048  }
0xba: {  	_ =	swait.ge [sflag:s29], $0x1  }
0xbb: {  	[sflag:s29] =	ssyncadd.s32 $0xFFFFFFFF  }
0xbc: {  	_ =	strace $0x90000048  }
0xbd: {  	_ =	sfence  }
0xbe: {  	s30 =	sld [smem:$0x0];
	_ =	sdelay $0x2  }
0xbf: {  	s31 =	sshll.u32 s1, $0xD;
	s1 =	sshrl.u32 s1, $0x2  }
0xc0: {  	s3 =	sand.u32 $0x4000, s31;
	s1 =	sadd.s32 s1, s30  }
0xc1: {  	s0 =	sor.u32 s3, s0;
	s1 =	sshll.u32 s1, $0x11  }
0xc2: {  	s0 =	sor.u32 s1, s0  }
0xc3: {  	s0 =	sadd.s32 $0x8F2B, s0  }
0xc4: {  	[sflag:s0] =	ssyncadd.remote.s32 $0x1  }
0xc5: {  	_ =	sfence.sel $0xFFFF  }
0xc6: {  	[dreg:$0x0] =	wrdreg $0xFFFFFFFF;
	(pc) =	sbr.abs _section_cstart, $3  }
0xc7: {  	[dreg:$0x1] =	wrdreg $0xFFFFFFFF  }
0xc8: {  	_ =	task.clear_ibuf [dreg:s7], $0x2FFFF;
	_ =	strace $0x9FFFFFFF  }
0xc9: {  	(tm) =	ssettm $0x7FFFFFFF  }
tec
execute0_lowered:
.L_overlay_start_1:
0x0: {  	(tag) =	ssettag $0x1  }
0x1: {  	s6 =	rddreg [dreg:$0x0]  }
0x2: {  	s8 =	rddreg [dreg:$0x1]  }
0x3: {  	s1 =	rddreg [dreg:$0x2]  }
0x4: {  	s0 =	rddreg [dreg:$0x3];
	s2 =	simm.s32 $0x0;
	s5 =	srdreg.scid  }
0x5: {  	s7 =	stileid.u32;
	s17 =	simm.s32 $0xDBC0;
	s18 =	simm.s32 $0x2  }
0x6: {  	s21 =	simm.s32 $0x10DC0;
	[smem:$0x7FF] =	sst s2;
	s3 =	sadd.s32 $0x3400, s6  }
0x7: {  	s4 =	sadd.s32 $0xC6A00, s6;
	s19 =	sand.u32 $0x1, s5;
	s5 =	sadd.s32 $0xCBA00, s6  }
0x8: {  	s6 =	sadd.s32 $0xFC800, s6;
	s14 =	sadd.s32 $0x27500, s1;
	s15 =	sadd.s32 $0x4EA00, s1  }
0x9: {  	s16 =	sadd.s32 $0x75F00, s1;
	p0 =	sne.s32 s7, $0x0;
	_ =	strace $0x80000047  }
0xa: {  	s9 =	ssub.s32 $0x2, s19;
	s20 =	smul.u32 $0x27100, s19;
	s13 =	sshrl.u32 @!p0 s1, $0x3  }
.Ltmp0:
0xb: {  	s14 =	sshrl.u32 @!p0 s14, $0x3;
	s15 =	sshrl.u32 @!p0 s15, $0x3;
	(pc) =	sbr.rel .LBB2_1-.Ltmp0, $4  }
0xc: {  	s16 =	sshrl.u32 @!p0 s16, $0x3;
	p1 =	sne.s32 s19, $0x0;
	s10 =	sshrl.u32 s9, $0x1  }
0xd: {  	s19 =	simm.s32 $0x3200;
	s12 =	ssub.s32 s9, s10;
	s31 =	sshrl.u32 s20, $0x3  }
0xe: {  	v0 =	vmov s20;
	s20 =	simm.s32 $0x9D40;
	s8 =	sadd.s32 s8, s31;
	s12 =	smax.u32 s12, $0x1  }
0xf: {  	v1 =	vimm.f32 $1.000000000e+00;
	v2 =	vlaneseq.u32;
	s9 =	sadd.s32 $0x9D00, s8;
	s10 =	sadd.s32 $0x13A00, s8;
	s11 =	sadd.s32 $0x1D700, s8  }
.LBB2_9:
0x10: {  	[bflag:$0x0] =	sbarrier.arrive $0xFFFF;
	s22 =	simm.s32 @!p0 $0x1C01;
	s23 =	simm.s32 @!p0 $0x1  }
0x11: {  	[hbm:s8], [sflag:s22] =	dma.local @!p0 [spmem:s13], $0x4E20  }
0x12: {  	_ =	swait.ge @!p0 [sflag:s23], $0x4E20  }
0x13: {  	[sflag:s23] =	ssyncset.done @!p0 $0x0  }
0x14: {  	[sflag:s23] =	ssyncadd.s32 @!p0 $0xFFFFB1E0  }
0x15: {  	[hbm:s9], [sflag:s22] =	dma.local @!p0 [spmem:s14], $0x4E20  }
0x16: {  	_ =	swait.ge @!p0 [sflag:s23], $0x4E20  }
0x17: {  	[sflag:s23] =	ssyncset.done @!p0 $0x0  }
0x18: {  	[sflag:s23] =	ssyncadd.s32 @!p0 $0xFFFFB1E0  }
0x19: {  	[hbm:s10], [sflag:s22] =	dma.local @!p0 [spmem:s15], $0x4E20  }
0x1a: {  	s2 =	sadd.s32 $0x1, s2;
	_ =	swait.ge @!p0 [sflag:s23], $0x4E20  }
0x1b: {  	p2 =	sne.s32 s2, s12;
	[sflag:s23] =	ssyncset.done @!p0 $0x0  }
.Ltmp1:
0x1c: {  	[sflag:s23] =	ssyncadd.s32 @!p0 $0xFFFFB1E0;
	(pc) =	sbr.rel @!p2 .LBB2_10-.Ltmp1, $4  }
0x1d: {  	[hbm:s11], [sflag:s22] =	dma.local @!p0 [spmem:s16], $0x4E20  }
0x1e: {  	_ =	swait.ge @!p0 [sflag:s23], $0x4E20  }
0x1f: {  	[sflag:s23] =	ssyncset.done @!p0 $0x0  }
0x20: {  	[sflag:s23] =	ssyncadd.s32 @!p0 $0xFFFFB1E0  }
.LBB2_1:
0x21: {  	s22 =	simm.s32 @!p0 $0x1C01;
	s23 =	simm.s32 @!p0 $0x1  }
0x22: {  	[spmem:s13], [sflag:s22] =	dma.local @!p0 [hbm:s4], $0x4EA0  }
0x23: {  	_ =	swait.ge @!p0 [sflag:s23], $0x4EA0  }
0x24: {  	[sflag:s23] =	ssyncset.done @!p0 $0x0  }
0x25: {  	[sflag:s23] =	ssyncadd.s32 @!p0 $0xFFFFB160  }
0x26: {  	[spmem:s14], [sflag:s22] =	dma.local @!p0 [hbm:s4], $0x4EA0  }
0x27: {  	_ =	swait.ge @!p0 [sflag:s23], $0x4EA0  }
0x28: {  	[sflag:s23] =	ssyncset.done @!p0 $0x0  }
0x29: {  	[sflag:s23] =	ssyncadd.s32 @!p0 $0xFFFFB160  }
0x2a: {  	[spmem:s15], [sflag:s22] =	dma.local @!p0 [hbm:s4], $0x4EA0  }
0x2b: {  	_ =	swait.ge @!p0 [sflag:s23], $0x4EA0  }
0x2c: {  	[sflag:s23] =	ssyncset.done @!p0 $0x0  }
0x2d: {  	[sflag:s23] =	ssyncadd.s32 @!p0 $0xFFFFB160  }
0x2e: {  	[spmem:s16], [sflag:s22] =	dma.local @!p0 [hbm:s4], $0x4EA0  }
0x2f: {  	_ =	swait.ge @!p0 [sflag:s23], $0x4EA0  }
0x30: {  	[sflag:s23] =	ssyncset.done @!p0 $0x0  }
0x31: {  	s22 =	simm.s32 $0x40;
	[sflag:s23] =	ssyncadd.s32 @!p0 $0xFFFFB160;
	s23 =	simm.s32 $0x0  }
.LBB2_2:
0x32: {  	p2 =	sne.s32 s22, $0x31C0;
	[tilespmem:s23+$0x10DC0] =	vst v1;
	s23 =	smov.u32 s22;
	s22 =	sadd.s32 $0x40, s22  }
.Ltmp2:
0x33: {  	(pc) =	sbr.rel @p2 .LBB2_2-.Ltmp2, $2  }
0x34: {  	_ =	sdelay $0x2  }
0x35: {  	s23 =	sshra.s32 s23, $0x2  }
.Ltmp3:
0x36: {  	(pc) =	sbr.rel .LBB2_4-.Ltmp3, $4  }
0x37: {  	_ = 	snop  }
0x38: {  	[tilespmem:s23+$0x10DC0] =	vst v1  }
0x39: {  	[bflag:$0x0] =	sbarrier.arrive $0xFFFF  }
0x3a: {  	s22 =	simm.s32 $0x0  }
.LBB2_8:
0x3b: {  	s22 =	sadd.s32 $0x1, s22  }
0x3c: {  	p2 =	sne.s32 s22, $0x20  }
.Ltmp4:
0x3d: {  	_ = 	snop;
	(pc) =	sbr.rel @!p2 .LBB2_9-.Ltmp4, $1  }
0x3e: {  	_ =	sdelay $0x3  }
.LBB2_4:
0x3f: {  	s23 =	sshll.u32 s22, $0x4  }
0x40: {  	s23 =	sor.u32 s7, s23  }
0x41: {  	p2 =	sgt.u32 s23, $0x1F3  }
.Ltmp5:
0x42: {  	_ = 	snop;
	(pc) =	sbr.rel @p2 .LBB2_8-.Ltmp5, $1  }
0x43: {  	_ =	sdelay $0x3  }
0x44: {  	s24 =	smul.u32 $0x640, s23;
	_ =	sdelay $0x1  }
0x45: {  	s25 =	simm.s32 $0x0;
	s24 =	sadd.s32 s3, s24  }
0x46: {  	[tilespmem:s17], [sflag:$0x2] =	stream.linear.gather [hbm4b:s24+s25], $0x3200, $0x38;
	[tilespmem:$0x13FC0] =	vst v63  }
0x47: {  	_ =	swait.ge [sflag:s18], $0x3200  }
0x48: {  	s31 =	sand.u32 $0x3E00, s25;
	s26 =	sand.u32 $0x70, s25;
	[sflag:s18] =	ssyncset.done $0x0  }
0x49: {  	s24 =	sor.u32 s26, s31;
	[sflag:s18] =	ssyncadd.s32 $0xFFFFCE00  }
0x4a: {  	v4 =	vld [tilespmem:s24+$0xDC40];
	_ =	sdelay $0x1  }
0x4b: {  	v5 =	vld [tilespmem:s24+$0xDCC0]  }
0x4c: {  	v6 =	vld [tilespmem:s24+$0xDD40];
	_ =	sdelay $0x1  }
0x4d: {  	v3 =	vadd.f32 $5.000000000e+01, v4  }
0x4e: {  	v7 =	vld [tilespmem:s24+$0xDBC0]  }
0x4f: {  	v8 =	vadd.f32 $5.000000000e+01, v5;
	v3 =	vtrunc.f32 v3  }
0x50: {  	v9 =	vadd.f32 $5.000000000e+00, v6;
	v3 =	vcvt.f32.s32 v3  }
0x51: {  	v8 =	vtrunc.f32 v8  }
0x52: {  	v9 =	vtrunc.f32 v9;
	v8 =	vcvt.f32.s32 v8;
	vm0 =	vgt.s32 v3, $0x0  }
0x53: {  	v7 =	vtrunc.f32 v7;
	v9 =	vcvt.f32.s32 v9;
	v3 =	vnsel vm0, $0x0, v3  }
0x54: {  	v7 =	vcvt.f32.s32 v7;
	vm13 =	vgt.s32 v8, $0x0;
	v3 =	vmin.u32 v3, $0x63  }
0x55: {  	vm14 =	vgt.s32 v9, $0x0;
	v8 =	vnsel vm13, $0x0, v8;
	v3 =	vmul.u32 $0x64, v3  }
0x56: {  	s23 =	smul.u32 $0xC80, s23;
	v7 =	vmul.u32 $0x13880, v7;
	v9 =	vnsel vm14, $0x0, v9;
	v8 =	vmin.u32 v8, $0x63  }
0x57: {  	v9 =	vmin.u32 v9, $0x7;
	v8 =	vadd.s32 v8, v3  }
0x58: {  	v7 =	vor.u32 v7, v9;
	v3 =	vor.u32 s23, v2;
	v8 =	vshll.u32 v8, $0x3  }
0x59: {  	v62 =	vadd.s32 s25, v3;
	v7 =	vadd.s32 v8, v7  }
0x5a: {  	v8 =	vand.u32 $0x3FF, v62;
	v63 =	vsub.s32 v7, v0  }
0x5b: {  	s31 =	simm.s32 $0x0;
	v8 =	vadd.s32 $0x27100, v8;
	vm15 =	vlt.u32 v63, $0x27100  }
0x5c: {  	[tilespmem:s31+$0xCF40] =	vst v7;
	v8 =	vsel vm15, v63, v8  }
0x5d: {  	s28 =	sand.u32 $0xFF0, s25;
	[tilespmem:s31+$0x9D40] =	vst v8;
	v7 =	vadd.s32 $0x75F00, v8  }
0x5e: {  	v9 =	vadd.s32 $0x27500, v8;
	[tilespmem:s28+$0xC2C0] =	vst v7  }
0x5f: {  	[tilespmem:s28+$0xA9C0] =	vst v9  }
0x60: {  	[tilespmem:s28+$0x13340] =	vst v6  }
0x61: {  	s24 =	simm.s32 $0x10;
	s25 =	simm.s32 $0x40;
	v7 =	vadd.s32 $0x4EA00, v8;
	[tilespmem:s28+$0x126C0] =	vst v5  }
0x62: {  	s26 =	simm.s32 $0x20;
	s30 =	sand.u32 $0x70, s24;
	s29 =	sand.u32 $0x3E00, s25;
	[tilespmem:s28+$0xB640] =	vst v7  }
.LBB2_6:
0x63: {  	p2 =	sne.s32 s26, $0xC70;
	s29 =	sor.u32 s30, s29;
	[tilespmem:s28+$0x11A40] =	vst v4  }
0x64: {  	v4 =	vld [tilespmem:s29+$0xDC40]  }
0x65: {  	v5 =	vld [tilespmem:s29+$0xDCC0]  }
0x66: {  	v6 =	vld [tilespmem:s29+$0xDD40]  }
0x67: {  	v7 =	vld [tilespmem:s29+$0xDBC0];
	_ =	sdelay $0x1  }
0x68: {  	v8 =	vadd.f32 $5.000000000e+01, v4;
	_ =	sdelay $0x1  }
0x69: {  	v9 =	vadd.f32 $5.000000000e+01, v5;
	v8 =	vtrunc.f32 v8  }
0x6a: {  	v10 =	vadd.f32 $5.000000000e+00, v6;
	v8 =	vcvt.f32.s32 v8  }
0x6b: {  	v9 =	vtrunc.f32 v9  }
0x6c: {  	v9 =	vcvt.f32.s32 v9;
	v10 =	vtrunc.f32 v10;
	vm0 =	vgt.s32 v8, $0x0  }
0x6d: {  	v7 =	vtrunc.f32 v7;
	v10 =	vcvt.f32.s32 v10;
	v8 =	vnsel vm0, $0x0, v8  }
0x6e: {  	v7 =	vcvt.f32.s32 v7;
	vm0 =	vgt.s32 v9, $0x0;
	v8 =	vmin.u32 v8, $0x63  }
0x6f: {  	v9 =	vnsel vm0, $0x0, v9;
	vm0 =	vgt.s32 v10, $0x0;
	v8 =	vmul.u32 $0x64, v8  }
0x70: {  	v7 =	vmul.u32 $0x13880, v7;
	v9 =	vmin.u32 v9, $0x63;
	v10 =	vnsel vm0, $0x0, v10  }
0x71: {  	v10 =	vmin.u32 v10, $0x7;
	v8 =	vadd.s32 v9, v8  }
0x72: {  	v7 =	vor.u32 v7, v10;
	v8 =	vshll.u32 v8, $0x3  }
0x73: {  	v7 =	vadd.s32 v8, v7;
	v8 =	vadd.s32 s24, v3  }
0x74: {  	v9 =	vsub.s32 v7, v0;
	v8 =	vand.u32 $0x3FF, v8  }
0x75: {  	s28 =	sshra.s32 s25, $0x2;
	vm0 =	vlt.u32 v9, $0x27100;
	v8 =	vadd.s32 $0x27100, v8  }
0x76: {  	v8 =	vsel vm0, v9, v8;
	[tilespmem:s28+$0xCF40] =	vst v7  }
0x77: {  	[tilespmem:s28+$0x9D40] =	vst v8;
	v7 =	vadd.s32 $0x27500, v8;
	s28 =	sand.u32 $0xFF0, s24;
	v9 =	vadd.s32 $0x4EA00, v8;
	v8 =	vadd.s32 $0x75F00, v8;
	s24 =	smov.u32 s26  }
.Ltmp6:
0x78: {  	[tilespmem:s28+$0xC2C0] =	vst v8;
	(pc) =	sbr.rel @p2 .LBB2_6-.Ltmp6, $4  }
0x79: {  	[tilespmem:s28+$0xA9C0] =	vst v7  }
0x7a: {  	[tilespmem:s28+$0xB640] =	vst v9  }
0x7b: {  	s25 =	sadd.s32 $0x40, s25;
	[tilespmem:s28+$0x13340] =	vst v6  }
0x7c: {  	s29 =	sand.u32 $0x3E00, s25;
	s26 =	sadd.s32 $0x10, s26;
	s30 =	sand.u32 $0x70, s24;
	[tilespmem:s28+$0x126C0] =	vst v5  }
0x7d: {  	s26 =	sor.u32 s30, s29;
	[tilespmem:s28+$0x11A40] =	vst v4  }
0x7e: {  	v4 =	vld [tilespmem:s26+$0xDC40];
	_ =	sdelay $0x1  }
0x7f: {  	v5 =	vld [tilespmem:s26+$0xDCC0]  }
0x80: {  	v6 =	vld [tilespmem:s26+$0xDD40];
	_ =	sdelay $0x1  }
0x81: {  	v7 =	vadd.f32 $5.000000000e+01, v4  }
0x82: {  	v8 =	vld [tilespmem:s26+$0xDBC0]  }
0x83: {  	v9 =	vadd.f32 $5.000000000e+01, v5;
	v7 =	vtrunc.f32 v7  }
0x84: {  	v10 =	vadd.f32 $5.000000000e+00, v6;
	v7 =	vcvt.f32.s32 v7  }
0x85: {  	v9 =	vtrunc.f32 v9  }
0x86: {  	v10 =	vtrunc.f32 v10;
	v9 =	vcvt.f32.s32 v9;
	vm0 =	vgt.s32 v7, $0x0  }
0x87: {  	v8 =	vtrunc.f32 v8;
	v10 =	vcvt.f32.s32 v10;
	v7 =	vnsel vm0, $0x0, v7  }
0x88: {  	v8 =	vcvt.f32.s32 v8;
	vm13 =	vgt.s32 v9, $0x0;
	v7 =	vmin.u32 v7, $0x63  }
0x89: {  	vm14 =	vgt.s32 v10, $0x0;
	v9 =	vnsel vm13, $0x0, v9;
	v7 =	vmul.u32 $0x64, v7  }
0x8a: {  	v8 =	vmul.u32 $0x13880, v8;
	v10 =	vnsel vm14, $0x0, v10;
	v9 =	vmin.u32 v9, $0x63  }
0x8b: {  	v10 =	vmin.u32 v10, $0x7;
	v7 =	vadd.s32 v9, v7  }
0x8c: {  	v8 =	vor.u32 v8, v10;
	v7 =	vshll.u32 v7, $0x3  }
0x8d: {  	v3 =	vadd.s32 s24, v3;
	v7 =	vadd.s32 v7, v8  }
0x8e: {  	v3 =	vand.u32 $0x3FF, v3;
	v8 =	vsub.s32 v7, v0  }
0x8f: {  	s25 =	sshra.s32 s25, $0x2;
	v3 =	vadd.s32 $0x27100, v3;
	vm15 =	vlt.u32 v8, $0x27100  }
0x90: {  	[tilespmem:s25+$0xCF40] =	vst v7;
	v3 =	vsel vm15, v8, v3  }
0x91: {  	s31 =	sand.u32 $0xFF0, s24;
	[tilespmem:s25+$0x9D40] =	vst v3;
	v63 =	vadd.s32 $0x75F00, v3  }
0x92: {  	v8 =	vadd.s32 $0x27500, v3;
	[tilespmem:s31+$0xC2C0] =	vst v63  }
0x93: {  	v3 =	vadd.s32 $0x4EA00, v3;
	[tilespmem:s31+$0xA9C0] =	vst v8  }
0x94: {  	[tilespmem:s31+$0xB640] =	vst v3  }
0x95: {  	[tilespmem:s31+$0x13340] =	vst v6  }
0x96: {  	[tilespmem:s31+$0x126C0] =	vst v5  }
0x97: {  	[tilespmem:s31+$0x11A40] =	vst v4  }
0x98: {  	[spmem:s1] =	stream.indirect.scatter.add.f32 [tilespmem:s21], [sflag:$0x2], $0x1, s20, s19, $0xb8;
	[tilespmem:$0x13FC0] =	vst v63  }
0x99: {  	s23 =	sshrl.u32 @!p1 s23, $0x3;
	_ =	swait.ge [sflag:s18], $0x3200  }
0x9a: {  	s24 =	sadd.s32 @!p1 s5, s23;
	[sflag:s18] =	ssyncset.done $0x0  }
0x9b: {  	s26 =	simm.s32 @!p1 $0xCF40;
	s25 =	simm.s32 @!p1 $0x0;
	[sflag:s18] =	ssyncadd.s32 $0xFFFFCE00  }
0x9c: {  	[hbm4b:s24+s25] =	stream.linear.scatter @!p1 [tilespmem:s26], [sflag:$0x2], $0xC80, $0x38;
	[tilespmem:$0x13FC0] =	vst v63  }
0x9d: {  	s24 =	simm.s32 @!p1 $0x2  }
0x9e: {  	_ =	swait.ge @!p1 [sflag:s24], $0xC80  }
0x9f: {  	[sflag:s24] =	ssyncset.done @!p1 $0x0  }
0xa0: {  	s23 =	sadd.s32 @!p1 s6, s23;
	s26 =	simm.s32 @!p1 $0x11A40;
	[sflag:s24] =	ssyncadd.s32 @!p1 $0xFFFFF380  }
0xa1: {  	[hbm4b:s23+s25] =	stream.linear.scatter @!p1 [tilespmem:s26], [sflag:$0x2], $0xC80, $0x38;
	[tilespmem:$0x13FC0] =	vst v63  }
0xa2: {  	_ =	swait.ge @!p1 [sflag:s24], $0xC80  }
0xa3: {  	[sflag:s24] =	ssyncset.done @!p1 $0x0  }
0xa4: {  	s28 =	simm.s32 @!p1 $0x126C0;
	s26 =	sadd.s32 @!p1 $0x30D40, s23;
	[sflag:s24] =	ssyncadd.s32 @!p1 $0xFFFFF380  }
0xa5: {  	[hbm4b:s26+s25] =	stream.linear.scatter @!p1 [tilespmem:s28], [sflag:$0x2], $0xC80, $0x38;
	[tilespmem:$0x13FC0] =	vst v63  }
0xa6: {  	_ =	swait.ge @!p1 [sflag:s24], $0xC80  }
0xa7: {  	[sflag:s24] =	ssyncset.done @!p1 $0x0  }
0xa8: {  	s23 =	sadd.s32 @!p1 $0x61A80, s23;
	[sflag:s24] =	ssyncadd.s32 @!p1 $0xFFFFF380;
	s24 =	simm.s32 @!p1 $0x13340  }
0xa9: {  	[hbm4b:s23+s25] =	stream.linear.scatter @!p1 [tilespmem:s24], [sflag:$0x1], $0xC80, $0x38;
	[tilespmem:$0x13FC0] =	vst v63  }
.Ltmp7:
0xaa: {  	_ = 	snop;
	(pc) =	sbr.rel .LBB2_8-.Ltmp7, $4  }
0xab: {  	s23 =	simm.s32 @!p1 $0x1  }
0xac: {  	_ =	swait.ge @!p1 [sflag:s23], $0xC80  }
0xad: {  	[sflag:s23] =	ssyncset.done @!p1 $0x0  }
0xae: {  	[sflag:s23] =	ssyncadd.s32 @!p1 $0xFFFFF380  }
.LBB2_10:
0xaf: {  	_ =	sfence.sel $0x180000  }
0xb0: {  	[bflag:$0x0] =	sbarrier.arrive $0xFFFF  }
0xb1: {  	_ =	strace $0x90000047  }
0xb2: {  	s0 =	sadd.s32 @!p0 $0x100000, s0;
	[bflag:$0x2] =	sbarrier.arrive $0xFFFF  }
0xb3: {  	[sflag:s0] =	ssyncadd.tile.s32 @!p0 $0x1;
	_ =	shalt  }
.Lfunc_end2:
_tile_overlayer_lowered:
.L_overlay_start_2:
0xb4: {  	(tag) =	ssettag $0x2  }
0xb5: {  	s0 =	rddreg [dreg:$0x0];
	s2 =	stileid.u32  }
0xb6: {  	s1 =	rddreg [dreg:$0x1];
	p0 =	sne.s32 s2, $0x0  }
0xb7: {  	s3 =	rddreg [dreg:$0x2];
	[bflag:$0x3] =	sbarrier.arrive $0xFFFF;
	s2 =	simm.s32 @!p0 $0x1C01  }
0xb8: {  	[timem:s3], [sflag:s2] =	dma.local @!p0 [hbm:s0], s1  }
0xb9: {  	s0 =	simm.s32 @!p0 $0x1  }
0xba: {  	_ =	swait.ge @!p0 [sflag:s0], s1  }
0xbb: {  	s1 =	ssub.s32 @!p0 $0x0, s1;
	[sflag:s0] =	ssyncset.done @!p0 $0x0  }
0xbc: {  	[sflag:s0] =	ssyncadd.s32 @!p0 s1  }
0xbd: {  	[bflag:$0x3] =	sbarrier.arrive $0xFFFF  }
0xbe: {  	_ =	shalt  }

// kernel: kernel.9.cloned.1.call-start
scs
__scs_entry_jumppad:
0x0: {  	(pc) =	sbr.rel $0x88, $3  }
0x1: {  	(tag) =	ssettag $0x0;
	lr =	simm.s32 $0x1  }
0x2: {  	[smem:$0x3FA0] =	sst lr;
	_ =	strace $0xD0000000  }
0x3: {  	_ = 	snop  }
0x4: {  	_ = 	snop  }
0x5: {  	_ = 	snop  }
0x6: {  	_ = 	snop  }
0x7: {  	_ = 	snop  }
__scs_overlays_trampoline_lowered:
0x8: {  	[smem:$0x3FAF] =	sst s0  }
0x9: {  	[smem:$0x3FB0] =	sst s1  }
0xa: {  	[smem:$0x3FB1] =	sst s2  }
0xb: {  	[smem:$0x3FB2] =	sst s3  }
0xc: {  	[smem:$0x3FB3] =	sst s4  }
0xd: {  	[smem:$0x3FB4] =	sst s5  }
0xe: {  	[smem:$0x3FB5] =	sst s6  }
0xf: {  	[smem:$0x3FB6] =	sst s7  }
0x10: {  	[smem:$0x3FB7] =	sst s8  }
0x11: {  	[smem:$0x3FB8] =	sst s9;
	s0 =	simm.s32 @!p0 $0x0  }
0x12: {  	s1 =	sld [smem:$0x3F9E];
	s0 =	simm.s32 @p0 $0x1  }
0x13: {  	[smem:$0x3FB9] =	sst s0;
	s0 =	simm.s32 @!p1 $0x0  }
0x14: {  	s2 =	sld [smem:$0x3F9D];
	s0 =	simm.s32 @p1 $0x1  }
0x15: {  	[smem:$0x3FBA] =	sst s0;
	s0 =	simm.s32 @!p2 $0x0  }
0x16: {  	s3 =	sld [smem:$0x3FDB];
	s0 =	simm.s32 @p2 $0x1  }
0x17: {  	s4 =	simm.s32 $0x1BF5;
	[smem:$0x3FBC] =	sst s0  }
0x18: {  	s0 =	sld [smem:$0x3F9F];
	_ =	swait.ge [sflag:s4], $0x0  }
0x19: {  	s7 =	sld [smem:$0x3FA0]  }
0x1a: {  	s8 =	sadd.s32 $0xFFFFE003, lr  }
0x1b: {  	s9 =	sadd.s32 $0xFFFFFEF7, lr;
	s5 =	simm.s32 $0xFFFFFFFF;
	p2 =	slt.u32 s8, $0xFFFFF086  }
0x1c: {  	p1 =	slt.u32 s9, $0xF7A;
	s5 =	simm.s32 @!p2 $0x0  }
0x1d: {  	s5 =	simm.s32 @p1 $0x1;
	p0 =	seq.s32 s7, s2  }
0x1e: {  	s7 =	smul.u32 @!p0 $0xF7A, s2;
	p2 =	seq.s32 @!p0 s5, $0x0  }
0x1f: {  	s9 =	smul.u32 $0xF7A, s1;
	s8 =	simm.s32 @!p0 $0x1BF5;
	p2 =	por !p2, p0  }
0x20: {  	[sflag:s8] =	ssyncset.s32 @!p0 $0xFFFFF086;
	s6 =	sadd.s32 @!p0 s3, s7;
	s7 =	simm.s32 @!p0 $0x108  }
0x21: {  	s3 =	sadd.s32 s3, s9;
	s6 =	sadd.s32 @!p0 $0x88, s6;
	s7 =	simm.s32 @p2 $0x1082  }
0x22: {  	[simem:s7], [sflag:s8] =	dma.local @!p0 [hbm:s6], $0xF7A  }
0x23: {  	s9 =	sor.u32 $0xD0000000, s2;
	s6 =	simm.s32 $0x108;
	_ =	swait.ge @!p0 [sflag:s8], $0x0  }
0x24: {  	s3 =	sadd.s32 $0x88, s3;
	s6 =	simm.s32 @!p1 $0x1082;
	[sflag:s4] =	ssyncset.s32 $0xFFFFF086  }
0x25: {  	[simem:s6], [sflag:s4] =	dma.local [hbm:s3], $0xF7A  }
0x26: {  	[smem:$0x3FA0] =	sst s1;
	(tag) =	ssettag s2;
	_ =	strace s9  }
0x27: {  	s1 =	sld [smem:$0x3FB0]  }
0x28: {  	s2 =	sld [smem:$0x3FB1]  }
0x29: {  	s4 =	sld [smem:$0x3FB3]  }
0x2a: {  	p0 =	seq.s32 s5, $0x0;
	s5 =	sld [smem:$0x3FB4]  }
0x2b: {  	s6 =	sld [smem:$0x3FB5]  }
0x2c: {  	s7 =	sld [smem:$0x3FB6]  }
0x2d: {  	s3 =	simm.s32 $0x108;
	s8 =	sld [smem:$0x3FB7]  }
0x2e: {  	s3 =	simm.s32 @!p0 $0x1082;
	s9 =	sld [smem:$0x3FB8]  }
0x2f: {  	lr =	sadd.s32 s0, s3;
	s0 =	sld [smem:$0x3FAF]  }
0x30: {  	s3 =	sld [smem:$0x3FB2]  }
0x31: {  	[smem:$0x3FBB] =	sst s10  }
0x32: {  	s10 =	sld [smem:$0x3FB9];
	_ =	sdelay $0x3  }
0x33: {  	p0 =	seq.s32 s10, $0x1;
	s10 =	sld [smem:$0x3FBB];
	_ =	sdelay $0x3  }
0x34: {  	[smem:$0x3FBB] =	sst s10  }
0x35: {  	s10 =	sld [smem:$0x3FBA];
	_ =	sdelay $0x3  }
0x36: {  	p1 =	seq.s32 s10, $0x1;
	s10 =	sld [smem:$0x3FBB];
	_ =	sdelay $0x3  }
0x37: {  	[smem:$0x3FBB] =	sst s10  }
0x38: {  	s10 =	sld [smem:$0x3FBC]  }
0x39: {  	_ = 	snop;
	(pc) =	sbr.ind lr, $3  }
0x3a: {  	_ = 	snop  }
0x3b: {  	_ = 	snop  }
0x3c: {  	p2 =	seq.s32 s10, $0x1;
	s10 =	sld [smem:$0x3FBB]  }
0x3d: {  	_ =	shalt  }
0x3e: {  	_ =	shalt  }
0x3f: {  	_ =	shalt  }
0x40: {  	_ =	shalt  }
0x41: {  	_ =	shalt  }
0x42: {  	_ =	shalt  }
0x43: {  	_ =	shalt  }
0x44: {  	_ =	shalt  }
0x45: {  	_ =	shalt  }
0x46: {  	_ =	shalt  }
0x47: {  	_ =	shalt  }
0x48: {  	_ =	shalt  }
0x49: {  	_ =	shalt  }
0x4a: {  	_ =	shalt  }
0x4b: {  	_ =	shalt  }
0x4c: {  	_ =	shalt  }
0x4d: {  	_ =	shalt  }
0x4e: {  	_ =	shalt  }
0x4f: {  	_ =	shalt  }
0x50: {  	_ =	shalt  }
0x51: {  	_ =	shalt  }
0x52: {  	_ =	shalt  }
0x53: {  	_ =	shalt  }
0x54: {  	_ =	shalt  }
0x55: {  	_ =	shalt  }
0x56: {  	_ =	shalt  }
0x57: {  	_ =	shalt  }
0x58: {  	_ =	shalt  }
0x59: {  	_ =	shalt  }
0x5a: {  	_ =	shalt  }
0x5b: {  	_ =	shalt  }
0x5c: {  	_ =	shalt  }
0x5d: {  	_ =	shalt  }
0x5e: {  	_ =	shalt  }
0x5f: {  	_ =	shalt  }
0x60: {  	_ =	shalt  }
0x61: {  	_ =	shalt  }
0x62: {  	_ =	shalt  }
0x63: {  	_ =	shalt  }
0x64: {  	_ =	shalt  }
0x65: {  	_ =	shalt  }
0x66: {  	_ =	shalt  }
0x67: {  	_ =	shalt  }
0x68: {  	_ =	shalt  }
0x69: {  	_ =	shalt  }
0x6a: {  	_ =	shalt  }
0x6b: {  	_ =	shalt  }
0x6c: {  	_ =	shalt  }
0x6d: {  	_ =	shalt  }
0x6e: {  	_ =	shalt  }
0x6f: {  	_ =	shalt  }
0x70: {  	_ =	shalt  }
0x71: {  	_ =	shalt  }
0x72: {  	_ =	shalt  }
0x73: {  	_ =	shalt  }
0x74: {  	_ =	shalt  }
0x75: {  	_ =	shalt  }
0x76: {  	_ =	shalt  }
0x77: {  	_ =	shalt  }
0x78: {  	_ =	shalt  }
0x79: {  	_ =	shalt  }
0x7a: {  	_ =	shalt  }
0x7b: {  	_ =	shalt  }
0x7c: {  	_ =	shalt  }
0x7d: {  	_ =	shalt  }
0x7e: {  	_ =	shalt  }
0x7f: {  	_ =	shalt  }
0x80: {  	_ =	shalt  }
0x81: {  	_ =	shalt  }
0x82: {  	_ =	shalt  }
0x83: {  	_ =	shalt  }
0x84: {  	_ =	shalt  }
0x85: {  	_ =	shalt  }
0x86: {  	_ =	shalt  }
0x87: {  	_ =	shalt  }
.Lfunc_end0:
.L_simem_size_0:
called_computation.1_lowered:
.L_overlay_start_0:
0x88: {  	s2 =	sld [smem:$0x3FD9]  }
0x89: {  	s3 =	sld [smem:$0x3FFE];
	_ =	sdelay $0x1  }
0x8a: {  	s1 =	srdreg.scid  }
0x8b: {  	s0 =	sand.u32 $0x1, s1  }
0x8c: {  	s14 =	sshll.u32 s0, $0xA;
	s2 =	sadd.s32 s3, s2  }
0x8d: {  	s2 =	sadd.s32 s2, s14  }
0x8e: {  	[smem:$0x3FC7] =	sst s2  }
0x8f: {  	_ = 	snop  }
0x90: {  	s2 =	sld [smem:$0x3FD0];
	_ =	sdelay $0x2  }
0x91: {  	s15 =	simm.s32 $0xA;
	s4 =	simm.s32 $0x10  }
0x92: {  	[smem:s4], [sflag:s15] =	dma.local [hbm:s2], $0x1  }
0x93: {  	_ =	swait.eq [sflag:s15], $0x1  }
0x94: {  	[sflag:s15] =	ssyncset.done $0x0  }
0x95: {  	[sflag:s15] =	ssyncadd.s32 $0xFFFFFFFF  }
0x96: {  	s16 =	sld [smem:$0x11];
	(tm) =	ssettm $0x1  }
0x97: {  	s17 =	sld [smem:$0x3FFB];
	_ =	sdelay $0x3  }
0x98: {  	_ =	strace s17  }
0x99: {  	s3 =	sld [smem:$0x3FFC];
	_ =	sdelay $0x3  }
0x9a: {  	_ =	strace s3  }
0x9b: {  	s3 =	sld [smem:$0x3FFD];
	_ =	sdelay $0x3  }
0x9c: {  	_ =	strace s3  }
0x9d: {  	_ =	strace $0x8FFFFFFF  }
0x9e: {  	s18 =	sld [smem:$0x3FDB];
	_ =	sdelay $0x1  }
0x9f: {  	s19 =	simm.s32 $_scs_section_size  }
0xa0: {  	s5 =	simm.s32 $_size__tile_overlayer_lowered;
	s6 =	simm.s32 $_tile_overlayer_lowered  }
0xa1: {  	s22 =	simm.s32 $0x1BFF;
	s21 =	sshll.u32 s6, $0x1;
	s3 =	sadd.s32 s19, s18  }
0xa2: {  	s7 =	simm.s32 $0x0;
	s20 =	sshll.u32 s5, $0x1;
	s5 =	sadd.s32 s21, s3  }
0xa3: {  	[timem:s7], [sflag:s22] =	dma.local [hbm:s5], s20  }
0xa4: {  	_ =	swait.ge [sflag:s22], s20  }
0xa5: {  	s4 =	ssub.s32 $0x0, s20;
	[sflag:s22] =	ssyncset.done $0x0  }
0xa6: {  	[sflag:s22] =	ssyncadd.s32 s4;
	_ =	sdelay $0x1  }
0xa7: {  	s23 =	simm.s32 $0x1B8B  }
0xa8: {  	_ =	swait.ge [sflag:s23], $0x1  }
0xa9: {  	[sflag:s23] =	ssyncset.done $0x0  }
0xaa: {  	s25 =	simm.s32 $0x1B8E;
	s24 =	sld [smem:$0x3FFE];
	[sflag:s23] =	ssyncadd.s32 $0xFFFFFFFF  }
0xab: {  	s26 =	simm.s32 $execute0_lowered;
	[smem:$0x3FD2] =	sst s25  }
0xac: {  	s5 =	sshll.u32 s26, $0x1;
	_ =	strace $0x80000049;
	[dreg:$0x1] =	wrdreg $0xFFFFFFFF  }
0xad: {  	s28 =	simm.s32 $_size_execute0_lowered;
	s3 =	sadd.s32 s3, s5;
	[dreg:$0x0] =	wrdreg $0x0  }
0xae: {  	s5 =	sshll.u32 s28, $0x1;
	[dreg:$0x2] =	wrdreg s3  }
0xaf: {  	[dreg:$0x3] =	wrdreg s5  }
0xb0: {  	[dreg:$0x4] =	wrdreg $0xC0  }
0xb1: {  	_ =	task [dreg:s7], $0x5FFFF  }
0xb2: {  	[dreg:$0x1] =	wrdreg $0xFFFFFFFF  }
0xb3: {  	[dreg:$0x0] =	wrdreg $0x60  }
0xb4: {  	[dreg:$0x2] =	wrdreg s24  }
0xb5: {  	[dreg:$0x3] =	wrdreg s16  }
0xb6: {  	[dreg:$0x4] =	wrdreg $0x0  }
0xb7: {  	[dreg:$0x5] =	wrdreg $0xEBE00  }
0xb8: {  	[dreg:$0x6] =	wrdreg $0x9  }
0xb9: {  	_ =	task.clear_ibuf [dreg:s7], $0x7FFFF;
	_ =	strace $0x90000049  }
0xba: {  	s29 =	simm.s32 $0x9;
	_ =	strace $0x8000004B  }
0xbb: {  	_ =	swait.ge [sflag:s29], $0x1  }
0xbc: {  	[sflag:s29] =	ssyncadd.s32 $0xFFFFFFFF  }
0xbd: {  	_ =	strace $0x9000004B  }
0xbe: {  	_ =	sfence  }
0xbf: {  	s30 =	sld [smem:$0x0];
	_ =	sdelay $0x2  }
0xc0: {  	s31 =	sshll.u32 s1, $0xD;
	s1 =	sshrl.u32 s1, $0x2  }
0xc1: {  	s3 =	sand.u32 $0x4000, s31;
	s1 =	sadd.s32 s1, s30  }
0xc2: {  	s0 =	sor.u32 s3, s0;
	s1 =	sshll.u32 s1, $0x11  }
0xc3: {  	s0 =	sor.u32 s1, s0  }
0xc4: {  	s0 =	sadd.s32 $0x8F2B, s0  }
0xc5: {  	[sflag:s0] =	ssyncadd.remote.s32 $0x1  }
0xc6: {  	_ =	sfence.sel $0xFFFF  }
0xc7: {  	[dreg:$0x0] =	wrdreg $0xFFFFFFFF;
	(pc) =	sbr.abs _section_cstart, $3  }
0xc8: {  	[dreg:$0x1] =	wrdreg $0xFFFFFFFF  }
0xc9: {  	_ =	task.clear_ibuf [dreg:s7], $0x2FFFF;
	_ =	strace $0x9FFFFFFF  }
0xca: {  	(tm) =	ssettm $0x7FFFFFFF  }
0xcb: {  	_ =	shalt  }
tec
execute0_lowered:
.L_overlay_start_1:
0x0: {  	(tag) =	ssettag $0x1  }
0x1: {  	s0 =	rddreg [dreg:$0x0]  }
0x2: {  	s7 =	rddreg [dreg:$0x1]  }
0x3: {  	s1 =	rddreg [dreg:$0x2]  }
0x4: {  	s2 =	rddreg [dreg:$0x3]  }
0x5: {  	s4 =	srdreg.scid;
	s3 =	simm.s32 $0x0;
	s14 =	stileid.u32  }
0x6: {  	s5 =	sand.u32 $0x1, s4;
	[smem:$0x7FF] =	sst s3;
	s4 =	sadd.s32 $0xFC800, s0  }
0x7: {  	s6 =	sadd.s32 $0xC6A00, s0;
	s16 =	sadd.s32 $0x27500, s1;
	s17 =	sadd.s32 $0x4EA00, s1  }
0x8: {  	s18 =	sadd.s32 $0x75F00, s1;
	_ =	strace $0x8000004A;
	[dreg:$0x5] =	wrdreg s16  }
0x9: {  	s19 =	sadd.s32 $0x9D400, s1;
	s20 =	sadd.s32 $0xC4900, s1;
	[dreg:$0x6] =	wrdreg s17  }
0xa: {  	p0 =	sne.s32 s14, $0x0;
	s10 =	ssub.s32 $0x2, s5;
	[dreg:$0x7] =	wrdreg s18  }
0xb: {  	s8 =	smul.u32 $0x27100, s5;
	[dreg:$0x8] =	wrdreg s19;
	s12 =	sshrl.u32 s10, $0x1  }
0xc: {  	s5 =	sadd.s32 $0xCBA00, s0;
	[dreg:$0x9] =	wrdreg s20;
	s10 =	ssub.s32 s10, s12  }
0xd: {  	s9 =	sshrl.u32 s8, $0x3;
	s12 =	sadd.s32 $0x27100, s2;
	s26 =	smax.u32 s10, $0x1  }
0xe: {  	s11 =	sadd.s32 s9, s0;
	s0 =	sshrl.u32 @!p0 s12, $0x3;
	[dreg:$0x12] =	wrdreg s26  }
0xf: {  	s28 =	simm.s32 $0x1AF60;
	s21 =	sadd.s32 $0x3400, s11;
	[dreg:$0x13] =	wrdreg s0  }
0x10: {  	s29 =	simm.s32 $0x1B730;
	s13 =	sadd.s32 $0xD200, s11;
	[dreg:$0xa] =	wrdreg s21  }
0x11: {  	s16 =	sadd.s32 s7, s9;
	s11 =	sadd.s32 $0x17000, s11;
	[dreg:$0xb] =	wrdreg s13  }
0x12: {  	s30 =	simm.s32 $0x1770;
	s7 =	sadd.s32 $0x9D00, s16;
	[dreg:$0xc] =	wrdreg s11  }
0x13: {  	s31 =	simm.s32 $0x19010;
	s22 =	sadd.s32 $0x13A00, s16;
	[dreg:$0xd] =	wrdreg s7  }
0x14: {  	s15 =	smul.u32 $0x186A0, s14;
	s23 =	sadd.s32 $0x1D700, s16;
	[dreg:$0xe] =	wrdreg s22  }
0x15: {  	v0 =	vmov s8;
	s8 =	simm.s32 $0x16110;
	s24 =	sadd.s32 $0x27400, s16;
	[dreg:$0xf] =	wrdreg s23  }
0x16: {  	s25 =	sadd.s32 $0x31100, s16;
	s26 =	simm.s32 $0x1;
	[dreg:$0x10] =	wrdreg s24  }
0x17: {  	s0 =	simm.s32 $0x1BF10;
	s13 =	sadd.s32 $0x4E200, s2;
	[dreg:$0x11] =	wrdreg s25  }
0x18: {  	v1 =	vlaneseq.u32;
	s25 =	simm.s32 $0x1A790;
	s7 =	simm.s32 $0x2EE0;
	s24 =	sshrl.u32 @!p0 s13, $0x3  }
.LBB2_1:
0x19: {  	s9 =	sshrl.u32 @!p0 s1, $0x3;
	s17 =	simm.s32 @!p0 $0x1C01;
	s18 =	simm.s32 @!p0 $0x1  }
0x1a: {  	[spmem:s9], [sflag:s17] =	dma.local @!p0 [hbm:s6], $0x4EA0  }
0x1b: {  	_ =	swait.ge @!p0 [sflag:s18], $0x4EA0  }
0x1c: {  	[sflag:s18] =	ssyncset.done @!p0 $0x0;
	s10 =	rddreg [dreg:$0x5]  }
0x1d: {  	[sflag:s18] =	ssyncadd.s32 @!p0 $0xFFFFB160;
	s10 =	sshrl.u32 @!p0 s10, $0x3  }
0x1e: {  	[spmem:s10], [sflag:s17] =	dma.local @!p0 [hbm:s6], $0x4EA0  }
0x1f: {  	_ =	swait.ge @!p0 [sflag:s18], $0x4EA0  }
0x20: {  	[sflag:s18] =	ssyncset.done @!p0 $0x0;
	s11 =	rddreg [dreg:$0x6]  }
0x21: {  	[sflag:s18] =	ssyncadd.s32 @!p0 $0xFFFFB160;
	s11 =	sshrl.u32 @!p0 s11, $0x3  }
0x22: {  	[spmem:s11], [sflag:s17] =	dma.local @!p0 [hbm:s6], $0x4EA0  }
0x23: {  	_ =	swait.ge @!p0 [sflag:s18], $0x4EA0  }
0x24: {  	[sflag:s18] =	ssyncset.done @!p0 $0x0;
	s12 =	rddreg [dreg:$0x7]  }
0x25: {  	[sflag:s18] =	ssyncadd.s32 @!p0 $0xFFFFB160;
	s12 =	sshrl.u32 @!p0 s12, $0x3  }
0x26: {  	[spmem:s12], [sflag:s17] =	dma.local @!p0 [hbm:s6], $0x4EA0  }
0x27: {  	_ =	swait.ge @!p0 [sflag:s18], $0x4EA0  }
0x28: {  	[sflag:s18] =	ssyncset.done @!p0 $0x0;
	s13 =	rddreg [dreg:$0x8]  }
0x29: {  	[sflag:s18] =	ssyncadd.s32 @!p0 $0xFFFFB160;
	s13 =	sshrl.u32 @!p0 s13, $0x3  }
0x2a: {  	[spmem:s13], [sflag:s17] =	dma.local @!p0 [hbm:s6], $0x4EA0  }
0x2b: {  	_ =	swait.ge @!p0 [sflag:s18], $0x4EA0  }
0x2c: {  	[sflag:s18] =	ssyncset.done @!p0 $0x0;
	s14 =	rddreg [dreg:$0x9]  }
0x2d: {  	[sflag:s18] =	ssyncadd.s32 @!p0 $0xFFFFB160;
	s14 =	sshrl.u32 @!p0 s14, $0x3  }
0x2e: {  	[spmem:s14], [sflag:s17] =	dma.local @!p0 [hbm:s6], $0x4EA0  }
0x2f: {  	_ =	swait.ge @!p0 [sflag:s18], $0x4EA0  }
0x30: {  	[sflag:s18] =	ssyncset.done @!p0 $0x0  }
0x31: {  	s19 =	sshrl.u32 @!p0 s2, $0x3;
	s20 =	rddreg [dreg:$0xa];
	[sflag:s18] =	ssyncadd.s32 @!p0 $0xFFFFB160  }
0x32: {  	[spmem:s19], [sflag:s17] =	dma.local @!p0 [hbm:s20], $0x4E20  }
0x33: {  	_ =	swait.ge @!p0 [sflag:s18], $0x4E20  }
0x34: {  	[sflag:s18] =	ssyncset.done @!p0 $0x0;
	s19 =	rddreg [dreg:$0xb]  }
0x35: {  	s20 =	rddreg [dreg:$0x13];
	[sflag:s18] =	ssyncadd.s32 @!p0 $0xFFFFB1E0  }
0x36: {  	[spmem:s20], [sflag:s17] =	dma.local @!p0 [hbm:s19], $0x4E20  }
0x37: {  	_ =	swait.ge @!p0 [sflag:s18], $0x4E20  }
0x38: {  	[sflag:s18] =	ssyncset.done @!p0 $0x0  }
0x39: {  	s19 =	rddreg [dreg:$0xc];
	[sflag:s18] =	ssyncadd.s32 @!p0 $0xFFFFB1E0  }
0x3a: {  	[spmem:s24], [sflag:s17] =	dma.local @!p0 [hbm:s19], $0x4E20  }
0x3b: {  	_ =	swait.ge @!p0 [sflag:s18], $0x4E20  }
0x3c: {  	[sflag:s18] =	ssyncset.done @!p0 $0x0  }
0x3d: {  	[sflag:s18] =	ssyncadd.s32 @!p0 $0xFFFFB1E0  }
0x3e: {  	s17 =	simm.s32 $0x0;
	[bflag:$0x0] =	sbarrier.arrive $0xFFFF  }
.LBB2_2:
0x3f: {  	s19 =	smul.u32 $0x7D0, s17;
	_ =	sdelay $0x1  }
0x40: {  	s18 =	sadd.s32 s15, s19  }
0x41: {  	s18 =	sshrl.u32 s18, $0x3  }
0x42: {  	s21 =	simm.s32 $0x0;
	s20 =	sadd.s32 s4, s18  }
0x43: {  	[tilespmem:s25], [sflag:$0x1] =	stream.linear.gather [hbm4b:s20+s21], $0x7D0, $0x38;
	[tilespmem:$0x1EE10] =	vst v63  }
0x44: {  	_ =	swait.ge [sflag:s26], $0x7D0  }
0x45: {  	[sflag:s26] =	ssyncset.done $0x0  }
0x46: {  	s22 =	sadd.s32 $0x30D40, s20;
	[sflag:s26] =	ssyncadd.s32 $0xFFFFF830  }
0x47: {  	[tilespmem:s28], [sflag:$0x1] =	stream.linear.gather [hbm4b:s22+s21], $0x7D0, $0x38;
	[tilespmem:$0x1EE10] =	vst v63  }
0x48: {  	_ =	swait.ge [sflag:s26], $0x7D0  }
0x49: {  	[sflag:s26] =	ssyncset.done $0x0  }
0x4a: {  	s20 =	sadd.s32 $0x61A80, s20;
	[sflag:s26] =	ssyncadd.s32 $0xFFFFF830  }
0x4b: {  	[tilespmem:s29], [sflag:$0x1] =	stream.linear.gather [hbm4b:s20+s21], $0x7D0, $0x38;
	[tilespmem:$0x1EE10] =	vst v63  }
0x4c: {  	_ =	swait.ge [sflag:s26], $0x7D0  }
0x4d: {  	[sflag:s26] =	ssyncset.done $0x0  }
0x4e: {  	s23 =	sadd.s32 s5, s18;
	s18 =	simm.s32 $0x19010;
	[sflag:s26] =	ssyncadd.s32 $0xFFFFF830  }
0x4f: {  	[tilespmem:s18], [sflag:$0x1] =	stream.linear.gather [hbm4b:s23+s21], $0x7D0, $0x38;
	[tilespmem:$0x1EE10] =	vst v63  }
0x50: {  	_ =	swait.ge [sflag:s26], $0x7D0  }
0x51: {  	[sflag:s26] =	ssyncset.done $0x0  }
0x52: {  	[sflag:s26] =	ssyncadd.s32 $0xFFFFF830  }
0x53: {  	v3 =	vld [tilespmem:s18+$0x0];
	_ =	sdelay $0x2  }
0x54: {  	v2 =	vor.u32 s19, v1  }
0x55: {  	v4 =	vadd.s32 s21, v2  }
0x56: {  	v4 =	vand.u32 $0x3FF, v4;
	v3 =	vsub.s32 v3, v0  }
0x57: {  	v4 =	vadd.s32 $0x27100, v4;
	vm0 =	vlt.u32 v3, $0x27100  }
0x58: {  	s19 =	simm.s32 $0x17880;
	v4 =	vsel vm0, v3, v4;
	v3 =	vnsel vm0, $0x0, v3  }
0x59: {  	[tilespmem:s19+$0xFFFFE890] =	vst v4;
	v8 =	vadd.s32 $0x27500, v4;
	v5 =	vadd.s32 $0x4EA00, v4;
	v9 =	vadd.s32 $0xC4900, v4  }
0x5a: {  	s22 =	simm.s32 $0x17880;
	s20 =	simm.s32 $0x19010;
	s21 =	simm.s32 $0x10;
	v7 =	vadd.s32 $0x75F00, v4;
	v6 =	vadd.s32 $0x9D400, v4;
	v4 =	vadd.s32 $0x4E200, v3;
	[tilespmem:s19+$0xFA0] =	vst v9  }
.LBB2_3:
0x5b: {  	p1 =	sne.s32 s21, $0x7C0;
	[tilespmem:s19+$0xFFFFF060] =	vst v8;
	s18 =	sadd.s32 $0x10, s18;
	s22 =	sadd.s32 $0x10, s22  }
0x5c: {  	s23 =	smov.u32 s21;
	s21 =	sadd.s32 $0x10, s21;
	[tilespmem:s19+$0xFFFFF830] =	vst v5  }
0x5d: {  	[tilespmem:s19+$0x0] =	vst v7  }
0x5e: {  	[tilespmem:s19+$0x7D0] =	vst v6;
	s19 =	smov.u32 s22  }
0x5f: {  	v5 =	vadd.s32 $0x27100, v3;
	[tilespmem:s20+$0xFA0] =	vst v4  }
0x60: {  	[tilespmem:s20+$0x0] =	vst v3  }
0x61: {  	v3 =	vld [tilespmem:s18+$0x0];
	[tilespmem:s20+$0x7D0] =	vst v5;
	s20 =	smov.u32 s18;
	_ =	sdelay $0x3  }
0x62: {  	v4 =	vadd.s32 s23, v2  }
.Ltmp0:
0x63: {  	v4 =	vand.u32 $0x3FF, v4;
	v3 =	vsub.s32 v3, v0;
	(pc) =	sbr.rel @p1 .LBB2_3-.Ltmp0, $4  }
0x64: {  	v4 =	vadd.s32 $0x27100, v4;
	vm0 =	vlt.u32 v3, $0x27100  }
0x65: {  	v4 =	vsel vm0, v3, v4;
	v3 =	vnsel vm0, $0x0, v3  }
0x66: {  	[tilespmem:s22+$0xFFFFE890] =	vst v4;
	v8 =	vadd.s32 $0x27500, v4;
	v5 =	vadd.s32 $0x4EA00, v4;
	v9 =	vadd.s32 $0xC4900, v4  }
0x67: {  	v7 =	vadd.s32 $0x75F00, v4;
	v6 =	vadd.s32 $0x9D400, v4;
	v4 =	vadd.s32 $0x4E200, v3;
	[tilespmem:s22+$0xFA0] =	vst v9  }
0x68: {  	[tilespmem:s19+$0xFFFFF060] =	vst v8  }
0x69: {  	[tilespmem:s19+$0xFFFFF830] =	vst v5  }
0x6a: {  	[tilespmem:s19+$0x0] =	vst v7  }
0x6b: {  	[tilespmem:s19+$0x7D0] =	vst v6  }
0x6c: {  	[tilespmem:s20+$0xFA0] =	vst v4  }
0x6d: {  	v2 =	vadd.s32 $0x27100, v3;
	[tilespmem:s20+$0x0] =	vst v3  }
0x6e: {  	[tilespmem:s20+$0x7D0] =	vst v2  }
0x6f: {  	[tilespmem:s0], [sflag:$0x1] =	stream.indirect.gather [spmem:s2], $0x1, s31, s30, $0xb8;
	[tilespmem:$0x1EE10] =	vst v63  }
0x70: {  	_ =	swait.ge [sflag:s26], $0x1770  }
0x71: {  	[sflag:s26] =	ssyncset.done $0x0  }
0x72: {  	s18 =	simm.s32 $0xFFFFF830;
	[sflag:s26] =	ssyncadd.s32 $0xFFFFE890  }
0x73: {  	v3 =	vld [tilespmem:s18+$0x1AF60]  }
0x74: {  	v7 =	vld [tilespmem:s18+$0x1C6E0]  }
0x75: {  	v4 =	vld [tilespmem:s18+$0x1B730]  }
0x76: {  	v6 =	vld [tilespmem:s18+$0x1CEB0]  }
0x77: {  	v2 =	vld [tilespmem:s18+$0x1BF00]  }
0x78: {  	v5 =	vld [tilespmem:s18+$0x1D680]  }
0x79: {  	s19 =	simm.s32 $0xFFFFE140;
	s20 =	simm.s32 $0xFFFFE100;
	v3 =	vsub.f32 v3, v7  }
.LBB2_5:
0x7a: {  	p1 =	sne.s32 s19, $0xFFFFFFC0  }
0x7b: {  	s21 =	sshra.s32 s20, $0x2;
	s20 =	smov.u32 s19;
	s19 =	sadd.s32 $0x40, s19;
	v7 =	vsub.f32 v4, v6;
	v4 =	vmul.f32 v3, v3  }
0x7c: {  	v8 =	vld [tilespmem:s21+$0x1AF60]  }
0x7d: {  	v5 =	vsub.f32 v2, v5;
	v2 =	vld [tilespmem:s21+$0x1BF00];
	[tilespmem:s18+$0x1C6E0] =	vst v4;
	v6 =	vmul.f32 v7, v3;
	v9 =	vmul.f32 v7, v7  }
0x7e: {  	v10 =	vld [tilespmem:s21+$0x1C6E0]  }
.Ltmp1:
0x7f: {  	v4 =	vld [tilespmem:s21+$0x1B730];
	[tilespmem:s18+$0x1CEB0] =	vst v6;
	v3 =	vmul.f32 v5, v3;
	v11 =	vmul.f32 v5, v5;
	(pc) =	sbr.rel @p1 .LBB2_5-.Ltmp1, $4  }
0x80: {  	v7 =	vmul.f32 v5, v7;
	v6 =	vld [tilespmem:s21+$0x1CEB0];
	[tilespmem:s18+$0x1DE50] =	vst v9  }
0x81: {  	[tilespmem:s18+$0x1D680] =	vst v3  }
0x82: {  	v5 =	vld [tilespmem:s21+$0x1D680];
	[tilespmem:s18+$0x1EDF0] =	vst v11  }
0x83: {  	v3 =	vsub.f32 v8, v10;
	[tilespmem:s18+$0x1E620] =	vst v7;
	s18 =	smov.u32 s21  }
0x84: {  	_ = 	snop  }
0x85: {  	s19 =	sshra.s32 s20, $0x2;
	v7 =	vmul.f32 v3, v3;
	v4 =	vsub.f32 v4, v6  }
0x86: {  	v8 =	vld [tilespmem:s19+$0x1AF60]  }
0x87: {  	v57 =	vld [tilespmem:s19+$0x1BF00];
	[tilespmem:s18+$0x1C6E0] =	vst v7;
	v58 =	vmul.f32 v4, v3;
	v2 =	vsub.f32 v2, v5  }
0x88: {  	v10 =	vmul.f32 v4, v4;
	v9 =	vld [tilespmem:s19+$0x1C6E0]  }
0x89: {  	v59 =	vld [tilespmem:s19+$0x1B730];
	[tilespmem:s18+$0x1CEB0] =	vst v58;
	v3 =	vmul.f32 v2, v3  }
0x8a: {  	v7 =	vld [tilespmem:s19+$0x1CEB0];
	[tilespmem:s18+$0x1DE50] =	vst v10  }
0x8b: {  	[tilespmem:s18+$0x1D680] =	vst v3  }
0x8c: {  	v3 =	vld [tilespmem:s19+$0x1D680];
	_ =	sdelay $0x1  }
0x8d: {  	v60 =	vmul.f32 v2, v2;
	v8 =	vsub.f32 v8, v9  }
0x8e: {  	v2 =	vmul.f32 v2, v4;
	v61 =	vsub.f32 v59, v7  }
0x8f: {  	[tilespmem:s18+$0x1EDF0] =	vst v60;
	v62 =	vmul.f32 v8, v8  }
0x90: {  	[tilespmem:s18+$0x1E620] =	vst v2;
	v2 =	vsub.f32 v57, v3;
	v3 =	vmul.f32 v61, v8  }
0x91: {  	[tilespmem:s19+$0x1C6E0] =	vst v62;
	v63 =	vmul.f32 v61, v61  }
0x92: {  	[tilespmem:s19+$0x1CEB0] =	vst v3;
	v3 =	vmul.f32 v2, v8  }
0x93: {  	v6 =	vmul.f32 v2, v2;
	[tilespmem:s19+$0x1DE50] =	vst v63  }
0x94: {  	s17 =	sadd.s32 $0x1, s17;
	v2 =	vmul.f32 v2, v61;
	[tilespmem:s19+$0x1D680] =	vst v3  }
0x95: {  	p1 =	sne.s32 s17, $0x32;
	[tilespmem:s19+$0x1EDF0] =	vst v6  }
.Ltmp2:
0x96: {  	[tilespmem:s19+$0x1E620] =	vst v2;
	(pc) =	sbr.rel @p1 .LBB2_2-.Ltmp2, $4  }
0x97: {  	[spmem:s1] =	stream.indirect.scatter.add.f32 [tilespmem:s0], [sflag:$0x1], $0x1, s8, s7, $0xb8;
	[tilespmem:$0x1EE10] =	vst v63  }
0x98: {  	_ =	swait.ge [sflag:s26], $0x2EE0  }
0x99: {  	[sflag:s26] =	ssyncset.done $0x0  }
0x9a: {  	[sflag:s26] =	ssyncadd.s32 $0xFFFFD120  }
0x9b: {  	[bflag:$0x0] =	sbarrier.arrive $0xFFFF;
	s17 =	simm.s32 @!p0 $0x1C01  }
0x9c: {  	[hbm:s16], [sflag:s17] =	dma.local @!p0 [spmem:s9], $0x4E20  }
0x9d: {  	s9 =	simm.s32 @!p0 $0x1  }
0x9e: {  	_ =	swait.ge @!p0 [sflag:s9], $0x4E20  }
0x9f: {  	[sflag:s9] =	ssyncset.done @!p0 $0x0  }
0xa0: {  	s18 =	rddreg [dreg:$0xd];
	[sflag:s9] =	ssyncadd.s32 @!p0 $0xFFFFB1E0  }
0xa1: {  	[hbm:s18], [sflag:s17] =	dma.local @!p0 [spmem:s10], $0x4E20  }
0xa2: {  	_ =	swait.ge @!p0 [sflag:s9], $0x4E20  }
0xa3: {  	[sflag:s9] =	ssyncset.done @!p0 $0x0  }
0xa4: {  	s10 =	rddreg [dreg:$0xe];
	[sflag:s9] =	ssyncadd.s32 @!p0 $0xFFFFB1E0  }
0xa5: {  	[hbm:s10], [sflag:s17] =	dma.local @!p0 [spmem:s11], $0x4E20  }
0xa6: {  	_ =	swait.ge @!p0 [sflag:s9], $0x4E20  }
0xa7: {  	[sflag:s9] =	ssyncset.done @!p0 $0x0  }
0xa8: {  	s10 =	rddreg [dreg:$0xf];
	[sflag:s9] =	ssyncadd.s32 @!p0 $0xFFFFB1E0  }
0xa9: {  	[hbm:s10], [sflag:s17] =	dma.local @!p0 [spmem:s12], $0x4E20  }
0xaa: {  	_ =	swait.ge @!p0 [sflag:s9], $0x4E20  }
0xab: {  	[sflag:s9] =	ssyncset.done @!p0 $0x0  }
0xac: {  	s10 =	rddreg [dreg:$0x10];
	[sflag:s9] =	ssyncadd.s32 @!p0 $0xFFFFB1E0  }
0xad: {  	[hbm:s10], [sflag:s17] =	dma.local @!p0 [spmem:s13], $0x4E20  }
0xae: {  	_ =	swait.ge @!p0 [sflag:s9], $0x4E20  }
0xaf: {  	[sflag:s9] =	ssyncset.done @!p0 $0x0  }
0xb0: {  	s10 =	rddreg [dreg:$0x11];
	[sflag:s9] =	ssyncadd.s32 @!p0 $0xFFFFB1E0  }
0xb1: {  	[hbm:s10], [sflag:s17] =	dma.local @!p0 [spmem:s14], $0x4E20  }
0xb2: {  	_ =	swait.ge @!p0 [sflag:s9], $0x4E20  }
0xb3: {  	s3 =	sadd.s32 $0x1, s3;
	s23 =	rddreg [dreg:$0x12]  }
0xb4: {  	p1 =	sne.s32 s3, s23  }
.Ltmp3:
0xb5: {  	_ = 	snop;
	(pc) =	sbr.rel @p1 .LBB2_1-.Ltmp3, $3  }
0xb6: {  	_ =	sdelay $0x1  }
0xb7: {  	[sflag:s9] =	ssyncset.done @!p0 $0x0  }
0xb8: {  	[sflag:s9] =	ssyncadd.s32 @!p0 $0xFFFFB1E0  }
0xb9: {  	_ =	sfence.sel $0x180000  }
0xba: {  	[bflag:$0x0] =	sbarrier.arrive $0xFFFF  }
0xbb: {  	_ =	strace $0x9000004A  }
0xbc: {  	[bflag:$0x2] =	sbarrier.arrive $0xFFFF  }
0xbd: {  	s0 =	rddreg [dreg:$0x4]  }
0xbe: {  	s0 =	sadd.s32 @!p0 $0x100000, s0  }
0xbf: {  	[sflag:s0] =	ssyncadd.tile.s32 @!p0 $0x1;
	_ =	shalt  }
.Lfunc_end2:
_tile_overlayer_lowered:
.L_overlay_start_2:
0xc0: {  	(tag) =	ssettag $0x2  }
0xc1: {  	s0 =	rddreg [dreg:$0x0];
	s2 =	stileid.u32  }
0xc2: {  	s1 =	rddreg [dreg:$0x1];
	p0 =	sne.s32 s2, $0x0  }
0xc3: {  	s3 =	rddreg [dreg:$0x2];
	[bflag:$0x3] =	sbarrier.arrive $0xFFFF;
	s2 =	simm.s32 @!p0 $0x1C01  }
0xc4: {  	[timem:s3], [sflag:s2] =	dma.local @!p0 [hbm:s0], s1  }
0xc5: {  	s0 =	simm.s32 @!p0 $0x1  }
0xc6: {  	_ =	swait.ge @!p0 [sflag:s0], s1  }
0xc7: {  	s1 =	ssub.s32 @!p0 $0x0, s1;
	[sflag:s0] =	ssyncset.done @!p0 $0x0  }
0xc8: {  	[sflag:s0] =	ssyncadd.s32 @!p0 s1  }
0xc9: {  	[bflag:$0x3] =	sbarrier.arrive $0xFFFF  }
0xca: {  	_ =	shalt  }

</sc_bundles>
